<compile_context>
chip_gen: v7x
topology: tpu7x:2x2x1
jax: 0.10.2.dev20260603
libtpu: 0.0.44.dev20260713+nightly
codegen_flags: <defaults>
</compile_context>

<pallas_src>
import functools

import jax
import jax.numpy as jnp
from jax import lax
from jax.experimental import pallas as pl
from jax.experimental.pallas import tpu as pltpu
from jax.experimental.pallas import tpu_sc as plsc

B, C, H, W = 8, 384, 24, 24
G, K, CD = 6, 1024, 64
HW = H * W

_F32 = jnp.float32

_NC, _NS = 2, 16
_NW = _NC * _NS


def _tc_body(x_ref, wc_ref, bc_ref, cbt_ref, enc_ref, zidx_ref,
             cbn_ref, cb2_ref, wct_ref, iota_ref):
    b = pl.program_id(0)

    @pl.when(b == 0)
    def _prep():
        for g in range(G):
            cbt = cbt_ref[g]
            cbn_ref[g] = jnp.sum(cbt * cbt, axis=0, keepdims=True)
            cb2_ref[g] = (-2.0 * cbt).astype(jnp.bfloat16)
        wct_ref[...] = wc_ref[...].T.astype(jnp.bfloat16)
        iota_ref[...] = lax.broadcasted_iota(
            jnp.int32, (HW, K), 1).astype(_F32)

    x_b = x_ref[0].astype(jnp.bfloat16)
    enc = lax.dot_general(x_b, wct_ref[...], (((1,), (0,)), ((), ())),
                          preferred_element_type=_F32)
    enc = enc + bc_ref[...]
    enc_ref[0] = enc

    zidx_rows = []
    for g in range(G):
        eg = enc[:, g * CD:(g + 1) * CD]
        eg_bf = eg.astype(jnp.bfloat16)
        dotp2 = lax.dot_general(eg_bf, cb2_ref[g], (((1,), (0,)), ((), ())),
                                preferred_element_type=_F32)
        egn = jnp.sum(eg * eg, axis=1, keepdims=True)
        scores = (egn + dotp2) + cbn_ref[g]
        m = jnp.min(scores, axis=1, keepdims=True)
        cand = jnp.where(scores == m, iota_ref[...], float(K))
        idx = jnp.min(cand, axis=1).astype(jnp.int32)
        zidx_rows.append(idx)
    zidx_ref[0] = jnp.stack(zidx_rows, axis=0)


def _run_tc(xp, Wc, bc2, cbt3):
    return pl.pallas_call(
        _tc_body,
        grid=(B,),
        in_specs=[
            pl.BlockSpec((1, HW, C), lambda b: (b, 0, 0)),
            pl.BlockSpec((C, C), lambda b: (0, 0)),
            pl.BlockSpec((1, C), lambda b: (0, 0)),
            pl.BlockSpec((G, CD, K), lambda b: (0, 0, 0)),
        ],
        out_specs=[
            pl.BlockSpec((1, HW, C), lambda b: (b, 0, 0)),
            pl.BlockSpec((1, G, HW), lambda b: (b, 0, 0)),
        ],
        out_shape=[
            jax.ShapeDtypeStruct((B, HW, C), _F32),
            jax.ShapeDtypeStruct((B, G, HW), jnp.int32),
        ],
        scratch_shapes=[
            pltpu.VMEM((G, 1, K), _F32),
            pltpu.VMEM((G, CD, K), jnp.bfloat16),
            pltpu.VMEM((C, C), jnp.bfloat16),
            pltpu.VMEM((HW, K), _F32),
        ],
    )(xp, Wc, bc2, cbt3)


_CPU = 4
_UPW = (G * (CD // _CPU)) // _NW
_L = 16
_NJ = HW // _L


def _sc_select_body(cbt_hbm, zidx_hbm, quant_hbm, table_v, idx_v, out_v, sem):
    wid = lax.axis_index("s") * _NC + lax.axis_index("c")
    out_dmas = [None, None]
    g_prev = None
    for u in range(_UPW):
        unit = wid * _UPW + u
        g = unit // (CD // _CPU)
        q = lax.rem(unit, CD // _CPU)
        c0 = g * CD + q * _CPU

        for cd in range(_CPU):
            pltpu.sync_copy(cbt_hbm.at[g, q * _CPU + cd, :],
                            table_v.at[pl.ds(cd * K, K)])

        def _stage():
            pltpu.sync_copy(zidx_hbm.at[:, g, :], idx_v)

        if g_prev is None:
            _stage()
        else:
            pl.when(g != g_prev)(_stage)
        g_prev = g

        ob = u % 2
        if out_dmas[ob] is not None:
            out_dmas[ob].wait()

        @plsc.parallel_loop(0, _NJ)
        def _j_body(j):
            for b0 in range(0, B, 2):
                ivs = [idx_v[b0 + i, pl.ds(j * _L, _L)] for i in range(2)]
                vals = [
                    [plsc.load_gather(table_v, [ivs[i] + (cd * K)])
                     for cd in range(_CPU)]
                    for i in range(2)
                ]
                for i in range(2):
                    for cd in range(_CPU):
                        out_v[ob, b0 + i, cd, pl.ds(j * _L, _L)] = vals[i][cd]

        out_dmas[ob] = pltpu.async_copy(
            out_v.at[ob], quant_hbm.at[:, pl.ds(c0, _CPU), :], sem)
    for d in out_dmas:
        if d is not None:
            d.wait()


@functools.partial(
    pl.kernel,
    out_type=jax.ShapeDtypeStruct((B, C, HW), _F32),
    mesh=plsc.VectorSubcoreMesh(core_axis_name="c", subcore_axis_name="s"),
    compiler_params=pltpu.CompilerParams(needs_layout_passes=False),
    scratch_types=[
        pltpu.VMEM((_CPU * K,), _F32),
        pltpu.VMEM((B, HW), jnp.int32),
        pltpu.VMEM((2, B, _CPU, HW), _F32),
        pltpu.SemaphoreType.DMA,
    ],
)
def _sc_select(cbt_hbm, zidx_hbm, quant_hbm, table_v, idx_v, out_v, sem):
    _sc_select_body(cbt_hbm, zidx_hbm, quant_hbm, table_v, idx_v, out_v, sem)


def kernel(input, Wc, bc, codebooks):
    xp = jnp.transpose(input.reshape(B, C, HW), (0, 2, 1))
    bc2 = bc.reshape(1, C)
    cbt3 = jnp.transpose(codebooks, (0, 2, 1))
    enc_p, zidx = _run_tc(xp, Wc, bc2, cbt3)
    quant = _sc_select(cbt3, zidx)
    enc = jnp.transpose(enc_p, (0, 2, 1)).reshape(B, C, H, W)
    return (enc, zidx.reshape(B, G, H, W), quant.reshape(B, C, H, W))

# --- scband reference (transcript-rebuilt; emitter-appended) ---
"""Pipeline reference for scband-vqvaezgrouped-19035295056274 (READ-ONLY COPY).

The authoritative reference and input builder live on the scoring server;
editing this copy changes nothing except your own understanding.
"""

import jax, jax.numpy as jnp
import numpy as np

B, C, H, W = 8, 384, 24, 24
G, K, CD = 6, 1024, 64


def setup_inputs(seed: int = 0) -> dict:
    key = jax.random.key(seed)
    k1, k2, k3 = jax.random.split(key, 3)
    x = jax.random.normal(k1, (B, C, H, W), dtype=jnp.float32)
    # encode: 1x1 conv (pointwise projection) weight/bias
    Wc = jax.random.normal(k2, (C, C), dtype=jnp.float32) * (1.0 / np.sqrt(C))
    bc = jnp.zeros((C,), dtype=jnp.float32)
    # grouped codebooks: G groups, each (K, CD)
    codebooks = jax.random.normal(k3, (G, K, CD), dtype=jnp.float32)
    return {"input": x, "Wc": Wc, "bc": bc, "codebooks": codebooks}


def reference(input, Wc, bc, codebooks):
    # encode(input): 1x1 conv -> (b, c, h, w)
    enc = jnp.einsum('bchw,dc->bdhw', input, Wc) + bc[None, :, None, None]
    # permute to (b, h, w, c); project is None
    enc_ = jnp.transpose(enc, (0, 2, 3, 1))
    # g_match + g_select over grouped codebooks
    zidx_list = []
    quant_list = []
    start = 0
    for g in range(G):
        end = start + CD
        eg = enc_[..., start:end]  # (b, h, w, cd)
        start = end
        cb = codebooks[g]  # (K, cd)
        # squared euclidean distance to codes
        d = (jnp.sum(eg ** 2, axis=-1, keepdims=True)
             - 2.0 * jnp.einsum('bhwc,kc->bhwk', eg, cb)
             + jnp.sum(cb ** 2, axis=-1)[None, None, None, :])
        zidx_g = jnp.argmin(d, axis=-1)  # (b, h, w)
        zidx_list.append(zidx_g)
        quant_list.append(jnp.take(cb, zidx_g, axis=0))  # (b, h, w, cd)
    zidx = jnp.stack(zidx_list, axis=-1)  # (b, h, w, g)
    quant_ = jnp.concatenate(quant_list, axis=-1)  # (b, h, w, c)
    # alpha == 0 -> residual_ = quant_
    residual_ = quant_
    # naive STE: encode + stop_grad(residual - encode); project is None
    ste_ = enc_ + jax.lax.stop_gradient(residual_ - enc_)
    quant = jnp.transpose(ste_, (0, 3, 1, 2))  # (b, c, h, w)
    zidx_nchw = jnp.transpose(zidx, (0, 3, 1, 2)).astype(jnp.int32)  # (b, g, h, w)
    # decode is None, eaq False, retr True -> (encode, zidx, quant, None, None)
    return (enc, zidx_nchw, quant)

if __name__ == "__main__":
    import jax
    _d = setup_inputs()
    print(jax.jit(kernel)(*tuple(_d.values())))

</pallas_src>

<mosaic_0001>
#map = affine_map<(d0, d1) -> (0, 0, 0)>
module attributes {stable_mosaic.version = 14 : i64} {
  func.func @_sc_select(%arg0: i32, %arg1: i32, %arg2: memref<6x64x1024xf32, #tpu.memory_space<hbm>>, %arg3: memref<8x6x576xi32, #tpu.memory_space<hbm>>, %arg4: memref<8x384x576xf32, #tpu.memory_space<hbm>>, %arg5: memref<4096xf32, #tpu.memory_space<vmem>>, %arg6: memref<8x576xi32, #tpu.memory_space<vmem>>, %arg7: memref<2x8x4x576xf32, #tpu.memory_space<vmem>>, %arg8: memref<!tpu.dma_semaphore, #tpu.memory_space<semaphore_mem>>) attributes {dimension_semantics = [#tpu.dimension_semantics<core_parallel>, #tpu.dimension_semantics<subcore_parallel>], iteration_bounds = array<i64: 2, 16>, scalar_prefetch = 0 : i64, scratch_operands = 4 : i64, tpu.core_type = #tpu.core_type<sc_vector_subcore>, window_params = [{transform_indices = #map}, {transform_indices = #map}, {transform_indices = #map}]} {
    %mul3A = arith.constant 2 : i32
    %mul3A_0 = arith.muli %arg1, %mul3A : i32
    %add3A = arith.addi %mul3A_0, %arg0 : i32
    %mul3A_1 = arith.constant 3 : i32
    %mul3A_2 = arith.muli %add3A, %mul3A_1 : i32
    %add3A_3 = arith.constant 0 : i32
    %add3A_4 = arith.addi %mul3A_2, %add3A_3 : i32
    %jit3A = arith.constant 16 : i32
    %div3A = arith.divsi %add3A_4, %jit3A : i32
    %sign3A = arith.constant 0 : i32
    %sign3A_5 = arith.cmpi sgt, %add3A_4, %sign3A : i32
    %sign3A_6 = arith.extui %sign3A_5 : i1 to i32
    %sign3A_7 = arith.constant 0 : i32
    %sign3A_8 = arith.cmpi slt, %add3A_4, %sign3A_7 : i32
    %sign3A_9 = arith.extui %sign3A_8 : i1 to i32
    %sign3A_10 = arith.subi %sign3A_6, %sign3A_9 : i32
    %sign3A_11 = arith.constant 0 : i32
    %sign3A_12 = arith.cmpi sgt, %jit3A, %sign3A_11 : i32
    %sign3A_13 = arith.extui %sign3A_12 : i1 to i32
    %sign3A_14 = arith.constant 0 : i32
    %sign3A_15 = arith.cmpi slt, %jit3A, %sign3A_14 : i32
    %sign3A_16 = arith.extui %sign3A_15 : i1 to i32
    %sign3A_17 = arith.subi %sign3A_13, %sign3A_16 : i32
    %ne3A = arith.cmpi ne, %sign3A_10, %sign3A_17 : i32
    %rem3A = arith.remsi %add3A_4, %jit3A : i32
    %ne3A_18 = arith.constant 0 : i32
    %ne3A_19 = arith.cmpi ne, %rem3A, %ne3A_18 : i32
    %and3A = arith.andi %ne3A, %ne3A_19 : i1
    %sub3A = arith.constant 1 : i32
    %sub3A_20 = arith.subi %div3A, %sub3A : i32
    %select_n3A = arith.select %and3A, %sub3A_20, %div3A : i32
    %rem3A_21 = arith.constant 16 : i32
    %rem3A_22 = arith.remsi %add3A_4, %rem3A_21 : i32
    %mul3A_23 = arith.constant 64 : i32
    %mul3A_24 = arith.muli %select_n3A, %mul3A_23 : i32
    %mul3A_25 = arith.constant 4 : i32
    %mul3A_26 = arith.muli %rem3A_22, %mul3A_25 : i32
    %add3A_27 = arith.addi %mul3A_24, %mul3A_26 : i32
    %mul3A_28 = arith.constant 4 : i32
    %mul3A_29 = arith.muli %rem3A_22, %mul3A_28 : i32
    %add3A_30 = arith.constant 0 : i32
    %add3A_31 = arith.addi %mul3A_29, %add3A_30 : i32
    "tpu.region"() ({
      %run_scoped3A = tpu.sem_alloc : memref<!tpu.dma_semaphore, #tpu.memory_space<semaphore_mem>>
      %dma_start3A_260 = arith.constant 0 : i32
      %dma_start3A_261 = tpu.memref_slice %arg5[%dma_start3A_260] : memref<4096xf32, #tpu.memory_space<vmem>> -> memref<1024xf32, #tpu.memory_space<vmem>>
      %dma_start3A_262 = arith.constant 0 : i32
      %dma_start3A_263 = tpu.memref_slice %arg2[%select_n3A, %add3A_31, %dma_start3A_262] : memref<6x64x1024xf32, #tpu.memory_space<hbm>> -> memref<1x1x1024xf32, #tpu.memory_space<hbm>>
      %dma_start3A_264 = tpu.memref_squeeze %dma_start3A_263 : memref<1x1x1024xf32, #tpu.memory_space<hbm>> -> memref<1024xf32, #tpu.memory_space<hbm>>
      %dma_start3A_265 = arith.constant 0 : i32
      %dma_start3A_266 = tpu.memref_slice %arg5[%dma_start3A_265] : memref<4096xf32, #tpu.memory_space<vmem>> -> memref<1024xf32, #tpu.memory_space<vmem>>
      %dma_start3A_267 = arith.constant 0 : i32
      %dma_start3A_268 = tpu.memref_slice %arg2[%select_n3A, %add3A_31, %dma_start3A_267] : memref<6x64x1024xf32, #tpu.memory_space<hbm>> -> memref<1x1x1024xf32, #tpu.memory_space<hbm>>
      %dma_start3A_269 = tpu.memref_squeeze %dma_start3A_268 : memref<1x1x1024xf32, #tpu.memory_space<hbm>> -> memref<1024xf32, #tpu.memory_space<hbm>>
      tpu.enqueue_dma source(%dma_start3A_269 : memref<1024xf32, #tpu.memory_space<hbm>>) target(%dma_start3A_266 : memref<1024xf32, #tpu.memory_space<vmem>>) target_semaphore(%run_scoped3A : memref<!tpu.dma_semaphore, #tpu.memory_space<semaphore_mem>>)
      %dma_wait3A_270 = arith.constant 0 : i32
      %dma_wait3A_271 = tpu.memref_slice %arg5[%dma_wait3A_270] : memref<4096xf32, #tpu.memory_space<vmem>> -> memref<1024xf32, #tpu.memory_space<vmem>>
      %dma_wait3A_272 = arith.constant 0 : i32
      %dma_wait3A_273 = tpu.memref_slice %arg2[%select_n3A, %add3A_31, %dma_wait3A_272] : memref<6x64x1024xf32, #tpu.memory_space<hbm>> -> memref<1x1x1024xf32, #tpu.memory_space<hbm>>
      %dma_wait3A_274 = tpu.memref_squeeze %dma_wait3A_273 : memref<1x1x1024xf32, #tpu.memory_space<hbm>> -> memref<1024xf32, #tpu.memory_space<hbm>>
      %dma_wait3A_275 = arith.constant 0 : i32
      %dma_wait3A_276 = tpu.memref_slice %arg5[%dma_wait3A_275] : memref<4096xf32, #tpu.memory_space<vmem>> -> memref<1024xf32, #tpu.memory_space<vmem>>
      %dma_wait3A_277 = arith.constant 0 : i32
      %dma_wait3A_278 = tpu.memref_slice %arg2[%select_n3A, %add3A_31, %dma_wait3A_277] : memref<6x64x1024xf32, #tpu.memory_space<hbm>> -> memref<1x1x1024xf32, #tpu.memory_space<hbm>>
      %dma_wait3A_279 = tpu.memref_squeeze %dma_wait3A_278 : memref<1x1x1024xf32, #tpu.memory_space<hbm>> -> memref<1024xf32, #tpu.memory_space<hbm>>
      tpu.wait_dma2 semaphore(%run_scoped3A : memref<!tpu.dma_semaphore, #tpu.memory_space<semaphore_mem>>) src(%dma_wait3A_279 : memref<1024xf32, #tpu.memory_space<hbm>>) dst(%dma_wait3A_276 : memref<1024xf32, #tpu.memory_space<vmem>>)
      tpu.yield
    }) : () -> ()
    %mul3A_32 = arith.constant 4 : i32
    %mul3A_33 = arith.muli %rem3A_22, %mul3A_32 : i32
    %add3A_34 = arith.constant 1 : i32
    %add3A_35 = arith.addi %mul3A_33, %add3A_34 : i32
    "tpu.region"() ({
      %run_scoped3A = tpu.sem_alloc : memref<!tpu.dma_semaphore, #tpu.memory_space<semaphore_mem>>
      %dma_start3A_260 = arith.constant 1024 : i32
      %dma_start3A_261 = tpu.memref_slice %arg5[%dma_start3A_260] : memref<4096xf32, #tpu.memory_space<vmem>> -> memref<1024xf32, #tpu.memory_space<vmem>>
      %dma_start3A_262 = arith.constant 0 : i32
      %dma_start3A_263 = tpu.memref_slice %arg2[%select_n3A, %add3A_35, %dma_start3A_262] : memref<6x64x1024xf32, #tpu.memory_space<hbm>> -> memref<1x1x1024xf32, #tpu.memory_space<hbm>>
      %dma_start3A_264 = tpu.memref_squeeze %dma_start3A_263 : memref<1x1x1024xf32, #tpu.memory_space<hbm>> -> memref<1024xf32, #tpu.memory_space<hbm>>
      %dma_start3A_265 = arith.constant 1024 : i32
      %dma_start3A_266 = tpu.memref_slice %arg5[%dma_start3A_265] : memref<4096xf32, #tpu.memory_space<vmem>> -> memref<1024xf32, #tpu.memory_space<vmem>>
      %dma_start3A_267 = arith.constant 0 : i32
      %dma_start3A_268 = tpu.memref_slice %arg2[%select_n3A, %add3A_35, %dma_start3A_267] : memref<6x64x1024xf32, #tpu.memory_space<hbm>> -> memref<1x1x1024xf32, #tpu.memory_space<hbm>>
      %dma_start3A_269 = tpu.memref_squeeze %dma_start3A_268 : memref<1x1x1024xf32, #tpu.memory_space<hbm>> -> memref<1024xf32, #tpu.memory_space<hbm>>
      tpu.enqueue_dma source(%dma_start3A_269 : memref<1024xf32, #tpu.memory_space<hbm>>) target(%dma_start3A_266 : memref<1024xf32, #tpu.memory_space<vmem>>) target_semaphore(%run_scoped3A : memref<!tpu.dma_semaphore, #tpu.memory_space<semaphore_mem>>)
      %dma_wait3A_270 = arith.constant 1024 : i32
      %dma_wait3A_271 = tpu.memref_slice %arg5[%dma_wait3A_270] : memref<4096xf32, #tpu.memory_space<vmem>> -> memref<1024xf32, #tpu.memory_space<vmem>>
      %dma_wait3A_272 = arith.constant 0 : i32
      %dma_wait3A_273 = tpu.memref_slice %arg2[%select_n3A, %add3A_35, %dma_wait3A_272] : memref<6x64x1024xf32, #tpu.memory_space<hbm>> -> memref<1x1x1024xf32, #tpu.memory_space<hbm>>
      %dma_wait3A_274 = tpu.memref_squeeze %dma_wait3A_273 : memref<1x1x1024xf32, #tpu.memory_space<hbm>> -> memref<1024xf32, #tpu.memory_space<hbm>>
      %dma_wait3A_275 = arith.constant 1024 : i32
      %dma_wait3A_276 = tpu.memref_slice %arg5[%dma_wait3A_275] : memref<4096xf32, #tpu.memory_space<vmem>> -> memref<1024xf32, #tpu.memory_space<vmem>>
      %dma_wait3A_277 = arith.constant 0 : i32
      %dma_wait3A_278 = tpu.memref_slice %arg2[%select_n3A, %add3A_35, %dma_wait3A_277] : memref<6x64x1024xf32, #tpu.memory_space<hbm>> -> memref<1x1x1024xf32, #tpu.memory_space<hbm>>
      %dma_wait3A_279 = tpu.memref_squeeze %dma_wait3A_278 : memref<1x1x1024xf32, #tpu.memory_space<hbm>> -> memref<1024xf32, #tpu.memory_space<hbm>>
      tpu.wait_dma2 semaphore(%run_scoped3A : memref<!tpu.dma_semaphore, #tpu.memory_space<semaphore_mem>>) src(%dma_wait3A_279 : memref<1024xf32, #tpu.memory_space<hbm>>) dst(%dma_wait3A_276 : memref<1024xf32, #tpu.memory_space<vmem>>)
      tpu.yield
    }) : () -> ()
    %mul3A_36 = arith.constant 4 : i32
    %mul3A_37 = arith.muli %rem3A_22, %mul3A_36 : i32
    %add3A_38 = arith.constant 2 : i32
    %add3A_39 = arith.addi %mul3A_37, %add3A_38 : i32
    "tpu.region"() ({
      %run_scoped3A = tpu.sem_alloc : memref<!tpu.dma_semaphore, #tpu.memory_space<semaphore_mem>>
      %dma_start3A_260 = arith.constant 2048 : i32
      %dma_start3A_261 = tpu.memref_slice %arg5[%dma_start3A_260] : memref<4096xf32, #tpu.memory_space<vmem>> -> memref<1024xf32, #tpu.memory_space<vmem>>
      %dma_start3A_262 = arith.constant 0 : i32
      %dma_start3A_263 = tpu.memref_slice %arg2[%select_n3A, %add3A_39, %dma_start3A_262] : memref<6x64x1024xf32, #tpu.memory_space<hbm>> -> memref<1x1x1024xf32, #tpu.memory_space<hbm>>
      %dma_start3A_264 = tpu.memref_squeeze %dma_start3A_263 : memref<1x1x1024xf32, #tpu.memory_space<hbm>> -> memref<1024xf32, #tpu.memory_space<hbm>>
      %dma_start3A_265 = arith.constant 2048 : i32
      %dma_start3A_266 = tpu.memref_slice %arg5[%dma_start3A_265] : memref<4096xf32, #tpu.memory_space<vmem>> -> memref<1024xf32, #tpu.memory_space<vmem>>
      %dma_start3A_267 = arith.constant 0 : i32
      %dma_start3A_268 = tpu.memref_slice %arg2[%select_n3A, %add3A_39, %dma_start3A_267] : memref<6x64x1024xf32, #tpu.memory_space<hbm>> -> memref<1x1x1024xf32, #tpu.memory_space<hbm>>
      %dma_start3A_269 = tpu.memref_squeeze %dma_start3A_268 : memref<1x1x1024xf32, #tpu.memory_space<hbm>> -> memref<1024xf32, #tpu.memory_space<hbm>>
      tpu.enqueue_dma source(%dma_start3A_269 : memref<1024xf32, #tpu.memory_space<hbm>>) target(%dma_start3A_266 : memref<1024xf32, #tpu.memory_space<vmem>>) target_semaphore(%run_scoped3A : memref<!tpu.dma_semaphore, #tpu.memory_space<semaphore_mem>>)
      %dma_wait3A_270 = arith.constant 2048 : i32
      %dma_wait3A_271 = tpu.memref_slice %arg5[%dma_wait3A_270] : memref<4096xf32, #tpu.memory_space<vmem>> -> memref<1024xf32, #tpu.memory_space<vmem>>
      %dma_wait3A_272 = arith.constant 0 : i32
      %dma_wait3A_273 = tpu.memref_slice %arg2[%select_n3A, %add3A_39, %dma_wait3A_272] : memref<6x64x1024xf32, #tpu.memory_space<hbm>> -> memref<1x1x1024xf32, #tpu.memory_space<hbm>>
      %dma_wait3A_274 = tpu.memref_squeeze %dma_wait3A_273 : memref<1x1x1024xf32, #tpu.memory_space<hbm>> -> memref<1024xf32, #tpu.memory_space<hbm>>
      %dma_wait3A_275 = arith.constant 2048 : i32
      %dma_wait3A_276 = tpu.memref_slice %arg5[%dma_wait3A_275] : memref<4096xf32, #tpu.memory_space<vmem>> -> memref<1024xf32, #tpu.memory_space<vmem>>
      %dma_wait3A_277 = arith.constant 0 : i32
      %dma_wait3A_278 = tpu.memref_slice %arg2[%select_n3A, %add3A_39, %dma_wait3A_277] : memref<6x64x1024xf32, #tpu.memory_space<hbm>> -> memref<1x1x1024xf32, #tpu.memory_space<hbm>>
      %dma_wait3A_279 = tpu.memref_squeeze %dma_wait3A_278 : memref<1x1x1024xf32, #tpu.memory_space<hbm>> -> memref<1024xf32, #tpu.memory_space<hbm>>
      tpu.wait_dma2 semaphore(%run_scoped3A : memref<!tpu.dma_semaphore, #tpu.memory_space<semaphore_mem>>) src(%dma_wait3A_279 : memref<1024xf32, #tpu.memory_space<hbm>>) dst(%dma_wait3A_276 : memref<1024xf32, #tpu.memory_space<vmem>>)
      tpu.yield
    }) : () -> ()
    %mul3A_40 = arith.constant 4 : i32
    %mul3A_41 = arith.muli %rem3A_22, %mul3A_40 : i32
    %add3A_42 = arith.constant 3 : i32
    %add3A_43 = arith.addi %mul3A_41, %add3A_42 : i32
    "tpu.region"() ({
      %run_scoped3A = tpu.sem_alloc : memref<!tpu.dma_semaphore, #tpu.memory_space<semaphore_mem>>
      %dma_start3A_260 = arith.constant 3072 : i32
      %dma_start3A_261 = tpu.memref_slice %arg5[%dma_start3A_260] : memref<4096xf32, #tpu.memory_space<vmem>> -> memref<1024xf32, #tpu.memory_space<vmem>>
      %dma_start3A_262 = arith.constant 0 : i32
      %dma_start3A_263 = tpu.memref_slice %arg2[%select_n3A, %add3A_43, %dma_start3A_262] : memref<6x64x1024xf32, #tpu.memory_space<hbm>> -> memref<1x1x1024xf32, #tpu.memory_space<hbm>>
      %dma_start3A_264 = tpu.memref_squeeze %dma_start3A_263 : memref<1x1x1024xf32, #tpu.memory_space<hbm>> -> memref<1024xf32, #tpu.memory_space<hbm>>
      %dma_start3A_265 = arith.constant 3072 : i32
      %dma_start3A_266 = tpu.memref_slice %arg5[%dma_start3A_265] : memref<4096xf32, #tpu.memory_space<vmem>> -> memref<1024xf32, #tpu.memory_space<vmem>>
      %dma_start3A_267 = arith.constant 0 : i32
      %dma_start3A_268 = tpu.memref_slice %arg2[%select_n3A, %add3A_43, %dma_start3A_267] : memref<6x64x1024xf32, #tpu.memory_space<hbm>> -> memref<1x1x1024xf32, #tpu.memory_space<hbm>>
      %dma_start3A_269 = tpu.memref_squeeze %dma_start3A_268 : memref<1x1x1024xf32, #tpu.memory_space<hbm>> -> memref<1024xf32, #tpu.memory_space<hbm>>
      tpu.enqueue_dma source(%dma_start3A_269 : memref<1024xf32, #tpu.memory_space<hbm>>) target(%dma_start3A_266 : memref<1024xf32, #tpu.memory_space<vmem>>) target_semaphore(%run_scoped3A : memref<!tpu.dma_semaphore, #tpu.memory_space<semaphore_mem>>)
      %dma_wait3A_270 = arith.constant 3072 : i32
      %dma_wait3A_271 = tpu.memref_slice %arg5[%dma_wait3A_270] : memref<4096xf32, #tpu.memory_space<vmem>> -> memref<1024xf32, #tpu.memory_space<vmem>>
      %dma_wait3A_272 = arith.constant 0 : i32
      %dma_wait3A_273 = tpu.memref_slice %arg2[%select_n3A, %add3A_43, %dma_wait3A_272] : memref<6x64x1024xf32, #tpu.memory_space<hbm>> -> memref<1x1x1024xf32, #tpu.memory_space<hbm>>
      %dma_wait3A_274 = tpu.memref_squeeze %dma_wait3A_273 : memref<1x1x1024xf32, #tpu.memory_space<hbm>> -> memref<1024xf32, #tpu.memory_space<hbm>>
      %dma_wait3A_275 = arith.constant 3072 : i32
      %dma_wait3A_276 = tpu.memref_slice %arg5[%dma_wait3A_275] : memref<4096xf32, #tpu.memory_space<vmem>> -> memref<1024xf32, #tpu.memory_space<vmem>>
      %dma_wait3A_277 = arith.constant 0 : i32
      %dma_wait3A_278 = tpu.memref_slice %arg2[%select_n3A, %add3A_43, %dma_wait3A_277] : memref<6x64x1024xf32, #tpu.memory_space<hbm>> -> memref<1x1x1024xf32, #tpu.memory_space<hbm>>
      %dma_wait3A_279 = tpu.memref_squeeze %dma_wait3A_278 : memref<1x1x1024xf32, #tpu.memory_space<hbm>> -> memref<1024xf32, #tpu.memory_space<hbm>>
      tpu.wait_dma2 semaphore(%run_scoped3A : memref<!tpu.dma_semaphore, #tpu.memory_space<semaphore_mem>>) src(%dma_wait3A_279 : memref<1024xf32, #tpu.memory_space<hbm>>) dst(%dma_wait3A_276 : memref<1024xf32, #tpu.memory_space<vmem>>)
      tpu.yield
    }) : () -> ()
    "tpu.region"() ({
      %run_scoped3A = tpu.sem_alloc : memref<!tpu.dma_semaphore, #tpu.memory_space<semaphore_mem>>
      %dma_start3A_260 = arith.constant 0 : i32
      %dma_start3A_261 = arith.constant 0 : i32
      %dma_start3A_262 = tpu.memref_slice %arg3[%dma_start3A_260, %select_n3A, %dma_start3A_261] : memref<8x6x576xi32, #tpu.memory_space<hbm>> -> memref<8x1x576xi32, #tpu.memory_space<hbm>>
      %dma_start3A_263 = tpu.memref_squeeze %dma_start3A_262 : memref<8x1x576xi32, #tpu.memory_space<hbm>> -> memref<8x576xi32, #tpu.memory_space<hbm>>
      %dma_start3A_264 = arith.constant 0 : i32
      %dma_start3A_265 = arith.constant 0 : i32
      %dma_start3A_266 = tpu.memref_slice %arg3[%dma_start3A_264, %select_n3A, %dma_start3A_265] : memref<8x6x576xi32, #tpu.memory_space<hbm>> -> memref<8x1x576xi32, #tpu.memory_space<hbm>>
      %dma_start3A_267 = tpu.memref_squeeze %dma_start3A_266 : memref<8x1x576xi32, #tpu.memory_space<hbm>> -> memref<8x576xi32, #tpu.memory_space<hbm>>
      tpu.enqueue_dma source(%dma_start3A_267 : memref<8x576xi32, #tpu.memory_space<hbm>>) target(%arg6 : memref<8x576xi32, #tpu.memory_space<vmem>>) target_semaphore(%run_scoped3A : memref<!tpu.dma_semaphore, #tpu.memory_space<semaphore_mem>>)
      %dma_wait3A_268 = arith.constant 0 : i32
      %dma_wait3A_269 = arith.constant 0 : i32
      %dma_wait3A_270 = tpu.memref_slice %arg3[%dma_wait3A_268, %select_n3A, %dma_wait3A_269] : memref<8x6x576xi32, #tpu.memory_space<hbm>> -> memref<8x1x576xi32, #tpu.memory_space<hbm>>
      %dma_wait3A_271 = tpu.memref_squeeze %dma_wait3A_270 : memref<8x1x576xi32, #tpu.memory_space<hbm>> -> memref<8x576xi32, #tpu.memory_space<hbm>>
      %dma_wait3A_272 = arith.constant 0 : i32
      %dma_wait3A_273 = arith.constant 0 : i32
      %dma_wait3A_274 = tpu.memref_slice %arg3[%dma_wait3A_272, %select_n3A, %dma_wait3A_273] : memref<8x6x576xi32, #tpu.memory_space<hbm>> -> memref<8x1x576xi32, #tpu.memory_space<hbm>>
      %dma_wait3A_275 = tpu.memref_squeeze %dma_wait3A_274 : memref<8x1x576xi32, #tpu.memory_space<hbm>> -> memref<8x576xi32, #tpu.memory_space<hbm>>
      tpu.wait_dma2 semaphore(%run_scoped3A : memref<!tpu.dma_semaphore, #tpu.memory_space<semaphore_mem>>) src(%dma_wait3A_275 : memref<8x576xi32, #tpu.memory_space<hbm>>) dst(%arg6 : memref<8x576xi32, #tpu.memory_space<vmem>>)
      tpu.yield
    }) : () -> ()
    %parallel_loop3A = arith.constant 0 : i32
    %parallel_loop3A_44 = arith.constant 36 : i32
    %parallel_loop3A_45 = arith.constant 1 : i32
    scf.for %parallel_loop3A_260 = %parallel_loop3A to %parallel_loop3A_44 step %parallel_loop3A_45  : i32 {
      %parallel_loop3A_261 = arith.constant 16 : i32
      %parallel_loop3A_262 = arith.muli %parallel_loop3A_260, %parallel_loop3A_261 : i32
      %parallel_loop3A_263 = arith.constant 0 : i32
      %parallel_loop3A_264 = arith.index_cast %parallel_loop3A_263 : i32 to index
      %parallel_loop3A_265 = arith.index_cast %parallel_loop3A_262 : i32 to index
      %parallel_loop3A_266 = tpu.vector_load %arg6[%parallel_loop3A_264, %parallel_loop3A_265] {strides = array<i32>} : memref<8x576xi32, #tpu.memory_space<vmem>>, vector<16xi32>,
      %parallel_loop3A_267 = arith.constant 16 : i32
      %parallel_loop3A_268 = arith.muli %parallel_loop3A_260, %parallel_loop3A_267 : i32
      %parallel_loop3A_269 = arith.constant 1 : i32
      %parallel_loop3A_270 = arith.index_cast %parallel_loop3A_269 : i32 to index
      %parallel_loop3A_271 = arith.index_cast %parallel_loop3A_268 : i32 to index
      %parallel_loop3A_272 = tpu.vector_load %arg6[%parallel_loop3A_270, %parallel_loop3A_271] {strides = array<i32>} : memref<8x576xi32, #tpu.memory_space<vmem>>, vector<16xi32>,
      %parallel_loop3A_273 = arith.constant 0 : i32
      %parallel_loop3A_274 = vector.broadcast %parallel_loop3A_273 : i32 to vector<16xi32>
      %parallel_loop3A_275 = arith.addi %parallel_loop3A_266, %parallel_loop3A_274 : vector<16xi32>
      %parallel_loop3A_276 = tpu.vector_load_idx %arg5[%parallel_loop3A_275] : memref<4096xf32, #tpu.memory_space<vmem>>[vector<16xi32>], vector<16xf32>,
      %parallel_loop3A_277 = arith.constant 1024 : i32
      %parallel_loop3A_278 = vector.broadcast %parallel_loop3A_277 : i32 to vector<16xi32>
      %parallel_loop3A_279 = arith.addi %parallel_loop3A_266, %parallel_loop3A_278 : vector<16xi32>
      %parallel_loop3A_280 = tpu.vector_load_idx %arg5[%parallel_loop3A_279] : memref<4096xf32, #tpu.memory_space<vmem>>[vector<16xi32>], vector<16xf32>,
      %parallel_loop3A_281 = arith.constant 2048 : i32
      %parallel_loop3A_282 = vector.broadcast %parallel_loop3A_281 : i32 to vector<16xi32>
      %parallel_loop3A_283 = arith.addi %parallel_loop3A_266, %parallel_loop3A_282 : vector<16xi32>
      %parallel_loop3A_284 = tpu.vector_load_idx %arg5[%parallel_loop3A_283] : memref<4096xf32, #tpu.memory_space<vmem>>[vector<16xi32>], vector<16xf32>,
      %parallel_loop3A_285 = arith.constant 3072 : i32
      %parallel_loop3A_286 = vector.broadcast %parallel_loop3A_285 : i32 to vector<16xi32>
      %parallel_loop3A_287 = arith.addi %parallel_loop3A_266, %parallel_loop3A_286 : vector<16xi32>
      %parallel_loop3A_288 = tpu.vector_load_idx %arg5[%parallel_loop3A_287] : memref<4096xf32, #tpu.memory_space<vmem>>[vector<16xi32>], vector<16xf32>,
      %parallel_loop3A_289 = arith.constant 0 : i32
      %parallel_loop3A_290 = vector.broadcast %parallel_loop3A_289 : i32 to vector<16xi32>
      %parallel_loop3A_291 = arith.addi %parallel_loop3A_272, %parallel_loop3A_290 : vector<16xi32>
      %parallel_loop3A_292 = tpu.vector_load_idx %arg5[%parallel_loop3A_291] : memref<4096xf32, #tpu.memory_space<vmem>>[vector<16xi32>], vector<16xf32>,
      %parallel_loop3A_293 = arith.constant 1024 : i32
      %parallel_loop3A_294 = vector.broadcast %parallel_loop3A_293 : i32 to vector<16xi32>
      %parallel_loop3A_295 = arith.addi %parallel_loop3A_272, %parallel_loop3A_294 : vector<16xi32>
      %parallel_loop3A_296 = tpu.vector_load_idx %arg5[%parallel_loop3A_295] : memref<4096xf32, #tpu.memory_space<vmem>>[vector<16xi32>], vector<16xf32>,
      %parallel_loop3A_297 = arith.constant 2048 : i32
      %parallel_loop3A_298 = vector.broadcast %parallel_loop3A_297 : i32 to vector<16xi32>
      %parallel_loop3A_299 = arith.addi %parallel_loop3A_272, %parallel_loop3A_298 : vector<16xi32>
      %parallel_loop3A_300 = tpu.vector_load_idx %arg5[%parallel_loop3A_299] : memref<4096xf32, #tpu.memory_space<vmem>>[vector<16xi32>], vector<16xf32>,
      %parallel_loop3A_301 = arith.constant 3072 : i32
      %parallel_loop3A_302 = vector.broadcast %parallel_loop3A_301 : i32 to vector<16xi32>
      %parallel_loop3A_303 = arith.addi %parallel_loop3A_272, %parallel_loop3A_302 : vector<16xi32>
      %parallel_loop3A_304 = tpu.vector_load_idx %arg5[%parallel_loop3A_303] : memref<4096xf32, #tpu.memory_space<vmem>>[vector<16xi32>], vector<16xf32>,
      %parallel_loop3A_305 = arith.constant 16 : i32
      %parallel_loop3A_306 = arith.muli %parallel_loop3A_260, %parallel_loop3A_305 : i32
      %parallel_loop3A_307 = arith.constant 0 : i32
      %parallel_loop3A_308 = arith.constant 0 : i32
      %parallel_loop3A_309 = arith.constant 0 : i32
      %parallel_loop3A_310 = arith.index_cast %parallel_loop3A_307 : i32 to index
      %parallel_loop3A_311 = arith.index_cast %parallel_loop3A_308 : i32 to index
      %parallel_loop3A_312 = arith.index_cast %parallel_loop3A_309 : i32 to index
      %parallel_loop3A_313 = arith.index_cast %parallel_loop3A_306 : i32 to index
      %parallel_loop3A_314 = tpu.vector_load %arg7[%parallel_loop3A_310, %parallel_loop3A_311, %parallel_loop3A_312, %parallel_loop3A_313] {strides = array<i32>} : memref<2x8x4x576xf32, #tpu.memory_space<vmem>>, vector<16xf32>,
      tpu.vector_store %arg7[%parallel_loop3A_310, %parallel_loop3A_311, %parallel_loop3A_312, %parallel_loop3A_313], %parallel_loop3A_276 {strides = array<i32>} : memref<2x8x4x576xf32, #tpu.memory_space<vmem>>, vector<16xf32>,
      %parallel_loop3A_315 = arith.constant 16 : i32
      %parallel_loop3A_316 = arith.muli %parallel_loop3A_260, %parallel_loop3A_315 : i32
      %parallel_loop3A_317 = arith.constant 0 : i32
      %parallel_loop3A_318 = arith.constant 0 : i32
      %parallel_loop3A_319 = arith.constant 1 : i32
      %parallel_loop3A_320 = arith.index_cast %parallel_loop3A_317 : i32 to index
      %parallel_loop3A_321 = arith.index_cast %parallel_loop3A_318 : i32 to index
      %parallel_loop3A_322 = arith.index_cast %parallel_loop3A_319 : i32 to index
      %parallel_loop3A_323 = arith.index_cast %parallel_loop3A_316 : i32 to index
      %parallel_loop3A_324 = tpu.vector_load %arg7[%parallel_loop3A_320, %parallel_loop3A_321, %parallel_loop3A_322, %parallel_loop3A_323] {strides = array<i32>} : memref<2x8x4x576xf32, #tpu.memory_space<vmem>>, vector<16xf32>,
      tpu.vector_store %arg7[%parallel_loop3A_320, %parallel_loop3A_321, %parallel_loop3A_322, %parallel_loop3A_323], %parallel_loop3A_280 {strides = array<i32>} : memref<2x8x4x576xf32, #tpu.memory_space<vmem>>, vector<16xf32>,
      %parallel_loop3A_325 = arith.constant 16 : i32
      %parallel_loop3A_326 = arith.muli %parallel_loop3A_260, %parallel_loop3A_325 : i32
      %parallel_loop3A_327 = arith.constant 0 : i32
      %parallel_loop3A_328 = arith.constant 0 : i32
      %parallel_loop3A_329 = arith.constant 2 : i32
      %parallel_loop3A_330 = arith.index_cast %parallel_loop3A_327 : i32 to index
      %parallel_loop3A_331 = arith.index_cast %parallel_loop3A_328 : i32 to index
      %parallel_loop3A_332 = arith.index_cast %parallel_loop3A_329 : i32 to index
      %parallel_loop3A_333 = arith.index_cast %parallel_loop3A_326 : i32 to index
      %parallel_loop3A_334 = tpu.vector_load %arg7[%parallel_loop3A_330, %parallel_loop3A_331, %parallel_loop3A_332, %parallel_loop3A_333] {strides = array<i32>} : memref<2x8x4x576xf32, #tpu.memory_space<vmem>>, vector<16xf32>,
      tpu.vector_store %arg7[%parallel_loop3A_330, %parallel_loop3A_331, %parallel_loop3A_332, %parallel_loop3A_333], %parallel_loop3A_284 {strides = array<i32>} : memref<2x8x4x576xf32, #tpu.memory_space<vmem>>, vector<16xf32>,
      %parallel_loop3A_335 = arith.constant 16 : i32
      %parallel_loop3A_336 = arith.muli %parallel_loop3A_260, %parallel_loop3A_335 : i32
      %parallel_loop3A_337 = arith.constant 0 : i32
      %parallel_loop3A_338 = arith.constant 0 : i32
      %parallel_loop3A_339 = arith.constant 3 : i32
      %parallel_loop3A_340 = arith.index_cast %parallel_loop3A_337 : i32 to index
      %parallel_loop3A_341 = arith.index_cast %parallel_loop3A_338 : i32 to index
      %parallel_loop3A_342 = arith.index_cast %parallel_loop3A_339 : i32 to index
      %parallel_loop3A_343 = arith.index_cast %parallel_loop3A_336 : i32 to index
      %parallel_loop3A_344 = tpu.vector_load %arg7[%parallel_loop3A_340, %parallel_loop3A_341, %parallel_loop3A_342, %parallel_loop3A_343] {strides = array<i32>} : memref<2x8x4x576xf32, #tpu.memory_space<vmem>>, vector<16xf32>,
      tpu.vector_store %arg7[%parallel_loop3A_340, %parallel_loop3A_341, %parallel_loop3A_342, %parallel_loop3A_343], %parallel_loop3A_288 {strides = array<i32>} : memref<2x8x4x576xf32, #tpu.memory_space<vmem>>, vector<16xf32>,
      %parallel_loop3A_345 = arith.constant 16 : i32
      %parallel_loop3A_346 = arith.muli %parallel_loop3A_260, %parallel_loop3A_345 : i32
      %parallel_loop3A_347 = arith.constant 0 : i32
      %parallel_loop3A_348 = arith.constant 1 : i32
      %parallel_loop3A_349 = arith.constant 0 : i32
      %parallel_loop3A_350 = arith.index_cast %parallel_loop3A_347 : i32 to index
      %parallel_loop3A_351 = arith.index_cast %parallel_loop3A_348 : i32 to index
      %parallel_loop3A_352 = arith.index_cast %parallel_loop3A_349 : i32 to index
      %parallel_loop3A_353 = arith.index_cast %parallel_loop3A_346 : i32 to index
      %parallel_loop3A_354 = tpu.vector_load %arg7[%parallel_loop3A_350, %parallel_loop3A_351, %parallel_loop3A_352, %parallel_loop3A_353] {strides = array<i32>} : memref<2x8x4x576xf32, #tpu.memory_space<vmem>>, vector<16xf32>,
      tpu.vector_store %arg7[%parallel_loop3A_350, %parallel_loop3A_351, %parallel_loop3A_352, %parallel_loop3A_353], %parallel_loop3A_292 {strides = array<i32>} : memref<2x8x4x576xf32, #tpu.memory_space<vmem>>, vector<16xf32>,
      %parallel_loop3A_355 = arith.constant 16 : i32
      %parallel_loop3A_356 = arith.muli %parallel_loop3A_260, %parallel_loop3A_355 : i32
      %parallel_loop3A_357 = arith.constant 0 : i32
      %parallel_loop3A_358 = arith.constant 1 : i32
      %parallel_loop3A_359 = arith.constant 1 : i32
      %parallel_loop3A_360 = arith.index_cast %parallel_loop3A_357 : i32 to index
      %parallel_loop3A_361 = arith.index_cast %parallel_loop3A_358 : i32 to index
      %parallel_loop3A_362 = arith.index_cast %parallel_loop3A_359 : i32 to index
      %parallel_loop3A_363 = arith.index_cast %parallel_loop3A_356 : i32 to index
      %parallel_loop3A_364 = tpu.vector_load %arg7[%parallel_loop3A_360, %parallel_loop3A_361, %parallel_loop3A_362, %parallel_loop3A_363] {strides = array<i32>} : memref<2x8x4x576xf32, #tpu.memory_space<vmem>>, vector<16xf32>,
      tpu.vector_store %arg7[%parallel_loop3A_360, %parallel_loop3A_361, %parallel_loop3A_362, %parallel_loop3A_363], %parallel_loop3A_296 {strides = array<i32>} : memref<2x8x4x576xf32, #tpu.memory_space<vmem>>, vector<16xf32>,
      %parallel_loop3A_365 = arith.constant 16 : i32
      %parallel_loop3A_366 = arith.muli %parallel_loop3A_260, %parallel_loop3A_365 : i32
      %parallel_loop3A_367 = arith.constant 0 : i32
      %parallel_loop3A_368 = arith.constant 1 : i32
      %parallel_loop3A_369 = arith.constant 2 : i32
      %parallel_loop3A_370 = arith.index_cast %parallel_loop3A_367 : i32 to index
      %parallel_loop3A_371 = arith.index_cast %parallel_loop3A_368 : i32 to index
      %parallel_loop3A_372 = arith.index_cast %parallel_loop3A_369 : i32 to index
      %parallel_loop3A_373 = arith.index_cast %parallel_loop3A_366 : i32 to index
      %parallel_loop3A_374 = tpu.vector_load %arg7[%parallel_loop3A_370, %parallel_loop3A_371, %parallel_loop3A_372, %parallel_loop3A_373] {strides = array<i32>} : memref<2x8x4x576xf32, #tpu.memory_space<vmem>>, vector<16xf32>,
      tpu.vector_store %arg7[%parallel_loop3A_370, %parallel_loop3A_371, %parallel_loop3A_372, %parallel_loop3A_373], %parallel_loop3A_300 {strides = array<i32>} : memref<2x8x4x576xf32, #tpu.memory_space<vmem>>, vector<16xf32>,
      %parallel_loop3A_375 = arith.constant 16 : i32
      %parallel_loop3A_376 = arith.muli %parallel_loop3A_260, %parallel_loop3A_375 : i32
      %parallel_loop3A_377 = arith.constant 0 : i32
      %parallel_loop3A_378 = arith.constant 1 : i32
      %parallel_loop3A_379 = arith.constant 3 : i32
      %parallel_loop3A_380 = arith.index_cast %parallel_loop3A_377 : i32 to index
      %parallel_loop3A_381 = arith.index_cast %parallel_loop3A_378 : i32 to index
      %parallel_loop3A_382 = arith.index_cast %parallel_loop3A_379 : i32 to index
      %parallel_loop3A_383 = arith.index_cast %parallel_loop3A_376 : i32 to index
      %parallel_loop3A_384 = tpu.vector_load %arg7[%parallel_loop3A_380, %parallel_loop3A_381, %parallel_loop3A_382, %parallel_loop3A_383] {strides = array<i32>} : memref<2x8x4x576xf32, #tpu.memory_space<vmem>>, vector<16xf32>,
      tpu.vector_store %arg7[%parallel_loop3A_380, %parallel_loop3A_381, %parallel_loop3A_382, %parallel_loop3A_383], %parallel_loop3A_304 {strides = array<i32>} : memref<2x8x4x576xf32, #tpu.memory_space<vmem>>, vector<16xf32>,
      %parallel_loop3A_385 = arith.constant 16 : i32
      %parallel_loop3A_386 = arith.muli %parallel_loop3A_260, %parallel_loop3A_385 : i32
      %parallel_loop3A_387 = arith.constant 2 : i32
      %parallel_loop3A_388 = arith.index_cast %parallel_loop3A_387 : i32 to index
      %parallel_loop3A_389 = arith.index_cast %parallel_loop3A_386 : i32 to index
      %parallel_loop3A_390 = tpu.vector_load %arg6[%parallel_loop3A_388, %parallel_loop3A_389] {strides = array<i32>} : memref<8x576xi32, #tpu.memory_space<vmem>>, vector<16xi32>,
      %parallel_loop3A_391 = arith.constant 16 : i32
      %parallel_loop3A_392 = arith.muli %parallel_loop3A_260, %parallel_loop3A_391 : i32
      %parallel_loop3A_393 = arith.constant 3 : i32
      %parallel_loop3A_394 = arith.index_cast %parallel_loop3A_393 : i32 to index
      %parallel_loop3A_395 = arith.index_cast %parallel_loop3A_392 : i32 to index
      %parallel_loop3A_396 = tpu.vector_load %arg6[%parallel_loop3A_394, %parallel_loop3A_395] {strides = array<i32>} : memref<8x576xi32, #tpu.memory_space<vmem>>, vector<16xi32>,
      %parallel_loop3A_397 = arith.constant 0 : i32
      %parallel_loop3A_398 = vector.broadcast %parallel_loop3A_397 : i32 to vector<16xi32>
      %parallel_loop3A_399 = arith.addi %parallel_loop3A_390, %parallel_loop3A_398 : vector<16xi32>
      %parallel_loop3A_400 = tpu.vector_load_idx %arg5[%parallel_loop3A_399] : memref<4096xf32, #tpu.memory_space<vmem>>[vector<16xi32>], vector<16xf32>,
      %parallel_loop3A_401 = arith.constant 1024 : i32
      %parallel_loop3A_402 = vector.broadcast %parallel_loop3A_401 : i32 to vector<16xi32>
      %parallel_loop3A_403 = arith.addi %parallel_loop3A_390, %parallel_loop3A_402 : vector<16xi32>
      %parallel_loop3A_404 = tpu.vector_load_idx %arg5[%parallel_loop3A_403] : memref<4096xf32, #tpu.memory_space<vmem>>[vector<16xi32>], vector<16xf32>,
      %parallel_loop3A_405 = arith.constant 2048 : i32
      %parallel_loop3A_406 = vector.broadcast %parallel_loop3A_405 : i32 to vector<16xi32>
      %parallel_loop3A_407 = arith.addi %parallel_loop3A_390, %parallel_loop3A_406 : vector<16xi32>
      %parallel_loop3A_408 = tpu.vector_load_idx %arg5[%parallel_loop3A_407] : memref<4096xf32, #tpu.memory_space<vmem>>[vector<16xi32>], vector<16xf32>,
      %parallel_loop3A_409 = arith.constant 3072 : i32
      %parallel_loop3A_410 = vector.broadcast %parallel_loop3A_409 : i32 to vector<16xi32>
      %parallel_loop3A_411 = arith.addi %parallel_loop3A_390, %parallel_loop3A_410 : vector<16xi32>
      %parallel_loop3A_412 = tpu.vector_load_idx %arg5[%parallel_loop3A_411] : memref<4096xf32, #tpu.memory_space<vmem>>[vector<16xi32>], vector<16xf32>,
      %parallel_loop3A_413 = arith.constant 0 : i32
      %parallel_loop3A_414 = vector.broadcast %parallel_loop3A_413 : i32 to vector<16xi32>
      %parallel_loop3A_415 = arith.addi %parallel_loop3A_396, %parallel_loop3A_414 : vector<16xi32>
      %parallel_loop3A_416 = tpu.vector_load_idx %arg5[%parallel_loop3A_415] : memref<4096xf32, #tpu.memory_space<vmem>>[vector<16xi32>], vector<16xf32>,
      %parallel_loop3A_417 = arith.constant 1024 : i32
      %parallel_loop3A_418 = vector.broadcast %parallel_loop3A_417 : i32 to vector<16xi32>
      %parallel_loop3A_419 = arith.addi %parallel_loop3A_396, %parallel_loop3A_418 : vector<16xi32>
      %parallel_loop3A_420 = tpu.vector_load_idx %arg5[%parallel_loop3A_419] : memref<4096xf32, #tpu.memory_space<vmem>>[vector<16xi32>], vector<16xf32>,
      %parallel_loop3A_421 = arith.constant 2048 : i32
      %parallel_loop3A_422 = vector.broadcast %parallel_loop3A_421 : i32 to vector<16xi32>
      %parallel_loop3A_423 = arith.addi %parallel_loop3A_396, %parallel_loop3A_422 : vector<16xi32>
      %parallel_loop3A_424 = tpu.vector_load_idx %arg5[%parallel_loop3A_423] : memref<4096xf32, #tpu.memory_space<vmem>>[vector<16xi32>], vector<16xf32>,
      %parallel_loop3A_425 = arith.constant 3072 : i32
      %parallel_loop3A_426 = vector.broadcast %parallel_loop3A_425 : i32 to vector<16xi32>
      %parallel_loop3A_427 = arith.addi %parallel_loop3A_396, %parallel_loop3A_426 : vector<16xi32>
      %parallel_loop3A_428 = tpu.vector_load_idx %arg5[%parallel_loop3A_427] : memref<4096xf32, #tpu.memory_space<vmem>>[vector<16xi32>], vector<16xf32>,
      %parallel_loop3A_429 = arith.constant 16 : i32
      %parallel_loop3A_430 = arith.muli %parallel_loop3A_260, %parallel_loop3A_429 : i32
      %parallel_loop3A_431 = arith.constant 0 : i32
      %parallel_loop3A_432 = arith.constant 2 : i32
      %parallel_loop3A_433 = arith.constant 0 : i32
      %parallel_loop3A_434 = arith.index_cast %parallel_loop3A_431 : i32 to index
      %parallel_loop3A_435 = arith.index_cast %parallel_loop3A_432 : i32 to index
      %parallel_loop3A_436 = arith.index_cast %parallel_loop3A_433 : i32 to index
      %parallel_loop3A_437 = arith.index_cast %parallel_loop3A_430 : i32 to index
      %parallel_loop3A_438 = tpu.vector_load %arg7[%parallel_loop3A_434, %parallel_loop3A_435, %parallel_loop3A_436, %parallel_loop3A_437] {strides = array<i32>} : memref<2x8x4x576xf32, #tpu.memory_space<vmem>>, vector<16xf32>,
      tpu.vector_store %arg7[%parallel_loop3A_434, %parallel_loop3A_435, %parallel_loop3A_436, %parallel_loop3A_437], %parallel_loop3A_400 {strides = array<i32>} : memref<2x8x4x576xf32, #tpu.memory_space<vmem>>, vector<16xf32>,
      %parallel_loop3A_439 = arith.constant 16 : i32
      %parallel_loop3A_440 = arith.muli %parallel_loop3A_260, %parallel_loop3A_439 : i32
      %parallel_loop3A_441 = arith.constant 0 : i32
      %parallel_loop3A_442 = arith.constant 2 : i32
      %parallel_loop3A_443 = arith.constant 1 : i32
      %parallel_loop3A_444 = arith.index_cast %parallel_loop3A_441 : i32 to index
      %parallel_loop3A_445 = arith.index_cast %parallel_loop3A_442 : i32 to index
      %parallel_loop3A_446 = arith.index_cast %parallel_loop3A_443 : i32 to index
      %parallel_loop3A_447 = arith.index_cast %parallel_loop3A_440 : i32 to index
      %parallel_loop3A_448 = tpu.vector_load %arg7[%parallel_loop3A_444, %parallel_loop3A_445, %parallel_loop3A_446, %parallel_loop3A_447] {strides = array<i32>} : memref<2x8x4x576xf32, #tpu.memory_space<vmem>>, vector<16xf32>,
      tpu.vector_store %arg7[%parallel_loop3A_444, %parallel_loop3A_445, %parallel_loop3A_446, %parallel_loop3A_447], %parallel_loop3A_404 {strides = array<i32>} : memref<2x8x4x576xf32, #tpu.memory_space<vmem>>, vector<16xf32>,
      %parallel_loop3A_449 = arith.constant 16 : i32
      %parallel_loop3A_450 = arith.muli %parallel_loop3A_260, %parallel_loop3A_449 : i32
      %parallel_loop3A_451 = arith.constant 0 : i32
      %parallel_loop3A_452 = arith.constant 2 : i32
      %parallel_loop3A_453 = arith.constant 2 : i32
      %parallel_loop3A_454 = arith.index_cast %parallel_loop3A_451 : i32 to index
      %parallel_loop3A_455 = arith.index_cast %parallel_loop3A_452 : i32 to index
      %parallel_loop3A_456 = arith.index_cast %parallel_loop3A_453 : i32 to index
      %parallel_loop3A_457 = arith.index_cast %parallel_loop3A_450 : i32 to index
      %parallel_loop3A_458 = tpu.vector_load %arg7[%parallel_loop3A_454, %parallel_loop3A_455, %parallel_loop3A_456, %parallel_loop3A_457] {strides = array<i32>} : memref<2x8x4x576xf32, #tpu.memory_space<vmem>>, vector<16xf32>,
      tpu.vector_store %arg7[%parallel_loop3A_454, %parallel_loop3A_455, %parallel_loop3A_456, %parallel_loop3A_457], %parallel_loop3A_408 {strides = array<i32>} : memref<2x8x4x576xf32, #tpu.memory_space<vmem>>, vector<16xf32>,
      %parallel_loop3A_459 = arith.constant 16 : i32
      %parallel_loop3A_460 = arith.muli %parallel_loop3A_260, %parallel_loop3A_459 : i32
      %parallel_loop3A_461 = arith.constant 0 : i32
      %parallel_loop3A_462 = arith.constant 2 : i32
      %parallel_loop3A_463 = arith.constant 3 : i32
      %parallel_loop3A_464 = arith.index_cast %parallel_loop3A_461 : i32 to index
      %parallel_loop3A_465 = arith.index_cast %parallel_loop3A_462 : i32 to index
      %parallel_loop3A_466 = arith.index_cast %parallel_loop3A_463 : i32 to index
      %parallel_loop3A_467 = arith.index_cast %parallel_loop3A_460 : i32 to index
      %parallel_loop3A_468 = tpu.vector_load %arg7[%parallel_loop3A_464, %parallel_loop3A_465, %parallel_loop3A_466, %parallel_loop3A_467] {strides = array<i32>} : memref<2x8x4x576xf32, #tpu.memory_space<vmem>>, vector<16xf32>,
      tpu.vector_store %arg7[%parallel_loop3A_464, %parallel_loop3A_465, %parallel_loop3A_466, %parallel_loop3A_467], %parallel_loop3A_412 {strides = array<i32>} : memref<2x8x4x576xf32, #tpu.memory_space<vmem>>, vector<16xf32>,
      %parallel_loop3A_469 = arith.constant 16 : i32
      %parallel_loop3A_470 = arith.muli %parallel_loop3A_260, %parallel_loop3A_469 : i32
      %parallel_loop3A_471 = arith.constant 0 : i32
      %parallel_loop3A_472 = arith.constant 3 : i32
      %parallel_loop3A_473 = arith.constant 0 : i32
      %parallel_loop3A_474 = arith.index_cast %parallel_loop3A_471 : i32 to index
      %parallel_loop3A_475 = arith.index_cast %parallel_loop3A_472 : i32 to index
      %parallel_loop3A_476 = arith.index_cast %parallel_loop3A_473 : i32 to index
      %parallel_loop3A_477 = arith.index_cast %parallel_loop3A_470 : i32 to index
      %parallel_loop3A_478 = tpu.vector_load %arg7[%parallel_loop3A_474, %parallel_loop3A_475, %parallel_loop3A_476, %parallel_loop3A_477] {strides = array<i32>} : memref<2x8x4x576xf32, #tpu.memory_space<vmem>>, vector<16xf32>,
      tpu.vector_store %arg7[%parallel_loop3A_474, %parallel_loop3A_475, %parallel_loop3A_476, %parallel_loop3A_477], %parallel_loop3A_416 {strides = array<i32>} : memref<2x8x4x576xf32, #tpu.memory_space<vmem>>, vector<16xf32>,
      %parallel_loop3A_479 = arith.constant 16 : i32
      %parallel_loop3A_480 = arith.muli %parallel_loop3A_260, %parallel_loop3A_479 : i32
      %parallel_loop3A_481 = arith.constant 0 : i32
      %parallel_loop3A_482 = arith.constant 3 : i32
      %parallel_loop3A_483 = arith.constant 1 : i32
      %parallel_loop3A_484 = arith.index_cast %parallel_loop3A_481 : i32 to index
      %parallel_loop3A_485 = arith.index_cast %parallel_loop3A_482 : i32 to index
      %parallel_loop3A_486 = arith.index_cast %parallel_loop3A_483 : i32 to index
      %parallel_loop3A_487 = arith.index_cast %parallel_loop3A_480 : i32 to index
      %parallel_loop3A_488 = tpu.vector_load %arg7[%parallel_loop3A_484, %parallel_loop3A_485, %parallel_loop3A_486, %parallel_loop3A_487] {strides = array<i32>} : memref<2x8x4x576xf32, #tpu.memory_space<vmem>>, vector<16xf32>,
      tpu.vector_store %arg7[%parallel_loop3A_484, %parallel_loop3A_485, %parallel_loop3A_486, %parallel_loop3A_487], %parallel_loop3A_420 {strides = array<i32>} : memref<2x8x4x576xf32, #tpu.memory_space<vmem>>, vector<16xf32>,
      %parallel_loop3A_489 = arith.constant 16 : i32
      %parallel_loop3A_490 = arith.muli %parallel_loop3A_260, %parallel_loop3A_489 : i32
      %parallel_loop3A_491 = arith.constant 0 : i32
      %parallel_loop3A_492 = arith.constant 3 : i32
      %parallel_loop3A_493 = arith.constant 2 : i32
      %parallel_loop3A_494 = arith.index_cast %parallel_loop3A_491 : i32 to index
      %parallel_loop3A_495 = arith.index_cast %parallel_loop3A_492 : i32 to index
      %parallel_loop3A_496 = arith.index_cast %parallel_loop3A_493 : i32 to index
      %parallel_loop3A_497 = arith.index_cast %parallel_loop3A_490 : i32 to index
      %parallel_loop3A_498 = tpu.vector_load %arg7[%parallel_loop3A_494, %parallel_loop3A_495, %parallel_loop3A_496, %parallel_loop3A_497] {strides = array<i32>} : memref<2x8x4x576xf32, #tpu.memory_space<vmem>>, vector<16xf32>,
      tpu.vector_store %arg7[%parallel_loop3A_494, %parallel_loop3A_495, %parallel_loop3A_496, %parallel_loop3A_497], %parallel_loop3A_424 {strides = array<i32>} : memref<2x8x4x576xf32, #tpu.memory_space<vmem>>, vector<16xf32>,
      %parallel_loop3A_499 = arith.constant 16 : i32
      %parallel_loop3A_500 = arith.muli %parallel_loop3A_260, %parallel_loop3A_499 : i32
      %parallel_loop3A_501 = arith.constant 0 : i32
      %parallel_loop3A_502 = arith.constant 3 : i32
      %parallel_loop3A_503 = arith.constant 3 : i32
      %parallel_loop3A_504 = arith.index_cast %parallel_loop3A_501 : i32 to index
      %parallel_loop3A_505 = arith.index_cast %parallel_loop3A_502 : i32 to index
      %parallel_loop3A_506 = arith.index_cast %parallel_loop3A_503 : i32 to index
      %parallel_loop3A_507 = arith.index_cast %parallel_loop3A_500 : i32 to index
      %parallel_loop3A_508 = tpu.vector_load %arg7[%parallel_loop3A_504, %parallel_loop3A_505, %parallel_loop3A_506, %parallel_loop3A_507] {strides = array<i32>} : memref<2x8x4x576xf32, #tpu.memory_space<vmem>>, vector<16xf32>,
      tpu.vector_store %arg7[%parallel_loop3A_504, %parallel_loop3A_505, %parallel_loop3A_506, %parallel_loop3A_507], %parallel_loop3A_428 {strides = array<i32>} : memref<2x8x4x576xf32, #tpu.memory_space<vmem>>, vector<16xf32>,
      %parallel_loop3A_509 = arith.constant 16 : i32
      %parallel_loop3A_510 = arith.muli %parallel_loop3A_260, %parallel_loop3A_509 : i32
      %parallel_loop3A_511 = arith.constant 4 : i32
      %parallel_loop3A_512 = arith.index_cast %parallel_loop3A_511 : i32 to index
      %parallel_loop3A_513 = arith.index_cast %parallel_loop3A_510 : i32 to index
      %parallel_loop3A_514 = tpu.vector_load %arg6[%parallel_loop3A_512, %parallel_loop3A_513] {strides = array<i32>} : memref<8x576xi32, #tpu.memory_space<vmem>>, vector<16xi32>,
      %parallel_loop3A_515 = arith.constant 16 : i32
      %parallel_loop3A_516 = arith.muli %parallel_loop3A_260, %parallel_loop3A_515 : i32
      %parallel_loop3A_517 = arith.constant 5 : i32
      %parallel_loop3A_518 = arith.index_cast %parallel_loop3A_517 : i32 to index
      %parallel_loop3A_519 = arith.index_cast %parallel_loop3A_516 : i32 to index
      %parallel_loop3A_520 = tpu.vector_load %arg6[%parallel_loop3A_518, %parallel_loop3A_519] {strides = array<i32>} : memref<8x576xi32, #tpu.memory_space<vmem>>, vector<16xi32>,
      %parallel_loop3A_521 = arith.constant 0 : i32
      %parallel_loop3A_522 = vector.broadcast %parallel_loop3A_521 : i32 to vector<16xi32>
      %parallel_loop3A_523 = arith.addi %parallel_loop3A_514, %parallel_loop3A_522 : vector<16xi32>
      %parallel_loop3A_524 = tpu.vector_load_idx %arg5[%parallel_loop3A_523] : memref<4096xf32, #tpu.memory_space<vmem>>[vector<16xi32>], vector<16xf32>,
      %parallel_loop3A_525 = arith.constant 1024 : i32
      %parallel_loop3A_526 = vector.broadcast %parallel_loop3A_525 : i32 to vector<16xi32>
      %parallel_loop3A_527 = arith.addi %parallel_loop3A_514, %parallel_loop3A_526 : vector<16xi32>
      %parallel_loop3A_528 = tpu.vector_load_idx %arg5[%parallel_loop3A_527] : memref<4096xf32, #tpu.memory_space<vmem>>[vector<16xi32>], vector<16xf32>,
      %parallel_loop3A_529 = arith.constant 2048 : i32
      %parallel_loop3A_530 = vector.broadcast %parallel_loop3A_529 : i32 to vector<16xi32>
      %parallel_loop3A_531 = arith.addi %parallel_loop3A_514, %parallel_loop3A_530 : vector<16xi32>
      %parallel_loop3A_532 = tpu.vector_load_idx %arg5[%parallel_loop3A_531] : memref<4096xf32, #tpu.memory_space<vmem>>[vector<16xi32>], vector<16xf32>,
      %parallel_loop3A_533 = arith.constant 3072 : i32
      %parallel_loop3A_534 = vector.broadcast %parallel_loop3A_533 : i32 to vector<16xi32>
      %parallel_loop3A_535 = arith.addi %parallel_loop3A_514, %parallel_loop3A_534 : vector<16xi32>
      %parallel_loop3A_536 = tpu.vector_load_idx %arg5[%parallel_loop3A_535] : memref<4096xf32, #tpu.memory_space<vmem>>[vector<16xi32>], vector<16xf32>,
      %parallel_loop3A_537 = arith.constant 0 : i32
      %parallel_loop3A_538 = vector.broadcast %parallel_loop3A_537 : i32 to vector<16xi32>
      %parallel_loop3A_539 = arith.addi %parallel_loop3A_520, %parallel_loop3A_538 : vector<16xi32>
      %parallel_loop3A_540 = tpu.vector_load_idx %arg5[%parallel_loop3A_539] : memref<4096xf32, #tpu.memory_space<vmem>>[vector<16xi32>], vector<16xf32>,
      %parallel_loop3A_541 = arith.constant 1024 : i32
      %parallel_loop3A_542 = vector.broadcast %parallel_loop3A_541 : i32 to vector<16xi32>
      %parallel_loop3A_543 = arith.addi %parallel_loop3A_520, %parallel_loop3A_542 : vector<16xi32>
      %parallel_loop3A_544 = tpu.vector_load_idx %arg5[%parallel_loop3A_543] : memref<4096xf32, #tpu.memory_space<vmem>>[vector<16xi32>], vector<16xf32>,
      %parallel_loop3A_545 = arith.constant 2048 : i32
      %parallel_loop3A_546 = vector.broadcast %parallel_loop3A_545 : i32 to vector<16xi32>
      %parallel_loop3A_547 = arith.addi %parallel_loop3A_520, %parallel_loop3A_546 : vector<16xi32>
      %parallel_loop3A_548 = tpu.vector_load_idx %arg5[%parallel_loop3A_547] : memref<4096xf32, #tpu.memory_space<vmem>>[vector<16xi32>], vector<16xf32>,
      %parallel_loop3A_549 = arith.constant 3072 : i32
      %parallel_loop3A_550 = vector.broadcast %parallel_loop3A_549 : i32 to vector<16xi32>
      %parallel_loop3A_551 = arith.addi %parallel_loop3A_520, %parallel_loop3A_550 : vector<16xi32>
      %parallel_loop3A_552 = tpu.vector_load_idx %arg5[%parallel_loop3A_551] : memref<4096xf32, #tpu.memory_space<vmem>>[vector<16xi32>], vector<16xf32>,
      %parallel_loop3A_553 = arith.constant 16 : i32
      %parallel_loop3A_554 = arith.muli %parallel_loop3A_260, %parallel_loop3A_553 : i32
      %parallel_loop3A_555 = arith.constant 0 : i32
      %parallel_loop3A_556 = arith.constant 4 : i32
      %parallel_loop3A_557 = arith.constant 0 : i32
      %parallel_loop3A_558 = arith.index_cast %parallel_loop3A_555 : i32 to index
      %parallel_loop3A_559 = arith.index_cast %parallel_loop3A_556 : i32 to index
      %parallel_loop3A_560 = arith.index_cast %parallel_loop3A_557 : i32 to index
      %parallel_loop3A_561 = arith.index_cast %parallel_loop3A_554 : i32 to index
      %parallel_loop3A_562 = tpu.vector_load %arg7[%parallel_loop3A_558, %parallel_loop3A_559, %parallel_loop3A_560, %parallel_loop3A_561] {strides = array<i32>} : memref<2x8x4x576xf32, #tpu.memory_space<vmem>>, vector<16xf32>,
      tpu.vector_store %arg7[%parallel_loop3A_558, %parallel_loop3A_559, %parallel_loop3A_560, %parallel_loop3A_561], %parallel_loop3A_524 {strides = array<i32>} : memref<2x8x4x576xf32, #tpu.memory_space<vmem>>, vector<16xf32>,
      %parallel_loop3A_563 = arith.constant 16 : i32
      %parallel_loop3A_564 = arith.muli %parallel_loop3A_260, %parallel_loop3A_563 : i32
      %parallel_loop3A_565 = arith.constant 0 : i32
      %parallel_loop3A_566 = arith.constant 4 : i32
      %parallel_loop3A_567 = arith.constant 1 : i32
      %parallel_loop3A_568 = arith.index_cast %parallel_loop3A_565 : i32 to index
      %parallel_loop3A_569 = arith.index_cast %parallel_loop3A_566 : i32 to index
      %parallel_loop3A_570 = arith.index_cast %parallel_loop3A_567 : i32 to index
      %parallel_loop3A_571 = arith.index_cast %parallel_loop3A_564 : i32 to index
      %parallel_loop3A_572 = tpu.vector_load %arg7[%parallel_loop3A_568, %parallel_loop3A_569, %parallel_loop3A_570, %parallel_loop3A_571] {strides = array<i32>} : memref<2x8x4x576xf32, #tpu.memory_space<vmem>>, vector<16xf32>,
      tpu.vector_store %arg7[%parallel_loop3A_568, %parallel_loop3A_569, %parallel_loop3A_570, %parallel_loop3A_571], %parallel_loop3A_528 {strides = array<i32>} : memref<2x8x4x576xf32, #tpu.memory_space<vmem>>, vector<16xf32>,
      %parallel_loop3A_573 = arith.constant 16 : i32
      %parallel_loop3A_574 = arith.muli %parallel_loop3A_260, %parallel_loop3A_573 : i32
      %parallel_loop3A_575 = arith.constant 0 : i32
      %parallel_loop3A_576 = arith.constant 4 : i32
      %parallel_loop3A_577 = arith.constant 2 : i32
      %parallel_loop3A_578 = arith.index_cast %parallel_loop3A_575 : i32 to index
      %parallel_loop3A_579 = arith.index_cast %parallel_loop3A_576 : i32 to index
      %parallel_loop3A_580 = arith.index_cast %parallel_loop3A_577 : i32 to index
      %parallel_loop3A_581 = arith.index_cast %parallel_loop3A_574 : i32 to index
      %parallel_loop3A_582 = tpu.vector_load %arg7[%parallel_loop3A_578, %parallel_loop3A_579, %parallel_loop3A_580, %parallel_loop3A_581] {strides = array<i32>} : memref<2x8x4x576xf32, #tpu.memory_space<vmem>>, vector<16xf32>,
      tpu.vector_store %arg7[%parallel_loop3A_578, %parallel_loop3A_579, %parallel_loop3A_580, %parallel_loop3A_581], %parallel_loop3A_532 {strides = array<i32>} : memref<2x8x4x576xf32, #tpu.memory_space<vmem>>, vector<16xf32>,
      %parallel_loop3A_583 = arith.constant 16 : i32
      %parallel_loop3A_584 = arith.muli %parallel_loop3A_260, %parallel_loop3A_583 : i32
      %parallel_loop3A_585 = arith.constant 0 : i32
      %parallel_loop3A_586 = arith.constant 4 : i32
      %parallel_loop3A_587 = arith.constant 3 : i32
      %parallel_loop3A_588 = arith.index_cast %parallel_loop3A_585 : i32 to index
      %parallel_loop3A_589 = arith.index_cast %parallel_loop3A_586 : i32 to index
      %parallel_loop3A_590 = arith.index_cast %parallel_loop3A_587 : i32 to index
      %parallel_loop3A_591 = arith.index_cast %parallel_loop3A_584 : i32 to index
      %parallel_loop3A_592 = tpu.vector_load %arg7[%parallel_loop3A_588, %parallel_loop3A_589, %parallel_loop3A_590, %parallel_loop3A_591] {strides = array<i32>} : memref<2x8x4x576xf32, #tpu.memory_space<vmem>>, vector<16xf32>,
      tpu.vector_store %arg7[%parallel_loop3A_588, %parallel_loop3A_589, %parallel_loop3A_590, %parallel_loop3A_591], %parallel_loop3A_536 {strides = array<i32>} : memref<2x8x4x576xf32, #tpu.memory_space<vmem>>, vector<16xf32>,
      %parallel_loop3A_593 = arith.constant 16 : i32
      %parallel_loop3A_594 = arith.muli %parallel_loop3A_260, %parallel_loop3A_593 : i32
      %parallel_loop3A_595 = arith.constant 0 : i32
      %parallel_loop3A_596 = arith.constant 5 : i32
      %parallel_loop3A_597 = arith.constant 0 : i32
      %parallel_loop3A_598 = arith.index_cast %parallel_loop3A_595 : i32 to index
      %parallel_loop3A_599 = arith.index_cast %parallel_loop3A_596 : i32 to index
      %parallel_loop3A_600 = arith.index_cast %parallel_loop3A_597 : i32 to index
      %parallel_loop3A_601 = arith.index_cast %parallel_loop3A_594 : i32 to index
      %parallel_loop3A_602 = tpu.vector_load %arg7[%parallel_loop3A_598, %parallel_loop3A_599, %parallel_loop3A_600, %parallel_loop3A_601] {strides = array<i32>} : memref<2x8x4x576xf32, #tpu.memory_space<vmem>>, vector<16xf32>,
      tpu.vector_store %arg7[%parallel_loop3A_598, %parallel_loop3A_599, %parallel_loop3A_600, %parallel_loop3A_601], %parallel_loop3A_540 {strides = array<i32>} : memref<2x8x4x576xf32, #tpu.memory_space<vmem>>, vector<16xf32>,
      %parallel_loop3A_603 = arith.constant 16 : i32
      %parallel_loop3A_604 = arith.muli %parallel_loop3A_260, %parallel_loop3A_603 : i32
      %parallel_loop3A_605 = arith.constant 0 : i32
      %parallel_loop3A_606 = arith.constant 5 : i32
      %parallel_loop3A_607 = arith.constant 1 : i32
      %parallel_loop3A_608 = arith.index_cast %parallel_loop3A_605 : i32 to index
      %parallel_loop3A_609 = arith.index_cast %parallel_loop3A_606 : i32 to index
      %parallel_loop3A_610 = arith.index_cast %parallel_loop3A_607 : i32 to index
      %parallel_loop3A_611 = arith.index_cast %parallel_loop3A_604 : i32 to index
      %parallel_loop3A_612 = tpu.vector_load %arg7[%parallel_loop3A_608, %parallel_loop3A_609, %parallel_loop3A_610, %parallel_loop3A_611] {strides = array<i32>} : memref<2x8x4x576xf32, #tpu.memory_space<vmem>>, vector<16xf32>,
      tpu.vector_store %arg7[%parallel_loop3A_608, %parallel_loop3A_609, %parallel_loop3A_610, %parallel_loop3A_611], %parallel_loop3A_544 {strides = array<i32>} : memref<2x8x4x576xf32, #tpu.memory_space<vmem>>, vector<16xf32>,
      %parallel_loop3A_613 = arith.constant 16 : i32
      %parallel_loop3A_614 = arith.muli %parallel_loop3A_260, %parallel_loop3A_613 : i32
      %parallel_loop3A_615 = arith.constant 0 : i32
      %parallel_loop3A_616 = arith.constant 5 : i32
      %parallel_loop3A_617 = arith.constant 2 : i32
      %parallel_loop3A_618 = arith.index_cast %parallel_loop3A_615 : i32 to index
      %parallel_loop3A_619 = arith.index_cast %parallel_loop3A_616 : i32 to index
      %parallel_loop3A_620 = arith.index_cast %parallel_loop3A_617 : i32 to index
      %parallel_loop3A_621 = arith.index_cast %parallel_loop3A_614 : i32 to index
      %parallel_loop3A_622 = tpu.vector_load %arg7[%parallel_loop3A_618, %parallel_loop3A_619, %parallel_loop3A_620, %parallel_loop3A_621] {strides = array<i32>} : memref<2x8x4x576xf32, #tpu.memory_space<vmem>>, vector<16xf32>,
      tpu.vector_store %arg7[%parallel_loop3A_618, %parallel_loop3A_619, %parallel_loop3A_620, %parallel_loop3A_621], %parallel_loop3A_548 {strides = array<i32>} : memref<2x8x4x576xf32, #tpu.memory_space<vmem>>, vector<16xf32>,
      %parallel_loop3A_623 = arith.constant 16 : i32
      %parallel_loop3A_624 = arith.muli %parallel_loop3A_260, %parallel_loop3A_623 : i32
      %parallel_loop3A_625 = arith.constant 0 : i32
      %parallel_loop3A_626 = arith.constant 5 : i32
      %parallel_loop3A_627 = arith.constant 3 : i32
      %parallel_loop3A_628 = arith.index_cast %parallel_loop3A_625 : i32 to index
      %parallel_loop3A_629 = arith.index_cast %parallel_loop3A_626 : i32 to index
      %parallel_loop3A_630 = arith.index_cast %parallel_loop3A_627 : i32 to index
      %parallel_loop3A_631 = arith.index_cast %parallel_loop3A_624 : i32 to index
      %parallel_loop3A_632 = tpu.vector_load %arg7[%parallel_loop3A_628, %parallel_loop3A_629, %parallel_loop3A_630, %parallel_loop3A_631] {strides = array<i32>} : memref<2x8x4x576xf32, #tpu.memory_space<vmem>>, vector<16xf32>,
      tpu.vector_store %arg7[%parallel_loop3A_628, %parallel_loop3A_629, %parallel_loop3A_630, %parallel_loop3A_631], %parallel_loop3A_552 {strides = array<i32>} : memref<2x8x4x576xf32, #tpu.memory_space<vmem>>, vector<16xf32>,
      %parallel_loop3A_633 = arith.constant 16 : i32
      %parallel_loop3A_634 = arith.muli %parallel_loop3A_260, %parallel_loop3A_633 : i32
      %parallel_loop3A_635 = arith.constant 6 : i32
      %parallel_loop3A_636 = arith.index_cast %parallel_loop3A_635 : i32 to index
      %parallel_loop3A_637 = arith.index_cast %parallel_loop3A_634 : i32 to index
      %parallel_loop3A_638 = tpu.vector_load %arg6[%parallel_loop3A_636, %parallel_loop3A_637] {strides = array<i32>} : memref<8x576xi32, #tpu.memory_space<vmem>>, vector<16xi32>,
      %parallel_loop3A_639 = arith.constant 16 : i32
      %parallel_loop3A_640 = arith.muli %parallel_loop3A_260, %parallel_loop3A_639 : i32
      %parallel_loop3A_641 = arith.constant 7 : i32
      %parallel_loop3A_642 = arith.index_cast %parallel_loop3A_641 : i32 to index
      %parallel_loop3A_643 = arith.index_cast %parallel_loop3A_640 : i32 to index
      %parallel_loop3A_644 = tpu.vector_load %arg6[%parallel_loop3A_642, %parallel_loop3A_643] {strides = array<i32>} : memref<8x576xi32, #tpu.memory_space<vmem>>, vector<16xi32>,
      %parallel_loop3A_645 = arith.constant 0 : i32
      %parallel_loop3A_646 = vector.broadcast %parallel_loop3A_645 : i32 to vector<16xi32>
      %parallel_loop3A_647 = arith.addi %parallel_loop3A_638, %parallel_loop3A_646 : vector<16xi32>
      %parallel_loop3A_648 = tpu.vector_load_idx %arg5[%parallel_loop3A_647] : memref<4096xf32, #tpu.memory_space<vmem>>[vector<16xi32>], vector<16xf32>,
      %parallel_loop3A_649 = arith.constant 1024 : i32
      %parallel_loop3A_650 = vector.broadcast %parallel_loop3A_649 : i32 to vector<16xi32>
      %parallel_loop3A_651 = arith.addi %parallel_loop3A_638, %parallel_loop3A_650 : vector<16xi32>
      %parallel_loop3A_652 = tpu.vector_load_idx %arg5[%parallel_loop3A_651] : memref<4096xf32, #tpu.memory_space<vmem>>[vector<16xi32>], vector<16xf32>,
      %parallel_loop3A_653 = arith.constant 2048 : i32
      %parallel_loop3A_654 = vector.broadcast %parallel_loop3A_653 : i32 to vector<16xi32>
      %parallel_loop3A_655 = arith.addi %parallel_loop3A_638, %parallel_loop3A_654 : vector<16xi32>
      %parallel_loop3A_656 = tpu.vector_load_idx %arg5[%parallel_loop3A_655] : memref<4096xf32, #tpu.memory_space<vmem>>[vector<16xi32>], vector<16xf32>,
      %parallel_loop3A_657 = arith.constant 3072 : i32
      %parallel_loop3A_658 = vector.broadcast %parallel_loop3A_657 : i32 to vector<16xi32>
      %parallel_loop3A_659 = arith.addi %parallel_loop3A_638, %parallel_loop3A_658 : vector<16xi32>
      %parallel_loop3A_660 = tpu.vector_load_idx %arg5[%parallel_loop3A_659] : memref<4096xf32, #tpu.memory_space<vmem>>[vector<16xi32>], vector<16xf32>,
      %parallel_loop3A_661 = arith.constant 0 : i32
      %parallel_loop3A_662 = vector.broadcast %parallel_loop3A_661 : i32 to vector<16xi32>
      %parallel_loop3A_663 = arith.addi %parallel_loop3A_644, %parallel_loop3A_662 : vector<16xi32>
      %parallel_loop3A_664 = tpu.vector_load_idx %arg5[%parallel_loop3A_663] : memref<4096xf32, #tpu.memory_space<vmem>>[vector<16xi32>], vector<16xf32>,
      %parallel_loop3A_665 = arith.constant 1024 : i32
      %parallel_loop3A_666 = vector.broadcast %parallel_loop3A_665 : i32 to vector<16xi32>
      %parallel_loop3A_667 = arith.addi %parallel_loop3A_644, %parallel_loop3A_666 : vector<16xi32>
      %parallel_loop3A_668 = tpu.vector_load_idx %arg5[%parallel_loop3A_667] : memref<4096xf32, #tpu.memory_space<vmem>>[vector<16xi32>], vector<16xf32>,
      %parallel_loop3A_669 = arith.constant 2048 : i32
      %parallel_loop3A_670 = vector.broadcast %parallel_loop3A_669 : i32 to vector<16xi32>
      %parallel_loop3A_671 = arith.addi %parallel_loop3A_644, %parallel_loop3A_670 : vector<16xi32>
      %parallel_loop3A_672 = tpu.vector_load_idx %arg5[%parallel_loop3A_671] : memref<4096xf32, #tpu.memory_space<vmem>>[vector<16xi32>], vector<16xf32>,
      %parallel_loop3A_673 = arith.constant 3072 : i32
      %parallel_loop3A_674 = vector.broadcast %parallel_loop3A_673 : i32 to vector<16xi32>
      %parallel_loop3A_675 = arith.addi %parallel_loop3A_644, %parallel_loop3A_674 : vector<16xi32>
      %parallel_loop3A_676 = tpu.vector_load_idx %arg5[%parallel_loop3A_675] : memref<4096xf32, #tpu.memory_space<vmem>>[vector<16xi32>], vector<16xf32>,
      %parallel_loop3A_677 = arith.constant 16 : i32
      %parallel_loop3A_678 = arith.muli %parallel_loop3A_260, %parallel_loop3A_677 : i32
      %parallel_loop3A_679 = arith.constant 0 : i32
      %parallel_loop3A_680 = arith.constant 6 : i32
      %parallel_loop3A_681 = arith.constant 0 : i32
      %parallel_loop3A_682 = arith.index_cast %parallel_loop3A_679 : i32 to index
      %parallel_loop3A_683 = arith.index_cast %parallel_loop3A_680 : i32 to index
      %parallel_loop3A_684 = arith.index_cast %parallel_loop3A_681 : i32 to index
      %parallel_loop3A_685 = arith.index_cast %parallel_loop3A_678 : i32 to index
      %parallel_loop3A_686 = tpu.vector_load %arg7[%parallel_loop3A_682, %parallel_loop3A_683, %parallel_loop3A_684, %parallel_loop3A_685] {strides = array<i32>} : memref<2x8x4x576xf32, #tpu.memory_space<vmem>>, vector<16xf32>,
      tpu.vector_store %arg7[%parallel_loop3A_682, %parallel_loop3A_683, %parallel_loop3A_684, %parallel_loop3A_685], %parallel_loop3A_648 {strides = array<i32>} : memref<2x8x4x576xf32, #tpu.memory_space<vmem>>, vector<16xf32>,
      %parallel_loop3A_687 = arith.constant 16 : i32
      %parallel_loop3A_688 = arith.muli %parallel_loop3A_260, %parallel_loop3A_687 : i32
      %parallel_loop3A_689 = arith.constant 0 : i32
      %parallel_loop3A_690 = arith.constant 6 : i32
      %parallel_loop3A_691 = arith.constant 1 : i32
      %parallel_loop3A_692 = arith.index_cast %parallel_loop3A_689 : i32 to index
      %parallel_loop3A_693 = arith.index_cast %parallel_loop3A_690 : i32 to index
      %parallel_loop3A_694 = arith.index_cast %parallel_loop3A_691 : i32 to index
      %parallel_loop3A_695 = arith.index_cast %parallel_loop3A_688 : i32 to index
      %parallel_loop3A_696 = tpu.vector_load %arg7[%parallel_loop3A_692, %parallel_loop3A_693, %parallel_loop3A_694, %parallel_loop3A_695] {strides = array<i32>} : memref<2x8x4x576xf32, #tpu.memory_space<vmem>>, vector<16xf32>,
      tpu.vector_store %arg7[%parallel_loop3A_692, %parallel_loop3A_693, %parallel_loop3A_694, %parallel_loop3A_695], %parallel_loop3A_652 {strides = array<i32>} : memref<2x8x4x576xf32, #tpu.memory_space<vmem>>, vector<16xf32>,
      %parallel_loop3A_697 = arith.constant 16 : i32
      %parallel_loop3A_698 = arith.muli %parallel_loop3A_260, %parallel_loop3A_697 : i32
      %parallel_loop3A_699 = arith.constant 0 : i32
      %parallel_loop3A_700 = arith.constant 6 : i32
      %parallel_loop3A_701 = arith.constant 2 : i32
      %parallel_loop3A_702 = arith.index_cast %parallel_loop3A_699 : i32 to index
      %parallel_loop3A_703 = arith.index_cast %parallel_loop3A_700 : i32 to index
      %parallel_loop3A_704 = arith.index_cast %parallel_loop3A_701 : i32 to index
      %parallel_loop3A_705 = arith.index_cast %parallel_loop3A_698 : i32 to index
      %parallel_loop3A_706 = tpu.vector_load %arg7[%parallel_loop3A_702, %parallel_loop3A_703, %parallel_loop3A_704, %parallel_loop3A_705] {strides = array<i32>} : memref<2x8x4x576xf32, #tpu.memory_space<vmem>>, vector<16xf32>,
      tpu.vector_store %arg7[%parallel_loop3A_702, %parallel_loop3A_703, %parallel_loop3A_704, %parallel_loop3A_705], %parallel_loop3A_656 {strides = array<i32>} : memref<2x8x4x576xf32, #tpu.memory_space<vmem>>, vector<16xf32>,
      %parallel_loop3A_707 = arith.constant 16 : i32
      %parallel_loop3A_708 = arith.muli %parallel_loop3A_260, %parallel_loop3A_707 : i32
      %parallel_loop3A_709 = arith.constant 0 : i32
      %parallel_loop3A_710 = arith.constant 6 : i32
      %parallel_loop3A_711 = arith.constant 3 : i32
      %parallel_loop3A_712 = arith.index_cast %parallel_loop3A_709 : i32 to index
      %parallel_loop3A_713 = arith.index_cast %parallel_loop3A_710 : i32 to index
      %parallel_loop3A_714 = arith.index_cast %parallel_loop3A_711 : i32 to index
      %parallel_loop3A_715 = arith.index_cast %parallel_loop3A_708 : i32 to index
      %parallel_loop3A_716 = tpu.vector_load %arg7[%parallel_loop3A_712, %parallel_loop3A_713, %parallel_loop3A_714, %parallel_loop3A_715] {strides = array<i32>} : memref<2x8x4x576xf32, #tpu.memory_space<vmem>>, vector<16xf32>,
      tpu.vector_store %arg7[%parallel_loop3A_712, %parallel_loop3A_713, %parallel_loop3A_714, %parallel_loop3A_715], %parallel_loop3A_660 {strides = array<i32>} : memref<2x8x4x576xf32, #tpu.memory_space<vmem>>, vector<16xf32>,
      %parallel_loop3A_717 = arith.constant 16 : i32
      %parallel_loop3A_718 = arith.muli %parallel_loop3A_260, %parallel_loop3A_717 : i32
      %parallel_loop3A_719 = arith.constant 0 : i32
      %parallel_loop3A_720 = arith.constant 7 : i32
      %parallel_loop3A_721 = arith.constant 0 : i32
      %parallel_loop3A_722 = arith.index_cast %parallel_loop3A_719 : i32 to index
      %parallel_loop3A_723 = arith.index_cast %parallel_loop3A_720 : i32 to index
      %parallel_loop3A_724 = arith.index_cast %parallel_loop3A_721 : i32 to index
      %parallel_loop3A_725 = arith.index_cast %parallel_loop3A_718 : i32 to index
      %parallel_loop3A_726 = tpu.vector_load %arg7[%parallel_loop3A_722, %parallel_loop3A_723, %parallel_loop3A_724, %parallel_loop3A_725] {strides = array<i32>} : memref<2x8x4x576xf32, #tpu.memory_space<vmem>>, vector<16xf32>,
      tpu.vector_store %arg7[%parallel_loop3A_722, %parallel_loop3A_723, %parallel_loop3A_724, %parallel_loop3A_725], %parallel_loop3A_664 {strides = array<i32>} : memref<2x8x4x576xf32, #tpu.memory_space<vmem>>, vector<16xf32>,
      %parallel_loop3A_727 = arith.constant 16 : i32
      %parallel_loop3A_728 = arith.muli %parallel_loop3A_260, %parallel_loop3A_727 : i32
      %parallel_loop3A_729 = arith.constant 0 : i32
      %parallel_loop3A_730 = arith.constant 7 : i32
      %parallel_loop3A_731 = arith.constant 1 : i32
      %parallel_loop3A_732 = arith.index_cast %parallel_loop3A_729 : i32 to index
      %parallel_loop3A_733 = arith.index_cast %parallel_loop3A_730 : i32 to index
      %parallel_loop3A_734 = arith.index_cast %parallel_loop3A_731 : i32 to index
      %parallel_loop3A_735 = arith.index_cast %parallel_loop3A_728 : i32 to index
      %parallel_loop3A_736 = tpu.vector_load %arg7[%parallel_loop3A_732, %parallel_loop3A_733, %parallel_loop3A_734, %parallel_loop3A_735] {strides = array<i32>} : memref<2x8x4x576xf32, #tpu.memory_space<vmem>>, vector<16xf32>,
      tpu.vector_store %arg7[%parallel_loop3A_732, %parallel_loop3A_733, %parallel_loop3A_734, %parallel_loop3A_735], %parallel_loop3A_668 {strides = array<i32>} : memref<2x8x4x576xf32, #tpu.memory_space<vmem>>, vector<16xf32>,
      %parallel_loop3A_737 = arith.constant 16 : i32
      %parallel_loop3A_738 = arith.muli %parallel_loop3A_260, %parallel_loop3A_737 : i32
      %parallel_loop3A_739 = arith.constant 0 : i32
      %parallel_loop3A_740 = arith.constant 7 : i32
      %parallel_loop3A_741 = arith.constant 2 : i32
      %parallel_loop3A_742 = arith.index_cast %parallel_loop3A_739 : i32 to index
      %parallel_loop3A_743 = arith.index_cast %parallel_loop3A_740 : i32 to index
      %parallel_loop3A_744 = arith.index_cast %parallel_loop3A_741 : i32 to index
      %parallel_loop3A_745 = arith.index_cast %parallel_loop3A_738 : i32 to index
      %parallel_loop3A_746 = tpu.vector_load %arg7[%parallel_loop3A_742, %parallel_loop3A_743, %parallel_loop3A_744, %parallel_loop3A_745] {strides = array<i32>} : memref<2x8x4x576xf32, #tpu.memory_space<vmem>>, vector<16xf32>,
      tpu.vector_store %arg7[%parallel_loop3A_742, %parallel_loop3A_743, %parallel_loop3A_744, %parallel_loop3A_745], %parallel_loop3A_672 {strides = array<i32>} : memref<2x8x4x576xf32, #tpu.memory_space<vmem>>, vector<16xf32>,
      %parallel_loop3A_747 = arith.constant 16 : i32
      %parallel_loop3A_748 = arith.muli %parallel_loop3A_260, %parallel_loop3A_747 : i32
      %parallel_loop3A_749 = arith.constant 0 : i32
      %parallel_loop3A_750 = arith.constant 7 : i32
      %parallel_loop3A_751 = arith.constant 3 : i32
      %parallel_loop3A_752 = arith.index_cast %parallel_loop3A_749 : i32 to index
      %parallel_loop3A_753 = arith.index_cast %parallel_loop3A_750 : i32 to index
      %parallel_loop3A_754 = arith.index_cast %parallel_loop3A_751 : i32 to index
      %parallel_loop3A_755 = arith.index_cast %parallel_loop3A_748 : i32 to index
      %parallel_loop3A_756 = tpu.vector_load %arg7[%parallel_loop3A_752, %parallel_loop3A_753, %parallel_loop3A_754, %parallel_loop3A_755] {strides = array<i32>} : memref<2x8x4x576xf32, #tpu.memory_space<vmem>>, vector<16xf32>,
      tpu.vector_store %arg7[%parallel_loop3A_752, %parallel_loop3A_753, %parallel_loop3A_754, %parallel_loop3A_755], %parallel_loop3A_676 {strides = array<i32>} : memref<2x8x4x576xf32, #tpu.memory_space<vmem>>, vector<16xf32>,
    } {sc.loop_unroll_factor = 1 : i64, sc.parallel_access}
    %dma_start3A = arith.constant 0 : i32
    %dma_start3A_46 = arith.constant 0 : i32
    %dma_start3A_47 = arith.constant 0 : i32
    %dma_start3A_48 = arith.constant 0 : i32
    %dma_start3A_49 = tpu.memref_slice %arg7[%dma_start3A, %dma_start3A_46, %dma_start3A_47, %dma_start3A_48] : memref<2x8x4x576xf32, #tpu.memory_space<vmem>> -> memref<1x8x4x576xf32, #tpu.memory_space<vmem>>
    %dma_start3A_50 = tpu.memref_squeeze %dma_start3A_49 : memref<1x8x4x576xf32, #tpu.memory_space<vmem>> -> memref<8x4x576xf32, #tpu.memory_space<vmem>>
    %dma_start3A_51 = arith.constant 0 : i32
    %dma_start3A_52 = arith.constant 0 : i32
    %dma_start3A_53 = tpu.memref_slice %arg4[%dma_start3A_51, %add3A_27, %dma_start3A_52] : memref<8x384x576xf32, #tpu.memory_space<hbm>> -> memref<8x4x576xf32, #tpu.memory_space<hbm>>
    %dma_start3A_54 = arith.constant 0 : i32
    %dma_start3A_55 = arith.constant 0 : i32
    %dma_start3A_56 = tpu.memref_slice %arg4[%dma_start3A_54, %add3A_27, %dma_start3A_55] : memref<8x384x576xf32, #tpu.memory_space<hbm>> -> memref<8x4x576xf32, #tpu.memory_space<hbm>>
    %dma_start3A_57 = arith.constant 0 : i32
    %dma_start3A_58 = arith.constant 0 : i32
    %dma_start3A_59 = arith.constant 0 : i32
    %dma_start3A_60 = tpu.memref_slice %arg7[%dma_start3A, %dma_start3A_57, %dma_start3A_58, %dma_start3A_59] : memref<2x8x4x576xf32, #tpu.memory_space<vmem>> -> memref<1x8x4x576xf32, #tpu.memory_space<vmem>>
    %dma_start3A_61 = tpu.memref_squeeze %dma_start3A_60 : memref<1x8x4x576xf32, #tpu.memory_space<vmem>> -> memref<8x4x576xf32, #tpu.memory_space<vmem>>
    tpu.enqueue_dma source(%dma_start3A_61 : memref<8x4x576xf32, #tpu.memory_space<vmem>>) target(%dma_start3A_56 : memref<8x4x576xf32, #tpu.memory_space<hbm>>) target_semaphore(%arg8 : memref<!tpu.dma_semaphore, #tpu.memory_space<semaphore_mem>>)
    %mul3A_62 = arith.constant 3 : i32
    %mul3A_63 = arith.muli %add3A, %mul3A_62 : i32
    %add3A_64 = arith.constant 1 : i32
    %add3A_65 = arith.addi %mul3A_63, %add3A_64 : i32
    %jit3A_66 = arith.constant 16 : i32
    %div3A_67 = arith.divsi %add3A_65, %jit3A_66 : i32
    %sign3A_68 = arith.constant 0 : i32
    %sign3A_69 = arith.cmpi sgt, %add3A_65, %sign3A_68 : i32
    %sign3A_70 = arith.extui %sign3A_69 : i1 to i32
    %sign3A_71 = arith.constant 0 : i32
    %sign3A_72 = arith.cmpi slt, %add3A_65, %sign3A_71 : i32
    %sign3A_73 = arith.extui %sign3A_72 : i1 to i32
    %sign3A_74 = arith.subi %sign3A_70, %sign3A_73 : i32
    %sign3A_75 = arith.constant 0 : i32
    %sign3A_76 = arith.cmpi sgt, %jit3A_66, %sign3A_75 : i32
    %sign3A_77 = arith.extui %sign3A_76 : i1 to i32
    %sign3A_78 = arith.constant 0 : i32
    %sign3A_79 = arith.cmpi slt, %jit3A_66, %sign3A_78 : i32
    %sign3A_80 = arith.extui %sign3A_79 : i1 to i32
    %sign3A_81 = arith.subi %sign3A_77, %sign3A_80 : i32
    %ne3A_82 = arith.cmpi ne, %sign3A_74, %sign3A_81 : i32
    %rem3A_83 = arith.remsi %add3A_65, %jit3A_66 : i32
    %ne3A_84 = arith.constant 0 : i32
    %ne3A_85 = arith.cmpi ne, %rem3A_83, %ne3A_84 : i32
    %and3A_86 = arith.andi %ne3A_82, %ne3A_85 : i1
    %sub3A_87 = arith.constant 1 : i32
    %sub3A_88 = arith.subi %div3A_67, %sub3A_87 : i32
    %select_n3A_89 = arith.select %and3A_86, %sub3A_88, %div3A_67 : i32
    %rem3A_90 = arith.constant 16 : i32
    %rem3A_91 = arith.remsi %add3A_65, %rem3A_90 : i32
    %mul3A_92 = arith.constant 64 : i32
    %mul3A_93 = arith.muli %select_n3A_89, %mul3A_92 : i32
    %mul3A_94 = arith.constant 4 : i32
    %mul3A_95 = arith.muli %rem3A_91, %mul3A_94 : i32
    %add3A_96 = arith.addi %mul3A_93, %mul3A_95 : i32
    %mul3A_97 = arith.constant 4 : i32
    %mul3A_98 = arith.muli %rem3A_91, %mul3A_97 : i32
    %add3A_99 = arith.constant 0 : i32
    %add3A_100 = arith.addi %mul3A_98, %add3A_99 : i32
    "tpu.region"() ({
      %run_scoped3A = tpu.sem_alloc : memref<!tpu.dma_semaphore, #tpu.memory_space<semaphore_mem>>
      %dma_start3A_260 = arith.constant 0 : i32
      %dma_start3A_261 = tpu.memref_slice %arg5[%dma_start3A_260] : memref<4096xf32, #tpu.memory_space<vmem>> -> memref<1024xf32, #tpu.memory_space<vmem>>
      %dma_start3A_262 = arith.constant 0 : i32
      %dma_start3A_263 = tpu.memref_slice %arg2[%select_n3A_89, %add3A_100, %dma_start3A_262] : memref<6x64x1024xf32, #tpu.memory_space<hbm>> -> memref<1x1x1024xf32, #tpu.memory_space<hbm>>
      %dma_start3A_264 = tpu.memref_squeeze %dma_start3A_263 : memref<1x1x1024xf32, #tpu.memory_space<hbm>> -> memref<1024xf32, #tpu.memory_space<hbm>>
      %dma_start3A_265 = arith.constant 0 : i32
      %dma_start3A_266 = tpu.memref_slice %arg5[%dma_start3A_265] : memref<4096xf32, #tpu.memory_space<vmem>> -> memref<1024xf32, #tpu.memory_space<vmem>>
      %dma_start3A_267 = arith.constant 0 : i32
      %dma_start3A_268 = tpu.memref_slice %arg2[%select_n3A_89, %add3A_100, %dma_start3A_267] : memref<6x64x1024xf32, #tpu.memory_space<hbm>> -> memref<1x1x1024xf32, #tpu.memory_space<hbm>>
      %dma_start3A_269 = tpu.memref_squeeze %dma_start3A_268 : memref<1x1x1024xf32, #tpu.memory_space<hbm>> -> memref<1024xf32, #tpu.memory_space<hbm>>
      tpu.enqueue_dma source(%dma_start3A_269 : memref<1024xf32, #tpu.memory_space<hbm>>) target(%dma_start3A_266 : memref<1024xf32, #tpu.memory_space<vmem>>) target_semaphore(%run_scoped3A : memref<!tpu.dma_semaphore, #tpu.memory_space<semaphore_mem>>)
      %dma_wait3A_270 = arith.constant 0 : i32
      %dma_wait3A_271 = tpu.memref_slice %arg5[%dma_wait3A_270] : memref<4096xf32, #tpu.memory_space<vmem>> -> memref<1024xf32, #tpu.memory_space<vmem>>
      %dma_wait3A_272 = arith.constant 0 : i32
      %dma_wait3A_273 = tpu.memref_slice %arg2[%select_n3A_89, %add3A_100, %dma_wait3A_272] : memref<6x64x1024xf32, #tpu.memory_space<hbm>> -> memref<1x1x1024xf32, #tpu.memory_space<hbm>>
      %dma_wait3A_274 = tpu.memref_squeeze %dma_wait3A_273 : memref<1x1x1024xf32, #tpu.memory_space<hbm>> -> memref<1024xf32, #tpu.memory_space<hbm>>
      %dma_wait3A_275 = arith.constant 0 : i32
      %dma_wait3A_276 = tpu.memref_slice %arg5[%dma_wait3A_275] : memref<4096xf32, #tpu.memory_space<vmem>> -> memref<1024xf32, #tpu.memory_space<vmem>>
      %dma_wait3A_277 = arith.constant 0 : i32
      %dma_wait3A_278 = tpu.memref_slice %arg2[%select_n3A_89, %add3A_100, %dma_wait3A_277] : memref<6x64x1024xf32, #tpu.memory_space<hbm>> -> memref<1x1x1024xf32, #tpu.memory_space<hbm>>
      %dma_wait3A_279 = tpu.memref_squeeze %dma_wait3A_278 : memref<1x1x1024xf32, #tpu.memory_space<hbm>> -> memref<1024xf32, #tpu.memory_space<hbm>>
      tpu.wait_dma2 semaphore(%run_scoped3A : memref<!tpu.dma_semaphore, #tpu.memory_space<semaphore_mem>>) src(%dma_wait3A_279 : memref<1024xf32, #tpu.memory_space<hbm>>) dst(%dma_wait3A_276 : memref<1024xf32, #tpu.memory_space<vmem>>)
      tpu.yield
    }) : () -> ()
    %mul3A_101 = arith.constant 4 : i32
    %mul3A_102 = arith.muli %rem3A_91, %mul3A_101 : i32
    %add3A_103 = arith.constant 1 : i32
    %add3A_104 = arith.addi %mul3A_102, %add3A_103 : i32
    "tpu.region"() ({
      %run_scoped3A = tpu.sem_alloc : memref<!tpu.dma_semaphore, #tpu.memory_space<semaphore_mem>>
      %dma_start3A_260 = arith.constant 1024 : i32
      %dma_start3A_261 = tpu.memref_slice %arg5[%dma_start3A_260] : memref<4096xf32, #tpu.memory_space<vmem>> -> memref<1024xf32, #tpu.memory_space<vmem>>
      %dma_start3A_262 = arith.constant 0 : i32
      %dma_start3A_263 = tpu.memref_slice %arg2[%select_n3A_89, %add3A_104, %dma_start3A_262] : memref<6x64x1024xf32, #tpu.memory_space<hbm>> -> memref<1x1x1024xf32, #tpu.memory_space<hbm>>
      %dma_start3A_264 = tpu.memref_squeeze %dma_start3A_263 : memref<1x1x1024xf32, #tpu.memory_space<hbm>> -> memref<1024xf32, #tpu.memory_space<hbm>>
      %dma_start3A_265 = arith.constant 1024 : i32
      %dma_start3A_266 = tpu.memref_slice %arg5[%dma_start3A_265] : memref<4096xf32, #tpu.memory_space<vmem>> -> memref<1024xf32, #tpu.memory_space<vmem>>
      %dma_start3A_267 = arith.constant 0 : i32
      %dma_start3A_268 = tpu.memref_slice %arg2[%select_n3A_89, %add3A_104, %dma_start3A_267] : memref<6x64x1024xf32, #tpu.memory_space<hbm>> -> memref<1x1x1024xf32, #tpu.memory_space<hbm>>
      %dma_start3A_269 = tpu.memref_squeeze %dma_start3A_268 : memref<1x1x1024xf32, #tpu.memory_space<hbm>> -> memref<1024xf32, #tpu.memory_space<hbm>>
      tpu.enqueue_dma source(%dma_start3A_269 : memref<1024xf32, #tpu.memory_space<hbm>>) target(%dma_start3A_266 : memref<1024xf32, #tpu.memory_space<vmem>>) target_semaphore(%run_scoped3A : memref<!tpu.dma_semaphore, #tpu.memory_space<semaphore_mem>>)
      %dma_wait3A_270 = arith.constant 1024 : i32
      %dma_wait3A_271 = tpu.memref_slice %arg5[%dma_wait3A_270] : memref<4096xf32, #tpu.memory_space<vmem>> -> memref<1024xf32, #tpu.memory_space<vmem>>
      %dma_wait3A_272 = arith.constant 0 : i32
      %dma_wait3A_273 = tpu.memref_slice %arg2[%select_n3A_89, %add3A_104, %dma_wait3A_272] : memref<6x64x1024xf32, #tpu.memory_space<hbm>> -> memref<1x1x1024xf32, #tpu.memory_space<hbm>>
      %dma_wait3A_274 = tpu.memref_squeeze %dma_wait3A_273 : memref<1x1x1024xf32, #tpu.memory_space<hbm>> -> memref<1024xf32, #tpu.memory_space<hbm>>
      %dma_wait3A_275 = arith.constant 1024 : i32
      %dma_wait3A_276 = tpu.memref_slice %arg5[%dma_wait3A_275] : memref<4096xf32, #tpu.memory_space<vmem>> -> memref<1024xf32, #tpu.memory_space<vmem>>
      %dma_wait3A_277 = arith.constant 0 : i32
      %dma_wait3A_278 = tpu.memref_slice %arg2[%select_n3A_89, %add3A_104, %dma_wait3A_277] : memref<6x64x1024xf32, #tpu.memory_space<hbm>> -> memref<1x1x1024xf32, #tpu.memory_space<hbm>>
      %dma_wait3A_279 = tpu.memref_squeeze %dma_wait3A_278 : memref<1x1x1024xf32, #tpu.memory_space<hbm>> -> memref<1024xf32, #tpu.memory_space<hbm>>
      tpu.wait_dma2 semaphore(%run_scoped3A : memref<!tpu.dma_semaphore, #tpu.memory_space<semaphore_mem>>) src(%dma_wait3A_279 : memref<1024xf32, #tpu.memory_space<hbm>>) dst(%dma_wait3A_276 : memref<1024xf32, #tpu.memory_space<vmem>>)
      tpu.yield
    }) : () -> ()
    %mul3A_105 = arith.constant 4 : i32
    %mul3A_106 = arith.muli %rem3A_91, %mul3A_105 : i32
    %add3A_107 = arith.constant 2 : i32
    %add3A_108 = arith.addi %mul3A_106, %add3A_107 : i32
    "tpu.region"() ({
      %run_scoped3A = tpu.sem_alloc : memref<!tpu.dma_semaphore, #tpu.memory_space<semaphore_mem>>
      %dma_start3A_260 = arith.constant 2048 : i32
      %dma_start3A_261 = tpu.memref_slice %arg5[%dma_start3A_260] : memref<4096xf32, #tpu.memory_space<vmem>> -> memref<1024xf32, #tpu.memory_space<vmem>>
      %dma_start3A_262 = arith.constant 0 : i32
      %dma_start3A_263 = tpu.memref_slice %arg2[%select_n3A_89, %add3A_108, %dma_start3A_262] : memref<6x64x1024xf32, #tpu.memory_space<hbm>> -> memref<1x1x1024xf32, #tpu.memory_space<hbm>>
      %dma_start3A_264 = tpu.memref_squeeze %dma_start3A_263 : memref<1x1x1024xf32, #tpu.memory_space<hbm>> -> memref<1024xf32, #tpu.memory_space<hbm>>
      %dma_start3A_265 = arith.constant 2048 : i32
      %dma_start3A_266 = tpu.memref_slice %arg5[%dma_start3A_265] : memref<4096xf32, #tpu.memory_space<vmem>> -> memref<1024xf32, #tpu.memory_space<vmem>>
      %dma_start3A_267 = arith.constant 0 : i32
      %dma_start3A_268 = tpu.memref_slice %arg2[%select_n3A_89, %add3A_108, %dma_start3A_267] : memref<6x64x1024xf32, #tpu.memory_space<hbm>> -> memref<1x1x1024xf32, #tpu.memory_space<hbm>>
      %dma_start3A_269 = tpu.memref_squeeze %dma_start3A_268 : memref<1x1x1024xf32, #tpu.memory_space<hbm>> -> memref<1024xf32, #tpu.memory_space<hbm>>
      tpu.enqueue_dma source(%dma_start3A_269 : memref<1024xf32, #tpu.memory_space<hbm>>) target(%dma_start3A_266 : memref<1024xf32, #tpu.memory_space<vmem>>) target_semaphore(%run_scoped3A : memref<!tpu.dma_semaphore, #tpu.memory_space<semaphore_mem>>)
      %dma_wait3A_270 = arith.constant 2048 : i32
      %dma_wait3A_271 = tpu.memref_slice %arg5[%dma_wait3A_270] : memref<4096xf32, #tpu.memory_space<vmem>> -> memref<1024xf32, #tpu.memory_space<vmem>>
      %dma_wait3A_272 = arith.constant 0 : i32
      %dma_wait3A_273 = tpu.memref_slice %arg2[%select_n3A_89, %add3A_108, %dma_wait3A_272] : memref<6x64x1024xf32, #tpu.memory_space<hbm>> -> memref<1x1x1024xf32, #tpu.memory_space<hbm>>
      %dma_wait3A_274 = tpu.memref_squeeze %dma_wait3A_273 : memref<1x1x1024xf32, #tpu.memory_space<hbm>> -> memref<1024xf32, #tpu.memory_space<hbm>>
      %dma_wait3A_275 = arith.constant 2048 : i32
      %dma_wait3A_276 = tpu.memref_slice %arg5[%dma_wait3A_275] : memref<4096xf32, #tpu.memory_space<vmem>> -> memref<1024xf32, #tpu.memory_space<vmem>>
      %dma_wait3A_277 = arith.constant 0 : i32
      %dma_wait3A_278 = tpu.memref_slice %arg2[%select_n3A_89, %add3A_108, %dma_wait3A_277] : memref<6x64x1024xf32, #tpu.memory_space<hbm>> -> memref<1x1x1024xf32, #tpu.memory_space<hbm>>
      %dma_wait3A_279 = tpu.memref_squeeze %dma_wait3A_278 : memref<1x1x1024xf32, #tpu.memory_space<hbm>> -> memref<1024xf32, #tpu.memory_space<hbm>>
      tpu.wait_dma2 semaphore(%run_scoped3A : memref<!tpu.dma_semaphore, #tpu.memory_space<semaphore_mem>>) src(%dma_wait3A_279 : memref<1024xf32, #tpu.memory_space<hbm>>) dst(%dma_wait3A_276 : memref<1024xf32, #tpu.memory_space<vmem>>)
      tpu.yield
    }) : () -> ()
    %mul3A_109 = arith.constant 4 : i32
    %mul3A_110 = arith.muli %rem3A_91, %mul3A_109 : i32
    %add3A_111 = arith.constant 3 : i32
    %add3A_112 = arith.addi %mul3A_110, %add3A_111 : i32
    "tpu.region"() ({
      %run_scoped3A = tpu.sem_alloc : memref<!tpu.dma_semaphore, #tpu.memory_space<semaphore_mem>>
      %dma_start3A_260 = arith.constant 3072 : i32
      %dma_start3A_261 = tpu.memref_slice %arg5[%dma_start3A_260] : memref<4096xf32, #tpu.memory_space<vmem>> -> memref<1024xf32, #tpu.memory_space<vmem>>
      %dma_start3A_262 = arith.constant 0 : i32
      %dma_start3A_263 = tpu.memref_slice %arg2[%select_n3A_89, %add3A_112, %dma_start3A_262] : memref<6x64x1024xf32, #tpu.memory_space<hbm>> -> memref<1x1x1024xf32, #tpu.memory_space<hbm>>
      %dma_start3A_264 = tpu.memref_squeeze %dma_start3A_263 : memref<1x1x1024xf32, #tpu.memory_space<hbm>> -> memref<1024xf32, #tpu.memory_space<hbm>>
      %dma_start3A_265 = arith.constant 3072 : i32
      %dma_start3A_266 = tpu.memref_slice %arg5[%dma_start3A_265] : memref<4096xf32, #tpu.memory_space<vmem>> -> memref<1024xf32, #tpu.memory_space<vmem>>
      %dma_start3A_267 = arith.constant 0 : i32
      %dma_start3A_268 = tpu.memref_slice %arg2[%select_n3A_89, %add3A_112, %dma_start3A_267] : memref<6x64x1024xf32, #tpu.memory_space<hbm>> -> memref<1x1x1024xf32, #tpu.memory_space<hbm>>
      %dma_start3A_269 = tpu.memref_squeeze %dma_start3A_268 : memref<1x1x1024xf32, #tpu.memory_space<hbm>> -> memref<1024xf32, #tpu.memory_space<hbm>>
      tpu.enqueue_dma source(%dma_start3A_269 : memref<1024xf32, #tpu.memory_space<hbm>>) target(%dma_start3A_266 : memref<1024xf32, #tpu.memory_space<vmem>>) target_semaphore(%run_scoped3A : memref<!tpu.dma_semaphore, #tpu.memory_space<semaphore_mem>>)
      %dma_wait3A_270 = arith.constant 3072 : i32
      %dma_wait3A_271 = tpu.memref_slice %arg5[%dma_wait3A_270] : memref<4096xf32, #tpu.memory_space<vmem>> -> memref<1024xf32, #tpu.memory_space<vmem>>
      %dma_wait3A_272 = arith.constant 0 : i32
      %dma_wait3A_273 = tpu.memref_slice %arg2[%select_n3A_89, %add3A_112, %dma_wait3A_272] : memref<6x64x1024xf32, #tpu.memory_space<hbm>> -> memref<1x1x1024xf32, #tpu.memory_space<hbm>>
      %dma_wait3A_274 = tpu.memref_squeeze %dma_wait3A_273 : memref<1x1x1024xf32, #tpu.memory_space<hbm>> -> memref<1024xf32, #tpu.memory_space<hbm>>
      %dma_wait3A_275 = arith.constant 3072 : i32
      %dma_wait3A_276 = tpu.memref_slice %arg5[%dma_wait3A_275] : memref<4096xf32, #tpu.memory_space<vmem>> -> memref<1024xf32, #tpu.memory_space<vmem>>
      %dma_wait3A_277 = arith.constant 0 : i32
      %dma_wait3A_278 = tpu.memref_slice %arg2[%select_n3A_89, %add3A_112, %dma_wait3A_277] : memref<6x64x1024xf32, #tpu.memory_space<hbm>> -> memref<1x1x1024xf32, #tpu.memory_space<hbm>>
      %dma_wait3A_279 = tpu.memref_squeeze %dma_wait3A_278 : memref<1x1x1024xf32, #tpu.memory_space<hbm>> -> memref<1024xf32, #tpu.memory_space<hbm>>
      tpu.wait_dma2 semaphore(%run_scoped3A : memref<!tpu.dma_semaphore, #tpu.memory_space<semaphore_mem>>) src(%dma_wait3A_279 : memref<1024xf32, #tpu.memory_space<hbm>>) dst(%dma_wait3A_276 : memref<1024xf32, #tpu.memory_space<vmem>>)
      tpu.yield
    }) : () -> ()
    %ne3A_113 = arith.cmpi ne, %select_n3A_89, %select_n3A : i32
    %convert_element_type3A = arith.extui %ne3A_113 : i1 to i32
    %cond3A = arith.constant 0 : i32
    %cond3A_114 = arith.cmpi ne, %convert_element_type3A, %cond3A : i32
    scf.if %cond3A_114 {
      "tpu.region"() ({
        %run_scoped3A = tpu.sem_alloc : memref<!tpu.dma_semaphore, #tpu.memory_space<semaphore_mem>>
        %dma_start3A_260 = arith.constant 0 : i32
        %dma_start3A_261 = arith.constant 0 : i32
        %dma_start3A_262 = tpu.memref_slice %arg3[%dma_start3A_260, %select_n3A_89, %dma_start3A_261] : memref<8x6x576xi32, #tpu.memory_space<hbm>> -> memref<8x1x576xi32, #tpu.memory_space<hbm>>
        %dma_start3A_263 = tpu.memref_squeeze %dma_start3A_262 : memref<8x1x576xi32, #tpu.memory_space<hbm>> -> memref<8x576xi32, #tpu.memory_space<hbm>>
        %dma_start3A_264 = arith.constant 0 : i32
        %dma_start3A_265 = arith.constant 0 : i32
        %dma_start3A_266 = tpu.memref_slice %arg3[%dma_start3A_264, %select_n3A_89, %dma_start3A_265] : memref<8x6x576xi32, #tpu.memory_space<hbm>> -> memref<8x1x576xi32, #tpu.memory_space<hbm>>
        %dma_start3A_267 = tpu.memref_squeeze %dma_start3A_266 : memref<8x1x576xi32, #tpu.memory_space<hbm>> -> memref<8x576xi32, #tpu.memory_space<hbm>>
        tpu.enqueue_dma source(%dma_start3A_267 : memref<8x576xi32, #tpu.memory_space<hbm>>) target(%arg6 : memref<8x576xi32, #tpu.memory_space<vmem>>) target_semaphore(%run_scoped3A : memref<!tpu.dma_semaphore, #tpu.memory_space<semaphore_mem>>)
        %dma_wait3A_268 = arith.constant 0 : i32
        %dma_wait3A_269 = arith.constant 0 : i32
        %dma_wait3A_270 = tpu.memref_slice %arg3[%dma_wait3A_268, %select_n3A_89, %dma_wait3A_269] : memref<8x6x576xi32, #tpu.memory_space<hbm>> -> memref<8x1x576xi32, #tpu.memory_space<hbm>>
        %dma_wait3A_271 = tpu.memref_squeeze %dma_wait3A_270 : memref<8x1x576xi32, #tpu.memory_space<hbm>> -> memref<8x576xi32, #tpu.memory_space<hbm>>
        %dma_wait3A_272 = arith.constant 0 : i32
        %dma_wait3A_273 = arith.constant 0 : i32
        %dma_wait3A_274 = tpu.memref_slice %arg3[%dma_wait3A_272, %select_n3A_89, %dma_wait3A_273] : memref<8x6x576xi32, #tpu.memory_space<hbm>> -> memref<8x1x576xi32, #tpu.memory_space<hbm>>
        %dma_wait3A_275 = tpu.memref_squeeze %dma_wait3A_274 : memref<8x1x576xi32, #tpu.memory_space<hbm>> -> memref<8x576xi32, #tpu.memory_space<hbm>>
        tpu.wait_dma2 semaphore(%run_scoped3A : memref<!tpu.dma_semaphore, #tpu.memory_space<semaphore_mem>>) src(%dma_wait3A_275 : memref<8x576xi32, #tpu.memory_space<hbm>>) dst(%arg6 : memref<8x576xi32, #tpu.memory_space<vmem>>)
        tpu.yield
      }) : () -> ()
    } else {
    }
    %parallel_loop3A_115 = arith.constant 0 : i32
    %parallel_loop3A_116 = arith.constant 36 : i32
    %parallel_loop3A_117 = arith.constant 1 : i32
    scf.for %parallel_loop3A_260 = %parallel_loop3A_115 to %parallel_loop3A_116 step %parallel_loop3A_117  : i32 {
      %parallel_loop3A_261 = arith.constant 16 : i32
      %parallel_loop3A_262 = arith.muli %parallel_loop3A_260, %parallel_loop3A_261 : i32
      %parallel_loop3A_263 = arith.constant 0 : i32
      %parallel_loop3A_264 = arith.index_cast %parallel_loop3A_263 : i32 to index
      %parallel_loop3A_265 = arith.index_cast %parallel_loop3A_262 : i32 to index
      %parallel_loop3A_266 = tpu.vector_load %arg6[%parallel_loop3A_264, %parallel_loop3A_265] {strides = array<i32>} : memref<8x576xi32, #tpu.memory_space<vmem>>, vector<16xi32>,
      %parallel_loop3A_267 = arith.constant 16 : i32
      %parallel_loop3A_268 = arith.muli %parallel_loop3A_260, %parallel_loop3A_267 : i32
      %parallel_loop3A_269 = arith.constant 1 : i32
      %parallel_loop3A_270 = arith.index_cast %parallel_loop3A_269 : i32 to index
      %parallel_loop3A_271 = arith.index_cast %parallel_loop3A_268 : i32 to index
      %parallel_loop3A_272 = tpu.vector_load %arg6[%parallel_loop3A_270, %parallel_loop3A_271] {strides = array<i32>} : memref<8x576xi32, #tpu.memory_space<vmem>>, vector<16xi32>,
      %parallel_loop3A_273 = arith.constant 0 : i32
      %parallel_loop3A_274 = vector.broadcast %parallel_loop3A_273 : i32 to vector<16xi32>
      %parallel_loop3A_275 = arith.addi %parallel_loop3A_266, %parallel_loop3A_274 : vector<16xi32>
      %parallel_loop3A_276 = tpu.vector_load_idx %arg5[%parallel_loop3A_275] : memref<4096xf32, #tpu.memory_space<vmem>>[vector<16xi32>], vector<16xf32>,
      %parallel_loop3A_277 = arith.constant 1024 : i32
      %parallel_loop3A_278 = vector.broadcast %parallel_loop3A_277 : i32 to vector<16xi32>
      %parallel_loop3A_279 = arith.addi %parallel_loop3A_266, %parallel_loop3A_278 : vector<16xi32>
      %parallel_loop3A_280 = tpu.vector_load_idx %arg5[%parallel_loop3A_279] : memref<4096xf32, #tpu.memory_space<vmem>>[vector<16xi32>], vector<16xf32>,
      %parallel_loop3A_281 = arith.constant 2048 : i32
      %parallel_loop3A_282 = vector.broadcast %parallel_loop3A_281 : i32 to vector<16xi32>
      %parallel_loop3A_283 = arith.addi %parallel_loop3A_266, %parallel_loop3A_282 : vector<16xi32>
      %parallel_loop3A_284 = tpu.vector_load_idx %arg5[%parallel_loop3A_283] : memref<4096xf32, #tpu.memory_space<vmem>>[vector<16xi32>], vector<16xf32>,
      %parallel_loop3A_285 = arith.constant 3072 : i32
      %parallel_loop3A_286 = vector.broadcast %parallel_loop3A_285 : i32 to vector<16xi32>
      %parallel_loop3A_287 = arith.addi %parallel_loop3A_266, %parallel_loop3A_286 : vector<16xi32>
      %parallel_loop3A_288 = tpu.vector_load_idx %arg5[%parallel_loop3A_287] : memref<4096xf32, #tpu.memory_space<vmem>>[vector<16xi32>], vector<16xf32>,
      %parallel_loop3A_289 = arith.constant 0 : i32
      %parallel_loop3A_290 = vector.broadcast %parallel_loop3A_289 : i32 to vector<16xi32>
      %parallel_loop3A_291 = arith.addi %parallel_loop3A_272, %parallel_loop3A_290 : vector<16xi32>
      %parallel_loop3A_292 = tpu.vector_load_idx %arg5[%parallel_loop3A_291] : memref<4096xf32, #tpu.memory_space<vmem>>[vector<16xi32>], vector<16xf32>,
      %parallel_loop3A_293 = arith.constant 1024 : i32
      %parallel_loop3A_294 = vector.broadcast %parallel_loop3A_293 : i32 to vector<16xi32>
      %parallel_loop3A_295 = arith.addi %parallel_loop3A_272, %parallel_loop3A_294 : vector<16xi32>
      %parallel_loop3A_296 = tpu.vector_load_idx %arg5[%parallel_loop3A_295] : memref<4096xf32, #tpu.memory_space<vmem>>[vector<16xi32>], vector<16xf32>,
      %parallel_loop3A_297 = arith.constant 2048 : i32
      %parallel_loop3A_298 = vector.broadcast %parallel_loop3A_297 : i32 to vector<16xi32>
      %parallel_loop3A_299 = arith.addi %parallel_loop3A_272, %parallel_loop3A_298 : vector<16xi32>
      %parallel_loop3A_300 = tpu.vector_load_idx %arg5[%parallel_loop3A_299] : memref<4096xf32, #tpu.memory_space<vmem>>[vector<16xi32>], vector<16xf32>,
      %parallel_loop3A_301 = arith.constant 3072 : i32
      %parallel_loop3A_302 = vector.broadcast %parallel_loop3A_301 : i32 to vector<16xi32>
      %parallel_loop3A_303 = arith.addi %parallel_loop3A_272, %parallel_loop3A_302 : vector<16xi32>
      %parallel_loop3A_304 = tpu.vector_load_idx %arg5[%parallel_loop3A_303] : memref<4096xf32, #tpu.memory_space<vmem>>[vector<16xi32>], vector<16xf32>,
      %parallel_loop3A_305 = arith.constant 16 : i32
      %parallel_loop3A_306 = arith.muli %parallel_loop3A_260, %parallel_loop3A_305 : i32
      %parallel_loop3A_307 = arith.constant 1 : i32
      %parallel_loop3A_308 = arith.constant 0 : i32
      %parallel_loop3A_309 = arith.constant 0 : i32
      %parallel_loop3A_310 = arith.index_cast %parallel_loop3A_307 : i32 to index
      %parallel_loop3A_311 = arith.index_cast %parallel_loop3A_308 : i32 to index
      %parallel_loop3A_312 = arith.index_cast %parallel_loop3A_309 : i32 to index
      %parallel_loop3A_313 = arith.index_cast %parallel_loop3A_306 : i32 to index
      %parallel_loop3A_314 = tpu.vector_load %arg7[%parallel_loop3A_310, %parallel_loop3A_311, %parallel_loop3A_312, %parallel_loop3A_313] {strides = array<i32>} : memref<2x8x4x576xf32, #tpu.memory_space<vmem>>, vector<16xf32>,
      tpu.vector_store %arg7[%parallel_loop3A_310, %parallel_loop3A_311, %parallel_loop3A_312, %parallel_loop3A_313], %parallel_loop3A_276 {strides = array<i32>} : memref<2x8x4x576xf32, #tpu.memory_space<vmem>>, vector<16xf32>,
      %parallel_loop3A_315 = arith.constant 16 : i32
      %parallel_loop3A_316 = arith.muli %parallel_loop3A_260, %parallel_loop3A_315 : i32
      %parallel_loop3A_317 = arith.constant 1 : i32
      %parallel_loop3A_318 = arith.constant 0 : i32
      %parallel_loop3A_319 = arith.constant 1 : i32
      %parallel_loop3A_320 = arith.index_cast %parallel_loop3A_317 : i32 to index
      %parallel_loop3A_321 = arith.index_cast %parallel_loop3A_318 : i32 to index
      %parallel_loop3A_322 = arith.index_cast %parallel_loop3A_319 : i32 to index
      %parallel_loop3A_323 = arith.index_cast %parallel_loop3A_316 : i32 to index
      %parallel_loop3A_324 = tpu.vector_load %arg7[%parallel_loop3A_320, %parallel_loop3A_321, %parallel_loop3A_322, %parallel_loop3A_323] {strides = array<i32>} : memref<2x8x4x576xf32, #tpu.memory_space<vmem>>, vector<16xf32>,
      tpu.vector_store %arg7[%parallel_loop3A_320, %parallel_loop3A_321, %parallel_loop3A_322, %parallel_loop3A_323], %parallel_loop3A_280 {strides = array<i32>} : memref<2x8x4x576xf32, #tpu.memory_space<vmem>>, vector<16xf32>,
      %parallel_loop3A_325 = arith.constant 16 : i32
      %parallel_loop3A_326 = arith.muli %parallel_loop3A_260, %parallel_loop3A_325 : i32
      %parallel_loop3A_327 = arith.constant 1 : i32
      %parallel_loop3A_328 = arith.constant 0 : i32
      %parallel_loop3A_329 = arith.constant 2 : i32
      %parallel_loop3A_330 = arith.index_cast %parallel_loop3A_327 : i32 to index
      %parallel_loop3A_331 = arith.index_cast %parallel_loop3A_328 : i32 to index
      %parallel_loop3A_332 = arith.index_cast %parallel_loop3A_329 : i32 to index
      %parallel_loop3A_333 = arith.index_cast %parallel_loop3A_326 : i32 to index
      %parallel_loop3A_334 = tpu.vector_load %arg7[%parallel_loop3A_330, %parallel_loop3A_331, %parallel_loop3A_332, %parallel_loop3A_333] {strides = array<i32>} : memref<2x8x4x576xf32, #tpu.memory_space<vmem>>, vector<16xf32>,
      tpu.vector_store %arg7[%parallel_loop3A_330, %parallel_loop3A_331, %parallel_loop3A_332, %parallel_loop3A_333], %parallel_loop3A_284 {strides = array<i32>} : memref<2x8x4x576xf32, #tpu.memory_space<vmem>>, vector<16xf32>,
      %parallel_loop3A_335 = arith.constant 16 : i32
      %parallel_loop3A_336 = arith.muli %parallel_loop3A_260, %parallel_loop3A_335 : i32
      %parallel_loop3A_337 = arith.constant 1 : i32
      %parallel_loop3A_338 = arith.constant 0 : i32
      %parallel_loop3A_339 = arith.constant 3 : i32
      %parallel_loop3A_340 = arith.index_cast %parallel_loop3A_337 : i32 to index
      %parallel_loop3A_341 = arith.index_cast %parallel_loop3A_338 : i32 to index
      %parallel_loop3A_342 = arith.index_cast %parallel_loop3A_339 : i32 to index
      %parallel_loop3A_343 = arith.index_cast %parallel_loop3A_336 : i32 to index
      %parallel_loop3A_344 = tpu.vector_load %arg7[%parallel_loop3A_340, %parallel_loop3A_341, %parallel_loop3A_342, %parallel_loop3A_343] {strides = array<i32>} : memref<2x8x4x576xf32, #tpu.memory_space<vmem>>, vector<16xf32>,
      tpu.vector_store %arg7[%parallel_loop3A_340, %parallel_loop3A_341, %parallel_loop3A_342, %parallel_loop3A_343], %parallel_loop3A_288 {strides = array<i32>} : memref<2x8x4x576xf32, #tpu.memory_space<vmem>>, vector<16xf32>,
      %parallel_loop3A_345 = arith.constant 16 : i32
      %parallel_loop3A_346 = arith.muli %parallel_loop3A_260, %parallel_loop3A_345 : i32
      %parallel_loop3A_347 = arith.constant 1 : i32
      %parallel_loop3A_348 = arith.constant 1 : i32
      %parallel_loop3A_349 = arith.constant 0 : i32
      %parallel_loop3A_350 = arith.index_cast %parallel_loop3A_347 : i32 to index
      %parallel_loop3A_351 = arith.index_cast %parallel_loop3A_348 : i32 to index
      %parallel_loop3A_352 = arith.index_cast %parallel_loop3A_349 : i32 to index
      %parallel_loop3A_353 = arith.index_cast %parallel_loop3A_346 : i32 to index
      %parallel_loop3A_354 = tpu.vector_load %arg7[%parallel_loop3A_350, %parallel_loop3A_351, %parallel_loop3A_352, %parallel_loop3A_353] {strides = array<i32>} : memref<2x8x4x576xf32, #tpu.memory_space<vmem>>, vector<16xf32>,
      tpu.vector_store %arg7[%parallel_loop3A_350, %parallel_loop3A_351, %parallel_loop3A_352, %parallel_loop3A_353], %parallel_loop3A_292 {strides = array<i32>} : memref<2x8x4x576xf32, #tpu.memory_space<vmem>>, vector<16xf32>,
      %parallel_loop3A_355 = arith.constant 16 : i32
      %parallel_loop3A_356 = arith.muli %parallel_loop3A_260, %parallel_loop3A_355 : i32
      %parallel_loop3A_357 = arith.constant 1 : i32
      %parallel_loop3A_358 = arith.constant 1 : i32
      %parallel_loop3A_359 = arith.constant 1 : i32
      %parallel_loop3A_360 = arith.index_cast %parallel_loop3A_357 : i32 to index
      %parallel_loop3A_361 = arith.index_cast %parallel_loop3A_358 : i32 to index
      %parallel_loop3A_362 = arith.index_cast %parallel_loop3A_359 : i32 to index
      %parallel_loop3A_363 = arith.index_cast %parallel_loop3A_356 : i32 to index
      %parallel_loop3A_364 = tpu.vector_load %arg7[%parallel_loop3A_360, %parallel_loop3A_361, %parallel_loop3A_362, %parallel_loop3A_363] {strides = array<i32>} : memref<2x8x4x576xf32, #tpu.memory_space<vmem>>, vector<16xf32>,
      tpu.vector_store %arg7[%parallel_loop3A_360, %parallel_loop3A_361, %parallel_loop3A_362, %parallel_loop3A_363], %parallel_loop3A_296 {strides = array<i32>} : memref<2x8x4x576xf32, #tpu.memory_space<vmem>>, vector<16xf32>,
      %parallel_loop3A_365 = arith.constant 16 : i32
      %parallel_loop3A_366 = arith.muli %parallel_loop3A_260, %parallel_loop3A_365 : i32
      %parallel_loop3A_367 = arith.constant 1 : i32
      %parallel_loop3A_368 = arith.constant 1 : i32
      %parallel_loop3A_369 = arith.constant 2 : i32
      %parallel_loop3A_370 = arith.index_cast %parallel_loop3A_367 : i32 to index
      %parallel_loop3A_371 = arith.index_cast %parallel_loop3A_368 : i32 to index
      %parallel_loop3A_372 = arith.index_cast %parallel_loop3A_369 : i32 to index
      %parallel_loop3A_373 = arith.index_cast %parallel_loop3A_366 : i32 to index
      %parallel_loop3A_374 = tpu.vector_load %arg7[%parallel_loop3A_370, %parallel_loop3A_371, %parallel_loop3A_372, %parallel_loop3A_373] {strides = array<i32>} : memref<2x8x4x576xf32, #tpu.memory_space<vmem>>, vector<16xf32>,
      tpu.vector_store %arg7[%parallel_loop3A_370, %parallel_loop3A_371, %parallel_loop3A_372, %parallel_loop3A_373], %parallel_loop3A_300 {strides = array<i32>} : memref<2x8x4x576xf32, #tpu.memory_space<vmem>>, vector<16xf32>,
      %parallel_loop3A_375 = arith.constant 16 : i32
      %parallel_loop3A_376 = arith.muli %parallel_loop3A_260, %parallel_loop3A_375 : i32
      %parallel_loop3A_377 = arith.constant 1 : i32
      %parallel_loop3A_378 = arith.constant 1 : i32
      %parallel_loop3A_379 = arith.constant 3 : i32
      %parallel_loop3A_380 = arith.index_cast %parallel_loop3A_377 : i32 to index
      %parallel_loop3A_381 = arith.index_cast %parallel_loop3A_378 : i32 to index
      %parallel_loop3A_382 = arith.index_cast %parallel_loop3A_379 : i32 to index
      %parallel_loop3A_383 = arith.index_cast %parallel_loop3A_376 : i32 to index
      %parallel_loop3A_384 = tpu.vector_load %arg7[%parallel_loop3A_380, %parallel_loop3A_381, %parallel_loop3A_382, %parallel_loop3A_383] {strides = array<i32>} : memref<2x8x4x576xf32, #tpu.memory_space<vmem>>, vector<16xf32>,
      tpu.vector_store %arg7[%parallel_loop3A_380, %parallel_loop3A_381, %parallel_loop3A_382, %parallel_loop3A_383], %parallel_loop3A_304 {strides = array<i32>} : memref<2x8x4x576xf32, #tpu.memory_space<vmem>>, vector<16xf32>,
      %parallel_loop3A_385 = arith.constant 16 : i32
      %parallel_loop3A_386 = arith.muli %parallel_loop3A_260, %parallel_loop3A_385 : i32
      %parallel_loop3A_387 = arith.constant 2 : i32
      %parallel_loop3A_388 = arith.index_cast %parallel_loop3A_387 : i32 to index
      %parallel_loop3A_389 = arith.index_cast %parallel_loop3A_386 : i32 to index
      %parallel_loop3A_390 = tpu.vector_load %arg6[%parallel_loop3A_388, %parallel_loop3A_389] {strides = array<i32>} : memref<8x576xi32, #tpu.memory_space<vmem>>, vector<16xi32>,
      %parallel_loop3A_391 = arith.constant 16 : i32
      %parallel_loop3A_392 = arith.muli %parallel_loop3A_260, %parallel_loop3A_391 : i32
      %parallel_loop3A_393 = arith.constant 3 : i32
      %parallel_loop3A_394 = arith.index_cast %parallel_loop3A_393 : i32 to index
      %parallel_loop3A_395 = arith.index_cast %parallel_loop3A_392 : i32 to index
      %parallel_loop3A_396 = tpu.vector_load %arg6[%parallel_loop3A_394, %parallel_loop3A_395] {strides = array<i32>} : memref<8x576xi32, #tpu.memory_space<vmem>>, vector<16xi32>,
      %parallel_loop3A_397 = arith.constant 0 : i32
      %parallel_loop3A_398 = vector.broadcast %parallel_loop3A_397 : i32 to vector<16xi32>
      %parallel_loop3A_399 = arith.addi %parallel_loop3A_390, %parallel_loop3A_398 : vector<16xi32>
      %parallel_loop3A_400 = tpu.vector_load_idx %arg5[%parallel_loop3A_399] : memref<4096xf32, #tpu.memory_space<vmem>>[vector<16xi32>], vector<16xf32>,
      %parallel_loop3A_401 = arith.constant 1024 : i32
      %parallel_loop3A_402 = vector.broadcast %parallel_loop3A_401 : i32 to vector<16xi32>
      %parallel_loop3A_403 = arith.addi %parallel_loop3A_390, %parallel_loop3A_402 : vector<16xi32>
      %parallel_loop3A_404 = tpu.vector_load_idx %arg5[%parallel_loop3A_403] : memref<4096xf32, #tpu.memory_space<vmem>>[vector<16xi32>], vector<16xf32>,
      %parallel_loop3A_405 = arith.constant 2048 : i32
      %parallel_loop3A_406 = vector.broadcast %parallel_loop3A_405 : i32 to vector<16xi32>
      %parallel_loop3A_407 = arith.addi %parallel_loop3A_390, %parallel_loop3A_406 : vector<16xi32>
      %parallel_loop3A_408 = tpu.vector_load_idx %arg5[%parallel_loop3A_407] : memref<4096xf32, #tpu.memory_space<vmem>>[vector<16xi32>], vector<16xf32>,
      %parallel_loop3A_409 = arith.constant 3072 : i32
      %parallel_loop3A_410 = vector.broadcast %parallel_loop3A_409 : i32 to vector<16xi32>
      %parallel_loop3A_411 = arith.addi %parallel_loop3A_390, %parallel_loop3A_410 : vector<16xi32>
      %parallel_loop3A_412 = tpu.vector_load_idx %arg5[%parallel_loop3A_411] : memref<4096xf32, #tpu.memory_space<vmem>>[vector<16xi32>], vector<16xf32>,
      %parallel_loop3A_413 = arith.constant 0 : i32
      %parallel_loop3A_414 = vector.broadcast %parallel_loop3A_413 : i32 to vector<16xi32>
      %parallel_loop3A_415 = arith.addi %parallel_loop3A_396, %parallel_loop3A_414 : vector<16xi32>
      %parallel_loop3A_416 = tpu.vector_load_idx %arg5[%parallel_loop3A_415] : memref<4096xf32, #tpu.memory_space<vmem>>[vector<16xi32>], vector<16xf32>,
      %parallel_loop3A_417 = arith.constant 1024 : i32
      %parallel_loop3A_418 = vector.broadcast %parallel_loop3A_417 : i32 to vector<16xi32>
      %parallel_loop3A_419 = arith.addi %parallel_loop3A_396, %parallel_loop3A_418 : vector<16xi32>
      %parallel_loop3A_420 = tpu.vector_load_idx %arg5[%parallel_loop3A_419] : memref<4096xf32, #tpu.memory_space<vmem>>[vector<16xi32>], vector<16xf32>,
      %parallel_loop3A_421 = arith.constant 2048 : i32
      %parallel_loop3A_422 = vector.broadcast %parallel_loop3A_421 : i32 to vector<16xi32>
      %parallel_loop3A_423 = arith.addi %parallel_loop3A_396, %parallel_loop3A_422 : vector<16xi32>
      %parallel_loop3A_424 = tpu.vector_load_idx %arg5[%parallel_loop3A_423] : memref<4096xf32, #tpu.memory_space<vmem>>[vector<16xi32>], vector<16xf32>,
      %parallel_loop3A_425 = arith.constant 3072 : i32
      %parallel_loop3A_426 = vector.broadcast %parallel_loop3A_425 : i32 to vector<16xi32>
      %parallel_loop3A_427 = arith.addi %parallel_loop3A_396, %parallel_loop3A_426 : vector<16xi32>
      %parallel_loop3A_428 = tpu.vector_load_idx %arg5[%parallel_loop3A_427] : memref<4096xf32, #tpu.memory_space<vmem>>[vector<16xi32>], vector<16xf32>,
      %parallel_loop3A_429 = arith.constant 16 : i32
      %parallel_loop3A_430 = arith.muli %parallel_loop3A_260, %parallel_loop3A_429 : i32
      %parallel_loop3A_431 = arith.constant 1 : i32
      %parallel_loop3A_432 = arith.constant 2 : i32
      %parallel_loop3A_433 = arith.constant 0 : i32
      %parallel_loop3A_434 = arith.index_cast %parallel_loop3A_431 : i32 to index
      %parallel_loop3A_435 = arith.index_cast %parallel_loop3A_432 : i32 to index
      %parallel_loop3A_436 = arith.index_cast %parallel_loop3A_433 : i32 to index
      %parallel_loop3A_437 = arith.index_cast %parallel_loop3A_430 : i32 to index
      %parallel_loop3A_438 = tpu.vector_load %arg7[%parallel_loop3A_434, %parallel_loop3A_435, %parallel_loop3A_436, %parallel_loop3A_437] {strides = array<i32>} : memref<2x8x4x576xf32, #tpu.memory_space<vmem>>, vector<16xf32>,
      tpu.vector_store %arg7[%parallel_loop3A_434, %parallel_loop3A_435, %parallel_loop3A_436, %parallel_loop3A_437], %parallel_loop3A_400 {strides = array<i32>} : memref<2x8x4x576xf32, #tpu.memory_space<vmem>>, vector<16xf32>,
      %parallel_loop3A_439 = arith.constant 16 : i32
      %parallel_loop3A_440 = arith.muli %parallel_loop3A_260, %parallel_loop3A_439 : i32
      %parallel_loop3A_441 = arith.constant 1 : i32
      %parallel_loop3A_442 = arith.constant 2 : i32
      %parallel_loop3A_443 = arith.constant 1 : i32
      %parallel_loop3A_444 = arith.index_cast %parallel_loop3A_441 : i32 to index
      %parallel_loop3A_445 = arith.index_cast %parallel_loop3A_442 : i32 to index
      %parallel_loop3A_446 = arith.index_cast %parallel_loop3A_443 : i32 to index
      %parallel_loop3A_447 = arith.index_cast %parallel_loop3A_440 : i32 to index
      %parallel_loop3A_448 = tpu.vector_load %arg7[%parallel_loop3A_444, %parallel_loop3A_445, %parallel_loop3A_446, %parallel_loop3A_447] {strides = array<i32>} : memref<2x8x4x576xf32, #tpu.memory_space<vmem>>, vector<16xf32>,
      tpu.vector_store %arg7[%parallel_loop3A_444, %parallel_loop3A_445, %parallel_loop3A_446, %parallel_loop3A_447], %parallel_loop3A_404 {strides = array<i32>} : memref<2x8x4x576xf32, #tpu.memory_space<vmem>>, vector<16xf32>,
      %parallel_loop3A_449 = arith.constant 16 : i32
      %parallel_loop3A_450 = arith.muli %parallel_loop3A_260, %parallel_loop3A_449 : i32
      %parallel_loop3A_451 = arith.constant 1 : i32
      %parallel_loop3A_452 = arith.constant 2 : i32
      %parallel_loop3A_453 = arith.constant 2 : i32
      %parallel_loop3A_454 = arith.index_cast %parallel_loop3A_451 : i32 to index
      %parallel_loop3A_455 = arith.index_cast %parallel_loop3A_452 : i32 to index
      %parallel_loop3A_456 = arith.index_cast %parallel_loop3A_453 : i32 to index
      %parallel_loop3A_457 = arith.index_cast %parallel_loop3A_450 : i32 to index
      %parallel_loop3A_458 = tpu.vector_load %arg7[%parallel_loop3A_454, %parallel_loop3A_455, %parallel_loop3A_456, %parallel_loop3A_457] {strides = array<i32>} : memref<2x8x4x576xf32, #tpu.memory_space<vmem>>, vector<16xf32>,
      tpu.vector_store %arg7[%parallel_loop3A_454, %parallel_loop3A_455, %parallel_loop3A_456, %parallel_loop3A_457], %parallel_loop3A_408 {strides = array<i32>} : memref<2x8x4x576xf32, #tpu.memory_space<vmem>>, vector<16xf32>,
      %parallel_loop3A_459 = arith.constant 16 : i32
      %parallel_loop3A_460 = arith.muli %parallel_loop3A_260, %parallel_loop3A_459 : i32
      %parallel_loop3A_461 = arith.constant 1 : i32
      %parallel_loop3A_462 = arith.constant 2 : i32
      %parallel_loop3A_463 = arith.constant 3 : i32
      %parallel_loop3A_464 = arith.index_cast %parallel_loop3A_461 : i32 to index
      %parallel_loop3A_465 = arith.index_cast %parallel_loop3A_462 : i32 to index
      %parallel_loop3A_466 = arith.index_cast %parallel_loop3A_463 : i32 to index
      %parallel_loop3A_467 = arith.index_cast %parallel_loop3A_460 : i32 to index
      %parallel_loop3A_468 = tpu.vector_load %arg7[%parallel_loop3A_464, %parallel_loop3A_465, %parallel_loop3A_466, %parallel_loop3A_467] {strides = array<i32>} : memref<2x8x4x576xf32, #tpu.memory_space<vmem>>, vector<16xf32>,
      tpu.vector_store %arg7[%parallel_loop3A_464, %parallel_loop3A_465, %parallel_loop3A_466, %parallel_loop3A_467], %parallel_loop3A_412 {strides = array<i32>} : memref<2x8x4x576xf32, #tpu.memory_space<vmem>>, vector<16xf32>,
      %parallel_loop3A_469 = arith.constant 16 : i32
      %parallel_loop3A_470 = arith.muli %parallel_loop3A_260, %parallel_loop3A_469 : i32
      %parallel_loop3A_471 = arith.constant 1 : i32
      %parallel_loop3A_472 = arith.constant 3 : i32
      %parallel_loop3A_473 = arith.constant 0 : i32
      %parallel_loop3A_474 = arith.index_cast %parallel_loop3A_471 : i32 to index
      %parallel_loop3A_475 = arith.index_cast %parallel_loop3A_472 : i32 to index
      %parallel_loop3A_476 = arith.index_cast %parallel_loop3A_473 : i32 to index
      %parallel_loop3A_477 = arith.index_cast %parallel_loop3A_470 : i32 to index
      %parallel_loop3A_478 = tpu.vector_load %arg7[%parallel_loop3A_474, %parallel_loop3A_475, %parallel_loop3A_476, %parallel_loop3A_477] {strides = array<i32>} : memref<2x8x4x576xf32, #tpu.memory_space<vmem>>, vector<16xf32>,
      tpu.vector_store %arg7[%parallel_loop3A_474, %parallel_loop3A_475, %parallel_loop3A_476, %parallel_loop3A_477], %parallel_loop3A_416 {strides = array<i32>} : memref<2x8x4x576xf32, #tpu.memory_space<vmem>>, vector<16xf32>,
      %parallel_loop3A_479 = arith.constant 16 : i32
      %parallel_loop3A_480 = arith.muli %parallel_loop3A_260, %parallel_loop3A_479 : i32
      %parallel_loop3A_481 = arith.constant 1 : i32
      %parallel_loop3A_482 = arith.constant 3 : i32
      %parallel_loop3A_483 = arith.constant 1 : i32
      %parallel_loop3A_484 = arith.index_cast %parallel_loop3A_481 : i32 to index
      %parallel_loop3A_485 = arith.index_cast %parallel_loop3A_482 : i32 to index
      %parallel_loop3A_486 = arith.index_cast %parallel_loop3A_483 : i32 to index
      %parallel_loop3A_487 = arith.index_cast %parallel_loop3A_480 : i32 to index
      %parallel_loop3A_488 = tpu.vector_load %arg7[%parallel_loop3A_484, %parallel_loop3A_485, %parallel_loop3A_486, %parallel_loop3A_487] {strides = array<i32>} : memref<2x8x4x576xf32, #tpu.memory_space<vmem>>, vector<16xf32>,
      tpu.vector_store %arg7[%parallel_loop3A_484, %parallel_loop3A_485, %parallel_loop3A_486, %parallel_loop3A_487], %parallel_loop3A_420 {strides = array<i32>} : memref<2x8x4x576xf32, #tpu.memory_space<vmem>>, vector<16xf32>,
      %parallel_loop3A_489 = arith.constant 16 : i32
      %parallel_loop3A_490 = arith.muli %parallel_loop3A_260, %parallel_loop3A_489 : i32
      %parallel_loop3A_491 = arith.constant 1 : i32
      %parallel_loop3A_492 = arith.constant 3 : i32
      %parallel_loop3A_493 = arith.constant 2 : i32
      %parallel_loop3A_494 = arith.index_cast %parallel_loop3A_491 : i32 to index
      %parallel_loop3A_495 = arith.index_cast %parallel_loop3A_492 : i32 to index
      %parallel_loop3A_496 = arith.index_cast %parallel_loop3A_493 : i32 to index
      %parallel_loop3A_497 = arith.index_cast %parallel_loop3A_490 : i32 to index
      %parallel_loop3A_498 = tpu.vector_load %arg7[%parallel_loop3A_494, %parallel_loop3A_495, %parallel_loop3A_496, %parallel_loop3A_497] {strides = array<i32>} : memref<2x8x4x576xf32, #tpu.memory_space<vmem>>, vector<16xf32>,
      tpu.vector_store %arg7[%parallel_loop3A_494, %parallel_loop3A_495, %parallel_loop3A_496, %parallel_loop3A_497], %parallel_loop3A_424 {strides = array<i32>} : memref<2x8x4x576xf32, #tpu.memory_space<vmem>>, vector<16xf32>,
      %parallel_loop3A_499 = arith.constant 16 : i32
      %parallel_loop3A_500 = arith.muli %parallel_loop3A_260, %parallel_loop3A_499 : i32
      %parallel_loop3A_501 = arith.constant 1 : i32
      %parallel_loop3A_502 = arith.constant 3 : i32
      %parallel_loop3A_503 = arith.constant 3 : i32
      %parallel_loop3A_504 = arith.index_cast %parallel_loop3A_501 : i32 to index
      %parallel_loop3A_505 = arith.index_cast %parallel_loop3A_502 : i32 to index
      %parallel_loop3A_506 = arith.index_cast %parallel_loop3A_503 : i32 to index
      %parallel_loop3A_507 = arith.index_cast %parallel_loop3A_500 : i32 to index
      %parallel_loop3A_508 = tpu.vector_load %arg7[%parallel_loop3A_504, %parallel_loop3A_505, %parallel_loop3A_506, %parallel_loop3A_507] {strides = array<i32>} : memref<2x8x4x576xf32, #tpu.memory_space<vmem>>, vector<16xf32>,
      tpu.vector_store %arg7[%parallel_loop3A_504, %parallel_loop3A_505, %parallel_loop3A_506, %parallel_loop3A_507], %parallel_loop3A_428 {strides = array<i32>} : memref<2x8x4x576xf32, #tpu.memory_space<vmem>>, vector<16xf32>,
      %parallel_loop3A_509 = arith.constant 16 : i32
      %parallel_loop3A_510 = arith.muli %parallel_loop3A_260, %parallel_loop3A_509 : i32
      %parallel_loop3A_511 = arith.constant 4 : i32
      %parallel_loop3A_512 = arith.index_cast %parallel_loop3A_511 : i32 to index
      %parallel_loop3A_513 = arith.index_cast %parallel_loop3A_510 : i32 to index
      %parallel_loop3A_514 = tpu.vector_load %arg6[%parallel_loop3A_512, %parallel_loop3A_513] {strides = array<i32>} : memref<8x576xi32, #tpu.memory_space<vmem>>, vector<16xi32>,
      %parallel_loop3A_515 = arith.constant 16 : i32
      %parallel_loop3A_516 = arith.muli %parallel_loop3A_260, %parallel_loop3A_515 : i32
      %parallel_loop3A_517 = arith.constant 5 : i32
      %parallel_loop3A_518 = arith.index_cast %parallel_loop3A_517 : i32 to index
      %parallel_loop3A_519 = arith.index_cast %parallel_loop3A_516 : i32 to index
      %parallel_loop3A_520 = tpu.vector_load %arg6[%parallel_loop3A_518, %parallel_loop3A_519] {strides = array<i32>} : memref<8x576xi32, #tpu.memory_space<vmem>>, vector<16xi32>,
      %parallel_loop3A_521 = arith.constant 0 : i32
      %parallel_loop3A_522 = vector.broadcast %parallel_loop3A_521 : i32 to vector<16xi32>
      %parallel_loop3A_523 = arith.addi %parallel_loop3A_514, %parallel_loop3A_522 : vector<16xi32>
      %parallel_loop3A_524 = tpu.vector_load_idx %arg5[%parallel_loop3A_523] : memref<4096xf32, #tpu.memory_space<vmem>>[vector<16xi32>], vector<16xf32>,
      %parallel_loop3A_525 = arith.constant 1024 : i32
      %parallel_loop3A_526 = vector.broadcast %parallel_loop3A_525 : i32 to vector<16xi32>
      %parallel_loop3A_527 = arith.addi %parallel_loop3A_514, %parallel_loop3A_526 : vector<16xi32>
      %parallel_loop3A_528 = tpu.vector_load_idx %arg5[%parallel_loop3A_527] : memref<4096xf32, #tpu.memory_space<vmem>>[vector<16xi32>], vector<16xf32>,
      %parallel_loop3A_529 = arith.constant 2048 : i32
      %parallel_loop3A_530 = vector.broadcast %parallel_loop3A_529 : i32 to vector<16xi32>
      %parallel_loop3A_531 = arith.addi %parallel_loop3A_514, %parallel_loop3A_530 : vector<16xi32>
      %parallel_loop3A_532 = tpu.vector_load_idx %arg5[%parallel_loop3A_531] : memref<4096xf32, #tpu.memory_space<vmem>>[vector<16xi32>], vector<16xf32>,
      %parallel_loop3A_533 = arith.constant 3072 : i32
      %parallel_loop3A_534 = vector.broadcast %parallel_loop3A_533 : i32 to vector<16xi32>
      %parallel_loop3A_535 = arith.addi %parallel_loop3A_514, %parallel_loop3A_534 : vector<16xi32>
      %parallel_loop3A_536 = tpu.vector_load_idx %arg5[%parallel_loop3A_535] : memref<4096xf32, #tpu.memory_space<vmem>>[vector<16xi32>], vector<16xf32>,
      %parallel_loop3A_537 = arith.constant 0 : i32
      %parallel_loop3A_538 = vector.broadcast %parallel_loop3A_537 : i32 to vector<16xi32>
      %parallel_loop3A_539 = arith.addi %parallel_loop3A_520, %parallel_loop3A_538 : vector<16xi32>
      %parallel_loop3A_540 = tpu.vector_load_idx %arg5[%parallel_loop3A_539] : memref<4096xf32, #tpu.memory_space<vmem>>[vector<16xi32>], vector<16xf32>,
      %parallel_loop3A_541 = arith.constant 1024 : i32
      %parallel_loop3A_542 = vector.broadcast %parallel_loop3A_541 : i32 to vector<16xi32>
      %parallel_loop3A_543 = arith.addi %parallel_loop3A_520, %parallel_loop3A_542 : vector<16xi32>
      %parallel_loop3A_544 = tpu.vector_load_idx %arg5[%parallel_loop3A_543] : memref<4096xf32, #tpu.memory_space<vmem>>[vector<16xi32>], vector<16xf32>,
      %parallel_loop3A_545 = arith.constant 2048 : i32
      %parallel_loop3A_546 = vector.broadcast %parallel_loop3A_545 : i32 to vector<16xi32>
      %parallel_loop3A_547 = arith.addi %parallel_loop3A_520, %parallel_loop3A_546 : vector<16xi32>
      %parallel_loop3A_548 = tpu.vector_load_idx %arg5[%parallel_loop3A_547] : memref<4096xf32, #tpu.memory_space<vmem>>[vector<16xi32>], vector<16xf32>,
      %parallel_loop3A_549 = arith.constant 3072 : i32
      %parallel_loop3A_550 = vector.broadcast %parallel_loop3A_549 : i32 to vector<16xi32>
      %parallel_loop3A_551 = arith.addi %parallel_loop3A_520, %parallel_loop3A_550 : vector<16xi32>
      %parallel_loop3A_552 = tpu.vector_load_idx %arg5[%parallel_loop3A_551] : memref<4096xf32, #tpu.memory_space<vmem>>[vector<16xi32>], vector<16xf32>,
      %parallel_loop3A_553 = arith.constant 16 : i32
      %parallel_loop3A_554 = arith.muli %parallel_loop3A_260, %parallel_loop3A_553 : i32
      %parallel_loop3A_555 = arith.constant 1 : i32
      %parallel_loop3A_556 = arith.constant 4 : i32
      %parallel_loop3A_557 = arith.constant 0 : i32
      %parallel_loop3A_558 = arith.index_cast %parallel_loop3A_555 : i32 to index
      %parallel_loop3A_559 = arith.index_cast %parallel_loop3A_556 : i32 to index
      %parallel_loop3A_560 = arith.index_cast %parallel_loop3A_557 : i32 to index
      %parallel_loop3A_561 = arith.index_cast %parallel_loop3A_554 : i32 to index
      %parallel_loop3A_562 = tpu.vector_load %arg7[%parallel_loop3A_558, %parallel_loop3A_559, %parallel_loop3A_560, %parallel_loop3A_561] {strides = array<i32>} : memref<2x8x4x576xf32, #tpu.memory_space<vmem>>, vector<16xf32>,
      tpu.vector_store %arg7[%parallel_loop3A_558, %parallel_loop3A_559, %parallel_loop3A_560, %parallel_loop3A_561], %parallel_loop3A_524 {strides = array<i32>} : memref<2x8x4x576xf32, #tpu.memory_space<vmem>>, vector<16xf32>,
      %parallel_loop3A_563 = arith.constant 16 : i32
      %parallel_loop3A_564 = arith.muli %parallel_loop3A_260, %parallel_loop3A_563 : i32
      %parallel_loop3A_565 = arith.constant 1 : i32
      %parallel_loop3A_566 = arith.constant 4 : i32
      %parallel_loop3A_567 = arith.constant 1 : i32
      %parallel_loop3A_568 = arith.index_cast %parallel_loop3A_565 : i32 to index
      %parallel_loop3A_569 = arith.index_cast %parallel_loop3A_566 : i32 to index
      %parallel_loop3A_570 = arith.index_cast %parallel_loop3A_567 : i32 to index
      %parallel_loop3A_571 = arith.index_cast %parallel_loop3A_564 : i32 to index
      %parallel_loop3A_572 = tpu.vector_load %arg7[%parallel_loop3A_568, %parallel_loop3A_569, %parallel_loop3A_570, %parallel_loop3A_571] {strides = array<i32>} : memref<2x8x4x576xf32, #tpu.memory_space<vmem>>, vector<16xf32>,
      tpu.vector_store %arg7[%parallel_loop3A_568, %parallel_loop3A_569, %parallel_loop3A_570, %parallel_loop3A_571], %parallel_loop3A_528 {strides = array<i32>} : memref<2x8x4x576xf32, #tpu.memory_space<vmem>>, vector<16xf32>,
      %parallel_loop3A_573 = arith.constant 16 : i32
      %parallel_loop3A_574 = arith.muli %parallel_loop3A_260, %parallel_loop3A_573 : i32
      %parallel_loop3A_575 = arith.constant 1 : i32
      %parallel_loop3A_576 = arith.constant 4 : i32
      %parallel_loop3A_577 = arith.constant 2 : i32
      %parallel_loop3A_578 = arith.index_cast %parallel_loop3A_575 : i32 to index
      %parallel_loop3A_579 = arith.index_cast %parallel_loop3A_576 : i32 to index
      %parallel_loop3A_580 = arith.index_cast %parallel_loop3A_577 : i32 to index
      %parallel_loop3A_581 = arith.index_cast %parallel_loop3A_574 : i32 to index
      %parallel_loop3A_582 = tpu.vector_load %arg7[%parallel_loop3A_578, %parallel_loop3A_579, %parallel_loop3A_580, %parallel_loop3A_581] {strides = array<i32>} : memref<2x8x4x576xf32, #tpu.memory_space<vmem>>, vector<16xf32>,
      tpu.vector_store %arg7[%parallel_loop3A_578, %parallel_loop3A_579, %parallel_loop3A_580, %parallel_loop3A_581], %parallel_loop3A_532 {strides = array<i32>} : memref<2x8x4x576xf32, #tpu.memory_space<vmem>>, vector<16xf32>,
      %parallel_loop3A_583 = arith.constant 16 : i32
      %parallel_loop3A_584 = arith.muli %parallel_loop3A_260, %parallel_loop3A_583 : i32
      %parallel_loop3A_585 = arith.constant 1 : i32
      %parallel_loop3A_586 = arith.constant 4 : i32
      %parallel_loop3A_587 = arith.constant 3 : i32
      %parallel_loop3A_588 = arith.index_cast %parallel_loop3A_585 : i32 to index
      %parallel_loop3A_589 = arith.index_cast %parallel_loop3A_586 : i32 to index
      %parallel_loop3A_590 = arith.index_cast %parallel_loop3A_587 : i32 to index
      %parallel_loop3A_591 = arith.index_cast %parallel_loop3A_584 : i32 to index
      %parallel_loop3A_592 = tpu.vector_load %arg7[%parallel_loop3A_588, %parallel_loop3A_589, %parallel_loop3A_590, %parallel_loop3A_591] {strides = array<i32>} : memref<2x8x4x576xf32, #tpu.memory_space<vmem>>, vector<16xf32>,
      tpu.vector_store %arg7[%parallel_loop3A_588, %parallel_loop3A_589, %parallel_loop3A_590, %parallel_loop3A_591], %parallel_loop3A_536 {strides = array<i32>} : memref<2x8x4x576xf32, #tpu.memory_space<vmem>>, vector<16xf32>,
      %parallel_loop3A_593 = arith.constant 16 : i32
      %parallel_loop3A_594 = arith.muli %parallel_loop3A_260, %parallel_loop3A_593 : i32
      %parallel_loop3A_595 = arith.constant 1 : i32
      %parallel_loop3A_596 = arith.constant 5 : i32
      %parallel_loop3A_597 = arith.constant 0 : i32
      %parallel_loop3A_598 = arith.index_cast %parallel_loop3A_595 : i32 to index
      %parallel_loop3A_599 = arith.index_cast %parallel_loop3A_596 : i32 to index
      %parallel_loop3A_600 = arith.index_cast %parallel_loop3A_597 : i32 to index
      %parallel_loop3A_601 = arith.index_cast %parallel_loop3A_594 : i32 to index
      %parallel_loop3A_602 = tpu.vector_load %arg7[%parallel_loop3A_598, %parallel_loop3A_599, %parallel_loop3A_600, %parallel_loop3A_601] {strides = array<i32>} : memref<2x8x4x576xf32, #tpu.memory_space<vmem>>, vector<16xf32>,
      tpu.vector_store %arg7[%parallel_loop3A_598, %parallel_loop3A_599, %parallel_loop3A_600, %parallel_loop3A_601], %parallel_loop3A_540 {strides = array<i32>} : memref<2x8x4x576xf32, #tpu.memory_space<vmem>>, vector<16xf32>,
      %parallel_loop3A_603 = arith.constant 16 : i32
      %parallel_loop3A_604 = arith.muli %parallel_loop3A_260, %parallel_loop3A_603 : i32
      %parallel_loop3A_605 = arith.constant 1 : i32
      %parallel_loop3A_606 = arith.constant 5 : i32
      %parallel_loop3A_607 = arith.constant 1 : i32
      %parallel_loop3A_608 = arith.index_cast %parallel_loop3A_605 : i32 to index
      %parallel_loop3A_609 = arith.index_cast %parallel_loop3A_606 : i32 to index
      %parallel_loop3A_610 = arith.index_cast %parallel_loop3A_607 : i32 to index
      %parallel_loop3A_611 = arith.index_cast %parallel_loop3A_604 : i32 to index
      %parallel_loop3A_612 = tpu.vector_load %arg7[%parallel_loop3A_608, %parallel_loop3A_609, %parallel_loop3A_610, %parallel_loop3A_611] {strides = array<i32>} : memref<2x8x4x576xf32, #tpu.memory_space<vmem>>, vector<16xf32>,
      tpu.vector_store %arg7[%parallel_loop3A_608, %parallel_loop3A_609, %parallel_loop3A_610, %parallel_loop3A_611], %parallel_loop3A_544 {strides = array<i32>} : memref<2x8x4x576xf32, #tpu.memory_space<vmem>>, vector<16xf32>,
      %parallel_loop3A_613 = arith.constant 16 : i32
      %parallel_loop3A_614 = arith.muli %parallel_loop3A_260, %parallel_loop3A_613 : i32
      %parallel_loop3A_615 = arith.constant 1 : i32
      %parallel_loop3A_616 = arith.constant 5 : i32
      %parallel_loop3A_617 = arith.constant 2 : i32
      %parallel_loop3A_618 = arith.index_cast %parallel_loop3A_615 : i32 to index
      %parallel_loop3A_619 = arith.index_cast %parallel_loop3A_616 : i32 to index
      %parallel_loop3A_620 = arith.index_cast %parallel_loop3A_617 : i32 to index
      %parallel_loop3A_621 = arith.index_cast %parallel_loop3A_614 : i32 to index
      %parallel_loop3A_622 = tpu.vector_load %arg7[%parallel_loop3A_618, %parallel_loop3A_619, %parallel_loop3A_620, %parallel_loop3A_621] {strides = array<i32>} : memref<2x8x4x576xf32, #tpu.memory_space<vmem>>, vector<16xf32>,
      tpu.vector_store %arg7[%parallel_loop3A_618, %parallel_loop3A_619, %parallel_loop3A_620, %parallel_loop3A_621], %parallel_loop3A_548 {strides = array<i32>} : memref<2x8x4x576xf32, #tpu.memory_space<vmem>>, vector<16xf32>,
      %parallel_loop3A_623 = arith.constant 16 : i32
      %parallel_loop3A_624 = arith.muli %parallel_loop3A_260, %parallel_loop3A_623 : i32
      %parallel_loop3A_625 = arith.constant 1 : i32
      %parallel_loop3A_626 = arith.constant 5 : i32
      %parallel_loop3A_627 = arith.constant 3 : i32
      %parallel_loop3A_628 = arith.index_cast %parallel_loop3A_625 : i32 to index
      %parallel_loop3A_629 = arith.index_cast %parallel_loop3A_626 : i32 to index
      %parallel_loop3A_630 = arith.index_cast %parallel_loop3A_627 : i32 to index
      %parallel_loop3A_631 = arith.index_cast %parallel_loop3A_624 : i32 to index
      %parallel_loop3A_632 = tpu.vector_load %arg7[%parallel_loop3A_628, %parallel_loop3A_629, %parallel_loop3A_630, %parallel_loop3A_631] {strides = array<i32>} : memref<2x8x4x576xf32, #tpu.memory_space<vmem>>, vector<16xf32>,
      tpu.vector_store %arg7[%parallel_loop3A_628, %parallel_loop3A_629, %parallel_loop3A_630, %parallel_loop3A_631], %parallel_loop3A_552 {strides = array<i32>} : memref<2x8x4x576xf32, #tpu.memory_space<vmem>>, vector<16xf32>,
      %parallel_loop3A_633 = arith.constant 16 : i32
      %parallel_loop3A_634 = arith.muli %parallel_loop3A_260, %parallel_loop3A_633 : i32
      %parallel_loop3A_635 = arith.constant 6 : i32
      %parallel_loop3A_636 = arith.index_cast %parallel_loop3A_635 : i32 to index
      %parallel_loop3A_637 = arith.index_cast %parallel_loop3A_634 : i32 to index
      %parallel_loop3A_638 = tpu.vector_load %arg6[%parallel_loop3A_636, %parallel_loop3A_637] {strides = array<i32>} : memref<8x576xi32, #tpu.memory_space<vmem>>, vector<16xi32>,
      %parallel_loop3A_639 = arith.constant 16 : i32
      %parallel_loop3A_640 = arith.muli %parallel_loop3A_260, %parallel_loop3A_639 : i32
      %parallel_loop3A_641 = arith.constant 7 : i32
      %parallel_loop3A_642 = arith.index_cast %parallel_loop3A_641 : i32 to index
      %parallel_loop3A_643 = arith.index_cast %parallel_loop3A_640 : i32 to index
      %parallel_loop3A_644 = tpu.vector_load %arg6[%parallel_loop3A_642, %parallel_loop3A_643] {strides = array<i32>} : memref<8x576xi32, #tpu.memory_space<vmem>>, vector<16xi32>,
      %parallel_loop3A_645 = arith.constant 0 : i32
      %parallel_loop3A_646 = vector.broadcast %parallel_loop3A_645 : i32 to vector<16xi32>
      %parallel_loop3A_647 = arith.addi %parallel_loop3A_638, %parallel_loop3A_646 : vector<16xi32>
      %parallel_loop3A_648 = tpu.vector_load_idx %arg5[%parallel_loop3A_647] : memref<4096xf32, #tpu.memory_space<vmem>>[vector<16xi32>], vector<16xf32>,
      %parallel_loop3A_649 = arith.constant 1024 : i32
      %parallel_loop3A_650 = vector.broadcast %parallel_loop3A_649 : i32 to vector<16xi32>
      %parallel_loop3A_651 = arith.addi %parallel_loop3A_638, %parallel_loop3A_650 : vector<16xi32>
      %parallel_loop3A_652 = tpu.vector_load_idx %arg5[%parallel_loop3A_651] : memref<4096xf32, #tpu.memory_space<vmem>>[vector<16xi32>], vector<16xf32>,
      %parallel_loop3A_653 = arith.constant 2048 : i32
      %parallel_loop3A_654 = vector.broadcast %parallel_loop3A_653 : i32 to vector<16xi32>
      %parallel_loop3A_655 = arith.addi %parallel_loop3A_638, %parallel_loop3A_654 : vector<16xi32>
      %parallel_loop3A_656 = tpu.vector_load_idx %arg5[%parallel_loop3A_655] : memref<4096xf32, #tpu.memory_space<vmem>>[vector<16xi32>], vector<16xf32>,
      %parallel_loop3A_657 = arith.constant 3072 : i32
      %parallel_loop3A_658 = vector.broadcast %parallel_loop3A_657 : i32 to vector<16xi32>
      %parallel_loop3A_659 = arith.addi %parallel_loop3A_638, %parallel_loop3A_658 : vector<16xi32>
      %parallel_loop3A_660 = tpu.vector_load_idx %arg5[%parallel_loop3A_659] : memref<4096xf32, #tpu.memory_space<vmem>>[vector<16xi32>], vector<16xf32>,
      %parallel_loop3A_661 = arith.constant 0 : i32
      %parallel_loop3A_662 = vector.broadcast %parallel_loop3A_661 : i32 to vector<16xi32>
      %parallel_loop3A_663 = arith.addi %parallel_loop3A_644, %parallel_loop3A_662 : vector<16xi32>
      %parallel_loop3A_664 = tpu.vector_load_idx %arg5[%parallel_loop3A_663] : memref<4096xf32, #tpu.memory_space<vmem>>[vector<16xi32>], vector<16xf32>,
      %parallel_loop3A_665 = arith.constant 1024 : i32
      %parallel_loop3A_666 = vector.broadcast %parallel_loop3A_665 : i32 to vector<16xi32>
      %parallel_loop3A_667 = arith.addi %parallel_loop3A_644, %parallel_loop3A_666 : vector<16xi32>
      %parallel_loop3A_668 = tpu.vector_load_idx %arg5[%parallel_loop3A_667] : memref<4096xf32, #tpu.memory_space<vmem>>[vector<16xi32>], vector<16xf32>,
      %parallel_loop3A_669 = arith.constant 2048 : i32
      %parallel_loop3A_670 = vector.broadcast %parallel_loop3A_669 : i32 to vector<16xi32>
      %parallel_loop3A_671 = arith.addi %parallel_loop3A_644, %parallel_loop3A_670 : vector<16xi32>
      %parallel_loop3A_672 = tpu.vector_load_idx %arg5[%parallel_loop3A_671] : memref<4096xf32, #tpu.memory_space<vmem>>[vector<16xi32>], vector<16xf32>,
      %parallel_loop3A_673 = arith.constant 3072 : i32
      %parallel_loop3A_674 = vector.broadcast %parallel_loop3A_673 : i32 to vector<16xi32>
      %parallel_loop3A_675 = arith.addi %parallel_loop3A_644, %parallel_loop3A_674 : vector<16xi32>
      %parallel_loop3A_676 = tpu.vector_load_idx %arg5[%parallel_loop3A_675] : memref<4096xf32, #tpu.memory_space<vmem>>[vector<16xi32>], vector<16xf32>,
      %parallel_loop3A_677 = arith.constant 16 : i32
      %parallel_loop3A_678 = arith.muli %parallel_loop3A_260, %parallel_loop3A_677 : i32
      %parallel_loop3A_679 = arith.constant 1 : i32
      %parallel_loop3A_680 = arith.constant 6 : i32
      %parallel_loop3A_681 = arith.constant 0 : i32
      %parallel_loop3A_682 = arith.index_cast %parallel_loop3A_679 : i32 to index
      %parallel_loop3A_683 = arith.index_cast %parallel_loop3A_680 : i32 to index
      %parallel_loop3A_684 = arith.index_cast %parallel_loop3A_681 : i32 to index
      %parallel_loop3A_685 = arith.index_cast %parallel_loop3A_678 : i32 to index
      %parallel_loop3A_686 = tpu.vector_load %arg7[%parallel_loop3A_682, %parallel_loop3A_683, %parallel_loop3A_684, %parallel_loop3A_685] {strides = array<i32>} : memref<2x8x4x576xf32, #tpu.memory_space<vmem>>, vector<16xf32>,
      tpu.vector_store %arg7[%parallel_loop3A_682, %parallel_loop3A_683, %parallel_loop3A_684, %parallel_loop3A_685], %parallel_loop3A_648 {strides = array<i32>} : memref<2x8x4x576xf32, #tpu.memory_space<vmem>>, vector<16xf32>,
      %parallel_loop3A_687 = arith.constant 16 : i32
      %parallel_loop3A_688 = arith.muli %parallel_loop3A_260, %parallel_loop3A_687 : i32
      %parallel_loop3A_689 = arith.constant 1 : i32
      %parallel_loop3A_690 = arith.constant 6 : i32
      %parallel_loop3A_691 = arith.constant 1 : i32
      %parallel_loop3A_692 = arith.index_cast %parallel_loop3A_689 : i32 to index
      %parallel_loop3A_693 = arith.index_cast %parallel_loop3A_690 : i32 to index
      %parallel_loop3A_694 = arith.index_cast %parallel_loop3A_691 : i32 to index
      %parallel_loop3A_695 = arith.index_cast %parallel_loop3A_688 : i32 to index
      %parallel_loop3A_696 = tpu.vector_load %arg7[%parallel_loop3A_692, %parallel_loop3A_693, %parallel_loop3A_694, %parallel_loop3A_695] {strides = array<i32>} : memref<2x8x4x576xf32, #tpu.memory_space<vmem>>, vector<16xf32>,
      tpu.vector_store %arg7[%parallel_loop3A_692, %parallel_loop3A_693, %parallel_loop3A_694, %parallel_loop3A_695], %parallel_loop3A_652 {strides = array<i32>} : memref<2x8x4x576xf32, #tpu.memory_space<vmem>>, vector<16xf32>,
      %parallel_loop3A_697 = arith.constant 16 : i32
      %parallel_loop3A_698 = arith.muli %parallel_loop3A_260, %parallel_loop3A_697 : i32
      %parallel_loop3A_699 = arith.constant 1 : i32
      %parallel_loop3A_700 = arith.constant 6 : i32
      %parallel_loop3A_701 = arith.constant 2 : i32
      %parallel_loop3A_702 = arith.index_cast %parallel_loop3A_699 : i32 to index
      %parallel_loop3A_703 = arith.index_cast %parallel_loop3A_700 : i32 to index
      %parallel_loop3A_704 = arith.index_cast %parallel_loop3A_701 : i32 to index
      %parallel_loop3A_705 = arith.index_cast %parallel_loop3A_698 : i32 to index
      %parallel_loop3A_706 = tpu.vector_load %arg7[%parallel_loop3A_702, %parallel_loop3A_703, %parallel_loop3A_704, %parallel_loop3A_705] {strides = array<i32>} : memref<2x8x4x576xf32, #tpu.memory_space<vmem>>, vector<16xf32>,
      tpu.vector_store %arg7[%parallel_loop3A_702, %parallel_loop3A_703, %parallel_loop3A_704, %parallel_loop3A_705], %parallel_loop3A_656 {strides = array<i32>} : memref<2x8x4x576xf32, #tpu.memory_space<vmem>>, vector<16xf32>,
      %parallel_loop3A_707 = arith.constant 16 : i32
      %parallel_loop3A_708 = arith.muli %parallel_loop3A_260, %parallel_loop3A_707 : i32
      %parallel_loop3A_709 = arith.constant 1 : i32
      %parallel_loop3A_710 = arith.constant 6 : i32
      %parallel_loop3A_711 = arith.constant 3 : i32
      %parallel_loop3A_712 = arith.index_cast %parallel_loop3A_709 : i32 to index
      %parallel_loop3A_713 = arith.index_cast %parallel_loop3A_710 : i32 to index
      %parallel_loop3A_714 = arith.index_cast %parallel_loop3A_711 : i32 to index
      %parallel_loop3A_715 = arith.index_cast %parallel_loop3A_708 : i32 to index
      %parallel_loop3A_716 = tpu.vector_load %arg7[%parallel_loop3A_712, %parallel_loop3A_713, %parallel_loop3A_714, %parallel_loop3A_715] {strides = array<i32>} : memref<2x8x4x576xf32, #tpu.memory_space<vmem>>, vector<16xf32>,
      tpu.vector_store %arg7[%parallel_loop3A_712, %parallel_loop3A_713, %parallel_loop3A_714, %parallel_loop3A_715], %parallel_loop3A_660 {strides = array<i32>} : memref<2x8x4x576xf32, #tpu.memory_space<vmem>>, vector<16xf32>,
      %parallel_loop3A_717 = arith.constant 16 : i32
      %parallel_loop3A_718 = arith.muli %parallel_loop3A_260, %parallel_loop3A_717 : i32
      %parallel_loop3A_719 = arith.constant 1 : i32
      %parallel_loop3A_720 = arith.constant 7 : i32
      %parallel_loop3A_721 = arith.constant 0 : i32
      %parallel_loop3A_722 = arith.index_cast %parallel_loop3A_719 : i32 to index
      %parallel_loop3A_723 = arith.index_cast %parallel_loop3A_720 : i32 to index
      %parallel_loop3A_724 = arith.index_cast %parallel_loop3A_721 : i32 to index
      %parallel_loop3A_725 = arith.index_cast %parallel_loop3A_718 : i32 to index
      %parallel_loop3A_726 = tpu.vector_load %arg7[%parallel_loop3A_722, %parallel_loop3A_723, %parallel_loop3A_724, %parallel_loop3A_725] {strides = array<i32>} : memref<2x8x4x576xf32, #tpu.memory_space<vmem>>, vector<16xf32>,
      tpu.vector_store %arg7[%parallel_loop3A_722, %parallel_loop3A_723, %parallel_loop3A_724, %parallel_loop3A_725], %parallel_loop3A_664 {strides = array<i32>} : memref<2x8x4x576xf32, #tpu.memory_space<vmem>>, vector<16xf32>,
      %parallel_loop3A_727 = arith.constant 16 : i32
      %parallel_loop3A_728 = arith.muli %parallel_loop3A_260, %parallel_loop3A_727 : i32
      %parallel_loop3A_729 = arith.constant 1 : i32
      %parallel_loop3A_730 = arith.constant 7 : i32
      %parallel_loop3A_731 = arith.constant 1 : i32
      %parallel_loop3A_732 = arith.index_cast %parallel_loop3A_729 : i32 to index
      %parallel_loop3A_733 = arith.index_cast %parallel_loop3A_730 : i32 to index
      %parallel_loop3A_734 = arith.index_cast %parallel_loop3A_731 : i32 to index
      %parallel_loop3A_735 = arith.index_cast %parallel_loop3A_728 : i32 to index
      %parallel_loop3A_736 = tpu.vector_load %arg7[%parallel_loop3A_732, %parallel_loop3A_733, %parallel_loop3A_734, %parallel_loop3A_735] {strides = array<i32>} : memref<2x8x4x576xf32, #tpu.memory_space<vmem>>, vector<16xf32>,
      tpu.vector_store %arg7[%parallel_loop3A_732, %parallel_loop3A_733, %parallel_loop3A_734, %parallel_loop3A_735], %parallel_loop3A_668 {strides = array<i32>} : memref<2x8x4x576xf32, #tpu.memory_space<vmem>>, vector<16xf32>,
      %parallel_loop3A_737 = arith.constant 16 : i32
      %parallel_loop3A_738 = arith.muli %parallel_loop3A_260, %parallel_loop3A_737 : i32
      %parallel_loop3A_739 = arith.constant 1 : i32
      %parallel_loop3A_740 = arith.constant 7 : i32
      %parallel_loop3A_741 = arith.constant 2 : i32
      %parallel_loop3A_742 = arith.index_cast %parallel_loop3A_739 : i32 to index
      %parallel_loop3A_743 = arith.index_cast %parallel_loop3A_740 : i32 to index
      %parallel_loop3A_744 = arith.index_cast %parallel_loop3A_741 : i32 to index
      %parallel_loop3A_745 = arith.index_cast %parallel_loop3A_738 : i32 to index
      %parallel_loop3A_746 = tpu.vector_load %arg7[%parallel_loop3A_742, %parallel_loop3A_743, %parallel_loop3A_744, %parallel_loop3A_745] {strides = array<i32>} : memref<2x8x4x576xf32, #tpu.memory_space<vmem>>, vector<16xf32>,
      tpu.vector_store %arg7[%parallel_loop3A_742, %parallel_loop3A_743, %parallel_loop3A_744, %parallel_loop3A_745], %parallel_loop3A_672 {strides = array<i32>} : memref<2x8x4x576xf32, #tpu.memory_space<vmem>>, vector<16xf32>,
      %parallel_loop3A_747 = arith.constant 16 : i32
      %parallel_loop3A_748 = arith.muli %parallel_loop3A_260, %parallel_loop3A_747 : i32
      %parallel_loop3A_749 = arith.constant 1 : i32
      %parallel_loop3A_750 = arith.constant 7 : i32
      %parallel_loop3A_751 = arith.constant 3 : i32
      %parallel_loop3A_752 = arith.index_cast %parallel_loop3A_749 : i32 to index
      %parallel_loop3A_753 = arith.index_cast %parallel_loop3A_750 : i32 to index
      %parallel_loop3A_754 = arith.index_cast %parallel_loop3A_751 : i32 to index
      %parallel_loop3A_755 = arith.index_cast %parallel_loop3A_748 : i32 to index
      %parallel_loop3A_756 = tpu.vector_load %arg7[%parallel_loop3A_752, %parallel_loop3A_753, %parallel_loop3A_754, %parallel_loop3A_755] {strides = array<i32>} : memref<2x8x4x576xf32, #tpu.memory_space<vmem>>, vector<16xf32>,
      tpu.vector_store %arg7[%parallel_loop3A_752, %parallel_loop3A_753, %parallel_loop3A_754, %parallel_loop3A_755], %parallel_loop3A_676 {strides = array<i32>} : memref<2x8x4x576xf32, #tpu.memory_space<vmem>>, vector<16xf32>,
    } {sc.loop_unroll_factor = 1 : i64, sc.parallel_access}
    %dma_start3A_118 = arith.constant 1 : i32
    %dma_start3A_119 = arith.constant 0 : i32
    %dma_start3A_120 = arith.constant 0 : i32
    %dma_start3A_121 = arith.constant 0 : i32
    %dma_start3A_122 = tpu.memref_slice %arg7[%dma_start3A_118, %dma_start3A_119, %dma_start3A_120, %dma_start3A_121] : memref<2x8x4x576xf32, #tpu.memory_space<vmem>> -> memref<1x8x4x576xf32, #tpu.memory_space<vmem>>
    %dma_start3A_123 = tpu.memref_squeeze %dma_start3A_122 : memref<1x8x4x576xf32, #tpu.memory_space<vmem>> -> memref<8x4x576xf32, #tpu.memory_space<vmem>>
    %dma_start3A_124 = arith.constant 0 : i32
    %dma_start3A_125 = arith.constant 0 : i32
    %dma_start3A_126 = tpu.memref_slice %arg4[%dma_start3A_124, %add3A_96, %dma_start3A_125] : memref<8x384x576xf32, #tpu.memory_space<hbm>> -> memref<8x4x576xf32, #tpu.memory_space<hbm>>
    %dma_start3A_127 = arith.constant 0 : i32
    %dma_start3A_128 = arith.constant 0 : i32
    %dma_start3A_129 = tpu.memref_slice %arg4[%dma_start3A_127, %add3A_96, %dma_start3A_128] : memref<8x384x576xf32, #tpu.memory_space<hbm>> -> memref<8x4x576xf32, #tpu.memory_space<hbm>>
    %dma_start3A_130 = arith.constant 0 : i32
    %dma_start3A_131 = arith.constant 0 : i32
    %dma_start3A_132 = arith.constant 0 : i32
    %dma_start3A_133 = tpu.memref_slice %arg7[%dma_start3A_118, %dma_start3A_130, %dma_start3A_131, %dma_start3A_132] : memref<2x8x4x576xf32, #tpu.memory_space<vmem>> -> memref<1x8x4x576xf32, #tpu.memory_space<vmem>>
    %dma_start3A_134 = tpu.memref_squeeze %dma_start3A_133 : memref<1x8x4x576xf32, #tpu.memory_space<vmem>> -> memref<8x4x576xf32, #tpu.memory_space<vmem>>
    tpu.enqueue_dma source(%dma_start3A_134 : memref<8x4x576xf32, #tpu.memory_space<vmem>>) target(%dma_start3A_129 : memref<8x4x576xf32, #tpu.memory_space<hbm>>) target_semaphore(%arg8 : memref<!tpu.dma_semaphore, #tpu.memory_space<semaphore_mem>>)
    %mul3A_135 = arith.constant 3 : i32
    %mul3A_136 = arith.muli %add3A, %mul3A_135 : i32
    %add3A_137 = arith.constant 2 : i32
    %add3A_138 = arith.addi %mul3A_136, %add3A_137 : i32
    %jit3A_139 = arith.constant 16 : i32
    %div3A_140 = arith.divsi %add3A_138, %jit3A_139 : i32
    %sign3A_141 = arith.constant 0 : i32
    %sign3A_142 = arith.cmpi sgt, %add3A_138, %sign3A_141 : i32
    %sign3A_143 = arith.extui %sign3A_142 : i1 to i32
    %sign3A_144 = arith.constant 0 : i32
    %sign3A_145 = arith.cmpi slt, %add3A_138, %sign3A_144 : i32
    %sign3A_146 = arith.extui %sign3A_145 : i1 to i32
    %sign3A_147 = arith.subi %sign3A_143, %sign3A_146 : i32
    %sign3A_148 = arith.constant 0 : i32
    %sign3A_149 = arith.cmpi sgt, %jit3A_139, %sign3A_148 : i32
    %sign3A_150 = arith.extui %sign3A_149 : i1 to i32
    %sign3A_151 = arith.constant 0 : i32
    %sign3A_152 = arith.cmpi slt, %jit3A_139, %sign3A_151 : i32
    %sign3A_153 = arith.extui %sign3A_152 : i1 to i32
    %sign3A_154 = arith.subi %sign3A_150, %sign3A_153 : i32
    %ne3A_155 = arith.cmpi ne, %sign3A_147, %sign3A_154 : i32
    %rem3A_156 = arith.remsi %add3A_138, %jit3A_139 : i32
    %ne3A_157 = arith.constant 0 : i32
    %ne3A_158 = arith.cmpi ne, %rem3A_156, %ne3A_157 : i32
    %and3A_159 = arith.andi %ne3A_155, %ne3A_158 : i1
    %sub3A_160 = arith.constant 1 : i32
    %sub3A_161 = arith.subi %div3A_140, %sub3A_160 : i32
    %select_n3A_162 = arith.select %and3A_159, %sub3A_161, %div3A_140 : i32
    %rem3A_163 = arith.constant 16 : i32
    %rem3A_164 = arith.remsi %add3A_138, %rem3A_163 : i32
    %mul3A_165 = arith.constant 64 : i32
    %mul3A_166 = arith.muli %select_n3A_162, %mul3A_165 : i32
    %mul3A_167 = arith.constant 4 : i32
    %mul3A_168 = arith.muli %rem3A_164, %mul3A_167 : i32
    %add3A_169 = arith.addi %mul3A_166, %mul3A_168 : i32
    %mul3A_170 = arith.constant 4 : i32
    %mul3A_171 = arith.muli %rem3A_164, %mul3A_170 : i32
    %add3A_172 = arith.constant 0 : i32
    %add3A_173 = arith.addi %mul3A_171, %add3A_172 : i32
    "tpu.region"() ({
      %run_scoped3A = tpu.sem_alloc : memref<!tpu.dma_semaphore, #tpu.memory_space<semaphore_mem>>
      %dma_start3A_260 = arith.constant 0 : i32
      %dma_start3A_261 = tpu.memref_slice %arg5[%dma_start3A_260] : memref<4096xf32, #tpu.memory_space<vmem>> -> memref<1024xf32, #tpu.memory_space<vmem>>
      %dma_start3A_262 = arith.constant 0 : i32
      %dma_start3A_263 = tpu.memref_slice %arg2[%select_n3A_162, %add3A_173, %dma_start3A_262] : memref<6x64x1024xf32, #tpu.memory_space<hbm>> -> memref<1x1x1024xf32, #tpu.memory_space<hbm>>
      %dma_start3A_264 = tpu.memref_squeeze %dma_start3A_263 : memref<1x1x1024xf32, #tpu.memory_space<hbm>> -> memref<1024xf32, #tpu.memory_space<hbm>>
      %dma_start3A_265 = arith.constant 0 : i32
      %dma_start3A_266 = tpu.memref_slice %arg5[%dma_start3A_265] : memref<4096xf32, #tpu.memory_space<vmem>> -> memref<1024xf32, #tpu.memory_space<vmem>>
      %dma_start3A_267 = arith.constant 0 : i32
      %dma_start3A_268 = tpu.memref_slice %arg2[%select_n3A_162, %add3A_173, %dma_start3A_267] : memref<6x64x1024xf32, #tpu.memory_space<hbm>> -> memref<1x1x1024xf32, #tpu.memory_space<hbm>>
      %dma_start3A_269 = tpu.memref_squeeze %dma_start3A_268 : memref<1x1x1024xf32, #tpu.memory_space<hbm>> -> memref<1024xf32, #tpu.memory_space<hbm>>
      tpu.enqueue_dma source(%dma_start3A_269 : memref<1024xf32, #tpu.memory_space<hbm>>) target(%dma_start3A_266 : memref<1024xf32, #tpu.memory_space<vmem>>) target_semaphore(%run_scoped3A : memref<!tpu.dma_semaphore, #tpu.memory_space<semaphore_mem>>)
      %dma_wait3A_270 = arith.constant 0 : i32
      %dma_wait3A_271 = tpu.memref_slice %arg5[%dma_wait3A_270] : memref<4096xf32, #tpu.memory_space<vmem>> -> memref<1024xf32, #tpu.memory_space<vmem>>
      %dma_wait3A_272 = arith.constant 0 : i32
      %dma_wait3A_273 = tpu.memref_slice %arg2[%select_n3A_162, %add3A_173, %dma_wait3A_272] : memref<6x64x1024xf32, #tpu.memory_space<hbm>> -> memref<1x1x1024xf32, #tpu.memory_space<hbm>>
      %dma_wait3A_274 = tpu.memref_squeeze %dma_wait3A_273 : memref<1x1x1024xf32, #tpu.memory_space<hbm>> -> memref<1024xf32, #tpu.memory_space<hbm>>
      %dma_wait3A_275 = arith.constant 0 : i32
      %dma_wait3A_276 = tpu.memref_slice %arg5[%dma_wait3A_275] : memref<4096xf32, #tpu.memory_space<vmem>> -> memref<1024xf32, #tpu.memory_space<vmem>>
      %dma_wait3A_277 = arith.constant 0 : i32
      %dma_wait3A_278 = tpu.memref_slice %arg2[%select_n3A_162, %add3A_173, %dma_wait3A_277] : memref<6x64x1024xf32, #tpu.memory_space<hbm>> -> memref<1x1x1024xf32, #tpu.memory_space<hbm>>
      %dma_wait3A_279 = tpu.memref_squeeze %dma_wait3A_278 : memref<1x1x1024xf32, #tpu.memory_space<hbm>> -> memref<1024xf32, #tpu.memory_space<hbm>>
      tpu.wait_dma2 semaphore(%run_scoped3A : memref<!tpu.dma_semaphore, #tpu.memory_space<semaphore_mem>>) src(%dma_wait3A_279 : memref<1024xf32, #tpu.memory_space<hbm>>) dst(%dma_wait3A_276 : memref<1024xf32, #tpu.memory_space<vmem>>)
      tpu.yield
    }) : () -> ()
    %mul3A_174 = arith.constant 4 : i32
    %mul3A_175 = arith.muli %rem3A_164, %mul3A_174 : i32
    %add3A_176 = arith.constant 1 : i32
    %add3A_177 = arith.addi %mul3A_175, %add3A_176 : i32
    "tpu.region"() ({
      %run_scoped3A = tpu.sem_alloc : memref<!tpu.dma_semaphore, #tpu.memory_space<semaphore_mem>>
      %dma_start3A_260 = arith.constant 1024 : i32
      %dma_start3A_261 = tpu.memref_slice %arg5[%dma_start3A_260] : memref<4096xf32, #tpu.memory_space<vmem>> -> memref<1024xf32, #tpu.memory_space<vmem>>
      %dma_start3A_262 = arith.constant 0 : i32
      %dma_start3A_263 = tpu.memref_slice %arg2[%select_n3A_162, %add3A_177, %dma_start3A_262] : memref<6x64x1024xf32, #tpu.memory_space<hbm>> -> memref<1x1x1024xf32, #tpu.memory_space<hbm>>
      %dma_start3A_264 = tpu.memref_squeeze %dma_start3A_263 : memref<1x1x1024xf32, #tpu.memory_space<hbm>> -> memref<1024xf32, #tpu.memory_space<hbm>>
      %dma_start3A_265 = arith.constant 1024 : i32
      %dma_start3A_266 = tpu.memref_slice %arg5[%dma_start3A_265] : memref<4096xf32, #tpu.memory_space<vmem>> -> memref<1024xf32, #tpu.memory_space<vmem>>
      %dma_start3A_267 = arith.constant 0 : i32
      %dma_start3A_268 = tpu.memref_slice %arg2[%select_n3A_162, %add3A_177, %dma_start3A_267] : memref<6x64x1024xf32, #tpu.memory_space<hbm>> -> memref<1x1x1024xf32, #tpu.memory_space<hbm>>
      %dma_start3A_269 = tpu.memref_squeeze %dma_start3A_268 : memref<1x1x1024xf32, #tpu.memory_space<hbm>> -> memref<1024xf32, #tpu.memory_space<hbm>>
      tpu.enqueue_dma source(%dma_start3A_269 : memref<1024xf32, #tpu.memory_space<hbm>>) target(%dma_start3A_266 : memref<1024xf32, #tpu.memory_space<vmem>>) target_semaphore(%run_scoped3A : memref<!tpu.dma_semaphore, #tpu.memory_space<semaphore_mem>>)
      %dma_wait3A_270 = arith.constant 1024 : i32
      %dma_wait3A_271 = tpu.memref_slice %arg5[%dma_wait3A_270] : memref<4096xf32, #tpu.memory_space<vmem>> -> memref<1024xf32, #tpu.memory_space<vmem>>
      %dma_wait3A_272 = arith.constant 0 : i32
      %dma_wait3A_273 = tpu.memref_slice %arg2[%select_n3A_162, %add3A_177, %dma_wait3A_272] : memref<6x64x1024xf32, #tpu.memory_space<hbm>> -> memref<1x1x1024xf32, #tpu.memory_space<hbm>>
      %dma_wait3A_274 = tpu.memref_squeeze %dma_wait3A_273 : memref<1x1x1024xf32, #tpu.memory_space<hbm>> -> memref<1024xf32, #tpu.memory_space<hbm>>
      %dma_wait3A_275 = arith.constant 1024 : i32
      %dma_wait3A_276 = tpu.memref_slice %arg5[%dma_wait3A_275] : memref<4096xf32, #tpu.memory_space<vmem>> -> memref<1024xf32, #tpu.memory_space<vmem>>
      %dma_wait3A_277 = arith.constant 0 : i32
      %dma_wait3A_278 = tpu.memref_slice %arg2[%select_n3A_162, %add3A_177, %dma_wait3A_277] : memref<6x64x1024xf32, #tpu.memory_space<hbm>> -> memref<1x1x1024xf32, #tpu.memory_space<hbm>>
      %dma_wait3A_279 = tpu.memref_squeeze %dma_wait3A_278 : memref<1x1x1024xf32, #tpu.memory_space<hbm>> -> memref<1024xf32, #tpu.memory_space<hbm>>
      tpu.wait_dma2 semaphore(%run_scoped3A : memref<!tpu.dma_semaphore, #tpu.memory_space<semaphore_mem>>) src(%dma_wait3A_279 : memref<1024xf32, #tpu.memory_space<hbm>>) dst(%dma_wait3A_276 : memref<1024xf32, #tpu.memory_space<vmem>>)
      tpu.yield
    }) : () -> ()
    %mul3A_178 = arith.constant 4 : i32
    %mul3A_179 = arith.muli %rem3A_164, %mul3A_178 : i32
    %add3A_180 = arith.constant 2 : i32
    %add3A_181 = arith.addi %mul3A_179, %add3A_180 : i32
    "tpu.region"() ({
      %run_scoped3A = tpu.sem_alloc : memref<!tpu.dma_semaphore, #tpu.memory_space<semaphore_mem>>
      %dma_start3A_260 = arith.constant 2048 : i32
      %dma_start3A_261 = tpu.memref_slice %arg5[%dma_start3A_260] : memref<4096xf32, #tpu.memory_space<vmem>> -> memref<1024xf32, #tpu.memory_space<vmem>>
      %dma_start3A_262 = arith.constant 0 : i32
      %dma_start3A_263 = tpu.memref_slice %arg2[%select_n3A_162, %add3A_181, %dma_start3A_262] : memref<6x64x1024xf32, #tpu.memory_space<hbm>> -> memref<1x1x1024xf32, #tpu.memory_space<hbm>>
      %dma_start3A_264 = tpu.memref_squeeze %dma_start3A_263 : memref<1x1x1024xf32, #tpu.memory_space<hbm>> -> memref<1024xf32, #tpu.memory_space<hbm>>
      %dma_start3A_265 = arith.constant 2048 : i32
      %dma_start3A_266 = tpu.memref_slice %arg5[%dma_start3A_265] : memref<4096xf32, #tpu.memory_space<vmem>> -> memref<1024xf32, #tpu.memory_space<vmem>>
      %dma_start3A_267 = arith.constant 0 : i32
      %dma_start3A_268 = tpu.memref_slice %arg2[%select_n3A_162, %add3A_181, %dma_start3A_267] : memref<6x64x1024xf32, #tpu.memory_space<hbm>> -> memref<1x1x1024xf32, #tpu.memory_space<hbm>>
      %dma_start3A_269 = tpu.memref_squeeze %dma_start3A_268 : memref<1x1x1024xf32, #tpu.memory_space<hbm>> -> memref<1024xf32, #tpu.memory_space<hbm>>
      tpu.enqueue_dma source(%dma_start3A_269 : memref<1024xf32, #tpu.memory_space<hbm>>) target(%dma_start3A_266 : memref<1024xf32, #tpu.memory_space<vmem>>) target_semaphore(%run_scoped3A : memref<!tpu.dma_semaphore, #tpu.memory_space<semaphore_mem>>)
      %dma_wait3A_270 = arith.constant 2048 : i32
      %dma_wait3A_271 = tpu.memref_slice %arg5[%dma_wait3A_270] : memref<4096xf32, #tpu.memory_space<vmem>> -> memref<1024xf32, #tpu.memory_space<vmem>>
      %dma_wait3A_272 = arith.constant 0 : i32
      %dma_wait3A_273 = tpu.memref_slice %arg2[%select_n3A_162, %add3A_181, %dma_wait3A_272] : memref<6x64x1024xf32, #tpu.memory_space<hbm>> -> memref<1x1x1024xf32, #tpu.memory_space<hbm>>
      %dma_wait3A_274 = tpu.memref_squeeze %dma_wait3A_273 : memref<1x1x1024xf32, #tpu.memory_space<hbm>> -> memref<1024xf32, #tpu.memory_space<hbm>>
      %dma_wait3A_275 = arith.constant 2048 : i32
      %dma_wait3A_276 = tpu.memref_slice %arg5[%dma_wait3A_275] : memref<4096xf32, #tpu.memory_space<vmem>> -> memref<1024xf32, #tpu.memory_space<vmem>>
      %dma_wait3A_277 = arith.constant 0 : i32
      %dma_wait3A_278 = tpu.memref_slice %arg2[%select_n3A_162, %add3A_181, %dma_wait3A_277] : memref<6x64x1024xf32, #tpu.memory_space<hbm>> -> memref<1x1x1024xf32, #tpu.memory_space<hbm>>
      %dma_wait3A_279 = tpu.memref_squeeze %dma_wait3A_278 : memref<1x1x1024xf32, #tpu.memory_space<hbm>> -> memref<1024xf32, #tpu.memory_space<hbm>>
      tpu.wait_dma2 semaphore(%run_scoped3A : memref<!tpu.dma_semaphore, #tpu.memory_space<semaphore_mem>>) src(%dma_wait3A_279 : memref<1024xf32, #tpu.memory_space<hbm>>) dst(%dma_wait3A_276 : memref<1024xf32, #tpu.memory_space<vmem>>)
      tpu.yield
    }) : () -> ()
    %mul3A_182 = arith.constant 4 : i32
    %mul3A_183 = arith.muli %rem3A_164, %mul3A_182 : i32
    %add3A_184 = arith.constant 3 : i32
    %add3A_185 = arith.addi %mul3A_183, %add3A_184 : i32
    "tpu.region"() ({
      %run_scoped3A = tpu.sem_alloc : memref<!tpu.dma_semaphore, #tpu.memory_space<semaphore_mem>>
      %dma_start3A_260 = arith.constant 3072 : i32
      %dma_start3A_261 = tpu.memref_slice %arg5[%dma_start3A_260] : memref<4096xf32, #tpu.memory_space<vmem>> -> memref<1024xf32, #tpu.memory_space<vmem>>
      %dma_start3A_262 = arith.constant 0 : i32
      %dma_start3A_263 = tpu.memref_slice %arg2[%select_n3A_162, %add3A_185, %dma_start3A_262] : memref<6x64x1024xf32, #tpu.memory_space<hbm>> -> memref<1x1x1024xf32, #tpu.memory_space<hbm>>
      %dma_start3A_264 = tpu.memref_squeeze %dma_start3A_263 : memref<1x1x1024xf32, #tpu.memory_space<hbm>> -> memref<1024xf32, #tpu.memory_space<hbm>>
      %dma_start3A_265 = arith.constant 3072 : i32
      %dma_start3A_266 = tpu.memref_slice %arg5[%dma_start3A_265] : memref<4096xf32, #tpu.memory_space<vmem>> -> memref<1024xf32, #tpu.memory_space<vmem>>
      %dma_start3A_267 = arith.constant 0 : i32
      %dma_start3A_268 = tpu.memref_slice %arg2[%select_n3A_162, %add3A_185, %dma_start3A_267] : memref<6x64x1024xf32, #tpu.memory_space<hbm>> -> memref<1x1x1024xf32, #tpu.memory_space<hbm>>
      %dma_start3A_269 = tpu.memref_squeeze %dma_start3A_268 : memref<1x1x1024xf32, #tpu.memory_space<hbm>> -> memref<1024xf32, #tpu.memory_space<hbm>>
      tpu.enqueue_dma source(%dma_start3A_269 : memref<1024xf32, #tpu.memory_space<hbm>>) target(%dma_start3A_266 : memref<1024xf32, #tpu.memory_space<vmem>>) target_semaphore(%run_scoped3A : memref<!tpu.dma_semaphore, #tpu.memory_space<semaphore_mem>>)
      %dma_wait3A_270 = arith.constant 3072 : i32
      %dma_wait3A_271 = tpu.memref_slice %arg5[%dma_wait3A_270] : memref<4096xf32, #tpu.memory_space<vmem>> -> memref<1024xf32, #tpu.memory_space<vmem>>
      %dma_wait3A_272 = arith.constant 0 : i32
      %dma_wait3A_273 = tpu.memref_slice %arg2[%select_n3A_162, %add3A_185, %dma_wait3A_272] : memref<6x64x1024xf32, #tpu.memory_space<hbm>> -> memref<1x1x1024xf32, #tpu.memory_space<hbm>>
      %dma_wait3A_274 = tpu.memref_squeeze %dma_wait3A_273 : memref<1x1x1024xf32, #tpu.memory_space<hbm>> -> memref<1024xf32, #tpu.memory_space<hbm>>
      %dma_wait3A_275 = arith.constant 3072 : i32
      %dma_wait3A_276 = tpu.memref_slice %arg5[%dma_wait3A_275] : memref<4096xf32, #tpu.memory_space<vmem>> -> memref<1024xf32, #tpu.memory_space<vmem>>
      %dma_wait3A_277 = arith.constant 0 : i32
      %dma_wait3A_278 = tpu.memref_slice %arg2[%select_n3A_162, %add3A_185, %dma_wait3A_277] : memref<6x64x1024xf32, #tpu.memory_space<hbm>> -> memref<1x1x1024xf32, #tpu.memory_space<hbm>>
      %dma_wait3A_279 = tpu.memref_squeeze %dma_wait3A_278 : memref<1x1x1024xf32, #tpu.memory_space<hbm>> -> memref<1024xf32, #tpu.memory_space<hbm>>
      tpu.wait_dma2 semaphore(%run_scoped3A : memref<!tpu.dma_semaphore, #tpu.memory_space<semaphore_mem>>) src(%dma_wait3A_279 : memref<1024xf32, #tpu.memory_space<hbm>>) dst(%dma_wait3A_276 : memref<1024xf32, #tpu.memory_space<vmem>>)
      tpu.yield
    }) : () -> ()
    %ne3A_186 = arith.cmpi ne, %select_n3A_162, %select_n3A_89 : i32
    %convert_element_type3A_187 = arith.extui %ne3A_186 : i1 to i32
    %cond3A_188 = arith.constant 0 : i32
    %cond3A_189 = arith.cmpi ne, %convert_element_type3A_187, %cond3A_188 : i32
    scf.if %cond3A_189 {
      "tpu.region"() ({
        %run_scoped3A = tpu.sem_alloc : memref<!tpu.dma_semaphore, #tpu.memory_space<semaphore_mem>>
        %dma_start3A_260 = arith.constant 0 : i32
        %dma_start3A_261 = arith.constant 0 : i32
        %dma_start3A_262 = tpu.memref_slice %arg3[%dma_start3A_260, %select_n3A_162, %dma_start3A_261] : memref<8x6x576xi32, #tpu.memory_space<hbm>> -> memref<8x1x576xi32, #tpu.memory_space<hbm>>
        %dma_start3A_263 = tpu.memref_squeeze %dma_start3A_262 : memref<8x1x576xi32, #tpu.memory_space<hbm>> -> memref<8x576xi32, #tpu.memory_space<hbm>>
        %dma_start3A_264 = arith.constant 0 : i32
        %dma_start3A_265 = arith.constant 0 : i32
        %dma_start3A_266 = tpu.memref_slice %arg3[%dma_start3A_264, %select_n3A_162, %dma_start3A_265] : memref<8x6x576xi32, #tpu.memory_space<hbm>> -> memref<8x1x576xi32, #tpu.memory_space<hbm>>
        %dma_start3A_267 = tpu.memref_squeeze %dma_start3A_266 : memref<8x1x576xi32, #tpu.memory_space<hbm>> -> memref<8x576xi32, #tpu.memory_space<hbm>>
        tpu.enqueue_dma source(%dma_start3A_267 : memref<8x576xi32, #tpu.memory_space<hbm>>) target(%arg6 : memref<8x576xi32, #tpu.memory_space<vmem>>) target_semaphore(%run_scoped3A : memref<!tpu.dma_semaphore, #tpu.memory_space<semaphore_mem>>)
        %dma_wait3A_268 = arith.constant 0 : i32
        %dma_wait3A_269 = arith.constant 0 : i32
        %dma_wait3A_270 = tpu.memref_slice %arg3[%dma_wait3A_268, %select_n3A_162, %dma_wait3A_269] : memref<8x6x576xi32, #tpu.memory_space<hbm>> -> memref<8x1x576xi32, #tpu.memory_space<hbm>>
        %dma_wait3A_271 = tpu.memref_squeeze %dma_wait3A_270 : memref<8x1x576xi32, #tpu.memory_space<hbm>> -> memref<8x576xi32, #tpu.memory_space<hbm>>
        %dma_wait3A_272 = arith.constant 0 : i32
        %dma_wait3A_273 = arith.constant 0 : i32
        %dma_wait3A_274 = tpu.memref_slice %arg3[%dma_wait3A_272, %select_n3A_162, %dma_wait3A_273] : memref<8x6x576xi32, #tpu.memory_space<hbm>> -> memref<8x1x576xi32, #tpu.memory_space<hbm>>
        %dma_wait3A_275 = tpu.memref_squeeze %dma_wait3A_274 : memref<8x1x576xi32, #tpu.memory_space<hbm>> -> memref<8x576xi32, #tpu.memory_space<hbm>>
        tpu.wait_dma2 semaphore(%run_scoped3A : memref<!tpu.dma_semaphore, #tpu.memory_space<semaphore_mem>>) src(%dma_wait3A_275 : memref<8x576xi32, #tpu.memory_space<hbm>>) dst(%arg6 : memref<8x576xi32, #tpu.memory_space<vmem>>)
        tpu.yield
      }) : () -> ()
    } else {
    }
    %dma_wait3A = arith.constant 0 : i32
    %dma_wait3A_190 = arith.constant 0 : i32
    %dma_wait3A_191 = arith.constant 0 : i32
    %dma_wait3A_192 = arith.constant 0 : i32
    %dma_wait3A_193 = tpu.memref_slice %arg7[%dma_wait3A, %dma_wait3A_190, %dma_wait3A_191, %dma_wait3A_192] : memref<2x8x4x576xf32, #tpu.memory_space<vmem>> -> memref<1x8x4x576xf32, #tpu.memory_space<vmem>>
    %dma_wait3A_194 = tpu.memref_squeeze %dma_wait3A_193 : memref<1x8x4x576xf32, #tpu.memory_space<vmem>> -> memref<8x4x576xf32, #tpu.memory_space<vmem>>
    %dma_wait3A_195 = arith.constant 0 : i32
    %dma_wait3A_196 = arith.constant 0 : i32
    %dma_wait3A_197 = tpu.memref_slice %arg4[%dma_wait3A_195, %add3A_27, %dma_wait3A_196] : memref<8x384x576xf32, #tpu.memory_space<hbm>> -> memref<8x4x576xf32, #tpu.memory_space<hbm>>
    %dma_wait3A_198 = arith.constant 0 : i32
    %dma_wait3A_199 = arith.constant 0 : i32
    %dma_wait3A_200 = tpu.memref_slice %arg4[%dma_wait3A_198, %add3A_27, %dma_wait3A_199] : memref<8x384x576xf32, #tpu.memory_space<hbm>> -> memref<8x4x576xf32, #tpu.memory_space<hbm>>
    %dma_wait3A_201 = arith.constant 0 : i32
    %dma_wait3A_202 = arith.constant 0 : i32
    %dma_wait3A_203 = arith.constant 0 : i32
    %dma_wait3A_204 = tpu.memref_slice %arg7[%dma_wait3A, %dma_wait3A_201, %dma_wait3A_202, %dma_wait3A_203] : memref<2x8x4x576xf32, #tpu.memory_space<vmem>> -> memref<1x8x4x576xf32, #tpu.memory_space<vmem>>
    %dma_wait3A_205 = tpu.memref_squeeze %dma_wait3A_204 : memref<1x8x4x576xf32, #tpu.memory_space<vmem>> -> memref<8x4x576xf32, #tpu.memory_space<vmem>>
    tpu.wait_dma2 semaphore(%arg8 : memref<!tpu.dma_semaphore, #tpu.memory_space<semaphore_mem>>) src(%dma_wait3A_205 : memref<8x4x576xf32, #tpu.memory_space<vmem>>) dst(%dma_wait3A_200 : memref<8x4x576xf32, #tpu.memory_space<hbm>>)
    %parallel_loop3A_206 = arith.constant 0 : i32
    %parallel_loop3A_207 = arith.constant 36 : i32
    %parallel_loop3A_208 = arith.constant 1 : i32
    scf.for %parallel_loop3A_260 = %parallel_loop3A_206 to %parallel_loop3A_207 step %parallel_loop3A_208  : i32 {
      %parallel_loop3A_261 = arith.constant 16 : i32
      %parallel_loop3A_262 = arith.muli %parallel_loop3A_260, %parallel_loop3A_261 : i32
      %parallel_loop3A_263 = arith.constant 0 : i32
      %parallel_loop3A_264 = arith.index_cast %parallel_loop3A_263 : i32 to index
      %parallel_loop3A_265 = arith.index_cast %parallel_loop3A_262 : i32 to index
      %parallel_loop3A_266 = tpu.vector_load %arg6[%parallel_loop3A_264, %parallel_loop3A_265] {strides = array<i32>} : memref<8x576xi32, #tpu.memory_space<vmem>>, vector<16xi32>,
      %parallel_loop3A_267 = arith.constant 16 : i32
      %parallel_loop3A_268 = arith.muli %parallel_loop3A_260, %parallel_loop3A_267 : i32
      %parallel_loop3A_269 = arith.constant 1 : i32
      %parallel_loop3A_270 = arith.index_cast %parallel_loop3A_269 : i32 to index
      %parallel_loop3A_271 = arith.index_cast %parallel_loop3A_268 : i32 to index
      %parallel_loop3A_272 = tpu.vector_load %arg6[%parallel_loop3A_270, %parallel_loop3A_271] {strides = array<i32>} : memref<8x576xi32, #tpu.memory_space<vmem>>, vector<16xi32>,
      %parallel_loop3A_273 = arith.constant 0 : i32
      %parallel_loop3A_274 = vector.broadcast %parallel_loop3A_273 : i32 to vector<16xi32>
      %parallel_loop3A_275 = arith.addi %parallel_loop3A_266, %parallel_loop3A_274 : vector<16xi32>
      %parallel_loop3A_276 = tpu.vector_load_idx %arg5[%parallel_loop3A_275] : memref<4096xf32, #tpu.memory_space<vmem>>[vector<16xi32>], vector<16xf32>,
      %parallel_loop3A_277 = arith.constant 1024 : i32
      %parallel_loop3A_278 = vector.broadcast %parallel_loop3A_277 : i32 to vector<16xi32>
      %parallel_loop3A_279 = arith.addi %parallel_loop3A_266, %parallel_loop3A_278 : vector<16xi32>
      %parallel_loop3A_280 = tpu.vector_load_idx %arg5[%parallel_loop3A_279] : memref<4096xf32, #tpu.memory_space<vmem>>[vector<16xi32>], vector<16xf32>,
      %parallel_loop3A_281 = arith.constant 2048 : i32
      %parallel_loop3A_282 = vector.broadcast %parallel_loop3A_281 : i32 to vector<16xi32>
      %parallel_loop3A_283 = arith.addi %parallel_loop3A_266, %parallel_loop3A_282 : vector<16xi32>
      %parallel_loop3A_284 = tpu.vector_load_idx %arg5[%parallel_loop3A_283] : memref<4096xf32, #tpu.memory_space<vmem>>[vector<16xi32>], vector<16xf32>,
      %parallel_loop3A_285 = arith.constant 3072 : i32
      %parallel_loop3A_286 = vector.broadcast %parallel_loop3A_285 : i32 to vector<16xi32>
      %parallel_loop3A_287 = arith.addi %parallel_loop3A_266, %parallel_loop3A_286 : vector<16xi32>
      %parallel_loop3A_288 = tpu.vector_load_idx %arg5[%parallel_loop3A_287] : memref<4096xf32, #tpu.memory_space<vmem>>[vector<16xi32>], vector<16xf32>,
      %parallel_loop3A_289 = arith.constant 0 : i32
      %parallel_loop3A_290 = vector.broadcast %parallel_loop3A_289 : i32 to vector<16xi32>
      %parallel_loop3A_291 = arith.addi %parallel_loop3A_272, %parallel_loop3A_290 : vector<16xi32>
      %parallel_loop3A_292 = tpu.vector_load_idx %arg5[%parallel_loop3A_291] : memref<4096xf32, #tpu.memory_space<vmem>>[vector<16xi32>], vector<16xf32>,
      %parallel_loop3A_293 = arith.constant 1024 : i32
      %parallel_loop3A_294 = vector.broadcast %parallel_loop3A_293 : i32 to vector<16xi32>
      %parallel_loop3A_295 = arith.addi %parallel_loop3A_272, %parallel_loop3A_294 : vector<16xi32>
      %parallel_loop3A_296 = tpu.vector_load_idx %arg5[%parallel_loop3A_295] : memref<4096xf32, #tpu.memory_space<vmem>>[vector<16xi32>], vector<16xf32>,
      %parallel_loop3A_297 = arith.constant 2048 : i32
      %parallel_loop3A_298 = vector.broadcast %parallel_loop3A_297 : i32 to vector<16xi32>
      %parallel_loop3A_299 = arith.addi %parallel_loop3A_272, %parallel_loop3A_298 : vector<16xi32>
      %parallel_loop3A_300 = tpu.vector_load_idx %arg5[%parallel_loop3A_299] : memref<4096xf32, #tpu.memory_space<vmem>>[vector<16xi32>], vector<16xf32>,
      %parallel_loop3A_301 = arith.constant 3072 : i32
      %parallel_loop3A_302 = vector.broadcast %parallel_loop3A_301 : i32 to vector<16xi32>
      %parallel_loop3A_303 = arith.addi %parallel_loop3A_272, %parallel_loop3A_302 : vector<16xi32>
      %parallel_loop3A_304 = tpu.vector_load_idx %arg5[%parallel_loop3A_303] : memref<4096xf32, #tpu.memory_space<vmem>>[vector<16xi32>], vector<16xf32>,
      %parallel_loop3A_305 = arith.constant 16 : i32
      %parallel_loop3A_306 = arith.muli %parallel_loop3A_260, %parallel_loop3A_305 : i32
      %parallel_loop3A_307 = arith.constant 0 : i32
      %parallel_loop3A_308 = arith.constant 0 : i32
      %parallel_loop3A_309 = arith.constant 0 : i32
      %parallel_loop3A_310 = arith.index_cast %parallel_loop3A_307 : i32 to index
      %parallel_loop3A_311 = arith.index_cast %parallel_loop3A_308 : i32 to index
      %parallel_loop3A_312 = arith.index_cast %parallel_loop3A_309 : i32 to index
      %parallel_loop3A_313 = arith.index_cast %parallel_loop3A_306 : i32 to index
      %parallel_loop3A_314 = tpu.vector_load %arg7[%parallel_loop3A_310, %parallel_loop3A_311, %parallel_loop3A_312, %parallel_loop3A_313] {strides = array<i32>} : memref<2x8x4x576xf32, #tpu.memory_space<vmem>>, vector<16xf32>,
      tpu.vector_store %arg7[%parallel_loop3A_310, %parallel_loop3A_311, %parallel_loop3A_312, %parallel_loop3A_313], %parallel_loop3A_276 {strides = array<i32>} : memref<2x8x4x576xf32, #tpu.memory_space<vmem>>, vector<16xf32>,
      %parallel_loop3A_315 = arith.constant 16 : i32
      %parallel_loop3A_316 = arith.muli %parallel_loop3A_260, %parallel_loop3A_315 : i32
      %parallel_loop3A_317 = arith.constant 0 : i32
      %parallel_loop3A_318 = arith.constant 0 : i32
      %parallel_loop3A_319 = arith.constant 1 : i32
      %parallel_loop3A_320 = arith.index_cast %parallel_loop3A_317 : i32 to index
      %parallel_loop3A_321 = arith.index_cast %parallel_loop3A_318 : i32 to index
      %parallel_loop3A_322 = arith.index_cast %parallel_loop3A_319 : i32 to index
      %parallel_loop3A_323 = arith.index_cast %parallel_loop3A_316 : i32 to index
      %parallel_loop3A_324 = tpu.vector_load %arg7[%parallel_loop3A_320, %parallel_loop3A_321, %parallel_loop3A_322, %parallel_loop3A_323] {strides = array<i32>} : memref<2x8x4x576xf32, #tpu.memory_space<vmem>>, vector<16xf32>,
      tpu.vector_store %arg7[%parallel_loop3A_320, %parallel_loop3A_321, %parallel_loop3A_322, %parallel_loop3A_323], %parallel_loop3A_280 {strides = array<i32>} : memref<2x8x4x576xf32, #tpu.memory_space<vmem>>, vector<16xf32>,
      %parallel_loop3A_325 = arith.constant 16 : i32
      %parallel_loop3A_326 = arith.muli %parallel_loop3A_260, %parallel_loop3A_325 : i32
      %parallel_loop3A_327 = arith.constant 0 : i32
      %parallel_loop3A_328 = arith.constant 0 : i32
      %parallel_loop3A_329 = arith.constant 2 : i32
      %parallel_loop3A_330 = arith.index_cast %parallel_loop3A_327 : i32 to index
      %parallel_loop3A_331 = arith.index_cast %parallel_loop3A_328 : i32 to index
      %parallel_loop3A_332 = arith.index_cast %parallel_loop3A_329 : i32 to index
      %parallel_loop3A_333 = arith.index_cast %parallel_loop3A_326 : i32 to index
      %parallel_loop3A_334 = tpu.vector_load %arg7[%parallel_loop3A_330, %parallel_loop3A_331, %parallel_loop3A_332, %parallel_loop3A_333] {strides = array<i32>} : memref<2x8x4x576xf32, #tpu.memory_space<vmem>>, vector<16xf32>,
      tpu.vector_store %arg7[%parallel_loop3A_330, %parallel_loop3A_331, %parallel_loop3A_332, %parallel_loop3A_333], %parallel_loop3A_284 {strides = array<i32>} : memref<2x8x4x576xf32, #tpu.memory_space<vmem>>, vector<16xf32>,
      %parallel_loop3A_335 = arith.constant 16 : i32
      %parallel_loop3A_336 = arith.muli %parallel_loop3A_260, %parallel_loop3A_335 : i32
      %parallel_loop3A_337 = arith.constant 0 : i32
      %parallel_loop3A_338 = arith.constant 0 : i32
      %parallel_loop3A_339 = arith.constant 3 : i32
      %parallel_loop3A_340 = arith.index_cast %parallel_loop3A_337 : i32 to index
      %parallel_loop3A_341 = arith.index_cast %parallel_loop3A_338 : i32 to index
      %parallel_loop3A_342 = arith.index_cast %parallel_loop3A_339 : i32 to index
      %parallel_loop3A_343 = arith.index_cast %parallel_loop3A_336 : i32 to index
      %parallel_loop3A_344 = tpu.vector_load %arg7[%parallel_loop3A_340, %parallel_loop3A_341, %parallel_loop3A_342, %parallel_loop3A_343] {strides = array<i32>} : memref<2x8x4x576xf32, #tpu.memory_space<vmem>>, vector<16xf32>,
      tpu.vector_store %arg7[%parallel_loop3A_340, %parallel_loop3A_341, %parallel_loop3A_342, %parallel_loop3A_343], %parallel_loop3A_288 {strides = array<i32>} : memref<2x8x4x576xf32, #tpu.memory_space<vmem>>, vector<16xf32>,
      %parallel_loop3A_345 = arith.constant 16 : i32
      %parallel_loop3A_346 = arith.muli %parallel_loop3A_260, %parallel_loop3A_345 : i32
      %parallel_loop3A_347 = arith.constant 0 : i32
      %parallel_loop3A_348 = arith.constant 1 : i32
      %parallel_loop3A_349 = arith.constant 0 : i32
      %parallel_loop3A_350 = arith.index_cast %parallel_loop3A_347 : i32 to index
      %parallel_loop3A_351 = arith.index_cast %parallel_loop3A_348 : i32 to index
      %parallel_loop3A_352 = arith.index_cast %parallel_loop3A_349 : i32 to index
      %parallel_loop3A_353 = arith.index_cast %parallel_loop3A_346 : i32 to index
      %parallel_loop3A_354 = tpu.vector_load %arg7[%parallel_loop3A_350, %parallel_loop3A_351, %parallel_loop3A_352, %parallel_loop3A_353] {strides = array<i32>} : memref<2x8x4x576xf32, #tpu.memory_space<vmem>>, vector<16xf32>,
      tpu.vector_store %arg7[%parallel_loop3A_350, %parallel_loop3A_351, %parallel_loop3A_352, %parallel_loop3A_353], %parallel_loop3A_292 {strides = array<i32>} : memref<2x8x4x576xf32, #tpu.memory_space<vmem>>, vector<16xf32>,
      %parallel_loop3A_355 = arith.constant 16 : i32
      %parallel_loop3A_356 = arith.muli %parallel_loop3A_260, %parallel_loop3A_355 : i32
      %parallel_loop3A_357 = arith.constant 0 : i32
      %parallel_loop3A_358 = arith.constant 1 : i32
      %parallel_loop3A_359 = arith.constant 1 : i32
      %parallel_loop3A_360 = arith.index_cast %parallel_loop3A_357 : i32 to index
      %parallel_loop3A_361 = arith.index_cast %parallel_loop3A_358 : i32 to index
      %parallel_loop3A_362 = arith.index_cast %parallel_loop3A_359 : i32 to index
      %parallel_loop3A_363 = arith.index_cast %parallel_loop3A_356 : i32 to index
      %parallel_loop3A_364 = tpu.vector_load %arg7[%parallel_loop3A_360, %parallel_loop3A_361, %parallel_loop3A_362, %parallel_loop3A_363] {strides = array<i32>} : memref<2x8x4x576xf32, #tpu.memory_space<vmem>>, vector<16xf32>,
      tpu.vector_store %arg7[%parallel_loop3A_360, %parallel_loop3A_361, %parallel_loop3A_362, %parallel_loop3A_363], %parallel_loop3A_296 {strides = array<i32>} : memref<2x8x4x576xf32, #tpu.memory_space<vmem>>, vector<16xf32>,
      %parallel_loop3A_365 = arith.constant 16 : i32
      %parallel_loop3A_366 = arith.muli %parallel_loop3A_260, %parallel_loop3A_365 : i32
      %parallel_loop3A_367 = arith.constant 0 : i32
      %parallel_loop3A_368 = arith.constant 1 : i32
      %parallel_loop3A_369 = arith.constant 2 : i32
      %parallel_loop3A_370 = arith.index_cast %parallel_loop3A_367 : i32 to index
      %parallel_loop3A_371 = arith.index_cast %parallel_loop3A_368 : i32 to index
      %parallel_loop3A_372 = arith.index_cast %parallel_loop3A_369 : i32 to index
      %parallel_loop3A_373 = arith.index_cast %parallel_loop3A_366 : i32 to index
      %parallel_loop3A_374 = tpu.vector_load %arg7[%parallel_loop3A_370, %parallel_loop3A_371, %parallel_loop3A_372, %parallel_loop3A_373] {strides = array<i32>} : memref<2x8x4x576xf32, #tpu.memory_space<vmem>>, vector<16xf32>,
      tpu.vector_store %arg7[%parallel_loop3A_370, %parallel_loop3A_371, %parallel_loop3A_372, %parallel_loop3A_373], %parallel_loop3A_300 {strides = array<i32>} : memref<2x8x4x576xf32, #tpu.memory_space<vmem>>, vector<16xf32>,
      %parallel_loop3A_375 = arith.constant 16 : i32
      %parallel_loop3A_376 = arith.muli %parallel_loop3A_260, %parallel_loop3A_375 : i32
      %parallel_loop3A_377 = arith.constant 0 : i32
      %parallel_loop3A_378 = arith.constant 1 : i32
      %parallel_loop3A_379 = arith.constant 3 : i32
      %parallel_loop3A_380 = arith.index_cast %parallel_loop3A_377 : i32 to index
      %parallel_loop3A_381 = arith.index_cast %parallel_loop3A_378 : i32 to index
      %parallel_loop3A_382 = arith.index_cast %parallel_loop3A_379 : i32 to index
      %parallel_loop3A_383 = arith.index_cast %parallel_loop3A_376 : i32 to index
      %parallel_loop3A_384 = tpu.vector_load %arg7[%parallel_loop3A_380, %parallel_loop3A_381, %parallel_loop3A_382, %parallel_loop3A_383] {strides = array<i32>} : memref<2x8x4x576xf32, #tpu.memory_space<vmem>>, vector<16xf32>,
      tpu.vector_store %arg7[%parallel_loop3A_380, %parallel_loop3A_381, %parallel_loop3A_382, %parallel_loop3A_383], %parallel_loop3A_304 {strides = array<i32>} : memref<2x8x4x576xf32, #tpu.memory_space<vmem>>, vector<16xf32>,
      %parallel_loop3A_385 = arith.constant 16 : i32
      %parallel_loop3A_386 = arith.muli %parallel_loop3A_260, %parallel_loop3A_385 : i32
      %parallel_loop3A_387 = arith.constant 2 : i32
      %parallel_loop3A_388 = arith.index_cast %parallel_loop3A_387 : i32 to index
      %parallel_loop3A_389 = arith.index_cast %parallel_loop3A_386 : i32 to index
      %parallel_loop3A_390 = tpu.vector_load %arg6[%parallel_loop3A_388, %parallel_loop3A_389] {strides = array<i32>} : memref<8x576xi32, #tpu.memory_space<vmem>>, vector<16xi32>,
      %parallel_loop3A_391 = arith.constant 16 : i32
      %parallel_loop3A_392 = arith.muli %parallel_loop3A_260, %parallel_loop3A_391 : i32
      %parallel_loop3A_393 = arith.constant 3 : i32
      %parallel_loop3A_394 = arith.index_cast %parallel_loop3A_393 : i32 to index
      %parallel_loop3A_395 = arith.index_cast %parallel_loop3A_392 : i32 to index
      %parallel_loop3A_396 = tpu.vector_load %arg6[%parallel_loop3A_394, %parallel_loop3A_395] {strides = array<i32>} : memref<8x576xi32, #tpu.memory_space<vmem>>, vector<16xi32>,
      %parallel_loop3A_397 = arith.constant 0 : i32
      %parallel_loop3A_398 = vector.broadcast %parallel_loop3A_397 : i32 to vector<16xi32>
      %parallel_loop3A_399 = arith.addi %parallel_loop3A_390, %parallel_loop3A_398 : vector<16xi32>
      %parallel_loop3A_400 = tpu.vector_load_idx %arg5[%parallel_loop3A_399] : memref<4096xf32, #tpu.memory_space<vmem>>[vector<16xi32>], vector<16xf32>,
      %parallel_loop3A_401 = arith.constant 1024 : i32
      %parallel_loop3A_402 = vector.broadcast %parallel_loop3A_401 : i32 to vector<16xi32>
      %parallel_loop3A_403 = arith.addi %parallel_loop3A_390, %parallel_loop3A_402 : vector<16xi32>
      %parallel_loop3A_404 = tpu.vector_load_idx %arg5[%parallel_loop3A_403] : memref<4096xf32, #tpu.memory_space<vmem>>[vector<16xi32>], vector<16xf32>,
      %parallel_loop3A_405 = arith.constant 2048 : i32
      %parallel_loop3A_406 = vector.broadcast %parallel_loop3A_405 : i32 to vector<16xi32>
      %parallel_loop3A_407 = arith.addi %parallel_loop3A_390, %parallel_loop3A_406 : vector<16xi32>
      %parallel_loop3A_408 = tpu.vector_load_idx %arg5[%parallel_loop3A_407] : memref<4096xf32, #tpu.memory_space<vmem>>[vector<16xi32>], vector<16xf32>,
      %parallel_loop3A_409 = arith.constant 3072 : i32
      %parallel_loop3A_410 = vector.broadcast %parallel_loop3A_409 : i32 to vector<16xi32>
      %parallel_loop3A_411 = arith.addi %parallel_loop3A_390, %parallel_loop3A_410 : vector<16xi32>
      %parallel_loop3A_412 = tpu.vector_load_idx %arg5[%parallel_loop3A_411] : memref<4096xf32, #tpu.memory_space<vmem>>[vector<16xi32>], vector<16xf32>,
      %parallel_loop3A_413 = arith.constant 0 : i32
      %parallel_loop3A_414 = vector.broadcast %parallel_loop3A_413 : i32 to vector<16xi32>
      %parallel_loop3A_415 = arith.addi %parallel_loop3A_396, %parallel_loop3A_414 : vector<16xi32>
      %parallel_loop3A_416 = tpu.vector_load_idx %arg5[%parallel_loop3A_415] : memref<4096xf32, #tpu.memory_space<vmem>>[vector<16xi32>], vector<16xf32>,
      %parallel_loop3A_417 = arith.constant 1024 : i32
      %parallel_loop3A_418 = vector.broadcast %parallel_loop3A_417 : i32 to vector<16xi32>
      %parallel_loop3A_419 = arith.addi %parallel_loop3A_396, %parallel_loop3A_418 : vector<16xi32>
      %parallel_loop3A_420 = tpu.vector_load_idx %arg5[%parallel_loop3A_419] : memref<4096xf32, #tpu.memory_space<vmem>>[vector<16xi32>], vector<16xf32>,
      %parallel_loop3A_421 = arith.constant 2048 : i32
      %parallel_loop3A_422 = vector.broadcast %parallel_loop3A_421 : i32 to vector<16xi32>
      %parallel_loop3A_423 = arith.addi %parallel_loop3A_396, %parallel_loop3A_422 : vector<16xi32>
      %parallel_loop3A_424 = tpu.vector_load_idx %arg5[%parallel_loop3A_423] : memref<4096xf32, #tpu.memory_space<vmem>>[vector<16xi32>], vector<16xf32>,
      %parallel_loop3A_425 = arith.constant 3072 : i32
      %parallel_loop3A_426 = vector.broadcast %parallel_loop3A_425 : i32 to vector<16xi32>
      %parallel_loop3A_427 = arith.addi %parallel_loop3A_396, %parallel_loop3A_426 : vector<16xi32>
      %parallel_loop3A_428 = tpu.vector_load_idx %arg5[%parallel_loop3A_427] : memref<4096xf32, #tpu.memory_space<vmem>>[vector<16xi32>], vector<16xf32>,
      %parallel_loop3A_429 = arith.constant 16 : i32
      %parallel_loop3A_430 = arith.muli %parallel_loop3A_260, %parallel_loop3A_429 : i32
      %parallel_loop3A_431 = arith.constant 0 : i32
      %parallel_loop3A_432 = arith.constant 2 : i32
      %parallel_loop3A_433 = arith.constant 0 : i32
      %parallel_loop3A_434 = arith.index_cast %parallel_loop3A_431 : i32 to index
      %parallel_loop3A_435 = arith.index_cast %parallel_loop3A_432 : i32 to index
      %parallel_loop3A_436 = arith.index_cast %parallel_loop3A_433 : i32 to index
      %parallel_loop3A_437 = arith.index_cast %parallel_loop3A_430 : i32 to index
      %parallel_loop3A_438 = tpu.vector_load %arg7[%parallel_loop3A_434, %parallel_loop3A_435, %parallel_loop3A_436, %parallel_loop3A_437] {strides = array<i32>} : memref<2x8x4x576xf32, #tpu.memory_space<vmem>>, vector<16xf32>,
      tpu.vector_store %arg7[%parallel_loop3A_434, %parallel_loop3A_435, %parallel_loop3A_436, %parallel_loop3A_437], %parallel_loop3A_400 {strides = array<i32>} : memref<2x8x4x576xf32, #tpu.memory_space<vmem>>, vector<16xf32>,
      %parallel_loop3A_439 = arith.constant 16 : i32
      %parallel_loop3A_440 = arith.muli %parallel_loop3A_260, %parallel_loop3A_439 : i32
      %parallel_loop3A_441 = arith.constant 0 : i32
      %parallel_loop3A_442 = arith.constant 2 : i32
      %parallel_loop3A_443 = arith.constant 1 : i32
      %parallel_loop3A_444 = arith.index_cast %parallel_loop3A_441 : i32 to index
      %parallel_loop3A_445 = arith.index_cast %parallel_loop3A_442 : i32 to index
      %parallel_loop3A_446 = arith.index_cast %parallel_loop3A_443 : i32 to index
      %parallel_loop3A_447 = arith.index_cast %parallel_loop3A_440 : i32 to index
      %parallel_loop3A_448 = tpu.vector_load %arg7[%parallel_loop3A_444, %parallel_loop3A_445, %parallel_loop3A_446, %parallel_loop3A_447] {strides = array<i32>} : memref<2x8x4x576xf32, #tpu.memory_space<vmem>>, vector<16xf32>,
      tpu.vector_store %arg7[%parallel_loop3A_444, %parallel_loop3A_445, %parallel_loop3A_446, %parallel_loop3A_447], %parallel_loop3A_404 {strides = array<i32>} : memref<2x8x4x576xf32, #tpu.memory_space<vmem>>, vector<16xf32>,
      %parallel_loop3A_449 = arith.constant 16 : i32
      %parallel_loop3A_450 = arith.muli %parallel_loop3A_260, %parallel_loop3A_449 : i32
      %parallel_loop3A_451 = arith.constant 0 : i32
      %parallel_loop3A_452 = arith.constant 2 : i32
      %parallel_loop3A_453 = arith.constant 2 : i32
      %parallel_loop3A_454 = arith.index_cast %parallel_loop3A_451 : i32 to index
      %parallel_loop3A_455 = arith.index_cast %parallel_loop3A_452 : i32 to index
      %parallel_loop3A_456 = arith.index_cast %parallel_loop3A_453 : i32 to index
      %parallel_loop3A_457 = arith.index_cast %parallel_loop3A_450 : i32 to index
      %parallel_loop3A_458 = tpu.vector_load %arg7[%parallel_loop3A_454, %parallel_loop3A_455, %parallel_loop3A_456, %parallel_loop3A_457] {strides = array<i32>} : memref<2x8x4x576xf32, #tpu.memory_space<vmem>>, vector<16xf32>,
      tpu.vector_store %arg7[%parallel_loop3A_454, %parallel_loop3A_455, %parallel_loop3A_456, %parallel_loop3A_457], %parallel_loop3A_408 {strides = array<i32>} : memref<2x8x4x576xf32, #tpu.memory_space<vmem>>, vector<16xf32>,
      %parallel_loop3A_459 = arith.constant 16 : i32
      %parallel_loop3A_460 = arith.muli %parallel_loop3A_260, %parallel_loop3A_459 : i32
      %parallel_loop3A_461 = arith.constant 0 : i32
      %parallel_loop3A_462 = arith.constant 2 : i32
      %parallel_loop3A_463 = arith.constant 3 : i32
      %parallel_loop3A_464 = arith.index_cast %parallel_loop3A_461 : i32 to index
      %parallel_loop3A_465 = arith.index_cast %parallel_loop3A_462 : i32 to index
      %parallel_loop3A_466 = arith.index_cast %parallel_loop3A_463 : i32 to index
      %parallel_loop3A_467 = arith.index_cast %parallel_loop3A_460 : i32 to index
      %parallel_loop3A_468 = tpu.vector_load %arg7[%parallel_loop3A_464, %parallel_loop3A_465, %parallel_loop3A_466, %parallel_loop3A_467] {strides = array<i32>} : memref<2x8x4x576xf32, #tpu.memory_space<vmem>>, vector<16xf32>,
      tpu.vector_store %arg7[%parallel_loop3A_464, %parallel_loop3A_465, %parallel_loop3A_466, %parallel_loop3A_467], %parallel_loop3A_412 {strides = array<i32>} : memref<2x8x4x576xf32, #tpu.memory_space<vmem>>, vector<16xf32>,
      %parallel_loop3A_469 = arith.constant 16 : i32
      %parallel_loop3A_470 = arith.muli %parallel_loop3A_260, %parallel_loop3A_469 : i32
      %parallel_loop3A_471 = arith.constant 0 : i32
      %parallel_loop3A_472 = arith.constant 3 : i32
      %parallel_loop3A_473 = arith.constant 0 : i32
      %parallel_loop3A_474 = arith.index_cast %parallel_loop3A_471 : i32 to index
      %parallel_loop3A_475 = arith.index_cast %parallel_loop3A_472 : i32 to index
      %parallel_loop3A_476 = arith.index_cast %parallel_loop3A_473 : i32 to index
      %parallel_loop3A_477 = arith.index_cast %parallel_loop3A_470 : i32 to index
      %parallel_loop3A_478 = tpu.vector_load %arg7[%parallel_loop3A_474, %parallel_loop3A_475, %parallel_loop3A_476, %parallel_loop3A_477] {strides = array<i32>} : memref<2x8x4x576xf32, #tpu.memory_space<vmem>>, vector<16xf32>,
      tpu.vector_store %arg7[%parallel_loop3A_474, %parallel_loop3A_475, %parallel_loop3A_476, %parallel_loop3A_477], %parallel_loop3A_416 {strides = array<i32>} : memref<2x8x4x576xf32, #tpu.memory_space<vmem>>, vector<16xf32>,
      %parallel_loop3A_479 = arith.constant 16 : i32
      %parallel_loop3A_480 = arith.muli %parallel_loop3A_260, %parallel_loop3A_479 : i32
      %parallel_loop3A_481 = arith.constant 0 : i32
      %parallel_loop3A_482 = arith.constant 3 : i32
      %parallel_loop3A_483 = arith.constant 1 : i32
      %parallel_loop3A_484 = arith.index_cast %parallel_loop3A_481 : i32 to index
      %parallel_loop3A_485 = arith.index_cast %parallel_loop3A_482 : i32 to index
      %parallel_loop3A_486 = arith.index_cast %parallel_loop3A_483 : i32 to index
      %parallel_loop3A_487 = arith.index_cast %parallel_loop3A_480 : i32 to index
      %parallel_loop3A_488 = tpu.vector_load %arg7[%parallel_loop3A_484, %parallel_loop3A_485, %parallel_loop3A_486, %parallel_loop3A_487] {strides = array<i32>} : memref<2x8x4x576xf32, #tpu.memory_space<vmem>>, vector<16xf32>,
      tpu.vector_store %arg7[%parallel_loop3A_484, %parallel_loop3A_485, %parallel_loop3A_486, %parallel_loop3A_487], %parallel_loop3A_420 {strides = array<i32>} : memref<2x8x4x576xf32, #tpu.memory_space<vmem>>, vector<16xf32>,
      %parallel_loop3A_489 = arith.constant 16 : i32
      %parallel_loop3A_490 = arith.muli %parallel_loop3A_260, %parallel_loop3A_489 : i32
      %parallel_loop3A_491 = arith.constant 0 : i32
      %parallel_loop3A_492 = arith.constant 3 : i32
      %parallel_loop3A_493 = arith.constant 2 : i32
      %parallel_loop3A_494 = arith.index_cast %parallel_loop3A_491 : i32 to index
      %parallel_loop3A_495 = arith.index_cast %parallel_loop3A_492 : i32 to index
      %parallel_loop3A_496 = arith.index_cast %parallel_loop3A_493 : i32 to index
      %parallel_loop3A_497 = arith.index_cast %parallel_loop3A_490 : i32 to index
      %parallel_loop3A_498 = tpu.vector_load %arg7[%parallel_loop3A_494, %parallel_loop3A_495, %parallel_loop3A_496, %parallel_loop3A_497] {strides = array<i32>} : memref<2x8x4x576xf32, #tpu.memory_space<vmem>>, vector<16xf32>,
      tpu.vector_store %arg7[%parallel_loop3A_494, %parallel_loop3A_495, %parallel_loop3A_496, %parallel_loop3A_497], %parallel_loop3A_424 {strides = array<i32>} : memref<2x8x4x576xf32, #tpu.memory_space<vmem>>, vector<16xf32>,
      %parallel_loop3A_499 = arith.constant 16 : i32
      %parallel_loop3A_500 = arith.muli %parallel_loop3A_260, %parallel_loop3A_499 : i32
      %parallel_loop3A_501 = arith.constant 0 : i32
      %parallel_loop3A_502 = arith.constant 3 : i32
      %parallel_loop3A_503 = arith.constant 3 : i32
      %parallel_loop3A_504 = arith.index_cast %parallel_loop3A_501 : i32 to index
      %parallel_loop3A_505 = arith.index_cast %parallel_loop3A_502 : i32 to index
      %parallel_loop3A_506 = arith.index_cast %parallel_loop3A_503 : i32 to index
      %parallel_loop3A_507 = arith.index_cast %parallel_loop3A_500 : i32 to index
      %parallel_loop3A_508 = tpu.vector_load %arg7[%parallel_loop3A_504, %parallel_loop3A_505, %parallel_loop3A_506, %parallel_loop3A_507] {strides = array<i32>} : memref<2x8x4x576xf32, #tpu.memory_space<vmem>>, vector<16xf32>,
      tpu.vector_store %arg7[%parallel_loop3A_504, %parallel_loop3A_505, %parallel_loop3A_506, %parallel_loop3A_507], %parallel_loop3A_428 {strides = array<i32>} : memref<2x8x4x576xf32, #tpu.memory_space<vmem>>, vector<16xf32>,
      %parallel_loop3A_509 = arith.constant 16 : i32
      %parallel_loop3A_510 = arith.muli %parallel_loop3A_260, %parallel_loop3A_509 : i32
      %parallel_loop3A_511 = arith.constant 4 : i32
      %parallel_loop3A_512 = arith.index_cast %parallel_loop3A_511 : i32 to index
      %parallel_loop3A_513 = arith.index_cast %parallel_loop3A_510 : i32 to index
      %parallel_loop3A_514 = tpu.vector_load %arg6[%parallel_loop3A_512, %parallel_loop3A_513] {strides = array<i32>} : memref<8x576xi32, #tpu.memory_space<vmem>>, vector<16xi32>,
      %parallel_loop3A_515 = arith.constant 16 : i32
      %parallel_loop3A_516 = arith.muli %parallel_loop3A_260, %parallel_loop3A_515 : i32
      %parallel_loop3A_517 = arith.constant 5 : i32
      %parallel_loop3A_518 = arith.index_cast %parallel_loop3A_517 : i32 to index
      %parallel_loop3A_519 = arith.index_cast %parallel_loop3A_516 : i32 to index
      %parallel_loop3A_520 = tpu.vector_load %arg6[%parallel_loop3A_518, %parallel_loop3A_519] {strides = array<i32>} : memref<8x576xi32, #tpu.memory_space<vmem>>, vector<16xi32>,
      %parallel_loop3A_521 = arith.constant 0 : i32
      %parallel_loop3A_522 = vector.broadcast %parallel_loop3A_521 : i32 to vector<16xi32>
      %parallel_loop3A_523 = arith.addi %parallel_loop3A_514, %parallel_loop3A_522 : vector<16xi32>
      %parallel_loop3A_524 = tpu.vector_load_idx %arg5[%parallel_loop3A_523] : memref<4096xf32, #tpu.memory_space<vmem>>[vector<16xi32>], vector<16xf32>,
      %parallel_loop3A_525 = arith.constant 1024 : i32
      %parallel_loop3A_526 = vector.broadcast %parallel_loop3A_525 : i32 to vector<16xi32>
      %parallel_loop3A_527 = arith.addi %parallel_loop3A_514, %parallel_loop3A_526 : vector<16xi32>
      %parallel_loop3A_528 = tpu.vector_load_idx %arg5[%parallel_loop3A_527] : memref<4096xf32, #tpu.memory_space<vmem>>[vector<16xi32>], vector<16xf32>,
      %parallel_loop3A_529 = arith.constant 2048 : i32
      %parallel_loop3A_530 = vector.broadcast %parallel_loop3A_529 : i32 to vector<16xi32>
      %parallel_loop3A_531 = arith.addi %parallel_loop3A_514, %parallel_loop3A_530 : vector<16xi32>
      %parallel_loop3A_532 = tpu.vector_load_idx %arg5[%parallel_loop3A_531] : memref<4096xf32, #tpu.memory_space<vmem>>[vector<16xi32>], vector<16xf32>,
      %parallel_loop3A_533 = arith.constant 3072 : i32
      %parallel_loop3A_534 = vector.broadcast %parallel_loop3A_533 : i32 to vector<16xi32>
      %parallel_loop3A_535 = arith.addi %parallel_loop3A_514, %parallel_loop3A_534 : vector<16xi32>
      %parallel_loop3A_536 = tpu.vector_load_idx %arg5[%parallel_loop3A_535] : memref<4096xf32, #tpu.memory_space<vmem>>[vector<16xi32>], vector<16xf32>,
      %parallel_loop3A_537 = arith.constant 0 : i32
      %parallel_loop3A_538 = vector.broadcast %parallel_loop3A_537 : i32 to vector<16xi32>
      %parallel_loop3A_539 = arith.addi %parallel_loop3A_520, %parallel_loop3A_538 : vector<16xi32>
      %parallel_loop3A_540 = tpu.vector_load_idx %arg5[%parallel_loop3A_539] : memref<4096xf32, #tpu.memory_space<vmem>>[vector<16xi32>], vector<16xf32>,
      %parallel_loop3A_541 = arith.constant 1024 : i32
      %parallel_loop3A_542 = vector.broadcast %parallel_loop3A_541 : i32 to vector<16xi32>
      %parallel_loop3A_543 = arith.addi %parallel_loop3A_520, %parallel_loop3A_542 : vector<16xi32>
      %parallel_loop3A_544 = tpu.vector_load_idx %arg5[%parallel_loop3A_543] : memref<4096xf32, #tpu.memory_space<vmem>>[vector<16xi32>], vector<16xf32>,
      %parallel_loop3A_545 = arith.constant 2048 : i32
      %parallel_loop3A_546 = vector.broadcast %parallel_loop3A_545 : i32 to vector<16xi32>
      %parallel_loop3A_547 = arith.addi %parallel_loop3A_520, %parallel_loop3A_546 : vector<16xi32>
      %parallel_loop3A_548 = tpu.vector_load_idx %arg5[%parallel_loop3A_547] : memref<4096xf32, #tpu.memory_space<vmem>>[vector<16xi32>], vector<16xf32>,
      %parallel_loop3A_549 = arith.constant 3072 : i32
      %parallel_loop3A_550 = vector.broadcast %parallel_loop3A_549 : i32 to vector<16xi32>
      %parallel_loop3A_551 = arith.addi %parallel_loop3A_520, %parallel_loop3A_550 : vector<16xi32>
      %parallel_loop3A_552 = tpu.vector_load_idx %arg5[%parallel_loop3A_551] : memref<4096xf32, #tpu.memory_space<vmem>>[vector<16xi32>], vector<16xf32>,
      %parallel_loop3A_553 = arith.constant 16 : i32
      %parallel_loop3A_554 = arith.muli %parallel_loop3A_260, %parallel_loop3A_553 : i32
      %parallel_loop3A_555 = arith.constant 0 : i32
      %parallel_loop3A_556 = arith.constant 4 : i32
      %parallel_loop3A_557 = arith.constant 0 : i32
      %parallel_loop3A_558 = arith.index_cast %parallel_loop3A_555 : i32 to index
      %parallel_loop3A_559 = arith.index_cast %parallel_loop3A_556 : i32 to index
      %parallel_loop3A_560 = arith.index_cast %parallel_loop3A_557 : i32 to index
      %parallel_loop3A_561 = arith.index_cast %parallel_loop3A_554 : i32 to index
      %parallel_loop3A_562 = tpu.vector_load %arg7[%parallel_loop3A_558, %parallel_loop3A_559, %parallel_loop3A_560, %parallel_loop3A_561] {strides = array<i32>} : memref<2x8x4x576xf32, #tpu.memory_space<vmem>>, vector<16xf32>,
      tpu.vector_store %arg7[%parallel_loop3A_558, %parallel_loop3A_559, %parallel_loop3A_560, %parallel_loop3A_561], %parallel_loop3A_524 {strides = array<i32>} : memref<2x8x4x576xf32, #tpu.memory_space<vmem>>, vector<16xf32>,
      %parallel_loop3A_563 = arith.constant 16 : i32
      %parallel_loop3A_564 = arith.muli %parallel_loop3A_260, %parallel_loop3A_563 : i32
      %parallel_loop3A_565 = arith.constant 0 : i32
      %parallel_loop3A_566 = arith.constant 4 : i32
      %parallel_loop3A_567 = arith.constant 1 : i32
      %parallel_loop3A_568 = arith.index_cast %parallel_loop3A_565 : i32 to index
      %parallel_loop3A_569 = arith.index_cast %parallel_loop3A_566 : i32 to index
      %parallel_loop3A_570 = arith.index_cast %parallel_loop3A_567 : i32 to index
      %parallel_loop3A_571 = arith.index_cast %parallel_loop3A_564 : i32 to index
      %parallel_loop3A_572 = tpu.vector_load %arg7[%parallel_loop3A_568, %parallel_loop3A_569, %parallel_loop3A_570, %parallel_loop3A_571] {strides = array<i32>} : memref<2x8x4x576xf32, #tpu.memory_space<vmem>>, vector<16xf32>,
      tpu.vector_store %arg7[%parallel_loop3A_568, %parallel_loop3A_569, %parallel_loop3A_570, %parallel_loop3A_571], %parallel_loop3A_528 {strides = array<i32>} : memref<2x8x4x576xf32, #tpu.memory_space<vmem>>, vector<16xf32>,
      %parallel_loop3A_573 = arith.constant 16 : i32
      %parallel_loop3A_574 = arith.muli %parallel_loop3A_260, %parallel_loop3A_573 : i32
      %parallel_loop3A_575 = arith.constant 0 : i32
      %parallel_loop3A_576 = arith.constant 4 : i32
      %parallel_loop3A_577 = arith.constant 2 : i32
      %parallel_loop3A_578 = arith.index_cast %parallel_loop3A_575 : i32 to index
      %parallel_loop3A_579 = arith.index_cast %parallel_loop3A_576 : i32 to index
      %parallel_loop3A_580 = arith.index_cast %parallel_loop3A_577 : i32 to index
      %parallel_loop3A_581 = arith.index_cast %parallel_loop3A_574 : i32 to index
      %parallel_loop3A_582 = tpu.vector_load %arg7[%parallel_loop3A_578, %parallel_loop3A_579, %parallel_loop3A_580, %parallel_loop3A_581] {strides = array<i32>} : memref<2x8x4x576xf32, #tpu.memory_space<vmem>>, vector<16xf32>,
      tpu.vector_store %arg7[%parallel_loop3A_578, %parallel_loop3A_579, %parallel_loop3A_580, %parallel_loop3A_581], %parallel_loop3A_532 {strides = array<i32>} : memref<2x8x4x576xf32, #tpu.memory_space<vmem>>, vector<16xf32>,
      %parallel_loop3A_583 = arith.constant 16 : i32
      %parallel_loop3A_584 = arith.muli %parallel_loop3A_260, %parallel_loop3A_583 : i32
      %parallel_loop3A_585 = arith.constant 0 : i32
      %parallel_loop3A_586 = arith.constant 4 : i32
      %parallel_loop3A_587 = arith.constant 3 : i32
      %parallel_loop3A_588 = arith.index_cast %parallel_loop3A_585 : i32 to index
      %parallel_loop3A_589 = arith.index_cast %parallel_loop3A_586 : i32 to index
      %parallel_loop3A_590 = arith.index_cast %parallel_loop3A_587 : i32 to index
      %parallel_loop3A_591 = arith.index_cast %parallel_loop3A_584 : i32 to index
      %parallel_loop3A_592 = tpu.vector_load %arg7[%parallel_loop3A_588, %parallel_loop3A_589, %parallel_loop3A_590, %parallel_loop3A_591] {strides = array<i32>} : memref<2x8x4x576xf32, #tpu.memory_space<vmem>>, vector<16xf32>,
      tpu.vector_store %arg7[%parallel_loop3A_588, %parallel_loop3A_589, %parallel_loop3A_590, %parallel_loop3A_591], %parallel_loop3A_536 {strides = array<i32>} : memref<2x8x4x576xf32, #tpu.memory_space<vmem>>, vector<16xf32>,
      %parallel_loop3A_593 = arith.constant 16 : i32
      %parallel_loop3A_594 = arith.muli %parallel_loop3A_260, %parallel_loop3A_593 : i32
      %parallel_loop3A_595 = arith.constant 0 : i32
      %parallel_loop3A_596 = arith.constant 5 : i32
      %parallel_loop3A_597 = arith.constant 0 : i32
      %parallel_loop3A_598 = arith.index_cast %parallel_loop3A_595 : i32 to index
      %parallel_loop3A_599 = arith.index_cast %parallel_loop3A_596 : i32 to index
      %parallel_loop3A_600 = arith.index_cast %parallel_loop3A_597 : i32 to index
      %parallel_loop3A_601 = arith.index_cast %parallel_loop3A_594 : i32 to index
      %parallel_loop3A_602 = tpu.vector_load %arg7[%parallel_loop3A_598, %parallel_loop3A_599, %parallel_loop3A_600, %parallel_loop3A_601] {strides = array<i32>} : memref<2x8x4x576xf32, #tpu.memory_space<vmem>>, vector<16xf32>,
      tpu.vector_store %arg7[%parallel_loop3A_598, %parallel_loop3A_599, %parallel_loop3A_600, %parallel_loop3A_601], %parallel_loop3A_540 {strides = array<i32>} : memref<2x8x4x576xf32, #tpu.memory_space<vmem>>, vector<16xf32>,
      %parallel_loop3A_603 = arith.constant 16 : i32
      %parallel_loop3A_604 = arith.muli %parallel_loop3A_260, %parallel_loop3A_603 : i32
      %parallel_loop3A_605 = arith.constant 0 : i32
      %parallel_loop3A_606 = arith.constant 5 : i32
      %parallel_loop3A_607 = arith.constant 1 : i32
      %parallel_loop3A_608 = arith.index_cast %parallel_loop3A_605 : i32 to index
      %parallel_loop3A_609 = arith.index_cast %parallel_loop3A_606 : i32 to index
      %parallel_loop3A_610 = arith.index_cast %parallel_loop3A_607 : i32 to index
      %parallel_loop3A_611 = arith.index_cast %parallel_loop3A_604 : i32 to index
      %parallel_loop3A_612 = tpu.vector_load %arg7[%parallel_loop3A_608, %parallel_loop3A_609, %parallel_loop3A_610, %parallel_loop3A_611] {strides = array<i32>} : memref<2x8x4x576xf32, #tpu.memory_space<vmem>>, vector<16xf32>,
      tpu.vector_store %arg7[%parallel_loop3A_608, %parallel_loop3A_609, %parallel_loop3A_610, %parallel_loop3A_611], %parallel_loop3A_544 {strides = array<i32>} : memref<2x8x4x576xf32, #tpu.memory_space<vmem>>, vector<16xf32>,
      %parallel_loop3A_613 = arith.constant 16 : i32
      %parallel_loop3A_614 = arith.muli %parallel_loop3A_260, %parallel_loop3A_613 : i32
      %parallel_loop3A_615 = arith.constant 0 : i32
      %parallel_loop3A_616 = arith.constant 5 : i32
      %parallel_loop3A_617 = arith.constant 2 : i32
      %parallel_loop3A_618 = arith.index_cast %parallel_loop3A_615 : i32 to index
      %parallel_loop3A_619 = arith.index_cast %parallel_loop3A_616 : i32 to index
      %parallel_loop3A_620 = arith.index_cast %parallel_loop3A_617 : i32 to index
      %parallel_loop3A_621 = arith.index_cast %parallel_loop3A_614 : i32 to index
      %parallel_loop3A_622 = tpu.vector_load %arg7[%parallel_loop3A_618, %parallel_loop3A_619, %parallel_loop3A_620, %parallel_loop3A_621] {strides = array<i32>} : memref<2x8x4x576xf32, #tpu.memory_space<vmem>>, vector<16xf32>,
      tpu.vector_store %arg7[%parallel_loop3A_618, %parallel_loop3A_619, %parallel_loop3A_620, %parallel_loop3A_621], %parallel_loop3A_548 {strides = array<i32>} : memref<2x8x4x576xf32, #tpu.memory_space<vmem>>, vector<16xf32>,
      %parallel_loop3A_623 = arith.constant 16 : i32
      %parallel_loop3A_624 = arith.muli %parallel_loop3A_260, %parallel_loop3A_623 : i32
      %parallel_loop3A_625 = arith.constant 0 : i32
      %parallel_loop3A_626 = arith.constant 5 : i32
      %parallel_loop3A_627 = arith.constant 3 : i32
      %parallel_loop3A_628 = arith.index_cast %parallel_loop3A_625 : i32 to index
      %parallel_loop3A_629 = arith.index_cast %parallel_loop3A_626 : i32 to index
      %parallel_loop3A_630 = arith.index_cast %parallel_loop3A_627 : i32 to index
      %parallel_loop3A_631 = arith.index_cast %parallel_loop3A_624 : i32 to index
      %parallel_loop3A_632 = tpu.vector_load %arg7[%parallel_loop3A_628, %parallel_loop3A_629, %parallel_loop3A_630, %parallel_loop3A_631] {strides = array<i32>} : memref<2x8x4x576xf32, #tpu.memory_space<vmem>>, vector<16xf32>,
      tpu.vector_store %arg7[%parallel_loop3A_628, %parallel_loop3A_629, %parallel_loop3A_630, %parallel_loop3A_631], %parallel_loop3A_552 {strides = array<i32>} : memref<2x8x4x576xf32, #tpu.memory_space<vmem>>, vector<16xf32>,
      %parallel_loop3A_633 = arith.constant 16 : i32
      %parallel_loop3A_634 = arith.muli %parallel_loop3A_260, %parallel_loop3A_633 : i32
      %parallel_loop3A_635 = arith.constant 6 : i32
      %parallel_loop3A_636 = arith.index_cast %parallel_loop3A_635 : i32 to index
      %parallel_loop3A_637 = arith.index_cast %parallel_loop3A_634 : i32 to index
      %parallel_loop3A_638 = tpu.vector_load %arg6[%parallel_loop3A_636, %parallel_loop3A_637] {strides = array<i32>} : memref<8x576xi32, #tpu.memory_space<vmem>>, vector<16xi32>,
      %parallel_loop3A_639 = arith.constant 16 : i32
      %parallel_loop3A_640 = arith.muli %parallel_loop3A_260, %parallel_loop3A_639 : i32
      %parallel_loop3A_641 = arith.constant 7 : i32
      %parallel_loop3A_642 = arith.index_cast %parallel_loop3A_641 : i32 to index
      %parallel_loop3A_643 = arith.index_cast %parallel_loop3A_640 : i32 to index
      %parallel_loop3A_644 = tpu.vector_load %arg6[%parallel_loop3A_642, %parallel_loop3A_643] {strides = array<i32>} : memref<8x576xi32, #tpu.memory_space<vmem>>, vector<16xi32>,
      %parallel_loop3A_645 = arith.constant 0 : i32
      %parallel_loop3A_646 = vector.broadcast %parallel_loop3A_645 : i32 to vector<16xi32>
      %parallel_loop3A_647 = arith.addi %parallel_loop3A_638, %parallel_loop3A_646 : vector<16xi32>
      %parallel_loop3A_648 = tpu.vector_load_idx %arg5[%parallel_loop3A_647] : memref<4096xf32, #tpu.memory_space<vmem>>[vector<16xi32>], vector<16xf32>,
      %parallel_loop3A_649 = arith.constant 1024 : i32
      %parallel_loop3A_650 = vector.broadcast %parallel_loop3A_649 : i32 to vector<16xi32>
      %parallel_loop3A_651 = arith.addi %parallel_loop3A_638, %parallel_loop3A_650 : vector<16xi32>
      %parallel_loop3A_652 = tpu.vector_load_idx %arg5[%parallel_loop3A_651] : memref<4096xf32, #tpu.memory_space<vmem>>[vector<16xi32>], vector<16xf32>,
      %parallel_loop3A_653 = arith.constant 2048 : i32
      %parallel_loop3A_654 = vector.broadcast %parallel_loop3A_653 : i32 to vector<16xi32>
      %parallel_loop3A_655 = arith.addi %parallel_loop3A_638, %parallel_loop3A_654 : vector<16xi32>
      %parallel_loop3A_656 = tpu.vector_load_idx %arg5[%parallel_loop3A_655] : memref<4096xf32, #tpu.memory_space<vmem>>[vector<16xi32>], vector<16xf32>,
      %parallel_loop3A_657 = arith.constant 3072 : i32
      %parallel_loop3A_658 = vector.broadcast %parallel_loop3A_657 : i32 to vector<16xi32>
      %parallel_loop3A_659 = arith.addi %parallel_loop3A_638, %parallel_loop3A_658 : vector<16xi32>
      %parallel_loop3A_660 = tpu.vector_load_idx %arg5[%parallel_loop3A_659] : memref<4096xf32, #tpu.memory_space<vmem>>[vector<16xi32>], vector<16xf32>,
      %parallel_loop3A_661 = arith.constant 0 : i32
      %parallel_loop3A_662 = vector.broadcast %parallel_loop3A_661 : i32 to vector<16xi32>
      %parallel_loop3A_663 = arith.addi %parallel_loop3A_644, %parallel_loop3A_662 : vector<16xi32>
      %parallel_loop3A_664 = tpu.vector_load_idx %arg5[%parallel_loop3A_663] : memref<4096xf32, #tpu.memory_space<vmem>>[vector<16xi32>], vector<16xf32>,
      %parallel_loop3A_665 = arith.constant 1024 : i32
      %parallel_loop3A_666 = vector.broadcast %parallel_loop3A_665 : i32 to vector<16xi32>
      %parallel_loop3A_667 = arith.addi %parallel_loop3A_644, %parallel_loop3A_666 : vector<16xi32>
      %parallel_loop3A_668 = tpu.vector_load_idx %arg5[%parallel_loop3A_667] : memref<4096xf32, #tpu.memory_space<vmem>>[vector<16xi32>], vector<16xf32>,
      %parallel_loop3A_669 = arith.constant 2048 : i32
      %parallel_loop3A_670 = vector.broadcast %parallel_loop3A_669 : i32 to vector<16xi32>
      %parallel_loop3A_671 = arith.addi %parallel_loop3A_644, %parallel_loop3A_670 : vector<16xi32>
      %parallel_loop3A_672 = tpu.vector_load_idx %arg5[%parallel_loop3A_671] : memref<4096xf32, #tpu.memory_space<vmem>>[vector<16xi32>], vector<16xf32>,
      %parallel_loop3A_673 = arith.constant 3072 : i32
      %parallel_loop3A_674 = vector.broadcast %parallel_loop3A_673 : i32 to vector<16xi32>
      %parallel_loop3A_675 = arith.addi %parallel_loop3A_644, %parallel_loop3A_674 : vector<16xi32>
      %parallel_loop3A_676 = tpu.vector_load_idx %arg5[%parallel_loop3A_675] : memref<4096xf32, #tpu.memory_space<vmem>>[vector<16xi32>], vector<16xf32>,
      %parallel_loop3A_677 = arith.constant 16 : i32
      %parallel_loop3A_678 = arith.muli %parallel_loop3A_260, %parallel_loop3A_677 : i32
      %parallel_loop3A_679 = arith.constant 0 : i32
      %parallel_loop3A_680 = arith.constant 6 : i32
      %parallel_loop3A_681 = arith.constant 0 : i32
      %parallel_loop3A_682 = arith.index_cast %parallel_loop3A_679 : i32 to index
      %parallel_loop3A_683 = arith.index_cast %parallel_loop3A_680 : i32 to index
      %parallel_loop3A_684 = arith.index_cast %parallel_loop3A_681 : i32 to index
      %parallel_loop3A_685 = arith.index_cast %parallel_loop3A_678 : i32 to index
      %parallel_loop3A_686 = tpu.vector_load %arg7[%parallel_loop3A_682, %parallel_loop3A_683, %parallel_loop3A_684, %parallel_loop3A_685] {strides = array<i32>} : memref<2x8x4x576xf32, #tpu.memory_space<vmem>>, vector<16xf32>,
      tpu.vector_store %arg7[%parallel_loop3A_682, %parallel_loop3A_683, %parallel_loop3A_684, %parallel_loop3A_685], %parallel_loop3A_648 {strides = array<i32>} : memref<2x8x4x576xf32, #tpu.memory_space<vmem>>, vector<16xf32>,
      %parallel_loop3A_687 = arith.constant 16 : i32
      %parallel_loop3A_688 = arith.muli %parallel_loop3A_260, %parallel_loop3A_687 : i32
      %parallel_loop3A_689 = arith.constant 0 : i32
      %parallel_loop3A_690 = arith.constant 6 : i32
      %parallel_loop3A_691 = arith.constant 1 : i32
      %parallel_loop3A_692 = arith.index_cast %parallel_loop3A_689 : i32 to index
      %parallel_loop3A_693 = arith.index_cast %parallel_loop3A_690 : i32 to index
      %parallel_loop3A_694 = arith.index_cast %parallel_loop3A_691 : i32 to index
      %parallel_loop3A_695 = arith.index_cast %parallel_loop3A_688 : i32 to index
      %parallel_loop3A_696 = tpu.vector_load %arg7[%parallel_loop3A_692, %parallel_loop3A_693, %parallel_loop3A_694, %parallel_loop3A_695] {strides = array<i32>} : memref<2x8x4x576xf32, #tpu.memory_space<vmem>>, vector<16xf32>,
      tpu.vector_store %arg7[%parallel_loop3A_692, %parallel_loop3A_693, %parallel_loop3A_694, %parallel_loop3A_695], %parallel_loop3A_652 {strides = array<i32>} : memref<2x8x4x576xf32, #tpu.memory_space<vmem>>, vector<16xf32>,
      %parallel_loop3A_697 = arith.constant 16 : i32
      %parallel_loop3A_698 = arith.muli %parallel_loop3A_260, %parallel_loop3A_697 : i32
      %parallel_loop3A_699 = arith.constant 0 : i32
      %parallel_loop3A_700 = arith.constant 6 : i32
      %parallel_loop3A_701 = arith.constant 2 : i32
      %parallel_loop3A_702 = arith.index_cast %parallel_loop3A_699 : i32 to index
      %parallel_loop3A_703 = arith.index_cast %parallel_loop3A_700 : i32 to index
      %parallel_loop3A_704 = arith.index_cast %parallel_loop3A_701 : i32 to index
      %parallel_loop3A_705 = arith.index_cast %parallel_loop3A_698 : i32 to index
      %parallel_loop3A_706 = tpu.vector_load %arg7[%parallel_loop3A_702, %parallel_loop3A_703, %parallel_loop3A_704, %parallel_loop3A_705] {strides = array<i32>} : memref<2x8x4x576xf32, #tpu.memory_space<vmem>>, vector<16xf32>,
      tpu.vector_store %arg7[%parallel_loop3A_702, %parallel_loop3A_703, %parallel_loop3A_704, %parallel_loop3A_705], %parallel_loop3A_656 {strides = array<i32>} : memref<2x8x4x576xf32, #tpu.memory_space<vmem>>, vector<16xf32>,
      %parallel_loop3A_707 = arith.constant 16 : i32
      %parallel_loop3A_708 = arith.muli %parallel_loop3A_260, %parallel_loop3A_707 : i32
      %parallel_loop3A_709 = arith.constant 0 : i32
      %parallel_loop3A_710 = arith.constant 6 : i32
      %parallel_loop3A_711 = arith.constant 3 : i32
      %parallel_loop3A_712 = arith.index_cast %parallel_loop3A_709 : i32 to index
      %parallel_loop3A_713 = arith.index_cast %parallel_loop3A_710 : i32 to index
      %parallel_loop3A_714 = arith.index_cast %parallel_loop3A_711 : i32 to index
      %parallel_loop3A_715 = arith.index_cast %parallel_loop3A_708 : i32 to index
      %parallel_loop3A_716 = tpu.vector_load %arg7[%parallel_loop3A_712, %parallel_loop3A_713, %parallel_loop3A_714, %parallel_loop3A_715] {strides = array<i32>} : memref<2x8x4x576xf32, #tpu.memory_space<vmem>>, vector<16xf32>,
      tpu.vector_store %arg7[%parallel_loop3A_712, %parallel_loop3A_713, %parallel_loop3A_714, %parallel_loop3A_715], %parallel_loop3A_660 {strides = array<i32>} : memref<2x8x4x576xf32, #tpu.memory_space<vmem>>, vector<16xf32>,
      %parallel_loop3A_717 = arith.constant 16 : i32
      %parallel_loop3A_718 = arith.muli %parallel_loop3A_260, %parallel_loop3A_717 : i32
      %parallel_loop3A_719 = arith.constant 0 : i32
      %parallel_loop3A_720 = arith.constant 7 : i32
      %parallel_loop3A_721 = arith.constant 0 : i32
      %parallel_loop3A_722 = arith.index_cast %parallel_loop3A_719 : i32 to index
      %parallel_loop3A_723 = arith.index_cast %parallel_loop3A_720 : i32 to index
      %parallel_loop3A_724 = arith.index_cast %parallel_loop3A_721 : i32 to index
      %parallel_loop3A_725 = arith.index_cast %parallel_loop3A_718 : i32 to index
      %parallel_loop3A_726 = tpu.vector_load %arg7[%parallel_loop3A_722, %parallel_loop3A_723, %parallel_loop3A_724, %parallel_loop3A_725] {strides = array<i32>} : memref<2x8x4x576xf32, #tpu.memory_space<vmem>>, vector<16xf32>,
      tpu.vector_store %arg7[%parallel_loop3A_722, %parallel_loop3A_723, %parallel_loop3A_724, %parallel_loop3A_725], %parallel_loop3A_664 {strides = array<i32>} : memref<2x8x4x576xf32, #tpu.memory_space<vmem>>, vector<16xf32>,
      %parallel_loop3A_727 = arith.constant 16 : i32
      %parallel_loop3A_728 = arith.muli %parallel_loop3A_260, %parallel_loop3A_727 : i32
      %parallel_loop3A_729 = arith.constant 0 : i32
      %parallel_loop3A_730 = arith.constant 7 : i32
      %parallel_loop3A_731 = arith.constant 1 : i32
      %parallel_loop3A_732 = arith.index_cast %parallel_loop3A_729 : i32 to index
      %parallel_loop3A_733 = arith.index_cast %parallel_loop3A_730 : i32 to index
      %parallel_loop3A_734 = arith.index_cast %parallel_loop3A_731 : i32 to index
      %parallel_loop3A_735 = arith.index_cast %parallel_loop3A_728 : i32 to index
      %parallel_loop3A_736 = tpu.vector_load %arg7[%parallel_loop3A_732, %parallel_loop3A_733, %parallel_loop3A_734, %parallel_loop3A_735] {strides = array<i32>} : memref<2x8x4x576xf32, #tpu.memory_space<vmem>>, vector<16xf32>,
      tpu.vector_store %arg7[%parallel_loop3A_732, %parallel_loop3A_733, %parallel_loop3A_734, %parallel_loop3A_735], %parallel_loop3A_668 {strides = array<i32>} : memref<2x8x4x576xf32, #tpu.memory_space<vmem>>, vector<16xf32>,
      %parallel_loop3A_737 = arith.constant 16 : i32
      %parallel_loop3A_738 = arith.muli %parallel_loop3A_260, %parallel_loop3A_737 : i32
      %parallel_loop3A_739 = arith.constant 0 : i32
      %parallel_loop3A_740 = arith.constant 7 : i32
      %parallel_loop3A_741 = arith.constant 2 : i32
      %parallel_loop3A_742 = arith.index_cast %parallel_loop3A_739 : i32 to index
      %parallel_loop3A_743 = arith.index_cast %parallel_loop3A_740 : i32 to index
      %parallel_loop3A_744 = arith.index_cast %parallel_loop3A_741 : i32 to index
      %parallel_loop3A_745 = arith.index_cast %parallel_loop3A_738 : i32 to index
      %parallel_loop3A_746 = tpu.vector_load %arg7[%parallel_loop3A_742, %parallel_loop3A_743, %parallel_loop3A_744, %parallel_loop3A_745] {strides = array<i32>} : memref<2x8x4x576xf32, #tpu.memory_space<vmem>>, vector<16xf32>,
      tpu.vector_store %arg7[%parallel_loop3A_742, %parallel_loop3A_743, %parallel_loop3A_744, %parallel_loop3A_745], %parallel_loop3A_672 {strides = array<i32>} : memref<2x8x4x576xf32, #tpu.memory_space<vmem>>, vector<16xf32>,
      %parallel_loop3A_747 = arith.constant 16 : i32
      %parallel_loop3A_748 = arith.muli %parallel_loop3A_260, %parallel_loop3A_747 : i32
      %parallel_loop3A_749 = arith.constant 0 : i32
      %parallel_loop3A_750 = arith.constant 7 : i32
      %parallel_loop3A_751 = arith.constant 3 : i32
      %parallel_loop3A_752 = arith.index_cast %parallel_loop3A_749 : i32 to index
      %parallel_loop3A_753 = arith.index_cast %parallel_loop3A_750 : i32 to index
      %parallel_loop3A_754 = arith.index_cast %parallel_loop3A_751 : i32 to index
      %parallel_loop3A_755 = arith.index_cast %parallel_loop3A_748 : i32 to index
      %parallel_loop3A_756 = tpu.vector_load %arg7[%parallel_loop3A_752, %parallel_loop3A_753, %parallel_loop3A_754, %parallel_loop3A_755] {strides = array<i32>} : memref<2x8x4x576xf32, #tpu.memory_space<vmem>>, vector<16xf32>,
      tpu.vector_store %arg7[%parallel_loop3A_752, %parallel_loop3A_753, %parallel_loop3A_754, %parallel_loop3A_755], %parallel_loop3A_676 {strides = array<i32>} : memref<2x8x4x576xf32, #tpu.memory_space<vmem>>, vector<16xf32>,
    } {sc.loop_unroll_factor = 1 : i64, sc.parallel_access}
    %dma_start3A_209 = arith.constant 0 : i32
    %dma_start3A_210 = arith.constant 0 : i32
    %dma_start3A_211 = arith.constant 0 : i32
    %dma_start3A_212 = arith.constant 0 : i32
    %dma_start3A_213 = tpu.memref_slice %arg7[%dma_start3A_209, %dma_start3A_210, %dma_start3A_211, %dma_start3A_212] : memref<2x8x4x576xf32, #tpu.memory_space<vmem>> -> memref<1x8x4x576xf32, #tpu.memory_space<vmem>>
    %dma_start3A_214 = tpu.memref_squeeze %dma_start3A_213 : memref<1x8x4x576xf32, #tpu.memory_space<vmem>> -> memref<8x4x576xf32, #tpu.memory_space<vmem>>
    %dma_start3A_215 = arith.constant 0 : i32
    %dma_start3A_216 = arith.constant 0 : i32
    %dma_start3A_217 = tpu.memref_slice %arg4[%dma_start3A_215, %add3A_169, %dma_start3A_216] : memref<8x384x576xf32, #tpu.memory_space<hbm>> -> memref<8x4x576xf32, #tpu.memory_space<hbm>>
    %dma_start3A_218 = arith.constant 0 : i32
    %dma_start3A_219 = arith.constant 0 : i32
    %dma_start3A_220 = tpu.memref_slice %arg4[%dma_start3A_218, %add3A_169, %dma_start3A_219] : memref<8x384x576xf32, #tpu.memory_space<hbm>> -> memref<8x4x576xf32, #tpu.memory_space<hbm>>
    %dma_start3A_221 = arith.constant 0 : i32
    %dma_start3A_222 = arith.constant 0 : i32
    %dma_start3A_223 = arith.constant 0 : i32
    %dma_start3A_224 = tpu.memref_slice %arg7[%dma_start3A_209, %dma_start3A_221, %dma_start3A_222, %dma_start3A_223] : memref<2x8x4x576xf32, #tpu.memory_space<vmem>> -> memref<1x8x4x576xf32, #tpu.memory_space<vmem>>
    %dma_start3A_225 = tpu.memref_squeeze %dma_start3A_224 : memref<1x8x4x576xf32, #tpu.memory_space<vmem>> -> memref<8x4x576xf32, #tpu.memory_space<vmem>>
    tpu.enqueue_dma source(%dma_start3A_225 : memref<8x4x576xf32, #tpu.memory_space<vmem>>) target(%dma_start3A_220 : memref<8x4x576xf32, #tpu.memory_space<hbm>>) target_semaphore(%arg8 : memref<!tpu.dma_semaphore, #tpu.memory_space<semaphore_mem>>)
    %dma_wait3A_226 = arith.constant 0 : i32
    %dma_wait3A_227 = arith.constant 0 : i32
    %dma_wait3A_228 = arith.constant 0 : i32
    %dma_wait3A_229 = arith.constant 0 : i32
    %dma_wait3A_230 = tpu.memref_slice %arg7[%dma_wait3A_226, %dma_wait3A_227, %dma_wait3A_228, %dma_wait3A_229] : memref<2x8x4x576xf32, #tpu.memory_space<vmem>> -> memref<1x8x4x576xf32, #tpu.memory_space<vmem>>
    %dma_wait3A_231 = tpu.memref_squeeze %dma_wait3A_230 : memref<1x8x4x576xf32, #tpu.memory_space<vmem>> -> memref<8x4x576xf32, #tpu.memory_space<vmem>>
    %dma_wait3A_232 = arith.constant 0 : i32
    %dma_wait3A_233 = arith.constant 0 : i32
    %dma_wait3A_234 = tpu.memref_slice %arg4[%dma_wait3A_232, %add3A_169, %dma_wait3A_233] : memref<8x384x576xf32, #tpu.memory_space<hbm>> -> memref<8x4x576xf32, #tpu.memory_space<hbm>>
    %dma_wait3A_235 = arith.constant 0 : i32
    %dma_wait3A_236 = arith.constant 0 : i32
    %dma_wait3A_237 = tpu.memref_slice %arg4[%dma_wait3A_235, %add3A_169, %dma_wait3A_236] : memref<8x384x576xf32, #tpu.memory_space<hbm>> -> memref<8x4x576xf32, #tpu.memory_space<hbm>>
    %dma_wait3A_238 = arith.constant 0 : i32
    %dma_wait3A_239 = arith.constant 0 : i32
    %dma_wait3A_240 = arith.constant 0 : i32
    %dma_wait3A_241 = tpu.memref_slice %arg7[%dma_wait3A_226, %dma_wait3A_238, %dma_wait3A_239, %dma_wait3A_240] : memref<2x8x4x576xf32, #tpu.memory_space<vmem>> -> memref<1x8x4x576xf32, #tpu.memory_space<vmem>>
    %dma_wait3A_242 = tpu.memref_squeeze %dma_wait3A_241 : memref<1x8x4x576xf32, #tpu.memory_space<vmem>> -> memref<8x4x576xf32, #tpu.memory_space<vmem>>
    tpu.wait_dma2 semaphore(%arg8 : memref<!tpu.dma_semaphore, #tpu.memory_space<semaphore_mem>>) src(%dma_wait3A_242 : memref<8x4x576xf32, #tpu.memory_space<vmem>>) dst(%dma_wait3A_237 : memref<8x4x576xf32, #tpu.memory_space<hbm>>)
    %dma_wait3A_243 = arith.constant 1 : i32
    %dma_wait3A_244 = arith.constant 0 : i32
    %dma_wait3A_245 = arith.constant 0 : i32
    %dma_wait3A_246 = arith.constant 0 : i32
    %dma_wait3A_247 = tpu.memref_slice %arg7[%dma_wait3A_243, %dma_wait3A_244, %dma_wait3A_245, %dma_wait3A_246] : memref<2x8x4x576xf32, #tpu.memory_space<vmem>> -> memref<1x8x4x576xf32, #tpu.memory_space<vmem>>
    %dma_wait3A_248 = tpu.memref_squeeze %dma_wait3A_247 : memref<1x8x4x576xf32, #tpu.memory_space<vmem>> -> memref<8x4x576xf32, #tpu.memory_space<vmem>>
    %dma_wait3A_249 = arith.constant 0 : i32
    %dma_wait3A_250 = arith.constant 0 : i32
    %dma_wait3A_251 = tpu.memref_slice %arg4[%dma_wait3A_249, %add3A_96, %dma_wait3A_250] : memref<8x384x576xf32, #tpu.memory_space<hbm>> -> memref<8x4x576xf32, #tpu.memory_space<hbm>>
    %dma_wait3A_252 = arith.constant 0 : i32
    %dma_wait3A_253 = arith.constant 0 : i32
    %dma_wait3A_254 = tpu.memref_slice %arg4[%dma_wait3A_252, %add3A_96, %dma_wait3A_253] : memref<8x384x576xf32, #tpu.memory_space<hbm>> -> memref<8x4x576xf32, #tpu.memory_space<hbm>>
    %dma_wait3A_255 = arith.constant 0 : i32
    %dma_wait3A_256 = arith.constant 0 : i32
    %dma_wait3A_257 = arith.constant 0 : i32
    %dma_wait3A_258 = tpu.memref_slice %arg7[%dma_wait3A_243, %dma_wait3A_255, %dma_wait3A_256, %dma_wait3A_257] : memref<2x8x4x576xf32, #tpu.memory_space<vmem>> -> memref<1x8x4x576xf32, #tpu.memory_space<vmem>>
    %dma_wait3A_259 = tpu.memref_squeeze %dma_wait3A_258 : memref<1x8x4x576xf32, #tpu.memory_space<vmem>> -> memref<8x4x576xf32, #tpu.memory_space<vmem>>
    tpu.wait_dma2 semaphore(%arg8 : memref<!tpu.dma_semaphore, #tpu.memory_space<semaphore_mem>>) src(%dma_wait3A_259 : memref<8x4x576xf32, #tpu.memory_space<vmem>>) dst(%dma_wait3A_254 : memref<8x4x576xf32, #tpu.memory_space<hbm>>)
    return
  }
}

module attributes {stable_mosaic.version = 14 : i64} {
  func.func @_tc_body(%arg0: i32, %arg1: memref<1x576x384xf32, #tpu.memory_space<vmem>>, %arg2: memref<384x384xf32, #tpu.memory_space<vmem>>, %arg3: memref<1x384xf32, #tpu.memory_space<vmem>>, %arg4: memref<6x64x1024xf32, #tpu.memory_space<vmem>>, %arg5: memref<1x576x384xf32, #tpu.memory_space<vmem>>, %arg6: memref<1x6x576xi32, #tpu.memory_space<vmem>>, %arg7: memref<6x1x1024xf32, #tpu.memory_space<vmem>>, %arg8: memref<6x64x1024xbf16, #tpu.memory_space<vmem>>, %arg9: memref<384x384xbf16, #tpu.memory_space<vmem>>, %arg10: memref<576x1024xf32, #tpu.memory_space<vmem>>) attributes {dimension_semantics = [#tpu.dimension_semantics<arbitrary>], iteration_bounds = array<i64: 8>, scalar_prefetch = 0 : i64, scratch_operands = 4 : i64, tpu.core_type = #tpu.core_type<tc>, window_params = [{transform_indices = @transform_0, window_bounds = array<i64: 1, 576, 384>}, {pipeline_mode = #tpu.pipeline_mode<synchronous>, transform_indices = @transform_1, window_bounds = array<i64: 384, 384>}, {pipeline_mode = #tpu.pipeline_mode<synchronous>, transform_indices = @transform_2, window_bounds = array<i64: 1, 384>}, {pipeline_mode = #tpu.pipeline_mode<synchronous>, transform_indices = @transform_3, window_bounds = array<i64: 6, 64, 1024>}, {transform_indices = @transform_4, window_bounds = array<i64: 1, 576, 384>}, {transform_indices = @transform_5, window_bounds = array<i64: 1, 6, 576>}]} {
    %eq3A = arith.constant 0 : i32
    %eq3A_0 = arith.cmpi eq, %arg0, %eq3A : i32
    %convert_element_type3A = arith.extui %eq3A_0 : i1 to i32
    %cond3A = arith.constant 0 : i32
    %cond3A_1 = arith.cmpi ne, %convert_element_type3A, %cond3A : i32
    scf.if %cond3A_1 {
      %get3A_241 = arith.constant 0 : index
      %get3A_242 = arith.constant 0 : index
      %get3A_243 = arith.constant 0 : index
      %get3A_244 = vector.load %arg4[%get3A_241, %get3A_242, %get3A_243] : memref<6x64x1024xf32, #tpu.memory_space<vmem>>, vector<1x64x1024xf32>
      %get3A_245 = vector.shape_cast %get3A_244 : vector<1x64x1024xf32> to vector<64x1024xf32>
      %mul3A_246 = arith.mulf %get3A_245, %get3A_245 : vector<64x1024xf32>
      %reduce_sum3A_247 = arith.constant dense<0.000000e+00> : vector<1024xf32>
      %reduce_sum3A_248 = vector.multi_reduction <add>, %mul3A_246, %reduce_sum3A_247 [0] : vector<64x1024xf32> to vector<1024xf32>
      %broadcast_in_dim3A_249 = vector.shape_cast %reduce_sum3A_248 : vector<1024xf32> to vector<1x1024xf32>
      %swap3A_250 = arith.constant 0 : index
      %swap3A_251 = arith.constant 0 : index
      %swap3A_252 = arith.constant 0 : index
      %swap3A_253 = vector.load %arg7[%swap3A_250, %swap3A_251, %swap3A_252] : memref<6x1x1024xf32, #tpu.memory_space<vmem>>, vector<1x1x1024xf32>
      %swap3A_254 = vector.shape_cast %swap3A_253 : vector<1x1x1024xf32> to vector<1x1024xf32>
      %swap3A_255 = vector.shape_cast %broadcast_in_dim3A_249 : vector<1x1024xf32> to vector<1x1x1024xf32>
      tpu.vector_store %arg7[%swap3A_250, %swap3A_251, %swap3A_252], %swap3A_255 {strides = array<i32>} : memref<6x1x1024xf32, #tpu.memory_space<vmem>>, vector<1x1x1024xf32>,
      %mul3A_256 = arith.constant -2.000000e+00 : f32
      %mul3A_257 = vector.broadcast %mul3A_256 : f32 to vector<64x1024xf32>
      %mul3A_258 = arith.mulf %mul3A_257, %get3A_245 : vector<64x1024xf32>
      %convert_element_type3A_259 = arith.truncf %mul3A_258 : vector<64x1024xf32> to vector<64x1024xbf16>
      %swap3A_260 = arith.constant 0 : index
      %swap3A_261 = arith.constant 0 : index
      %swap3A_262 = arith.constant 0 : index
      %swap3A_263 = vector.load %arg8[%swap3A_260, %swap3A_261, %swap3A_262] : memref<6x64x1024xbf16, #tpu.memory_space<vmem>>, vector<1x64x1024xbf16>
      %swap3A_264 = vector.shape_cast %swap3A_263 : vector<1x64x1024xbf16> to vector<64x1024xbf16>
      %swap3A_265 = vector.shape_cast %convert_element_type3A_259 : vector<64x1024xbf16> to vector<1x64x1024xbf16>
      tpu.vector_store %arg8[%swap3A_260, %swap3A_261, %swap3A_262], %swap3A_265 {strides = array<i32>} : memref<6x64x1024xbf16, #tpu.memory_space<vmem>>, vector<1x64x1024xbf16>,
      %get3A_266 = arith.constant 1 : index
      %get3A_267 = arith.constant 0 : index
      %get3A_268 = arith.constant 0 : index
      %get3A_269 = vector.load %arg4[%get3A_266, %get3A_267, %get3A_268] : memref<6x64x1024xf32, #tpu.memory_space<vmem>>, vector<1x64x1024xf32>
      %get3A_270 = vector.shape_cast %get3A_269 : vector<1x64x1024xf32> to vector<64x1024xf32>
      %mul3A_271 = arith.mulf %get3A_270, %get3A_270 : vector<64x1024xf32>
      %reduce_sum3A_272 = arith.constant dense<0.000000e+00> : vector<1024xf32>
      %reduce_sum3A_273 = vector.multi_reduction <add>, %mul3A_271, %reduce_sum3A_272 [0] : vector<64x1024xf32> to vector<1024xf32>
      %broadcast_in_dim3A_274 = vector.shape_cast %reduce_sum3A_273 : vector<1024xf32> to vector<1x1024xf32>
      %swap3A_275 = arith.constant 1 : index
      %swap3A_276 = arith.constant 0 : index
      %swap3A_277 = arith.constant 0 : index
      %swap3A_278 = vector.load %arg7[%swap3A_275, %swap3A_276, %swap3A_277] : memref<6x1x1024xf32, #tpu.memory_space<vmem>>, vector<1x1x1024xf32>
      %swap3A_279 = vector.shape_cast %swap3A_278 : vector<1x1x1024xf32> to vector<1x1024xf32>
      %swap3A_280 = vector.shape_cast %broadcast_in_dim3A_274 : vector<1x1024xf32> to vector<1x1x1024xf32>
      tpu.vector_store %arg7[%swap3A_275, %swap3A_276, %swap3A_277], %swap3A_280 {strides = array<i32>} : memref<6x1x1024xf32, #tpu.memory_space<vmem>>, vector<1x1x1024xf32>,
      %mul3A_281 = arith.constant -2.000000e+00 : f32
      %mul3A_282 = vector.broadcast %mul3A_281 : f32 to vector<64x1024xf32>
      %mul3A_283 = arith.mulf %mul3A_282, %get3A_270 : vector<64x1024xf32>
      %convert_element_type3A_284 = arith.truncf %mul3A_283 : vector<64x1024xf32> to vector<64x1024xbf16>
      %swap3A_285 = arith.constant 1 : index
      %swap3A_286 = arith.constant 0 : index
      %swap3A_287 = arith.constant 0 : index
      %swap3A_288 = vector.load %arg8[%swap3A_285, %swap3A_286, %swap3A_287] : memref<6x64x1024xbf16, #tpu.memory_space<vmem>>, vector<1x64x1024xbf16>
      %swap3A_289 = vector.shape_cast %swap3A_288 : vector<1x64x1024xbf16> to vector<64x1024xbf16>
      %swap3A_290 = vector.shape_cast %convert_element_type3A_284 : vector<64x1024xbf16> to vector<1x64x1024xbf16>
      tpu.vector_store %arg8[%swap3A_285, %swap3A_286, %swap3A_287], %swap3A_290 {strides = array<i32>} : memref<6x64x1024xbf16, #tpu.memory_space<vmem>>, vector<1x64x1024xbf16>,
      %get3A_291 = arith.constant 2 : index
      %get3A_292 = arith.constant 0 : index
      %get3A_293 = arith.constant 0 : index
      %get3A_294 = vector.load %arg4[%get3A_291, %get3A_292, %get3A_293] : memref<6x64x1024xf32, #tpu.memory_space<vmem>>, vector<1x64x1024xf32>
      %get3A_295 = vector.shape_cast %get3A_294 : vector<1x64x1024xf32> to vector<64x1024xf32>
      %mul3A_296 = arith.mulf %get3A_295, %get3A_295 : vector<64x1024xf32>
      %reduce_sum3A_297 = arith.constant dense<0.000000e+00> : vector<1024xf32>
      %reduce_sum3A_298 = vector.multi_reduction <add>, %mul3A_296, %reduce_sum3A_297 [0] : vector<64x1024xf32> to vector<1024xf32>
      %broadcast_in_dim3A_299 = vector.shape_cast %reduce_sum3A_298 : vector<1024xf32> to vector<1x1024xf32>
      %swap3A_300 = arith.constant 2 : index
      %swap3A_301 = arith.constant 0 : index
      %swap3A_302 = arith.constant 0 : index
      %swap3A_303 = vector.load %arg7[%swap3A_300, %swap3A_301, %swap3A_302] : memref<6x1x1024xf32, #tpu.memory_space<vmem>>, vector<1x1x1024xf32>
      %swap3A_304 = vector.shape_cast %swap3A_303 : vector<1x1x1024xf32> to vector<1x1024xf32>
      %swap3A_305 = vector.shape_cast %broadcast_in_dim3A_299 : vector<1x1024xf32> to vector<1x1x1024xf32>
      tpu.vector_store %arg7[%swap3A_300, %swap3A_301, %swap3A_302], %swap3A_305 {strides = array<i32>} : memref<6x1x1024xf32, #tpu.memory_space<vmem>>, vector<1x1x1024xf32>,
      %mul3A_306 = arith.constant -2.000000e+00 : f32
      %mul3A_307 = vector.broadcast %mul3A_306 : f32 to vector<64x1024xf32>
      %mul3A_308 = arith.mulf %mul3A_307, %get3A_295 : vector<64x1024xf32>
      %convert_element_type3A_309 = arith.truncf %mul3A_308 : vector<64x1024xf32> to vector<64x1024xbf16>
      %swap3A_310 = arith.constant 2 : index
      %swap3A_311 = arith.constant 0 : index
      %swap3A_312 = arith.constant 0 : index
      %swap3A_313 = vector.load %arg8[%swap3A_310, %swap3A_311, %swap3A_312] : memref<6x64x1024xbf16, #tpu.memory_space<vmem>>, vector<1x64x1024xbf16>
      %swap3A_314 = vector.shape_cast %swap3A_313 : vector<1x64x1024xbf16> to vector<64x1024xbf16>
      %swap3A_315 = vector.shape_cast %convert_element_type3A_309 : vector<64x1024xbf16> to vector<1x64x1024xbf16>
      tpu.vector_store %arg8[%swap3A_310, %swap3A_311, %swap3A_312], %swap3A_315 {strides = array<i32>} : memref<6x64x1024xbf16, #tpu.memory_space<vmem>>, vector<1x64x1024xbf16>,
      %get3A_316 = arith.constant 3 : index
      %get3A_317 = arith.constant 0 : index
      %get3A_318 = arith.constant 0 : index
      %get3A_319 = vector.load %arg4[%get3A_316, %get3A_317, %get3A_318] : memref<6x64x1024xf32, #tpu.memory_space<vmem>>, vector<1x64x1024xf32>
      %get3A_320 = vector.shape_cast %get3A_319 : vector<1x64x1024xf32> to vector<64x1024xf32>
      %mul3A_321 = arith.mulf %get3A_320, %get3A_320 : vector<64x1024xf32>
      %reduce_sum3A_322 = arith.constant dense<0.000000e+00> : vector<1024xf32>
      %reduce_sum3A_323 = vector.multi_reduction <add>, %mul3A_321, %reduce_sum3A_322 [0] : vector<64x1024xf32> to vector<1024xf32>
      %broadcast_in_dim3A_324 = vector.shape_cast %reduce_sum3A_323 : vector<1024xf32> to vector<1x1024xf32>
      %swap3A_325 = arith.constant 3 : index
      %swap3A_326 = arith.constant 0 : index
      %swap3A_327 = arith.constant 0 : index
      %swap3A_328 = vector.load %arg7[%swap3A_325, %swap3A_326, %swap3A_327] : memref<6x1x1024xf32, #tpu.memory_space<vmem>>, vector<1x1x1024xf32>
      %swap3A_329 = vector.shape_cast %swap3A_328 : vector<1x1x1024xf32> to vector<1x1024xf32>
      %swap3A_330 = vector.shape_cast %broadcast_in_dim3A_324 : vector<1x1024xf32> to vector<1x1x1024xf32>
      tpu.vector_store %arg7[%swap3A_325, %swap3A_326, %swap3A_327], %swap3A_330 {strides = array<i32>} : memref<6x1x1024xf32, #tpu.memory_space<vmem>>, vector<1x1x1024xf32>,
      %mul3A_331 = arith.constant -2.000000e+00 : f32
      %mul3A_332 = vector.broadcast %mul3A_331 : f32 to vector<64x1024xf32>
      %mul3A_333 = arith.mulf %mul3A_332, %get3A_320 : vector<64x1024xf32>
      %convert_element_type3A_334 = arith.truncf %mul3A_333 : vector<64x1024xf32> to vector<64x1024xbf16>
      %swap3A_335 = arith.constant 3 : index
      %swap3A_336 = arith.constant 0 : index
      %swap3A_337 = arith.constant 0 : index
      %swap3A_338 = vector.load %arg8[%swap3A_335, %swap3A_336, %swap3A_337] : memref<6x64x1024xbf16, #tpu.memory_space<vmem>>, vector<1x64x1024xbf16>
      %swap3A_339 = vector.shape_cast %swap3A_338 : vector<1x64x1024xbf16> to vector<64x1024xbf16>
      %swap3A_340 = vector.shape_cast %convert_element_type3A_334 : vector<64x1024xbf16> to vector<1x64x1024xbf16>
      tpu.vector_store %arg8[%swap3A_335, %swap3A_336, %swap3A_337], %swap3A_340 {strides = array<i32>} : memref<6x64x1024xbf16, #tpu.memory_space<vmem>>, vector<1x64x1024xbf16>,
      %get3A_341 = arith.constant 4 : index
      %get3A_342 = arith.constant 0 : index
      %get3A_343 = arith.constant 0 : index
      %get3A_344 = vector.load %arg4[%get3A_341, %get3A_342, %get3A_343] : memref<6x64x1024xf32, #tpu.memory_space<vmem>>, vector<1x64x1024xf32>
      %get3A_345 = vector.shape_cast %get3A_344 : vector<1x64x1024xf32> to vector<64x1024xf32>
      %mul3A_346 = arith.mulf %get3A_345, %get3A_345 : vector<64x1024xf32>
      %reduce_sum3A_347 = arith.constant dense<0.000000e+00> : vector<1024xf32>
      %reduce_sum3A_348 = vector.multi_reduction <add>, %mul3A_346, %reduce_sum3A_347 [0] : vector<64x1024xf32> to vector<1024xf32>
      %broadcast_in_dim3A_349 = vector.shape_cast %reduce_sum3A_348 : vector<1024xf32> to vector<1x1024xf32>
      %swap3A_350 = arith.constant 4 : index
      %swap3A_351 = arith.constant 0 : index
      %swap3A_352 = arith.constant 0 : index
      %swap3A_353 = vector.load %arg7[%swap3A_350, %swap3A_351, %swap3A_352] : memref<6x1x1024xf32, #tpu.memory_space<vmem>>, vector<1x1x1024xf32>
      %swap3A_354 = vector.shape_cast %swap3A_353 : vector<1x1x1024xf32> to vector<1x1024xf32>
      %swap3A_355 = vector.shape_cast %broadcast_in_dim3A_349 : vector<1x1024xf32> to vector<1x1x1024xf32>
      tpu.vector_store %arg7[%swap3A_350, %swap3A_351, %swap3A_352], %swap3A_355 {strides = array<i32>} : memref<6x1x1024xf32, #tpu.memory_space<vmem>>, vector<1x1x1024xf32>,
      %mul3A_356 = arith.constant -2.000000e+00 : f32
      %mul3A_357 = vector.broadcast %mul3A_356 : f32 to vector<64x1024xf32>
      %mul3A_358 = arith.mulf %mul3A_357, %get3A_345 : vector<64x1024xf32>
      %convert_element_type3A_359 = arith.truncf %mul3A_358 : vector<64x1024xf32> to vector<64x1024xbf16>
      %swap3A_360 = arith.constant 4 : index
      %swap3A_361 = arith.constant 0 : index
      %swap3A_362 = arith.constant 0 : index
      %swap3A_363 = vector.load %arg8[%swap3A_360, %swap3A_361, %swap3A_362] : memref<6x64x1024xbf16, #tpu.memory_space<vmem>>, vector<1x64x1024xbf16>
      %swap3A_364 = vector.shape_cast %swap3A_363 : vector<1x64x1024xbf16> to vector<64x1024xbf16>
      %swap3A_365 = vector.shape_cast %convert_element_type3A_359 : vector<64x1024xbf16> to vector<1x64x1024xbf16>
      tpu.vector_store %arg8[%swap3A_360, %swap3A_361, %swap3A_362], %swap3A_365 {strides = array<i32>} : memref<6x64x1024xbf16, #tpu.memory_space<vmem>>, vector<1x64x1024xbf16>,
      %get3A_366 = arith.constant 5 : index
      %get3A_367 = arith.constant 0 : index
      %get3A_368 = arith.constant 0 : index
      %get3A_369 = vector.load %arg4[%get3A_366, %get3A_367, %get3A_368] : memref<6x64x1024xf32, #tpu.memory_space<vmem>>, vector<1x64x1024xf32>
      %get3A_370 = vector.shape_cast %get3A_369 : vector<1x64x1024xf32> to vector<64x1024xf32>
      %mul3A_371 = arith.mulf %get3A_370, %get3A_370 : vector<64x1024xf32>
      %reduce_sum3A_372 = arith.constant dense<0.000000e+00> : vector<1024xf32>
      %reduce_sum3A_373 = vector.multi_reduction <add>, %mul3A_371, %reduce_sum3A_372 [0] : vector<64x1024xf32> to vector<1024xf32>
      %broadcast_in_dim3A_374 = vector.shape_cast %reduce_sum3A_373 : vector<1024xf32> to vector<1x1024xf32>
      %swap3A_375 = arith.constant 5 : index
      %swap3A_376 = arith.constant 0 : index
      %swap3A_377 = arith.constant 0 : index
      %swap3A_378 = vector.load %arg7[%swap3A_375, %swap3A_376, %swap3A_377] : memref<6x1x1024xf32, #tpu.memory_space<vmem>>, vector<1x1x1024xf32>
      %swap3A_379 = vector.shape_cast %swap3A_378 : vector<1x1x1024xf32> to vector<1x1024xf32>
      %swap3A_380 = vector.shape_cast %broadcast_in_dim3A_374 : vector<1x1024xf32> to vector<1x1x1024xf32>
      tpu.vector_store %arg7[%swap3A_375, %swap3A_376, %swap3A_377], %swap3A_380 {strides = array<i32>} : memref<6x1x1024xf32, #tpu.memory_space<vmem>>, vector<1x1x1024xf32>,
      %mul3A_381 = arith.constant -2.000000e+00 : f32
      %mul3A_382 = vector.broadcast %mul3A_381 : f32 to vector<64x1024xf32>
      %mul3A_383 = arith.mulf %mul3A_382, %get3A_370 : vector<64x1024xf32>
      %convert_element_type3A_384 = arith.truncf %mul3A_383 : vector<64x1024xf32> to vector<64x1024xbf16>
      %swap3A_385 = arith.constant 5 : index
      %swap3A_386 = arith.constant 0 : index
      %swap3A_387 = arith.constant 0 : index
      %swap3A_388 = vector.load %arg8[%swap3A_385, %swap3A_386, %swap3A_387] : memref<6x64x1024xbf16, #tpu.memory_space<vmem>>, vector<1x64x1024xbf16>
      %swap3A_389 = vector.shape_cast %swap3A_388 : vector<1x64x1024xbf16> to vector<64x1024xbf16>
      %swap3A_390 = vector.shape_cast %convert_element_type3A_384 : vector<64x1024xbf16> to vector<1x64x1024xbf16>
      tpu.vector_store %arg8[%swap3A_385, %swap3A_386, %swap3A_387], %swap3A_390 {strides = array<i32>} : memref<6x64x1024xbf16, #tpu.memory_space<vmem>>, vector<1x64x1024xbf16>,
      %get3A_391 = arith.constant 0 : index
      %get3A_392 = arith.constant 0 : index
      %get3A_393 = vector.load %arg2[%get3A_391, %get3A_392] : memref<384x384xf32, #tpu.memory_space<vmem>>, vector<384x384xf32>
      %transpose3A = tpu.transpose %get3A_393, [1, 0] : vector<384x384xf32> -> vector<384x384xf32>
      %convert_element_type3A_394 = arith.truncf %transpose3A : vector<384x384xf32> to vector<384x384xbf16>
      %swap3A_395 = arith.constant 0 : index
      %swap3A_396 = arith.constant 0 : index
      %swap3A_397 = vector.load %arg9[%swap3A_395, %swap3A_396] : memref<384x384xbf16, #tpu.memory_space<vmem>>, vector<384x384xbf16>
      tpu.vector_store %arg9[%swap3A_395, %swap3A_396], %convert_element_type3A_394 {strides = array<i32>} : memref<384x384xbf16, #tpu.memory_space<vmem>>, vector<384x384xbf16>,
      %iota3A = tpu.iota {dimensions = array<i32: 1>} : vector<576x1024xi32>
      %convert_element_type3A_398 = arith.sitofp %iota3A : vector<576x1024xi32> to vector<576x1024xf32>
      %swap3A_399 = arith.constant 0 : index
      %swap3A_400 = arith.constant 0 : index
      %swap3A_401 = vector.load %arg10[%swap3A_399, %swap3A_400] : memref<576x1024xf32, #tpu.memory_space<vmem>>, vector<576x1024xf32>
      tpu.vector_store %arg10[%swap3A_399, %swap3A_400], %convert_element_type3A_398 {strides = array<i32>} : memref<576x1024xf32, #tpu.memory_space<vmem>>, vector<576x1024xf32>,
    } else {
    }
    %get3A = arith.constant 0 : index
    %get3A_2 = arith.constant 0 : index
    %get3A_3 = arith.constant 0 : index
    %get3A_4 = vector.load %arg1[%get3A, %get3A_2, %get3A_3] : memref<1x576x384xf32, #tpu.memory_space<vmem>>, vector<1x576x384xf32>
    %get3A_5 = vector.shape_cast %get3A_4 : vector<1x576x384xf32> to vector<576x384xf32>
    %convert_element_type3A_6 = arith.truncf %get3A_5 : vector<576x384xf32> to vector<576x384xbf16>
    %get3A_7 = arith.constant 0 : index
    %get3A_8 = arith.constant 0 : index
    %get3A_9 = vector.load %arg9[%get3A_7, %get3A_8] : memref<384x384xbf16, #tpu.memory_space<vmem>>, vector<384x384xbf16>
    %dot_general3A = arith.constant dense<0.000000e+00> : vector<576x384xf32>
    %dot_general3A_10 = tpu.matmul %convert_element_type3A_6, %get3A_9, %dot_general3A {dimension_numbers = #tpu.dot_dimension_numbers<[1], [0], [0], [1], [0, 0, 1, 1], [], []>, transpose_lhs_hint = false} : vector<576x384xbf16>, vector<384x384xbf16>, vector<576x384xf32> -> vector<576x384xf32>
    %get3A_11 = arith.constant 0 : index
    %get3A_12 = arith.constant 0 : index
    %get3A_13 = vector.load %arg3[%get3A_11, %get3A_12] : memref<1x384xf32, #tpu.memory_space<vmem>>, vector<1x384xf32>
    %add3A = vector.broadcast %get3A_13 : vector<1x384xf32> to vector<576x384xf32>
    %add3A_14 = arith.addf %dot_general3A_10, %add3A : vector<576x384xf32>
    %swap3A = arith.constant 0 : index
    %swap3A_15 = arith.constant 0 : index
    %swap3A_16 = arith.constant 0 : index
    %swap3A_17 = vector.load %arg5[%swap3A, %swap3A_15, %swap3A_16] : memref<1x576x384xf32, #tpu.memory_space<vmem>>, vector<1x576x384xf32>
    %swap3A_18 = vector.shape_cast %swap3A_17 : vector<1x576x384xf32> to vector<576x384xf32>
    %swap3A_19 = vector.shape_cast %add3A_14 : vector<576x384xf32> to vector<1x576x384xf32>
    tpu.vector_store %arg5[%swap3A, %swap3A_15, %swap3A_16], %swap3A_19 {strides = array<i32>} : memref<1x576x384xf32, #tpu.memory_space<vmem>>, vector<1x576x384xf32>,
    %slice3A = vector.extract_strided_slice %add3A_14 {offsets = [0, 0], sizes = [576, 64], strides = [1, 1]} : vector<576x384xf32> to vector<576x64xf32>
    %convert_element_type3A_20 = arith.truncf %slice3A : vector<576x64xf32> to vector<576x64xbf16>
    %get3A_21 = arith.constant 0 : index
    %get3A_22 = arith.constant 0 : index
    %get3A_23 = arith.constant 0 : index
    %get3A_24 = vector.load %arg8[%get3A_21, %get3A_22, %get3A_23] : memref<6x64x1024xbf16, #tpu.memory_space<vmem>>, vector<1x64x1024xbf16>
    %get3A_25 = vector.shape_cast %get3A_24 : vector<1x64x1024xbf16> to vector<64x1024xbf16>
    %dot_general3A_26 = arith.constant dense<0.000000e+00> : vector<576x1024xf32>
    %dot_general3A_27 = tpu.matmul %convert_element_type3A_20, %get3A_25, %dot_general3A_26 {dimension_numbers = #tpu.dot_dimension_numbers<[1], [0], [0], [1], [0, 0, 1, 1], [], []>, transpose_lhs_hint = false} : vector<576x64xbf16>, vector<64x1024xbf16>, vector<576x1024xf32> -> vector<576x1024xf32>
    %mul3A = arith.mulf %slice3A, %slice3A : vector<576x64xf32>
    %reduce_sum3A = arith.constant dense<0.000000e+00> : vector<576xf32>
    %reduce_sum3A_28 = vector.multi_reduction <add>, %mul3A, %reduce_sum3A [1] : vector<576x64xf32> to vector<576xf32>
    %broadcast_in_dim3A = vector.shape_cast %reduce_sum3A_28 : vector<576xf32> to vector<576x1xf32>
    %add3A_29 = vector.broadcast %broadcast_in_dim3A : vector<576x1xf32> to vector<576x1024xf32>
    %add3A_30 = arith.addf %add3A_29, %dot_general3A_27 : vector<576x1024xf32>
    %get3A_31 = arith.constant 0 : index
    %get3A_32 = arith.constant 0 : index
    %get3A_33 = arith.constant 0 : index
    %get3A_34 = vector.load %arg7[%get3A_31, %get3A_32, %get3A_33] : memref<6x1x1024xf32, #tpu.memory_space<vmem>>, vector<1x1x1024xf32>
    %get3A_35 = vector.shape_cast %get3A_34 : vector<1x1x1024xf32> to vector<1x1024xf32>
    %add3A_36 = vector.broadcast %get3A_35 : vector<1x1024xf32> to vector<576x1024xf32>
    %add3A_37 = arith.addf %add3A_30, %add3A_36 : vector<576x1024xf32>
    %reduce_min3A = arith.constant dense<0x7F800000> : vector<576xf32>
    %reduce_min3A_38 = vector.multi_reduction <minimumf>, %add3A_37, %reduce_min3A [1] : vector<576x1024xf32> to vector<576xf32>
    %broadcast_in_dim3A_39 = vector.shape_cast %reduce_min3A_38 : vector<576xf32> to vector<576x1xf32>
    %eq3A_40 = vector.broadcast %broadcast_in_dim3A_39 : vector<576x1xf32> to vector<576x1024xf32>
    %eq3A_41 = arith.cmpf oeq, %add3A_37, %eq3A_40 : vector<576x1024xf32>
    %get3A_42 = arith.constant 0 : index
    %get3A_43 = arith.constant 0 : index
    %get3A_44 = vector.load %arg10[%get3A_42, %get3A_43] : memref<576x1024xf32, #tpu.memory_space<vmem>>, vector<576x1024xf32>
    %jit3A = arith.constant 1.024000e+03 : f32
    %broadcast_in_dim3A_45 = vector.broadcast %jit3A : f32 to vector<576x1024xf32>
    %select_n3A = arith.select %eq3A_41, %get3A_44, %broadcast_in_dim3A_45 : vector<576x1024xi1>, vector<576x1024xf32>
    %reduce_min3A_46 = arith.constant dense<0x7F800000> : vector<576xf32>
    %reduce_min3A_47 = vector.multi_reduction <minimumf>, %select_n3A, %reduce_min3A_46 [1] : vector<576x1024xf32> to vector<576xf32>
    %convert_element_type3A_48 = arith.fptosi %reduce_min3A_47 : vector<576xf32> to vector<576xi32>
    %slice3A_49 = vector.extract_strided_slice %add3A_14 {offsets = [0, 64], sizes = [576, 64], strides = [1, 1]} : vector<576x384xf32> to vector<576x64xf32>
    %convert_element_type3A_50 = arith.truncf %slice3A_49 : vector<576x64xf32> to vector<576x64xbf16>
    %get3A_51 = arith.constant 1 : index
    %get3A_52 = arith.constant 0 : index
    %get3A_53 = arith.constant 0 : index
    %get3A_54 = vector.load %arg8[%get3A_51, %get3A_52, %get3A_53] : memref<6x64x1024xbf16, #tpu.memory_space<vmem>>, vector<1x64x1024xbf16>
    %get3A_55 = vector.shape_cast %get3A_54 : vector<1x64x1024xbf16> to vector<64x1024xbf16>
    %dot_general3A_56 = arith.constant dense<0.000000e+00> : vector<576x1024xf32>
    %dot_general3A_57 = tpu.matmul %convert_element_type3A_50, %get3A_55, %dot_general3A_56 {dimension_numbers = #tpu.dot_dimension_numbers<[1], [0], [0], [1], [0, 0, 1, 1], [], []>, transpose_lhs_hint = false} : vector<576x64xbf16>, vector<64x1024xbf16>, vector<576x1024xf32> -> vector<576x1024xf32>
    %mul3A_58 = arith.mulf %slice3A_49, %slice3A_49 : vector<576x64xf32>
    %reduce_sum3A_59 = arith.constant dense<0.000000e+00> : vector<576xf32>
    %reduce_sum3A_60 = vector.multi_reduction <add>, %mul3A_58, %reduce_sum3A_59 [1] : vector<576x64xf32> to vector<576xf32>
    %broadcast_in_dim3A_61 = vector.shape_cast %reduce_sum3A_60 : vector<576xf32> to vector<576x1xf32>
    %add3A_62 = vector.broadcast %broadcast_in_dim3A_61 : vector<576x1xf32> to vector<576x1024xf32>
    %add3A_63 = arith.addf %add3A_62, %dot_general3A_57 : vector<576x1024xf32>
    %get3A_64 = arith.constant 1 : index
    %get3A_65 = arith.constant 0 : index
    %get3A_66 = arith.constant 0 : index
    %get3A_67 = vector.load %arg7[%get3A_64, %get3A_65, %get3A_66] : memref<6x1x1024xf32, #tpu.memory_space<vmem>>, vector<1x1x1024xf32>
    %get3A_68 = vector.shape_cast %get3A_67 : vector<1x1x1024xf32> to vector<1x1024xf32>
    %add3A_69 = vector.broadcast %get3A_68 : vector<1x1024xf32> to vector<576x1024xf32>
    %add3A_70 = arith.addf %add3A_63, %add3A_69 : vector<576x1024xf32>
    %reduce_min3A_71 = arith.constant dense<0x7F800000> : vector<576xf32>
    %reduce_min3A_72 = vector.multi_reduction <minimumf>, %add3A_70, %reduce_min3A_71 [1] : vector<576x1024xf32> to vector<576xf32>
    %broadcast_in_dim3A_73 = vector.shape_cast %reduce_min3A_72 : vector<576xf32> to vector<576x1xf32>
    %eq3A_74 = vector.broadcast %broadcast_in_dim3A_73 : vector<576x1xf32> to vector<576x1024xf32>
    %eq3A_75 = arith.cmpf oeq, %add3A_70, %eq3A_74 : vector<576x1024xf32>
    %get3A_76 = arith.constant 0 : index
    %get3A_77 = arith.constant 0 : index
    %get3A_78 = vector.load %arg10[%get3A_76, %get3A_77] : memref<576x1024xf32, #tpu.memory_space<vmem>>, vector<576x1024xf32>
    %jit3A_79 = arith.constant 1.024000e+03 : f32
    %broadcast_in_dim3A_80 = vector.broadcast %jit3A_79 : f32 to vector<576x1024xf32>
    %select_n3A_81 = arith.select %eq3A_75, %get3A_78, %broadcast_in_dim3A_80 : vector<576x1024xi1>, vector<576x1024xf32>
    %reduce_min3A_82 = arith.constant dense<0x7F800000> : vector<576xf32>
    %reduce_min3A_83 = vector.multi_reduction <minimumf>, %select_n3A_81, %reduce_min3A_82 [1] : vector<576x1024xf32> to vector<576xf32>
    %convert_element_type3A_84 = arith.fptosi %reduce_min3A_83 : vector<576xf32> to vector<576xi32>
    %slice3A_85 = vector.extract_strided_slice %add3A_14 {offsets = [0, 128], sizes = [576, 64], strides = [1, 1]} : vector<576x384xf32> to vector<576x64xf32>
    %convert_element_type3A_86 = arith.truncf %slice3A_85 : vector<576x64xf32> to vector<576x64xbf16>
    %get3A_87 = arith.constant 2 : index
    %get3A_88 = arith.constant 0 : index
    %get3A_89 = arith.constant 0 : index
    %get3A_90 = vector.load %arg8[%get3A_87, %get3A_88, %get3A_89] : memref<6x64x1024xbf16, #tpu.memory_space<vmem>>, vector<1x64x1024xbf16>
    %get3A_91 = vector.shape_cast %get3A_90 : vector<1x64x1024xbf16> to vector<64x1024xbf16>
    %dot_general3A_92 = arith.constant dense<0.000000e+00> : vector<576x1024xf32>
    %dot_general3A_93 = tpu.matmul %convert_element_type3A_86, %get3A_91, %dot_general3A_92 {dimension_numbers = #tpu.dot_dimension_numbers<[1], [0], [0], [1], [0, 0, 1, 1], [], []>, transpose_lhs_hint = false} : vector<576x64xbf16>, vector<64x1024xbf16>, vector<576x1024xf32> -> vector<576x1024xf32>
    %mul3A_94 = arith.mulf %slice3A_85, %slice3A_85 : vector<576x64xf32>
    %reduce_sum3A_95 = arith.constant dense<0.000000e+00> : vector<576xf32>
    %reduce_sum3A_96 = vector.multi_reduction <add>, %mul3A_94, %reduce_sum3A_95 [1] : vector<576x64xf32> to vector<576xf32>
    %broadcast_in_dim3A_97 = vector.shape_cast %reduce_sum3A_96 : vector<576xf32> to vector<576x1xf32>
    %add3A_98 = vector.broadcast %broadcast_in_dim3A_97 : vector<576x1xf32> to vector<576x1024xf32>
    %add3A_99 = arith.addf %add3A_98, %dot_general3A_93 : vector<576x1024xf32>
    %get3A_100 = arith.constant 2 : index
    %get3A_101 = arith.constant 0 : index
    %get3A_102 = arith.constant 0 : index
    %get3A_103 = vector.load %arg7[%get3A_100, %get3A_101, %get3A_102] : memref<6x1x1024xf32, #tpu.memory_space<vmem>>, vector<1x1x1024xf32>
    %get3A_104 = vector.shape_cast %get3A_103 : vector<1x1x1024xf32> to vector<1x1024xf32>
    %add3A_105 = vector.broadcast %get3A_104 : vector<1x1024xf32> to vector<576x1024xf32>
    %add3A_106 = arith.addf %add3A_99, %add3A_105 : vector<576x1024xf32>
    %reduce_min3A_107 = arith.constant dense<0x7F800000> : vector<576xf32>
    %reduce_min3A_108 = vector.multi_reduction <minimumf>, %add3A_106, %reduce_min3A_107 [1] : vector<576x1024xf32> to vector<576xf32>
    %broadcast_in_dim3A_109 = vector.shape_cast %reduce_min3A_108 : vector<576xf32> to vector<576x1xf32>
    %eq3A_110 = vector.broadcast %broadcast_in_dim3A_109 : vector<576x1xf32> to vector<576x1024xf32>
    %eq3A_111 = arith.cmpf oeq, %add3A_106, %eq3A_110 : vector<576x1024xf32>
    %get3A_112 = arith.constant 0 : index
    %get3A_113 = arith.constant 0 : index
    %get3A_114 = vector.load %arg10[%get3A_112, %get3A_113] : memref<576x1024xf32, #tpu.memory_space<vmem>>, vector<576x1024xf32>
    %jit3A_115 = arith.constant 1.024000e+03 : f32
    %broadcast_in_dim3A_116 = vector.broadcast %jit3A_115 : f32 to vector<576x1024xf32>
    %select_n3A_117 = arith.select %eq3A_111, %get3A_114, %broadcast_in_dim3A_116 : vector<576x1024xi1>, vector<576x1024xf32>
    %reduce_min3A_118 = arith.constant dense<0x7F800000> : vector<576xf32>
    %reduce_min3A_119 = vector.multi_reduction <minimumf>, %select_n3A_117, %reduce_min3A_118 [1] : vector<576x1024xf32> to vector<576xf32>
    %convert_element_type3A_120 = arith.fptosi %reduce_min3A_119 : vector<576xf32> to vector<576xi32>
    %slice3A_121 = vector.extract_strided_slice %add3A_14 {offsets = [0, 192], sizes = [576, 64], strides = [1, 1]} : vector<576x384xf32> to vector<576x64xf32>
    %convert_element_type3A_122 = arith.truncf %slice3A_121 : vector<576x64xf32> to vector<576x64xbf16>
    %get3A_123 = arith.constant 3 : index
    %get3A_124 = arith.constant 0 : index
    %get3A_125 = arith.constant 0 : index
    %get3A_126 = vector.load %arg8[%get3A_123, %get3A_124, %get3A_125] : memref<6x64x1024xbf16, #tpu.memory_space<vmem>>, vector<1x64x1024xbf16>
    %get3A_127 = vector.shape_cast %get3A_126 : vector<1x64x1024xbf16> to vector<64x1024xbf16>
    %dot_general3A_128 = arith.constant dense<0.000000e+00> : vector<576x1024xf32>
    %dot_general3A_129 = tpu.matmul %convert_element_type3A_122, %get3A_127, %dot_general3A_128 {dimension_numbers = #tpu.dot_dimension_numbers<[1], [0], [0], [1], [0, 0, 1, 1], [], []>, transpose_lhs_hint = false} : vector<576x64xbf16>, vector<64x1024xbf16>, vector<576x1024xf32> -> vector<576x1024xf32>
    %mul3A_130 = arith.mulf %slice3A_121, %slice3A_121 : vector<576x64xf32>
    %reduce_sum3A_131 = arith.constant dense<0.000000e+00> : vector<576xf32>
    %reduce_sum3A_132 = vector.multi_reduction <add>, %mul3A_130, %reduce_sum3A_131 [1] : vector<576x64xf32> to vector<576xf32>
    %broadcast_in_dim3A_133 = vector.shape_cast %reduce_sum3A_132 : vector<576xf32> to vector<576x1xf32>
    %add3A_134 = vector.broadcast %broadcast_in_dim3A_133 : vector<576x1xf32> to vector<576x1024xf32>
    %add3A_135 = arith.addf %add3A_134, %dot_general3A_129 : vector<576x1024xf32>
    %get3A_136 = arith.constant 3 : index
    %get3A_137 = arith.constant 0 : index
    %get3A_138 = arith.constant 0 : index
    %get3A_139 = vector.load %arg7[%get3A_136, %get3A_137, %get3A_138] : memref<6x1x1024xf32, #tpu.memory_space<vmem>>, vector<1x1x1024xf32>
    %get3A_140 = vector.shape_cast %get3A_139 : vector<1x1x1024xf32> to vector<1x1024xf32>
    %add3A_141 = vector.broadcast %get3A_140 : vector<1x1024xf32> to vector<576x1024xf32>
    %add3A_142 = arith.addf %add3A_135, %add3A_141 : vector<576x1024xf32>
    %reduce_min3A_143 = arith.constant dense<0x7F800000> : vector<576xf32>
    %reduce_min3A_144 = vector.multi_reduction <minimumf>, %add3A_142, %reduce_min3A_143 [1] : vector<576x1024xf32> to vector<576xf32>
    %broadcast_in_dim3A_145 = vector.shape_cast %reduce_min3A_144 : vector<576xf32> to vector<576x1xf32>
    %eq3A_146 = vector.broadcast %broadcast_in_dim3A_145 : vector<576x1xf32> to vector<576x1024xf32>
    %eq3A_147 = arith.cmpf oeq, %add3A_142, %eq3A_146 : vector<576x1024xf32>
    %get3A_148 = arith.constant 0 : index
    %get3A_149 = arith.constant 0 : index
    %get3A_150 = vector.load %arg10[%get3A_148, %get3A_149] : memref<576x1024xf32, #tpu.memory_space<vmem>>, vector<576x1024xf32>
    %jit3A_151 = arith.constant 1.024000e+03 : f32
    %broadcast_in_dim3A_152 = vector.broadcast %jit3A_151 : f32 to vector<576x1024xf32>
    %select_n3A_153 = arith.select %eq3A_147, %get3A_150, %broadcast_in_dim3A_152 : vector<576x1024xi1>, vector<576x1024xf32>
    %reduce_min3A_154 = arith.constant dense<0x7F800000> : vector<576xf32>
    %reduce_min3A_155 = vector.multi_reduction <minimumf>, %select_n3A_153, %reduce_min3A_154 [1] : vector<576x1024xf32> to vector<576xf32>
    %convert_element_type3A_156 = arith.fptosi %reduce_min3A_155 : vector<576xf32> to vector<576xi32>
    %slice3A_157 = vector.extract_strided_slice %add3A_14 {offsets = [0, 256], sizes = [576, 64], strides = [1, 1]} : vector<576x384xf32> to vector<576x64xf32>
    %convert_element_type3A_158 = arith.truncf %slice3A_157 : vector<576x64xf32> to vector<576x64xbf16>
    %get3A_159 = arith.constant 4 : index
    %get3A_160 = arith.constant 0 : index
    %get3A_161 = arith.constant 0 : index
    %get3A_162 = vector.load %arg8[%get3A_159, %get3A_160, %get3A_161] : memref<6x64x1024xbf16, #tpu.memory_space<vmem>>, vector<1x64x1024xbf16>
    %get3A_163 = vector.shape_cast %get3A_162 : vector<1x64x1024xbf16> to vector<64x1024xbf16>
    %dot_general3A_164 = arith.constant dense<0.000000e+00> : vector<576x1024xf32>
    %dot_general3A_165 = tpu.matmul %convert_element_type3A_158, %get3A_163, %dot_general3A_164 {dimension_numbers = #tpu.dot_dimension_numbers<[1], [0], [0], [1], [0, 0, 1, 1], [], []>, transpose_lhs_hint = false} : vector<576x64xbf16>, vector<64x1024xbf16>, vector<576x1024xf32> -> vector<576x1024xf32>
    %mul3A_166 = arith.mulf %slice3A_157, %slice3A_157 : vector<576x64xf32>
    %reduce_sum3A_167 = arith.constant dense<0.000000e+00> : vector<576xf32>
    %reduce_sum3A_168 = vector.multi_reduction <add>, %mul3A_166, %reduce_sum3A_167 [1] : vector<576x64xf32> to vector<576xf32>
    %broadcast_in_dim3A_169 = vector.shape_cast %reduce_sum3A_168 : vector<576xf32> to vector<576x1xf32>
    %add3A_170 = vector.broadcast %broadcast_in_dim3A_169 : vector<576x1xf32> to vector<576x1024xf32>
    %add3A_171 = arith.addf %add3A_170, %dot_general3A_165 : vector<576x1024xf32>
    %get3A_172 = arith.constant 4 : index
    %get3A_173 = arith.constant 0 : index
    %get3A_174 = arith.constant 0 : index
    %get3A_175 = vector.load %arg7[%get3A_172, %get3A_173, %get3A_174] : memref<6x1x1024xf32, #tpu.memory_space<vmem>>, vector<1x1x1024xf32>
    %get3A_176 = vector.shape_cast %get3A_175 : vector<1x1x1024xf32> to vector<1x1024xf32>
    %add3A_177 = vector.broadcast %get3A_176 : vector<1x1024xf32> to vector<576x1024xf32>
    %add3A_178 = arith.addf %add3A_171, %add3A_177 : vector<576x1024xf32>
    %reduce_min3A_179 = arith.constant dense<0x7F800000> : vector<576xf32>
    %reduce_min3A_180 = vector.multi_reduction <minimumf>, %add3A_178, %reduce_min3A_179 [1] : vector<576x1024xf32> to vector<576xf32>
    %broadcast_in_dim3A_181 = vector.shape_cast %reduce_min3A_180 : vector<576xf32> to vector<576x1xf32>
    %eq3A_182 = vector.broadcast %broadcast_in_dim3A_181 : vector<576x1xf32> to vector<576x1024xf32>
    %eq3A_183 = arith.cmpf oeq, %add3A_178, %eq3A_182 : vector<576x1024xf32>
    %get3A_184 = arith.constant 0 : index
    %get3A_185 = arith.constant 0 : index
    %get3A_186 = vector.load %arg10[%get3A_184, %get3A_185] : memref<576x1024xf32, #tpu.memory_space<vmem>>, vector<576x1024xf32>
    %jit3A_187 = arith.constant 1.024000e+03 : f32
    %broadcast_in_dim3A_188 = vector.broadcast %jit3A_187 : f32 to vector<576x1024xf32>
    %select_n3A_189 = arith.select %eq3A_183, %get3A_186, %broadcast_in_dim3A_188 : vector<576x1024xi1>, vector<576x1024xf32>
    %reduce_min3A_190 = arith.constant dense<0x7F800000> : vector<576xf32>
    %reduce_min3A_191 = vector.multi_reduction <minimumf>, %select_n3A_189, %reduce_min3A_190 [1] : vector<576x1024xf32> to vector<576xf32>
    %convert_element_type3A_192 = arith.fptosi %reduce_min3A_191 : vector<576xf32> to vector<576xi32>
    %slice3A_193 = vector.extract_strided_slice %add3A_14 {offsets = [0, 320], sizes = [576, 64], strides = [1, 1]} : vector<576x384xf32> to vector<576x64xf32>
    %convert_element_type3A_194 = arith.truncf %slice3A_193 : vector<576x64xf32> to vector<576x64xbf16>
    %get3A_195 = arith.constant 5 : index
    %get3A_196 = arith.constant 0 : index
    %get3A_197 = arith.constant 0 : index
    %get3A_198 = vector.load %arg8[%get3A_195, %get3A_196, %get3A_197] : memref<6x64x1024xbf16, #tpu.memory_space<vmem>>, vector<1x64x1024xbf16>
    %get3A_199 = vector.shape_cast %get3A_198 : vector<1x64x1024xbf16> to vector<64x1024xbf16>
    %dot_general3A_200 = arith.constant dense<0.000000e+00> : vector<576x1024xf32>
    %dot_general3A_201 = tpu.matmul %convert_element_type3A_194, %get3A_199, %dot_general3A_200 {dimension_numbers = #tpu.dot_dimension_numbers<[1], [0], [0], [1], [0, 0, 1, 1], [], []>, transpose_lhs_hint = false} : vector<576x64xbf16>, vector<64x1024xbf16>, vector<576x1024xf32> -> vector<576x1024xf32>
    %mul3A_202 = arith.mulf %slice3A_193, %slice3A_193 : vector<576x64xf32>
    %reduce_sum3A_203 = arith.constant dense<0.000000e+00> : vector<576xf32>
    %reduce_sum3A_204 = vector.multi_reduction <add>, %mul3A_202, %reduce_sum3A_203 [1] : vector<576x64xf32> to vector<576xf32>
    %broadcast_in_dim3A_205 = vector.shape_cast %reduce_sum3A_204 : vector<576xf32> to vector<576x1xf32>
    %add3A_206 = vector.broadcast %broadcast_in_dim3A_205 : vector<576x1xf32> to vector<576x1024xf32>
    %add3A_207 = arith.addf %add3A_206, %dot_general3A_201 : vector<576x1024xf32>
    %get3A_208 = arith.constant 5 : index
    %get3A_209 = arith.constant 0 : index
    %get3A_210 = arith.constant 0 : index
    %get3A_211 = vector.load %arg7[%get3A_208, %get3A_209, %get3A_210] : memref<6x1x1024xf32, #tpu.memory_space<vmem>>, vector<1x1x1024xf32>
    %get3A_212 = vector.shape_cast %get3A_211 : vector<1x1x1024xf32> to vector<1x1024xf32>
    %add3A_213 = vector.broadcast %get3A_212 : vector<1x1024xf32> to vector<576x1024xf32>
    %add3A_214 = arith.addf %add3A_207, %add3A_213 : vector<576x1024xf32>
    %reduce_min3A_215 = arith.constant dense<0x7F800000> : vector<576xf32>
    %reduce_min3A_216 = vector.multi_reduction <minimumf>, %add3A_214, %reduce_min3A_215 [1] : vector<576x1024xf32> to vector<576xf32>
    %broadcast_in_dim3A_217 = vector.shape_cast %reduce_min3A_216 : vector<576xf32> to vector<576x1xf32>
    %eq3A_218 = vector.broadcast %broadcast_in_dim3A_217 : vector<576x1xf32> to vector<576x1024xf32>
    %eq3A_219 = arith.cmpf oeq, %add3A_214, %eq3A_218 : vector<576x1024xf32>
    %get3A_220 = arith.constant 0 : index
    %get3A_221 = arith.constant 0 : index
    %get3A_222 = vector.load %arg10[%get3A_220, %get3A_221] : memref<576x1024xf32, #tpu.memory_space<vmem>>, vector<576x1024xf32>
    %jit3A_223 = arith.constant 1.024000e+03 : f32
    %broadcast_in_dim3A_224 = vector.broadcast %jit3A_223 : f32 to vector<576x1024xf32>
    %select_n3A_225 = arith.select %eq3A_219, %get3A_222, %broadcast_in_dim3A_224 : vector<576x1024xi1>, vector<576x1024xf32>
    %reduce_min3A_226 = arith.constant dense<0x7F800000> : vector<576xf32>
    %reduce_min3A_227 = vector.multi_reduction <minimumf>, %select_n3A_225, %reduce_min3A_226 [1] : vector<576x1024xf32> to vector<576xf32>
    %convert_element_type3A_228 = arith.fptosi %reduce_min3A_227 : vector<576xf32> to vector<576xi32>
    %stack3A = vector.shape_cast %convert_element_type3A_48 : vector<576xi32> to vector<1x576xi32>
    %stack3A_229 = vector.shape_cast %convert_element_type3A_84 : vector<576xi32> to vector<1x576xi32>
    %stack3A_230 = vector.shape_cast %convert_element_type3A_120 : vector<576xi32> to vector<1x576xi32>
    %stack3A_231 = vector.shape_cast %convert_element_type3A_156 : vector<576xi32> to vector<1x576xi32>
    %stack3A_232 = vector.shape_cast %convert_element_type3A_192 : vector<576xi32> to vector<1x576xi32>
    %stack3A_233 = vector.shape_cast %convert_element_type3A_228 : vector<576xi32> to vector<1x576xi32>
    %stack3A_234 = tpu.concatenate %stack3A, %stack3A_229, %stack3A_230, %stack3A_231, %stack3A_232, %stack3A_233 in 0 : vector<1x576xi32>, vector<1x576xi32>, vector<1x576xi32>, vector<1x576xi32>, vector<1x576xi32>, vector<1x576xi32> -> vector<6x576xi32>
    %swap3A_235 = arith.constant 0 : index
    %swap3A_236 = arith.constant 0 : index
    %swap3A_237 = arith.constant 0 : index
    %swap3A_238 = vector.load %arg6[%swap3A_235, %swap3A_236, %swap3A_237] : memref<1x6x576xi32, #tpu.memory_space<vmem>>, vector<1x6x576xi32>
    %swap3A_239 = vector.shape_cast %swap3A_238 : vector<1x6x576xi32> to vector<6x576xi32>
    %swap3A_240 = vector.shape_cast %stack3A_234 : vector<6x576xi32> to vector<1x6x576xi32>
    tpu.vector_store %arg6[%swap3A_235, %swap3A_236, %swap3A_237], %swap3A_240 {strides = array<i32>} : memref<1x6x576xi32, #tpu.memory_space<vmem>>, vector<1x6x576xi32>,
    return
  }
  func.func @transform_0(%arg0: i32) -> (i32, i32, i32) {
    %c0_i32 = arith.constant 0 : i32
    %c0_i32_0 = arith.constant 0 : i32
    %c0_i32_1 = arith.constant 0 : i32
    return %arg0, %c0_i32, %c0_i32_0 : i32, i32, i32
  }
  func.func @transform_1(%arg0: i32) -> (i32, i32) {
    %c0_i32 = arith.constant 0 : i32
    %c0_i32_0 = arith.constant 0 : i32
    %c0_i32_1 = arith.constant 0 : i32
    return %c0_i32, %c0_i32_0 : i32, i32
  }
  func.func @transform_2(%arg0: i32) -> (i32, i32) {
    %c0_i32 = arith.constant 0 : i32
    %c0_i32_0 = arith.constant 0 : i32
    %c0_i32_1 = arith.constant 0 : i32
    return %c0_i32, %c0_i32_0 : i32, i32
  }
  func.func @transform_3(%arg0: i32) -> (i32, i32, i32) {
    %c0_i32 = arith.constant 0 : i32
    %c0_i32_0 = arith.constant 0 : i32
    %c0_i32_1 = arith.constant 0 : i32
    %c0_i32_2 = arith.constant 0 : i32
    return %c0_i32, %c0_i32_0, %c0_i32_1 : i32, i32, i32
  }
  func.func @transform_4(%arg0: i32) -> (i32, i32, i32) {
    %c0_i32 = arith.constant 0 : i32
    %c0_i32_0 = arith.constant 0 : i32
    %c0_i32_1 = arith.constant 0 : i32
    return %arg0, %c0_i32, %c0_i32_0 : i32, i32, i32
  }
  func.func @transform_5(%arg0: i32) -> (i32, i32, i32) {
    %c0_i32 = arith.constant 0 : i32
    %c0_i32_0 = arith.constant 0 : i32
    %c0_i32_1 = arith.constant 0 : i32
    return %arg0, %c0_i32, %c0_i32_0 : i32, i32, i32
  }
}

</mosaic_0001>

<sc_bundles>
// kernel: kernel.4.cloned.1.call-start
scs
__scs_entry_jumppad:
0x0: {  	(pc) =	sbr.rel $0x88, $3  }
0x1: {  	(tag) =	ssettag $0x0;
	lr =	simm.s32 $0x1  }
0x2: {  	[smem:$0x3F9D] =	sst lr;
	_ =	strace $0xD0000000  }
0x3: {  	_ = 	snop  }
0x4: {  	_ = 	snop  }
0x5: {  	_ = 	snop  }
0x6: {  	_ = 	snop  }
0x7: {  	_ = 	snop  }
__scs_overlays_trampoline_lowered:
0x8: {  	[smem:$0x3FAC] =	sst s0  }
0x9: {  	[smem:$0x3FAD] =	sst s1  }
0xa: {  	[smem:$0x3FAE] =	sst s2  }
0xb: {  	[smem:$0x3FAF] =	sst s3  }
0xc: {  	[smem:$0x3FB0] =	sst s4  }
0xd: {  	[smem:$0x3FB1] =	sst s5  }
0xe: {  	[smem:$0x3FB2] =	sst s6  }
0xf: {  	[smem:$0x3FB3] =	sst s7  }
0x10: {  	[smem:$0x3FB4] =	sst s8  }
0x11: {  	[smem:$0x3FB5] =	sst s9;
	s0 =	simm.s32 @!p0 $0x0  }
0x12: {  	s1 =	sld [smem:$0x3F9B];
	s0 =	simm.s32 @p0 $0x1  }
0x13: {  	[smem:$0x3FB6] =	sst s0;
	s0 =	simm.s32 @!p1 $0x0  }
0x14: {  	s2 =	sld [smem:$0x3F9A];
	s0 =	simm.s32 @p1 $0x1  }
0x15: {  	[smem:$0x3FB7] =	sst s0;
	s0 =	simm.s32 @!p2 $0x0  }
0x16: {  	s3 =	sld [smem:$0x3FDB];
	s0 =	simm.s32 @p2 $0x1  }
0x17: {  	s4 =	simm.s32 $0x1BF5;
	[smem:$0x3FB9] =	sst s0  }
0x18: {  	s0 =	sld [smem:$0x3F9C];
	_ =	swait.ge [sflag:s4], $0x0  }
0x19: {  	s7 =	sld [smem:$0x3F9D]  }
0x1a: {  	s8 =	sadd.s32 $0xFFFFE003, lr  }
0x1b: {  	s9 =	sadd.s32 $0xFFFFFEF7, lr;
	s5 =	simm.s32 $0xFFFFFFFF;
	p2 =	slt.u32 s8, $0xFFFFF086  }
0x1c: {  	p1 =	slt.u32 s9, $0xF7A;
	s5 =	simm.s32 @!p2 $0x0  }
0x1d: {  	s5 =	simm.s32 @p1 $0x1;
	p0 =	seq.s32 s7, s2  }
0x1e: {  	s7 =	smul.u32 @!p0 $0xF7A, s2;
	p2 =	seq.s32 @!p0 s5, $0x0  }
0x1f: {  	s9 =	smul.u32 $0xF7A, s1;
	s8 =	simm.s32 @!p0 $0x1BF5;
	p2 =	por !p2, p0  }
0x20: {  	[sflag:s8] =	ssyncset.s32 @!p0 $0xFFFFF086;
	s6 =	sadd.s32 @!p0 s3, s7;
	s7 =	simm.s32 @!p0 $0x108  }
0x21: {  	s3 =	sadd.s32 s3, s9;
	s6 =	sadd.s32 @!p0 $0x88, s6;
	s7 =	simm.s32 @p2 $0x1082  }
0x22: {  	[simem:s7], [sflag:s8] =	dma.local @!p0 [hbm:s6], $0xF7A  }
0x23: {  	s9 =	sor.u32 $0xD0000000, s2;
	s6 =	simm.s32 $0x108;
	_ =	swait.ge @!p0 [sflag:s8], $0x0  }
0x24: {  	s3 =	sadd.s32 $0x88, s3;
	s6 =	simm.s32 @!p1 $0x1082;
	[sflag:s4] =	ssyncset.s32 $0xFFFFF086  }
0x25: {  	[simem:s6], [sflag:s4] =	dma.local [hbm:s3], $0xF7A  }
0x26: {  	[smem:$0x3F9D] =	sst s1;
	(tag) =	ssettag s2;
	_ =	strace s9  }
0x27: {  	s1 =	sld [smem:$0x3FAD]  }
0x28: {  	s2 =	sld [smem:$0x3FAE]  }
0x29: {  	s4 =	sld [smem:$0x3FB0]  }
0x2a: {  	p0 =	seq.s32 s5, $0x0;
	s5 =	sld [smem:$0x3FB1]  }
0x2b: {  	s6 =	sld [smem:$0x3FB2]  }
0x2c: {  	s7 =	sld [smem:$0x3FB3]  }
0x2d: {  	s3 =	simm.s32 $0x108;
	s8 =	sld [smem:$0x3FB4]  }
0x2e: {  	s3 =	simm.s32 @!p0 $0x1082;
	s9 =	sld [smem:$0x3FB5]  }
0x2f: {  	lr =	sadd.s32 s0, s3;
	s0 =	sld [smem:$0x3FAC]  }
0x30: {  	s3 =	sld [smem:$0x3FAF]  }
0x31: {  	[smem:$0x3FB8] =	sst s10  }
0x32: {  	s10 =	sld [smem:$0x3FB6];
	_ =	sdelay $0x3  }
0x33: {  	p0 =	seq.s32 s10, $0x1;
	s10 =	sld [smem:$0x3FB8];
	_ =	sdelay $0x3  }
0x34: {  	[smem:$0x3FB8] =	sst s10  }
0x35: {  	s10 =	sld [smem:$0x3FB7];
	_ =	sdelay $0x3  }
0x36: {  	p1 =	seq.s32 s10, $0x1;
	s10 =	sld [smem:$0x3FB8];
	_ =	sdelay $0x3  }
0x37: {  	[smem:$0x3FB8] =	sst s10  }
0x38: {  	s10 =	sld [smem:$0x3FB9]  }
0x39: {  	_ = 	snop;
	(pc) =	sbr.ind lr, $3  }
0x3a: {  	_ = 	snop  }
0x3b: {  	_ = 	snop  }
0x3c: {  	p2 =	seq.s32 s10, $0x1;
	s10 =	sld [smem:$0x3FB8]  }
0x3d: {  	_ =	shalt  }
0x3e: {  	_ =	shalt  }
0x3f: {  	_ =	shalt  }
0x40: {  	_ =	shalt  }
0x41: {  	_ =	shalt  }
0x42: {  	_ =	shalt  }
0x43: {  	_ =	shalt  }
0x44: {  	_ =	shalt  }
0x45: {  	_ =	shalt  }
0x46: {  	_ =	shalt  }
0x47: {  	_ =	shalt  }
0x48: {  	_ =	shalt  }
0x49: {  	_ =	shalt  }
0x4a: {  	_ =	shalt  }
0x4b: {  	_ =	shalt  }
0x4c: {  	_ =	shalt  }
0x4d: {  	_ =	shalt  }
0x4e: {  	_ =	shalt  }
0x4f: {  	_ =	shalt  }
0x50: {  	_ =	shalt  }
0x51: {  	_ =	shalt  }
0x52: {  	_ =	shalt  }
0x53: {  	_ =	shalt  }
0x54: {  	_ =	shalt  }
0x55: {  	_ =	shalt  }
0x56: {  	_ =	shalt  }
0x57: {  	_ =	shalt  }
0x58: {  	_ =	shalt  }
0x59: {  	_ =	shalt  }
0x5a: {  	_ =	shalt  }
0x5b: {  	_ =	shalt  }
0x5c: {  	_ =	shalt  }
0x5d: {  	_ =	shalt  }
0x5e: {  	_ =	shalt  }
0x5f: {  	_ =	shalt  }
0x60: {  	_ =	shalt  }
0x61: {  	_ =	shalt  }
0x62: {  	_ =	shalt  }
0x63: {  	_ =	shalt  }
0x64: {  	_ =	shalt  }
0x65: {  	_ =	shalt  }
0x66: {  	_ =	shalt  }
0x67: {  	_ =	shalt  }
0x68: {  	_ =	shalt  }
0x69: {  	_ =	shalt  }
0x6a: {  	_ =	shalt  }
0x6b: {  	_ =	shalt  }
0x6c: {  	_ =	shalt  }
0x6d: {  	_ =	shalt  }
0x6e: {  	_ =	shalt  }
0x6f: {  	_ =	shalt  }
0x70: {  	_ =	shalt  }
0x71: {  	_ =	shalt  }
0x72: {  	_ =	shalt  }
0x73: {  	_ =	shalt  }
0x74: {  	_ =	shalt  }
0x75: {  	_ =	shalt  }
0x76: {  	_ =	shalt  }
0x77: {  	_ =	shalt  }
0x78: {  	_ =	shalt  }
0x79: {  	_ =	shalt  }
0x7a: {  	_ =	shalt  }
0x7b: {  	_ =	shalt  }
0x7c: {  	_ =	shalt  }
0x7d: {  	_ =	shalt  }
0x7e: {  	_ =	shalt  }
0x7f: {  	_ =	shalt  }
0x80: {  	_ =	shalt  }
0x81: {  	_ =	shalt  }
0x82: {  	_ =	shalt  }
0x83: {  	_ =	shalt  }
0x84: {  	_ =	shalt  }
0x85: {  	_ =	shalt  }
0x86: {  	_ =	shalt  }
0x87: {  	_ =	shalt  }
.Lfunc_end0:
.L_simem_size_0:
called_computation_lowered:
.L_overlay_start_0:
0x88: {  	s2 =	sld [smem:$0x3FD9]  }
0x89: {  	s3 =	sld [smem:$0x3FFE];
	_ =	sdelay $0x1  }
0x8a: {  	s1 =	srdreg.scid  }
0x8b: {  	s0 =	sand.u32 $0x1, s1  }
0x8c: {  	s14 =	sshll.u32 s0, $0xA;
	s2 =	sadd.s32 s3, s2  }
0x8d: {  	s2 =	sadd.s32 s2, s14  }
0x8e: {  	[smem:$0x3FC4] =	sst s2  }
0x8f: {  	_ = 	snop  }
0x90: {  	s2 =	sld [smem:$0x3FD0];
	_ =	sdelay $0x2  }
0x91: {  	s4 =	simm.s32 $0xA;
	s5 =	simm.s32 $0x10;
	s15 =	sld [smem:$0x3FC6]  }
0x92: {  	[smem:s5], [sflag:s4] =	dma.local [hbm:s2], $0x1  }
0x93: {  	_ =	swait.eq [sflag:s4], $0x1  }
0x94: {  	[sflag:s4] =	ssyncset.done $0x0  }
0x95: {  	[sflag:s4] =	ssyncadd.s32 $0xFFFFFFFF  }
0x96: {  	s16 =	sld [smem:$0x12];
	(tm) =	ssettm $0x1  }
0x97: {  	s17 =	sld [smem:$0x3FFB];
	_ =	sdelay $0x3  }
0x98: {  	_ =	strace s17  }
0x99: {  	s4 =	sld [smem:$0x3FFC];
	_ =	sdelay $0x3  }
0x9a: {  	_ =	strace s4  }
0x9b: {  	s4 =	sld [smem:$0x3FFD];
	_ =	sdelay $0x3  }
0x9c: {  	_ =	strace s4  }
0x9d: {  	_ =	strace $0x8FFFFFFF  }
0x9e: {  	s18 =	sld [smem:$0x3FDB];
	_ =	sdelay $0x1  }
0x9f: {  	s19 =	simm.s32 $_scs_section_size  }
0xa0: {  	s6 =	simm.s32 $_size__tile_overlayer_lowered;
	s7 =	simm.s32 $_tile_overlayer_lowered  }
0xa1: {  	s22 =	simm.s32 $0x1BFF;
	s21 =	sshll.u32 s7, $0x1;
	s4 =	sadd.s32 s19, s18  }
0xa2: {  	s8 =	simm.s32 $0x0;
	s20 =	sshll.u32 s6, $0x1;
	s6 =	sadd.s32 s21, s4  }
0xa3: {  	[timem:s8], [sflag:s22] =	dma.local [hbm:s6], s20  }
0xa4: {  	_ =	swait.ge [sflag:s22], s20  }
0xa5: {  	s5 =	ssub.s32 $0x0, s20;
	[sflag:s22] =	ssyncset.done $0x0  }
0xa6: {  	[sflag:s22] =	ssyncadd.s32 s5;
	_ =	sdelay $0x1  }
0xa7: {  	s23 =	simm.s32 $0x1B8B  }
0xa8: {  	_ =	swait.ge [sflag:s23], $0x1  }
0xa9: {  	[sflag:s23] =	ssyncset.done $0x0  }
0xaa: {  	s25 =	simm.s32 $0x1B8E;
	s24 =	sld [smem:$0x3FFE];
	[sflag:s23] =	ssyncadd.s32 $0xFFFFFFFF  }
0xab: {  	s26 =	simm.s32 $execute0_lowered;
	[smem:$0x3FD2] =	sst s25  }
0xac: {  	s6 =	sshll.u32 s26, $0x1;
	_ =	strace $0x80000046;
	[dreg:$0x1] =	wrdreg $0xFFFFFFFF  }
0xad: {  	s28 =	simm.s32 $_size_execute0_lowered;
	s4 =	sadd.s32 s4, s6;
	[dreg:$0x0] =	wrdreg $0x0  }
0xae: {  	s6 =	sshll.u32 s28, $0x1;
	[dreg:$0x2] =	wrdreg s4  }
0xaf: {  	[dreg:$0x3] =	wrdreg s6  }
0xb0: {  	[dreg:$0x4] =	wrdreg $0xC0  }
0xb1: {  	_ =	task [dreg:s8], $0x5FFFF  }
0xb2: {  	[dreg:$0x1] =	wrdreg $0xFFFFFFFF  }
0xb3: {  	[dreg:$0x0] =	wrdreg $0x60  }
0xb4: {  	[dreg:$0x2] =	wrdreg s15  }
0xb5: {  	[dreg:$0x3] =	wrdreg s16  }
0xb6: {  	[dreg:$0x4] =	wrdreg s24  }
0xb7: {  	[dreg:$0x5] =	wrdreg $0x9  }
0xb8: {  	_ =	task.clear_ibuf [dreg:s8], $0x6FFFF;
	_ =	strace $0x90000046  }
0xb9: {  	s29 =	simm.s32 $0x9;
	_ =	strace $0x80000048  }
0xba: {  	_ =	swait.ge [sflag:s29], $0x1  }
0xbb: {  	[sflag:s29] =	ssyncadd.s32 $0xFFFFFFFF  }
0xbc: {  	_ =	strace $0x90000048  }
0xbd: {  	_ =	sfence  }
0xbe: {  	s30 =	sld [smem:$0x0];
	_ =	sdelay $0x2  }
0xbf: {  	s31 =	sshll.u32 s1, $0xD;
	s1 =	sshrl.u32 s1, $0x2  }
0xc0: {  	s3 =	sand.u32 $0x4000, s31;
	s1 =	sadd.s32 s1, s30  }
0xc1: {  	s0 =	sor.u32 s3, s0;
	s1 =	sshll.u32 s1, $0x11  }
0xc2: {  	s0 =	sor.u32 s1, s0  }
0xc3: {  	s0 =	sadd.s32 $0x8F2B, s0  }
0xc4: {  	[sflag:s0] =	ssyncadd.remote.s32 $0x1  }
0xc5: {  	_ =	sfence.sel $0xFFFF  }
0xc6: {  	[dreg:$0x0] =	wrdreg $0xFFFFFFFF;
	(pc) =	sbr.abs _section_cstart, $3  }
0xc7: {  	[dreg:$0x1] =	wrdreg $0xFFFFFFFF  }
0xc8: {  	_ =	task.clear_ibuf [dreg:s8], $0x2FFFF;
	_ =	strace $0x9FFFFFFF  }
0xc9: {  	(tm) =	ssettm $0x7FFFFFFF  }
tec
execute0_lowered:
.L_overlay_start_1:
0x0: {  	(tag) =	ssettag $0x1  }
0x1: {  	s4 =	rddreg [dreg:$0x0]  }
0x2: {  	s1 =	srdreg.scid;
	s2 =	stileid.u32  }
0x3: {  	s0 =	rddreg [dreg:$0x1];
	s3 =	sand.u32 $0x1, s1;
	s22 =	sshll.u32 s2, $0x1  }
0x4: {  	s5 =	rddreg [dreg:$0x2];
	s28 =	simm.s32 $0x1400;
	s1 =	sor.u32 s3, s22  }
0x5: {  	s2 =	simm.s32 $0x0;
	s23 =	ssub.s32 $0x2, s3;
	s6 =	smul.u32 $0x3, s1  }
0x6: {  	s5 =	sadd.s32 $0x1000, s5;
	[smem:$0x7FF] =	sst s2;
	s11 =	sshrl.u32 s23, $0x1  }
0x7: {  	_ =	strace $0x80000047;
	s11 =	ssub.s32 s23, s11;
	s1 =	sshrl.u32 s6, $0x4  }
0x8: {  	s7 =	sshll.u32 s6, $0xC;
	s9 =	sshll.u32 s6, $0x9;
	s24 =	sand.u32 $0xE, s6  }
0x9: {  	s29 =	sand.u32 $0x70, s6;
	s12 =	sadd.s32 $0x1, s6;
	s6 =	sadd.s32 $0x2, s6  }
0xa: {  	s8 =	sshll.u32 s1, $0x10;
	s7 =	sand.u32 $0xE000, s7;
	s9 =	sand.u32 $0x200, s9  }
0xb: {  	s10 =	sshll.u32 s1, $0x6;
	s3 =	sshll.u32 s24, $0x2;
	s16 =	sshll.u32 s12, $0xC  }
0xc: {  	s14 =	sshll.u32 s12, $0x9;
	s15 =	sand.u32 $0xE, s12;
	s7 =	sor.u32 s7, s8  }
0xd: {  	s20 =	sshll.u32 s6, $0xC;
	s10 =	sor.u32 s3, s10;
	s7 =	sor.u32 s9, s7  }
0xe: {  	s14 =	sand.u32 $0x200, s14;
	s25 =	sshrl.u32 s10, $0x3;
	s7 =	sshrl.u32 s7, $0x3  }
0xf: {  	s15 =	sshll.u32 s15, $0x2;
	s10 =	smul.u32 $0x1400, s25;
	s3 =	sadd.s32 s4, s7  }
0x10: {  	s7 =	sadd.s32 $0x10, s3;
	s26 =	sadd.s32 $0x20, s3;
	s30 =	sadd.s32 $0x30, s3  }
0x11: {  	s31 =	sor.u32 s9, s10;
	s10 =	sshrl.u32 s12, $0x4;
	[dreg:$0x4] =	wrdreg s7  }
0x12: {  	s9 =	sand.u32 $0xE000, s16;
	s16 =	sshrl.u32 s6, $0x4;
	[dreg:$0x5] =	wrdreg s26  }
0x13: {  	s12 =	sand.u32 $0x70, s12;
	[dreg:$0x6] =	wrdreg s30;
	s7 =	sadd.s32 s0, s29  }
0x14: {  	s13 =	sshll.u32 s10, $0x10;
	s17 =	sshll.u32 s10, $0x6;
	s8 =	sshrl.u32 s31, $0x3  }
0x15: {  	s21 =	sshll.u32 s16, $0x10;
	s22 =	sshll.u32 s16, $0x6;
	p0 =	seq.s32 s10, s1  }
0x16: {  	p1 =	seq.s32 s16, s10;
	s9 =	sor.u32 s9, s13;
	s13 =	sor.u32 s15, s17  }
0x17: {  	s8 =	sadd.s32 s5, s8;
	s9 =	sor.u32 s14, s9;
	s13 =	sshrl.u32 s13, $0x3  }
0x18: {  	s17 =	sand.u32 $0xE, s6;
	s9 =	sshrl.u32 s9, $0x3;
	s13 =	smul.u32 $0x1400, s13  }
0x19: {  	s15 =	sand.u32 $0xE000, s20;
	s17 =	sshll.u32 s17, $0x2;
	s9 =	sadd.s32 s4, s9  }
0x1a: {  	s18 =	sadd.s32 $0x10, s9;
	s19 =	sadd.s32 $0x20, s9;
	s13 =	sor.u32 s14, s13  }
0x1b: {  	s14 =	sor.u32 s15, s21;
	s15 =	sor.u32 s17, s22;
	s23 =	sadd.s32 $0x30, s9  }
0x1c: {  	s21 =	smax.u32 s11, $0x1;
	s22 =	simm.s32 $0x80;
	[dreg:$0x7] =	wrdreg s18  }
0x1d: {  	s11 =	simm.s32 $0x1;
	[dreg:$0x8] =	wrdreg s19;
	s18 =	sshll.u32 s6, $0x9  }
0x1e: {  	[dreg:$0x9] =	wrdreg s23;
	s15 =	sshrl.u32 s15, $0x3;
	s18 =	sand.u32 $0x200, s18  }
0x1f: {  	s24 =	sshrl.u32 s13, $0x3;
	s6 =	sand.u32 $0x70, s6;
	s14 =	sor.u32 s18, s14  }
0x20: {  	s23 =	simm.s32 $0x400;
	s25 =	smul.u32 $0x1400, s15;
	s14 =	sshrl.u32 s14, $0x3  }
0x21: {  	s15 =	sadd.s32 s5, s24;
	s24 =	simm.s32 $0x2;
	s13 =	sadd.s32 s4, s14  }
0x22: {  	s14 =	sadd.s32 s0, s12;
	s4 =	sor.u32 s18, s25;
	s18 =	sadd.s32 s0, s6  }
0x23: {  	s25 =	simm.s32 $0x800;
	s0 =	simm.s32 $0x200;
	s26 =	sadd.s32 $0x10, s13  }
0x24: {  	s12 =	simm.s32 $0x0;
	s29 =	sadd.s32 $0x20, s13;
	[dreg:$0xa] =	wrdreg s26  }
0x25: {  	s30 =	sadd.s32 $0x30, s13;
	s31 =	sshrl.u32 s4, $0x3;
	[dreg:$0xb] =	wrdreg s29  }
0x26: {  	[dreg:$0xc] =	wrdreg s30;
	s20 =	sadd.s32 s5, s31;
	s26 =	simm.s32 $0xC00  }
.LBB2_1:
0x27: {  	[tilespmem:s2], [sflag:$0x2] =	stream.strided.gather [hbm4b:s3+s22], $0x400, s23, s22, $0x38;
	[tilespmem:$0xC400] =	vst v63  }
0x28: {  	_ =	swait.ge [sflag:s24], $0x400  }
0x29: {  	[sflag:s24] =	ssyncset.done $0x0  }
0x2a: {  	s1 =	rddreg [dreg:$0x4];
	[sflag:s24] =	ssyncadd.s32 $0xFFFFFC00  }
0x2b: {  	[tilespmem:s23], [sflag:$0x2] =	stream.strided.gather [hbm4b:s1+s22], $0x400, s23, s22, $0x38;
	[tilespmem:$0xC400] =	vst v63  }
0x2c: {  	_ =	swait.ge [sflag:s24], $0x400  }
0x2d: {  	[sflag:s24] =	ssyncset.done $0x0  }
0x2e: {  	s6 =	rddreg [dreg:$0x5];
	[sflag:s24] =	ssyncadd.s32 $0xFFFFFC00  }
0x2f: {  	[tilespmem:s25], [sflag:$0x2] =	stream.strided.gather [hbm4b:s6+s22], $0x400, s23, s22, $0x38;
	[tilespmem:$0xC400] =	vst v63  }
0x30: {  	_ =	swait.ge [sflag:s24], $0x400  }
0x31: {  	[sflag:s24] =	ssyncset.done $0x0  }
0x32: {  	s10 =	rddreg [dreg:$0x6];
	[sflag:s24] =	ssyncadd.s32 $0xFFFFFC00  }
0x33: {  	[tilespmem:s26], [sflag:$0x2] =	stream.strided.gather [hbm4b:s10+s22], $0x400, s23, s22, $0x38;
	[tilespmem:$0xC400] =	vst v63  }
0x34: {  	_ =	swait.ge [sflag:s24], $0x400  }
0x35: {  	[sflag:s24] =	ssyncset.done $0x0  }
0x36: {  	s16 =	simm.s32 $0x1000;
	[sflag:s24] =	ssyncadd.s32 $0xFFFFFC00  }
0x37: {  	[tilespmem:s16], [sflag:$0x2] =	stream.strided.gather [hbm4b:s7+s22], $0x400, s28, s22, $0x38;
	[tilespmem:$0xC400] =	vst v63  }
0x38: {  	s17 =	sadd.s32 $0x80, s7  }
0x39: {  	[tilespmem:s28], [sflag:$0x2] =	stream.strided.gather [hbm4b:s17+s22], $0x400, s28, s22, $0x38;
	[tilespmem:$0xC400] =	vst v63  }
0x3a: {  	s19 =	sadd.s32 $0x100, s7;
	s4 =	simm.s32 $0x1800  }
0x3b: {  	[tilespmem:s4], [sflag:$0x2] =	stream.strided.gather [hbm4b:s19+s22], $0x400, s28, s22, $0x38;
	[tilespmem:$0xC400] =	vst v63  }
0x3c: {  	s5 =	sadd.s32 $0x180, s7;
	s6 =	simm.s32 $0x1C00  }
0x3d: {  	[tilespmem:s6], [sflag:$0x2] =	stream.strided.gather [hbm4b:s5+s22], $0x400, s28, s22, $0x38;
	[tilespmem:$0xC400] =	vst v63  }
0x3e: {  	s10 =	sadd.s32 $0x200, s7;
	s16 =	simm.s32 $0x2000  }
0x3f: {  	[tilespmem:s16], [sflag:$0x2] =	stream.strided.gather [hbm4b:s10+s22], $0x400, s28, s22, $0x38;
	[tilespmem:$0xC400] =	vst v63  }
0x40: {  	s17 =	simm.s32 $0x0;
	_ =	swait.ge [sflag:s24], $0x1400  }
0x41: {  	s1 =	sand.u32 $0x3FFFFC00, s17;
	s19 =	sand.u32 $0x70, s2;
	[sflag:s24] =	ssyncset.done $0x0  }
0x42: {  	s17 =	sor.u32 s19, s1;
	[sflag:s24] =	ssyncadd.s32 $0xFFFFEC00  }
0x43: {  	v0 =	vld [tilespmem:s17+$0x1080]  }
0x44: {  	v1 =	vld [tilespmem:s17+$0x1000];
	_ =	sdelay $0x4  }
0x45: {  	v2 =	vadd.s32 $0x800, v0  }
0x46: {  	v3 =	vadd.s32 $0x400, v1  }
0x47: {  	v4 =	vadd.s32 $0xC00, v1  }
0x48: {  	v7 =	vadd.s32 $0xC00, v0;
	v5 =	vld.idx.msk [tilespmem:v1+s2+$0x0], $0xffff  }
0x49: {  	v6 =	vadd.s32 $0x400, v0;
	v0 =	vld.idx.msk [tilespmem:v0+s2+$0x0], $0xffff  }
0x4a: {  	v1 =	vadd.s32 $0x800, v1;
	v2 =	vld.idx.msk [tilespmem:v2+s2+$0x0], $0xffff  }
0x4b: {  	v3 =	vld.idx.msk [tilespmem:v3+s2+$0x0], $0xffff  }
0x4c: {  	s10 =	simm.s32 $0x0;
	v4 =	vld.idx.msk [tilespmem:v4+s2+$0x0], $0xffff  }
0x4d: {  	s1 =	sand.u32 $0x3FFFFE00, s10;
	v7 =	vld.idx.msk [tilespmem:v7+s2+$0x0], $0xffff  }
0x4e: {  	s5 =	simm.s32 $0x80;
	s6 =	simm.s32 $0x10;
	s29 =	sor.u32 s19, s1;
	v6 =	vld.idx.msk [tilespmem:v6+s2+$0x0], $0xffff  }
0x4f: {  	s16 =	sand.u32 $0x70, s6;
	s19 =	sand.u32 $0x3FFFFC00, s5;
	v1 =	vld.idx.msk [tilespmem:v1+s2+$0x0], $0xffff;
	[tilespmem:s29+$0x2E00] =	vst v0  }
0x50: {  	s31 =	sor.u32 s16, s19;
	[tilespmem:s29+$0x2400] =	vst v5  }
0x51: {  	v0 =	vld [tilespmem:s31+$0x1080];
	[tilespmem:s29+$0x2580] =	vst v4  }
0x52: {  	v4 =	vld [tilespmem:s31+$0x1000];
	[tilespmem:s29+$0x2F80] =	vst v7  }
0x53: {  	[tilespmem:s29+$0x2E80] =	vst v6  }
0x54: {  	[tilespmem:s29+$0x2F00] =	vst v2  }
0x55: {  	[tilespmem:s29+$0x2480] =	vst v3  }
0x56: {  	[tilespmem:s29+$0x2500] =	vst v1;
	v1 =	vadd.s32 $0x800, v0  }
0x57: {  	v8 =	vadd.s32 $0x400, v0;
	v3 =	vld [tilespmem:s17+$0x1180]  }
0x58: {  	v9 =	vadd.s32 $0xC00, v0;
	v6 =	vld [tilespmem:s17+$0x1100]  }
0x59: {  	v2 =	vadd.s32 $0x400, v4;
	v0 =	vld.idx.msk [tilespmem:v0+s2+$0x0], $0xffff  }
0x5a: {  	v5 =	vadd.s32 $0xC00, v4;
	v7 =	vld.idx.msk [tilespmem:v4+s2+$0x0], $0xffff  }
0x5b: {  	v1 =	vld.idx.msk [tilespmem:v1+s2+$0x0], $0xffff  }
0x5c: {  	v8 =	vld.idx.msk [tilespmem:v8+s2+$0x0], $0xffff  }
0x5d: {  	v4 =	vadd.s32 $0x800, v4;
	v9 =	vld.idx.msk [tilespmem:v9+s2+$0x0], $0xffff  }
0x5e: {  	v10 =	vadd.s32 $0x800, v3;
	v2 =	vld.idx.msk [tilespmem:v2+s2+$0x0], $0xffff  }
0x5f: {  	v11 =	vadd.s32 $0xC00, v3;
	v5 =	vld.idx.msk [tilespmem:v5+s2+$0x0], $0xffff  }
0x60: {  	v12 =	vadd.s32 $0xC00, v6;
	v15 =	vld.idx.msk [tilespmem:v6+s2+$0x0], $0xffff  }
0x61: {  	v13 =	vadd.s32 $0x400, v3;
	v3 =	vld.idx.msk [tilespmem:v3+s2+$0x0], $0xffff  }
0x62: {  	s5 =	simm.s32 $0x40;
	v14 =	vadd.s32 $0x400, v6;
	v4 =	vld.idx.msk [tilespmem:v4+s2+$0x0], $0xffff  }
0x63: {  	s4 =	sand.u32 $0x3FFFFE00, s5;
	v6 =	vadd.s32 $0x800, v6;
	v10 =	vld.idx.msk [tilespmem:v10+s2+$0x0], $0xffff  }
0x64: {  	s30 =	sor.u32 s16, s4;
	v11 =	vld.idx.msk [tilespmem:v11+s2+$0x0], $0xffff  }
0x65: {  	[tilespmem:s30+$0x2E00] =	vst v0;
	v12 =	vld.idx.msk [tilespmem:v12+s2+$0x0], $0xffff  }
0x66: {  	[tilespmem:s30+$0x2400] =	vst v7;
	v0 =	vld.idx.msk [tilespmem:v13+s2+$0x0], $0xffff  }
0x67: {  	[tilespmem:s30+$0x2580] =	vst v5;
	v5 =	vld.idx.msk [tilespmem:v14+s2+$0x0], $0xffff  }
0x68: {  	v6 =	vld.idx.msk [tilespmem:v6+s2+$0x0], $0xffff;
	[tilespmem:s29+$0x4200] =	vst v3  }
0x69: {  	[tilespmem:s29+$0x3800] =	vst v15  }
0x6a: {  	[tilespmem:s29+$0x4380] =	vst v11  }
0x6b: {  	[tilespmem:s29+$0x4300] =	vst v10  }
0x6c: {  	s6 =	simm.s32 $0x100;
	s4 =	simm.s32 $0x20;
	[tilespmem:s29+$0x4280] =	vst v0  }
0x6d: {  	s1 =	sand.u32 $0x3FFFFC00, s6;
	s10 =	sand.u32 $0x70, s4;
	[tilespmem:s29+$0x3980] =	vst v12  }
0x6e: {  	s16 =	sor.u32 s10, s1;
	[tilespmem:s29+$0x3880] =	vst v5  }
0x6f: {  	v0 =	vld [tilespmem:s16+$0x1000];
	[tilespmem:s29+$0x3900] =	vst v6  }
0x70: {  	[tilespmem:s30+$0x2F80] =	vst v9;
	v3 =	vld [tilespmem:s17+$0x1200]  }
0x71: {  	[tilespmem:s30+$0x2500] =	vst v4;
	v4 =	vld [tilespmem:s17+$0x1280]  }
0x72: {  	[tilespmem:s30+$0x2E80] =	vst v8  }
0x73: {  	[tilespmem:s30+$0x2F00] =	vst v1  }
0x74: {  	v1 =	vld [tilespmem:s16+$0x1080];
	[tilespmem:s30+$0x2480] =	vst v2  }
0x75: {  	v8 =	vld [tilespmem:s31+$0x1100];
	v2 =	vadd.s32 $0x400, v3  }
0x76: {  	v9 =	vld [tilespmem:s31+$0x1180];
	v5 =	vadd.s32 $0x800, v3  }
0x77: {  	v7 =	vld.idx.msk [tilespmem:v0+s2+$0x0], $0xffff;
	v6 =	vadd.s32 $0xC00, v3  }
0x78: {  	v12 =	vadd.s32 $0x400, v4;
	v10 =	vld.idx.msk [tilespmem:v3+s2+$0x0], $0xffff  }
0x79: {  	v11 =	vld.idx.msk [tilespmem:v4+s2+$0x0], $0xffff  }
0x7a: {  	v3 =	vadd.s32 $0x800, v4;
	v13 =	vld.idx.msk [tilespmem:v2+s2+$0x0], $0xffff  }
0x7b: {  	v2 =	vadd.s32 $0xC00, v4;
	v5 =	vld.idx.msk [tilespmem:v5+s2+$0x0], $0xffff  }
0x7c: {  	v14 =	vadd.s32 $0x400, v0;
	v6 =	vld.idx.msk [tilespmem:v6+s2+$0x0], $0xffff  }
0x7d: {  	v4 =	vadd.s32 $0x800, v1;
	v12 =	vld.idx.msk [tilespmem:v12+s2+$0x0], $0xffff  }
0x7e: {  	v17 =	vadd.s32 $0x400, v1;
	v19 =	vadd.s32 $0xC00, v1;
	v1 =	vld.idx.msk [tilespmem:v1+s2+$0x0], $0xffff  }
0x7f: {  	v15 =	vld.idx.msk [tilespmem:v3+s2+$0x0], $0xffff  }
0x80: {  	v16 =	vadd.s32 $0xC00, v0;
	v18 =	vld.idx.msk [tilespmem:v2+s2+$0x0], $0xffff;
	[tilespmem:s29+$0x5600] =	vst v11  }
0x81: {  	v0 =	vadd.s32 $0x800, v0;
	v3 =	vld.idx.msk [tilespmem:v14+s2+$0x0], $0xffff;
	[tilespmem:s29+$0x4C00] =	vst v10  }
0x82: {  	v2 =	vld.idx.msk [tilespmem:v4+s2+$0x0], $0xffff;
	v4 =	vadd.s32 $0x800, v9;
	[tilespmem:s29+$0x4D00] =	vst v5  }
0x83: {  	v14 =	vld.idx.msk [tilespmem:v17+s2+$0x0], $0xffff;
	[tilespmem:s29+$0x4D80] =	vst v6  }
0x84: {  	v10 =	vld.idx.msk [tilespmem:v19+s2+$0x0], $0xffff;
	[tilespmem:s29+$0x5680] =	vst v12;
	v11 =	vadd.s32 $0xC00, v9  }
0x85: {  	s19 =	simm.s32 $0x80;
	v5 =	vld.idx.msk [tilespmem:v16+s2+$0x0], $0xffff;
	[tilespmem:s29+$0x4C80] =	vst v13  }
0x86: {  	s1 =	sand.u32 $0x3FFFFE00, s19;
	v12 =	vld.idx.msk [tilespmem:v0+s2+$0x0], $0xffff;
	[tilespmem:s29+$0x5700] =	vst v15  }
0x87: {  	s1 =	sor.u32 s10, s1;
	[tilespmem:s29+$0x5780] =	vst v18;
	v6 =	vld.idx.msk [tilespmem:v4+s2+$0x0], $0xffff  }
0x88: {  	[tilespmem:s1+$0x2E00] =	vst v1;
	v15 =	vadd.s32 $0xC00, v8;
	v1 =	vld [tilespmem:s17+$0x1300]  }
0x89: {  	[tilespmem:s1+$0x2F80] =	vst v10;
	v10 =	vld.idx.msk [tilespmem:v11+s2+$0x0], $0xffff  }
0x8a: {  	[tilespmem:s1+$0x2580] =	vst v5;
	v11 =	vadd.s32 $0x400, v8;
	v0 =	vld [tilespmem:s17+$0x1380]  }
0x8b: {  	v5 =	vld.idx.msk [tilespmem:v8+s2+$0x0], $0xffff;
	[tilespmem:s1+$0x2500] =	vst v12;
	v12 =	vadd.s32 $0x400, v9  }
0x8c: {  	[tilespmem:s1+$0x2400] =	vst v7;
	v9 =	vld.idx.msk [tilespmem:v9+s2+$0x0], $0xffff  }
0x8d: {  	s5 =	simm.s32 $0x3;
	[tilespmem:s1+$0x2E80] =	vst v14;
	v8 =	vadd.s32 $0x800, v8;
	v7 =	vld.idx.msk [tilespmem:v15+s2+$0x0], $0xffff;
	v4 =	vadd.s32 $0x400, v1  }
.LBB2_2:
0x8e: {  	s19 =	sshll.u32 s5, $0x7  }
0x8f: {  	s4 =	sadd.s32 $0x10, s4;
	v11 =	vld.idx.msk [tilespmem:v11+s2+$0x0], $0xffff;
	s10 =	smov.u32 s5;
	s17 =	sadd.s32 $0x1, s5  }
0x90: {  	p2 =	sne.s32 s5, $0x23;
	s6 =	sand.u32 $0x70, s4;
	s19 =	sand.u32 $0x3FFFFC00, s19;
	v12 =	vld.idx.msk [tilespmem:v12+s2+$0x0], $0xffff  }
0x91: {  	v14 =	vadd.s32 $0x800, v1;
	s5 =	sor.u32 s6, s19;
	v13 =	vld.idx.msk [tilespmem:v1+s2+$0x0], $0xffff  }
0x92: {  	v15 =	vadd.s32 $0xC00, v0;
	[tilespmem:s1+$0x2F00] =	vst v2;
	v2 =	vld.idx.msk [tilespmem:v0+s2+$0x0], $0xffff  }
0x93: {  	[tilespmem:s1+$0x2480] =	vst v3;
	v3 =	vld.idx.msk [tilespmem:v8+s2+$0x0], $0xffff  }
0x94: {  	v1 =	vadd.s32 $0xC00, v1;
	[tilespmem:s30+$0x4380] =	vst v10;
	v4 =	vld.idx.msk [tilespmem:v4+s2+$0x0], $0xffff  }
0x95: {  	v8 =	vld [tilespmem:s5+$0x1000];
	[tilespmem:s30+$0x4300] =	vst v6;
	v6 =	vadd.s32 $0x400, v0  }
0x96: {  	v0 =	vadd.s32 $0x800, v0;
	[tilespmem:s30+$0x4280] =	vst v12;
	v10 =	vld.idx.msk [tilespmem:v14+s2+$0x0], $0xffff  }
0x97: {  	[tilespmem:s30+$0x4200] =	vst v9;
	v9 =	vld.idx.msk [tilespmem:v15+s2+$0x0], $0xffff  }
0x98: {  	v12 =	vld [tilespmem:s5+$0x1080];
	[tilespmem:s30+$0x3980] =	vst v7  }
0x99: {  	[tilespmem:s30+$0x3900] =	vst v3;
	v1 =	vld.idx.msk [tilespmem:v1+s2+$0x0], $0xffff  }
0x9a: {  	[tilespmem:s30+$0x3880] =	vst v11;
	v3 =	vld.idx.msk [tilespmem:v6+s2+$0x0], $0xffff  }
0x9b: {  	[tilespmem:s30+$0x3800] =	vst v5;
	v0 =	vld.idx.msk [tilespmem:v0+s2+$0x0], $0xffff  }
0x9c: {  	v5 =	vld [tilespmem:s31+$0x1200];
	[tilespmem:s29+$0x6A00] =	vst v2  }
0x9d: {  	v2 =	vld [tilespmem:s31+$0x1280];
	[tilespmem:s29+$0x6080] =	vst v4  }
0x9e: {  	v4 =	vadd.s32 $0xC00, v8;
	v6 =	vadd.s32 $0x800, v12;
	[tilespmem:s29+$0x6B80] =	vst v9  }
0x9f: {  	v7 =	vadd.s32 $0x400, v8;
	[tilespmem:s29+$0x6180] =	vst v1  }
0xa0: {  	v1 =	vadd.s32 $0x800, v8;
	[tilespmem:s29+$0x6A80] =	vst v3  }
0xa1: {  	v9 =	vld [tilespmem:s16+$0x1100];
	v3 =	vadd.s32 $0x400, v5;
	[tilespmem:s29+$0x6B00] =	vst v0  }
0xa2: {  	v0 =	vadd.s32 $0x800, v5;
	v14 =	vld [tilespmem:s16+$0x1180];
	[tilespmem:s29+$0x6000] =	vst v13  }
0xa3: {  	v13 =	vld.idx.msk [tilespmem:v8+s2+$0x0], $0xffff;
	v8 =	vadd.s32 $0xC00, v5;
	[tilespmem:s29+$0x6100] =	vst v10;
	s29 =	smov.u32 s30;
	s30 =	smov.u32 s1  }
0xa4: {  	v11 =	vadd.s32 $0x800, v2;
	v10 =	vadd.s32 $0x400, v12;
	v5 =	vld.idx.msk [tilespmem:v5+s2+$0x0], $0xffff  }
0xa5: {  	v15 =	vadd.s32 $0xC00, v12;
	v17 =	vadd.s32 $0x400, v2;
	v16 =	vld.idx.msk [tilespmem:v2+s2+$0x0], $0xffff  }
0xa6: {  	v2 =	vadd.s32 $0xC00, v2;
	v18 =	vld.idx.msk [tilespmem:v3+s2+$0x0], $0xffff  }
0xa7: {  	v0 =	vld.idx.msk [tilespmem:v0+s2+$0x0], $0xffff  }
0xa8: {  	v8 =	vld.idx.msk [tilespmem:v8+s2+$0x0], $0xffff  }
0xa9: {  	v11 =	vld.idx.msk [tilespmem:v11+s2+$0x0], $0xffff  }
0xaa: {  	v17 =	vld.idx.msk [tilespmem:v17+s2+$0x0], $0xffff  }
0xab: {  	v19 =	vld.idx.msk [tilespmem:v2+s2+$0x0], $0xffff  }
0xac: {  	v2 =	vld.idx.msk [tilespmem:v6+s2+$0x0], $0xffff;
	[tilespmem:s29+$0x5600] =	vst v16  }
0xad: {  	v3 =	vld.idx.msk [tilespmem:v7+s2+$0x0], $0xffff;
	[tilespmem:s29+$0x4C00] =	vst v5  }
0xae: {  	v6 =	vadd.s32 $0x800, v14;
	v5 =	vld.idx.msk [tilespmem:v12+s2+$0x0], $0xffff;
	[tilespmem:s29+$0x4D00] =	vst v0  }
0xaf: {  	v0 =	vld.idx.msk [tilespmem:v4+s2+$0x0], $0xffff;
	[tilespmem:s29+$0x4D80] =	vst v8  }
0xb0: {  	v4 =	vld.idx.msk [tilespmem:v10+s2+$0x0], $0xffff;
	[tilespmem:s29+$0x5700] =	vst v11  }
0xb1: {  	s1 =	sshll.u32 s10, $0x6;
	v7 =	vld.idx.msk [tilespmem:v15+s2+$0x0], $0xffff;
	[tilespmem:s29+$0x5680] =	vst v17  }
0xb2: {  	s1 =	sand.u32 $0x3FFFFE00, s1;
	v10 =	vadd.s32 $0xC00, v14;
	v15 =	vld.idx.msk [tilespmem:v1+s2+$0x0], $0xffff;
	[tilespmem:s29+$0x5780] =	vst v19  }
0xb3: {  	s1 =	sor.u32 s6, s1;
	v16 =	vadd.s32 $0xC00, v9;
	v6 =	vld.idx.msk [tilespmem:v6+s2+$0x0], $0xffff;
	[tilespmem:s29+$0x4C80] =	vst v18  }
0xb4: {  	[tilespmem:s1+$0x2E00] =	vst v5;
	v1 =	vld [tilespmem:s31+$0x1300]  }
.Ltmp0:
0xb5: {  	v8 =	vadd.s32 $0x800, v9;
	v11 =	vadd.s32 $0x400, v9;
	[tilespmem:s1+$0x2580] =	vst v0;
	v0 =	vld [tilespmem:s31+$0x1380];
	s31 =	smov.u32 s16;
	s16 =	smov.u32 s5;
	(pc) =	sbr.rel @p2 .LBB2_2-.Ltmp0, $4  }
0xb6: {  	v12 =	vadd.s32 $0x400, v14;
	[tilespmem:s1+$0x2400] =	vst v13;
	v5 =	vld.idx.msk [tilespmem:v9+s2+$0x0], $0xffff  }
0xb7: {  	[tilespmem:s1+$0x2F80] =	vst v7;
	v10 =	vld.idx.msk [tilespmem:v10+s2+$0x0], $0xffff  }
0xb8: {  	[tilespmem:s1+$0x2500] =	vst v15;
	v7 =	vld.idx.msk [tilespmem:v16+s2+$0x0], $0xffff  }
0xb9: {  	s5 =	smov.u32 s17;
	[tilespmem:s1+$0x2E80] =	vst v4;
	v9 =	vld.idx.msk [tilespmem:v14+s2+$0x0], $0xffff;
	v4 =	vadd.s32 $0x400, v1  }
0xba: {  	_ =	sdelay $0x3  }
0xbb: {  	v12 =	vld.idx.msk [tilespmem:v12+s2+$0x0], $0xffff  }
0xbc: {  	v11 =	vld.idx.msk [tilespmem:v11+s2+$0x0], $0xffff  }
0xbd: {  	v8 =	vld.idx.msk [tilespmem:v8+s2+$0x0], $0xffff;
	[tilespmem:s30+$0x4300] =	vst v6  }
0xbe: {  	[tilespmem:s1+$0x2F00] =	vst v2  }
0xbf: {  	[tilespmem:s1+$0x2480] =	vst v3  }
0xc0: {  	[tilespmem:s30+$0x3800] =	vst v5  }
0xc1: {  	v3 =	vld [tilespmem:s16+$0x1180];
	[tilespmem:s30+$0x4380] =	vst v10  }
0xc2: {  	[tilespmem:s30+$0x3980] =	vst v7  }
0xc3: {  	[tilespmem:s30+$0x4200] =	vst v9  }
0xc4: {  	[tilespmem:s30+$0x4280] =	vst v12  }
0xc5: {  	[tilespmem:s30+$0x3900] =	vst v8  }
0xc6: {  	[tilespmem:s30+$0x3880] =	vst v11;
	v8 =	vld [tilespmem:s16+$0x1100];
	v13 =	vadd.s32 $0x800, v3  }
0xc7: {  	v5 =	vld [tilespmem:s31+$0x1200];
	v14 =	vadd.s32 $0xC00, v3  }
0xc8: {  	v6 =	vld [tilespmem:s31+$0x1280];
	v16 =	vadd.s32 $0x400, v3;
	_ =	sdelay $0x1  }
0xc9: {  	v3 =	vld.idx.msk [tilespmem:v3+s2+$0x0], $0xffff  }
0xca: {  	v13 =	vld.idx.msk [tilespmem:v13+s2+$0x0], $0xffff  }
0xcb: {  	v15 =	vadd.s32 $0xC00, v8;
	v14 =	vld.idx.msk [tilespmem:v14+s2+$0x0], $0xffff  }
0xcc: {  	v2 =	vadd.s32 $0x400, v5;
	v16 =	vld.idx.msk [tilespmem:v16+s2+$0x0], $0xffff  }
0xcd: {  	v7 =	vadd.s32 $0x800, v5;
	v18 =	vld.idx.msk [tilespmem:v8+s2+$0x0], $0xffff  }
0xce: {  	v9 =	vadd.s32 $0xC00, v5;
	v5 =	vld.idx.msk [tilespmem:v5+s2+$0x0], $0xffff  }
0xcf: {  	v10 =	vadd.s32 $0x800, v6;
	v11 =	vld.idx.msk [tilespmem:v6+s2+$0x0], $0xffff  }
0xd0: {  	v12 =	vadd.s32 $0x400, v6;
	v15 =	vld.idx.msk [tilespmem:v15+s2+$0x0], $0xffff  }
0xd1: {  	v6 =	vadd.s32 $0xC00, v6;
	v2 =	vld.idx.msk [tilespmem:v2+s2+$0x0], $0xffff  }
0xd2: {  	v17 =	vadd.s32 $0x400, v8;
	v7 =	vld.idx.msk [tilespmem:v7+s2+$0x0], $0xffff  }
0xd3: {  	v8 =	vadd.s32 $0x800, v8;
	v9 =	vld.idx.msk [tilespmem:v9+s2+$0x0], $0xffff  }
0xd4: {  	v10 =	vld.idx.msk [tilespmem:v10+s2+$0x0], $0xffff  }
0xd5: {  	v12 =	vld.idx.msk [tilespmem:v12+s2+$0x0], $0xffff  }
0xd6: {  	v6 =	vld.idx.msk [tilespmem:v6+s2+$0x0], $0xffff;
	[tilespmem:s30+$0x5600] =	vst v11  }
0xd7: {  	v11 =	vld.idx.msk [tilespmem:v17+s2+$0x0], $0xffff;
	[tilespmem:s30+$0x4C00] =	vst v5  }
0xd8: {  	v5 =	vld.idx.msk [tilespmem:v8+s2+$0x0], $0xffff;
	[tilespmem:s1+$0x4380] =	vst v14  }
0xd9: {  	[tilespmem:s1+$0x4300] =	vst v13  }
0xda: {  	[tilespmem:s1+$0x4280] =	vst v16  }
0xdb: {  	[tilespmem:s1+$0x4200] =	vst v3  }
0xdc: {  	[tilespmem:s1+$0x3800] =	vst v18  }
0xdd: {  	[tilespmem:s1+$0x3980] =	vst v15  }
0xde: {  	[tilespmem:s1+$0x3900] =	vst v5  }
0xdf: {  	[tilespmem:s1+$0x3880] =	vst v11  }
0xe0: {  	[tilespmem:s30+$0x4D00] =	vst v7;
	v3 =	vld [tilespmem:s16+$0x1200]  }
0xe1: {  	[tilespmem:s30+$0x4D80] =	vst v9;
	v5 =	vld [tilespmem:s16+$0x1280]  }
0xe2: {  	[tilespmem:s30+$0x5700] =	vst v10  }
0xe3: {  	[tilespmem:s30+$0x5680] =	vst v12  }
0xe4: {  	v7 =	vld.idx.msk [tilespmem:v1+s2+$0x0], $0xffff;
	[tilespmem:s30+$0x4C80] =	vst v2  }
0xe5: {  	[tilespmem:s30+$0x5780] =	vst v6;
	v6 =	vld.idx.msk [tilespmem:v0+s2+$0x0], $0xffff;
	v2 =	vadd.s32 $0x400, v3  }
0xe6: {  	v8 =	vld [tilespmem:s31+$0x1300];
	v9 =	vadd.s32 $0x800, v3  }
0xe7: {  	v10 =	vld [tilespmem:s31+$0x1380];
	v11 =	vadd.s32 $0xC00, v3  }
0xe8: {  	v12 =	vadd.s32 $0x800, v5;
	v3 =	vld.idx.msk [tilespmem:v3+s2+$0x0], $0xffff  }
0xe9: {  	v14 =	vadd.s32 $0x400, v5;
	v13 =	vld.idx.msk [tilespmem:v5+s2+$0x0], $0xffff  }
0xea: {  	v5 =	vadd.s32 $0xC00, v5;
	v2 =	vld.idx.msk [tilespmem:v2+s2+$0x0], $0xffff  }
0xeb: {  	v9 =	vld.idx.msk [tilespmem:v9+s2+$0x0], $0xffff  }
0xec: {  	v15 =	vadd.s32 $0x800, v1;
	v1 =	vadd.s32 $0xC00, v1;
	v11 =	vld.idx.msk [tilespmem:v11+s2+$0x0], $0xffff  }
0xed: {  	v59 =	vadd.s32 $0xC00, v0;
	v60 =	vadd.s32 $0x400, v0;
	v0 =	vadd.s32 $0x800, v0;
	v12 =	vld.idx.msk [tilespmem:v12+s2+$0x0], $0xffff  }
0xee: {  	v14 =	vld.idx.msk [tilespmem:v14+s2+$0x0], $0xffff  }
0xef: {  	v5 =	vld.idx.msk [tilespmem:v5+s2+$0x0], $0xffff;
	[tilespmem:s1+$0x5600] =	vst v13  }
0xf0: {  	v4 =	vld.idx.msk [tilespmem:v4+s2+$0x0], $0xffff;
	[tilespmem:s1+$0x4C00] =	vst v3  }
0xf1: {  	v1 =	vld.idx.msk [tilespmem:v1+s2+$0x0], $0xffff;
	[tilespmem:s1+$0x4D00] =	vst v9  }
0xf2: {  	v0 =	vld.idx.msk [tilespmem:v0+s2+$0x0], $0xffff;
	[tilespmem:s1+$0x4D80] =	vst v11  }
0xf3: {  	v13 =	vld.idx.msk [tilespmem:v15+s2+$0x0], $0xffff;
	[tilespmem:s1+$0x5700] =	vst v12  }
0xf4: {  	v3 =	vld.idx.msk [tilespmem:v59+s2+$0x0], $0xffff;
	[tilespmem:s1+$0x5680] =	vst v14  }
0xf5: {  	v9 =	vld.idx.msk [tilespmem:v60+s2+$0x0], $0xffff;
	v11 =	vadd.s32 $0x400, v8;
	[tilespmem:s1+$0x4C80] =	vst v2  }
0xf6: {  	v12 =	vld.idx.msk [tilespmem:v8+s2+$0x0], $0xffff;
	v14 =	vadd.s32 $0x800, v8;
	[tilespmem:s29+$0x6A00] =	vst v6  }
0xf7: {  	v15 =	vadd.s32 $0xC00, v10;
	[tilespmem:s1+$0x5780] =	vst v5;
	v5 =	vld.idx.msk [tilespmem:v10+s2+$0x0], $0xffff  }
0xf8: {  	v2 =	vadd.s32 $0xC00, v8;
	[tilespmem:s29+$0x6080] =	vst v4;
	v6 =	vld [tilespmem:s16+$0x1300]  }
0xf9: {  	v4 =	vadd.s32 $0x400, v10;
	[tilespmem:s29+$0x6180] =	vst v1;
	v8 =	vld [tilespmem:s16+$0x1380]  }
0xfa: {  	[tilespmem:s29+$0x6B80] =	vst v3;
	v10 =	vadd.s32 $0x800, v10;
	v3 =	vld.idx.msk [tilespmem:v11+s2+$0x0], $0xffff  }
0xfb: {  	[tilespmem:s29+$0x6B00] =	vst v0;
	v1 =	vld.idx.msk [tilespmem:v14+s2+$0x0], $0xffff  }
0xfc: {  	[tilespmem:s29+$0x6A80] =	vst v9;
	v9 =	vld.idx.msk [tilespmem:v15+s2+$0x0], $0xffff  }
0xfd: {  	[tilespmem:s29+$0x6000] =	vst v7;
	v0 =	vld.idx.msk [tilespmem:v2+s2+$0x0], $0xffff;
	v2 =	vadd.s32 $0x400, v6  }
0xfe: {  	[tilespmem:s29+$0x6100] =	vst v13;
	v4 =	vld.idx.msk [tilespmem:v4+s2+$0x0], $0xffff;
	v7 =	vadd.s32 $0x800, v6  }
0xff: {  	v10 =	vld.idx.msk [tilespmem:v10+s2+$0x0], $0xffff;
	[tilespmem:s30+$0x6A00] =	vst v5;
	v11 =	vadd.s32 $0xC00, v8  }
0x100: {  	[tilespmem:s30+$0x6000] =	vst v12;
	v13 =	vadd.s32 $0x400, v8;
	v5 =	vld.idx.msk [tilespmem:v6+s2+$0x0], $0xffff  }
0x101: {  	[tilespmem:s30+$0x6080] =	vst v3;
	v6 =	vadd.s32 $0xC00, v6;
	v3 =	vld.idx.msk [tilespmem:v8+s2+$0x0], $0xffff  }
0x102: {  	[tilespmem:s30+$0x6B80] =	vst v9;
	v8 =	vadd.s32 $0x800, v8;
	v2 =	vld.idx.msk [tilespmem:v2+s2+$0x0], $0xffff  }
0x103: {  	[tilespmem:s30+$0x6180] =	vst v0;
	v0 =	vld.idx.msk [tilespmem:v7+s2+$0x0], $0xffff  }
0x104: {  	[tilespmem:s30+$0x6A80] =	vst v4;
	v4 =	vld.idx.msk [tilespmem:v11+s2+$0x0], $0xffff  }
0x105: {  	[tilespmem:s30+$0x6100] =	vst v1;
	v7 =	vld.idx.msk [tilespmem:v13+s2+$0x0], $0xffff  }
0x106: {  	[tilespmem:s30+$0x6B00] =	vst v10;
	v6 =	vld.idx.msk [tilespmem:v6+s2+$0x0], $0xffff  }
0x107: {  	v1 =	vld.idx.msk [tilespmem:v8+s2+$0x0], $0xffff;
	[tilespmem:s1+$0x6A00] =	vst v3  }
0x108: {  	[tilespmem:s1+$0x6000] =	vst v5  }
0x109: {  	[tilespmem:s1+$0x6080] =	vst v2  }
0x10a: {  	[tilespmem:s1+$0x6B80] =	vst v4  }
0x10b: {  	[tilespmem:s1+$0x6A80] =	vst v7  }
0x10c: {  	[tilespmem:s1+$0x6100] =	vst v0  }
0x10d: {  	[tilespmem:s1+$0x6180] =	vst v6  }
0x10e: {  	s17 =	simm.s32 $0x2400;
	[tilespmem:s1+$0x6B00] =	vst v1  }
0x10f: {  	[hbm4b:s8+s0] =	stream.strided.scatter [tilespmem:s17], [sflag:$0x1], $0xA00, s23, s0, $0x38;
	[tilespmem:$0xC400] =	vst v63  }
0x110: {  	s19 =	sadd.s32 $0x7800, s8;
	s4 =	simm.s32 $0x2E00  }
0x111: {  	[hbm4b:s19+s0] =	stream.strided.scatter [tilespmem:s4], [sflag:$0x1], $0xA00, s23, s0, $0x38;
	[tilespmem:$0xC400] =	vst v63  }
0x112: {  	s5 =	sadd.s32 $0xF000, s8;
	s6 =	simm.s32 $0x3800  }
0x113: {  	[hbm4b:s5+s0] =	stream.strided.scatter [tilespmem:s6], [sflag:$0x1], $0xA00, s23, s0, $0x38;
	[tilespmem:$0xC400] =	vst v63  }
0x114: {  	s10 =	sadd.s32 $0x16800, s8;
	s16 =	simm.s32 $0x4200  }
0x115: {  	[hbm4b:s10+s0] =	stream.strided.scatter [tilespmem:s16], [sflag:$0x1], $0xA00, s23, s0, $0x38;
	[tilespmem:$0xC400] =	vst v63  }
0x116: {  	s17 =	sadd.s32 $0x1E000, s8;
	s19 =	simm.s32 $0x4C00  }
0x117: {  	[hbm4b:s17+s0] =	stream.strided.scatter [tilespmem:s19], [sflag:$0x1], $0xA00, s23, s0, $0x38;
	[tilespmem:$0xC400] =	vst v63  }
0x118: {  	s4 =	sadd.s32 $0x25800, s8;
	s5 =	simm.s32 $0x5600  }
0x119: {  	[hbm4b:s4+s0] =	stream.strided.scatter [tilespmem:s5], [sflag:$0x1], $0xA00, s23, s0, $0x38;
	[tilespmem:$0xC400] =	vst v63  }
0x11a: {  	s6 =	sadd.s32 $0x2D000, s8;
	s10 =	simm.s32 $0x6000  }
0x11b: {  	[hbm4b:s6+s0] =	stream.strided.scatter [tilespmem:s10], [sflag:$0x1], $0xA00, s23, s0, $0x38;
	[tilespmem:$0xC400] =	vst v63  }
0x11c: {  	s16 =	sadd.s32 $0x34800, s8;
	s17 =	simm.s32 $0x6A00  }
0x11d: {  	[hbm4b:s16+s0] =	stream.strided.scatter [tilespmem:s17], [sflag:$0x1], $0xA00, s23, s0, $0x38;
	[tilespmem:$0xC400] =	vst v63  }
0x11e: {  	_ = 	snop  }
0x11f: {  	[tilespmem:s2], [sflag:$0x2] =	stream.strided.gather [hbm4b:s9+s22], $0x400, s23, s22, $0x38;
	[tilespmem:$0xC400] =	vst v63  }
0x120: {  	_ =	swait.ge [sflag:s24], $0x400  }
0x121: {  	[sflag:s24] =	ssyncset.done $0x0  }
0x122: {  	s19 =	rddreg [dreg:$0x7];
	[sflag:s24] =	ssyncadd.s32 $0xFFFFFC00  }
0x123: {  	[tilespmem:s23], [sflag:$0x2] =	stream.strided.gather [hbm4b:s19+s22], $0x400, s23, s22, $0x38;
	[tilespmem:$0xC400] =	vst v63  }
0x124: {  	_ =	swait.ge [sflag:s24], $0x400  }
0x125: {  	[sflag:s24] =	ssyncset.done $0x0  }
0x126: {  	s4 =	rddreg [dreg:$0x8];
	[sflag:s24] =	ssyncadd.s32 $0xFFFFFC00  }
0x127: {  	[tilespmem:s25], [sflag:$0x2] =	stream.strided.gather [hbm4b:s4+s22], $0x400, s23, s22, $0x38;
	[tilespmem:$0xC400] =	vst v63  }
0x128: {  	_ =	swait.ge [sflag:s24], $0x400  }
0x129: {  	[sflag:s24] =	ssyncset.done $0x0  }
0x12a: {  	s5 =	rddreg [dreg:$0x9];
	[sflag:s24] =	ssyncadd.s32 $0xFFFFFC00  }
0x12b: {  	[tilespmem:s26], [sflag:$0x2] =	stream.strided.gather [hbm4b:s5+s22], $0x400, s23, s22, $0x38;
	[tilespmem:$0xC400] =	vst v63  }
0x12c: {  	_ =	swait.ge [sflag:s24], $0x400  }
0x12d: {  	s1 =	simm.s32 @!p0 $0x80;
	[sflag:s24] =	ssyncset.done $0x0  }
0x12e: {  	s4 =	simm.s32 @!p0 $0x1400;
	s5 =	simm.s32 @!p0 $0x1000;
	[sflag:s24] =	ssyncadd.s32 $0xFFFFFC00  }
0x12f: {  	[tilespmem:s5], [sflag:$0x2] =	stream.strided.gather @!p0 [hbm4b:s14+s1], $0x400, s4, s1, $0x38;
	[tilespmem:$0xC400] =	vst v63  }
0x130: {  	s5 =	sadd.s32 @!p0 $0x80, s14  }
0x131: {  	[tilespmem:s4], [sflag:$0x2] =	stream.strided.gather @!p0 [hbm4b:s5+s1], $0x400, s4, s1, $0x38;
	[tilespmem:$0xC400] =	vst v63  }
0x132: {  	s6 =	simm.s32 @!p0 $0x1800;
	s5 =	sadd.s32 @!p0 $0x100, s14  }
0x133: {  	[tilespmem:s6], [sflag:$0x2] =	stream.strided.gather @!p0 [hbm4b:s5+s1], $0x400, s4, s1, $0x38;
	[tilespmem:$0xC400] =	vst v63  }
0x134: {  	s5 =	sadd.s32 @!p0 $0x180, s14;
	s6 =	simm.s32 @!p0 $0x1C00  }
0x135: {  	[tilespmem:s6], [sflag:$0x2] =	stream.strided.gather @!p0 [hbm4b:s5+s1], $0x400, s4, s1, $0x38;
	[tilespmem:$0xC400] =	vst v63  }
0x136: {  	s5 =	sadd.s32 @!p0 $0x200, s14;
	s6 =	simm.s32 @!p0 $0x2000  }
0x137: {  	[tilespmem:s6], [sflag:$0x2] =	stream.strided.gather @!p0 [hbm4b:s5+s1], $0x400, s4, s1, $0x38;
	[tilespmem:$0xC400] =	vst v63  }
0x138: {  	s1 =	simm.s32 @!p0 $0x2  }
0x139: {  	s10 =	simm.s32 $0x0;
	s6 =	simm.s32 $0x0;
	_ =	swait.ge @!p0 [sflag:s1], $0x1400  }
0x13a: {  	s5 =	sand.u32 $0x3FFFFC00, s10;
	s4 =	sand.u32 $0x70, s6;
	[sflag:s1] =	ssyncset.done @!p0 $0x0  }
0x13b: {  	s17 =	sor.u32 s4, s5;
	[sflag:s1] =	ssyncadd.s32 @!p0 $0xFFFFEC00  }
0x13c: {  	v0 =	vld [tilespmem:s17+$0x1080]  }
0x13d: {  	v1 =	vld [tilespmem:s17+$0x1000];
	_ =	sdelay $0x4  }
0x13e: {  	v2 =	vadd.s32 $0x800, v0  }
0x13f: {  	v3 =	vadd.s32 $0x400, v1  }
0x140: {  	v4 =	vadd.s32 $0xC00, v1  }
0x141: {  	v7 =	vadd.s32 $0xC00, v0;
	v5 =	vld.idx.msk [tilespmem:v1+s2+$0x0], $0xffff  }
0x142: {  	v6 =	vadd.s32 $0x400, v0;
	v0 =	vld.idx.msk [tilespmem:v0+s2+$0x0], $0xffff  }
0x143: {  	v1 =	vadd.s32 $0x800, v1;
	v2 =	vld.idx.msk [tilespmem:v2+s2+$0x0], $0xffff  }
0x144: {  	v3 =	vld.idx.msk [tilespmem:v3+s2+$0x0], $0xffff  }
0x145: {  	s16 =	simm.s32 $0x0;
	v4 =	vld.idx.msk [tilespmem:v4+s2+$0x0], $0xffff  }
0x146: {  	s1 =	sand.u32 $0x3FFFFE00, s16;
	v7 =	vld.idx.msk [tilespmem:v7+s2+$0x0], $0xffff  }
0x147: {  	s19 =	simm.s32 $0x80;
	s10 =	simm.s32 $0x10;
	s29 =	sor.u32 s4, s1;
	v6 =	vld.idx.msk [tilespmem:v6+s2+$0x0], $0xffff  }
0x148: {  	s19 =	sand.u32 $0x3FFFFC00, s19;
	s16 =	sand.u32 $0x70, s10;
	v1 =	vld.idx.msk [tilespmem:v1+s2+$0x0], $0xffff;
	[tilespmem:s29+$0x7E00] =	vst v0  }
0x149: {  	s31 =	sor.u32 s16, s19;
	[tilespmem:s29+$0x7400] =	vst v5  }
0x14a: {  	v0 =	vld [tilespmem:s31+$0x1080];
	[tilespmem:s29+$0x7580] =	vst v4  }
0x14b: {  	v4 =	vld [tilespmem:s31+$0x1000];
	[tilespmem:s29+$0x7F80] =	vst v7  }
0x14c: {  	[tilespmem:s29+$0x7E80] =	vst v6  }
0x14d: {  	[tilespmem:s29+$0x7F00] =	vst v2  }
0x14e: {  	[tilespmem:s29+$0x7480] =	vst v3  }
0x14f: {  	[tilespmem:s29+$0x7500] =	vst v1;
	v1 =	vadd.s32 $0x800, v0  }
0x150: {  	v8 =	vadd.s32 $0x400, v0;
	v3 =	vld [tilespmem:s17+$0x1180]  }
0x151: {  	v9 =	vadd.s32 $0xC00, v0;
	v6 =	vld [tilespmem:s17+$0x1100]  }
0x152: {  	v2 =	vadd.s32 $0x400, v4;
	v0 =	vld.idx.msk [tilespmem:v0+s2+$0x0], $0xffff  }
0x153: {  	v5 =	vadd.s32 $0xC00, v4;
	v7 =	vld.idx.msk [tilespmem:v4+s2+$0x0], $0xffff  }
0x154: {  	v1 =	vld.idx.msk [tilespmem:v1+s2+$0x0], $0xffff  }
0x155: {  	v8 =	vld.idx.msk [tilespmem:v8+s2+$0x0], $0xffff  }
0x156: {  	v4 =	vadd.s32 $0x800, v4;
	v9 =	vld.idx.msk [tilespmem:v9+s2+$0x0], $0xffff  }
0x157: {  	v10 =	vadd.s32 $0x800, v3;
	v2 =	vld.idx.msk [tilespmem:v2+s2+$0x0], $0xffff  }
0x158: {  	v11 =	vadd.s32 $0xC00, v3;
	v5 =	vld.idx.msk [tilespmem:v5+s2+$0x0], $0xffff  }
0x159: {  	v12 =	vadd.s32 $0xC00, v6;
	v15 =	vld.idx.msk [tilespmem:v6+s2+$0x0], $0xffff  }
0x15a: {  	v13 =	vadd.s32 $0x400, v3;
	v3 =	vld.idx.msk [tilespmem:v3+s2+$0x0], $0xffff  }
0x15b: {  	s5 =	simm.s32 $0x40;
	v14 =	vadd.s32 $0x400, v6;
	v4 =	vld.idx.msk [tilespmem:v4+s2+$0x0], $0xffff  }
0x15c: {  	s4 =	sand.u32 $0x3FFFFE00, s5;
	v6 =	vadd.s32 $0x800, v6;
	v10 =	vld.idx.msk [tilespmem:v10+s2+$0x0], $0xffff  }
0x15d: {  	s30 =	sor.u32 s16, s4;
	v11 =	vld.idx.msk [tilespmem:v11+s2+$0x0], $0xffff  }
0x15e: {  	[tilespmem:s30+$0x7E00] =	vst v0;
	v12 =	vld.idx.msk [tilespmem:v12+s2+$0x0], $0xffff  }
0x15f: {  	[tilespmem:s30+$0x7400] =	vst v7;
	v0 =	vld.idx.msk [tilespmem:v13+s2+$0x0], $0xffff  }
0x160: {  	[tilespmem:s30+$0x7580] =	vst v5;
	v5 =	vld.idx.msk [tilespmem:v14+s2+$0x0], $0xffff  }
0x161: {  	v6 =	vld.idx.msk [tilespmem:v6+s2+$0x0], $0xffff;
	[tilespmem:s29+$0x9200] =	vst v3  }
0x162: {  	[tilespmem:s29+$0x8800] =	vst v15  }
0x163: {  	[tilespmem:s29+$0x9380] =	vst v11  }
0x164: {  	[tilespmem:s29+$0x9300] =	vst v10  }
0x165: {  	s6 =	simm.s32 $0x100;
	s4 =	simm.s32 $0x20;
	[tilespmem:s29+$0x9280] =	vst v0  }
0x166: {  	s1 =	sand.u32 $0x3FFFFC00, s6;
	s10 =	sand.u32 $0x70, s4;
	[tilespmem:s29+$0x8980] =	vst v12  }
0x167: {  	s16 =	sor.u32 s10, s1;
	[tilespmem:s29+$0x8880] =	vst v5  }
0x168: {  	v0 =	vld [tilespmem:s16+$0x1000];
	[tilespmem:s29+$0x8900] =	vst v6  }
0x169: {  	[tilespmem:s30+$0x7F80] =	vst v9;
	v3 =	vld [tilespmem:s17+$0x1200]  }
0x16a: {  	[tilespmem:s30+$0x7500] =	vst v4;
	v4 =	vld [tilespmem:s17+$0x1280]  }
0x16b: {  	[tilespmem:s30+$0x7E80] =	vst v8  }
0x16c: {  	[tilespmem:s30+$0x7F00] =	vst v1  }
0x16d: {  	v1 =	vld [tilespmem:s16+$0x1080];
	[tilespmem:s30+$0x7480] =	vst v2  }
0x16e: {  	v8 =	vld [tilespmem:s31+$0x1100];
	v2 =	vadd.s32 $0x400, v3  }
0x16f: {  	v9 =	vld [tilespmem:s31+$0x1180];
	v5 =	vadd.s32 $0x800, v3  }
0x170: {  	v7 =	vld.idx.msk [tilespmem:v0+s2+$0x0], $0xffff;
	v6 =	vadd.s32 $0xC00, v3  }
0x171: {  	v12 =	vadd.s32 $0x400, v4;
	v10 =	vld.idx.msk [tilespmem:v3+s2+$0x0], $0xffff  }
0x172: {  	v11 =	vld.idx.msk [tilespmem:v4+s2+$0x0], $0xffff  }
0x173: {  	v3 =	vadd.s32 $0x800, v4;
	v13 =	vld.idx.msk [tilespmem:v2+s2+$0x0], $0xffff  }
0x174: {  	v2 =	vadd.s32 $0xC00, v4;
	v5 =	vld.idx.msk [tilespmem:v5+s2+$0x0], $0xffff  }
0x175: {  	v14 =	vadd.s32 $0x400, v0;
	v6 =	vld.idx.msk [tilespmem:v6+s2+$0x0], $0xffff  }
0x176: {  	v4 =	vadd.s32 $0x800, v1;
	v12 =	vld.idx.msk [tilespmem:v12+s2+$0x0], $0xffff  }
0x177: {  	v62 =	vadd.s32 $0x400, v1;
	v19 =	vadd.s32 $0xC00, v1;
	v1 =	vld.idx.msk [tilespmem:v1+s2+$0x0], $0xffff  }
0x178: {  	v15 =	vld.idx.msk [tilespmem:v3+s2+$0x0], $0xffff  }
0x179: {  	v61 =	vadd.s32 $0xC00, v0;
	v63 =	vld.idx.msk [tilespmem:v2+s2+$0x0], $0xffff;
	[tilespmem:s29+$0xA600] =	vst v11  }
0x17a: {  	v0 =	vadd.s32 $0x800, v0;
	v3 =	vld.idx.msk [tilespmem:v14+s2+$0x0], $0xffff;
	[tilespmem:s29+$0x9C00] =	vst v10  }
0x17b: {  	v2 =	vld.idx.msk [tilespmem:v4+s2+$0x0], $0xffff;
	v4 =	vadd.s32 $0x800, v9;
	[tilespmem:s29+$0x9D00] =	vst v5  }
0x17c: {  	v14 =	vld.idx.msk [tilespmem:v62+s2+$0x0], $0xffff;
	[tilespmem:s29+$0x9D80] =	vst v6  }
0x17d: {  	v10 =	vld.idx.msk [tilespmem:v19+s2+$0x0], $0xffff;
	[tilespmem:s29+$0xA680] =	vst v12;
	v11 =	vadd.s32 $0xC00, v9  }
0x17e: {  	s19 =	simm.s32 $0x80;
	v5 =	vld.idx.msk [tilespmem:v61+s2+$0x0], $0xffff;
	[tilespmem:s29+$0x9C80] =	vst v13  }
0x17f: {  	s1 =	sand.u32 $0x3FFFFE00, s19;
	v12 =	vld.idx.msk [tilespmem:v0+s2+$0x0], $0xffff;
	[tilespmem:s29+$0xA700] =	vst v15  }
0x180: {  	s1 =	sor.u32 s10, s1;
	[tilespmem:s29+$0xA780] =	vst v63;
	v6 =	vld.idx.msk [tilespmem:v4+s2+$0x0], $0xffff  }
0x181: {  	[tilespmem:s1+$0x7E00] =	vst v1;
	v15 =	vadd.s32 $0xC00, v8;
	v1 =	vld [tilespmem:s17+$0x1300]  }
0x182: {  	[tilespmem:s1+$0x7F80] =	vst v10;
	v10 =	vld.idx.msk [tilespmem:v11+s2+$0x0], $0xffff  }
0x183: {  	[tilespmem:s1+$0x7580] =	vst v5;
	v11 =	vadd.s32 $0x400, v8;
	v0 =	vld [tilespmem:s17+$0x1380]  }
0x184: {  	v5 =	vld.idx.msk [tilespmem:v8+s2+$0x0], $0xffff;
	[tilespmem:s1+$0x7500] =	vst v12;
	v12 =	vadd.s32 $0x400, v9  }
0x185: {  	[tilespmem:s1+$0x7400] =	vst v7;
	v9 =	vld.idx.msk [tilespmem:v9+s2+$0x0], $0xffff  }
0x186: {  	s5 =	simm.s32 $0x3;
	[tilespmem:s1+$0x7E80] =	vst v14;
	v8 =	vadd.s32 $0x800, v8;
	v7 =	vld.idx.msk [tilespmem:v15+s2+$0x0], $0xffff;
	v4 =	vadd.s32 $0x400, v1  }
.LBB2_4:
0x187: {  	s19 =	sshll.u32 s5, $0x7  }
0x188: {  	s4 =	sadd.s32 $0x10, s4;
	v11 =	vld.idx.msk [tilespmem:v11+s2+$0x0], $0xffff;
	s10 =	smov.u32 s5;
	s17 =	sadd.s32 $0x1, s5  }
0x189: {  	p2 =	sne.s32 s5, $0x23;
	s6 =	sand.u32 $0x70, s4;
	s19 =	sand.u32 $0x3FFFFC00, s19;
	v12 =	vld.idx.msk [tilespmem:v12+s2+$0x0], $0xffff  }
0x18a: {  	v14 =	vadd.s32 $0x800, v1;
	s5 =	sor.u32 s6, s19;
	v13 =	vld.idx.msk [tilespmem:v1+s2+$0x0], $0xffff  }
0x18b: {  	v15 =	vadd.s32 $0xC00, v0;
	[tilespmem:s1+$0x7F00] =	vst v2;
	v2 =	vld.idx.msk [tilespmem:v0+s2+$0x0], $0xffff  }
0x18c: {  	[tilespmem:s1+$0x7480] =	vst v3;
	v3 =	vld.idx.msk [tilespmem:v8+s2+$0x0], $0xffff  }
0x18d: {  	v1 =	vadd.s32 $0xC00, v1;
	[tilespmem:s30+$0x9380] =	vst v10;
	v4 =	vld.idx.msk [tilespmem:v4+s2+$0x0], $0xffff  }
0x18e: {  	v8 =	vld [tilespmem:s5+$0x1000];
	[tilespmem:s30+$0x9300] =	vst v6;
	v6 =	vadd.s32 $0x400, v0  }
0x18f: {  	v0 =	vadd.s32 $0x800, v0;
	[tilespmem:s30+$0x9280] =	vst v12;
	v10 =	vld.idx.msk [tilespmem:v14+s2+$0x0], $0xffff  }
0x190: {  	[tilespmem:s30+$0x9200] =	vst v9;
	v9 =	vld.idx.msk [tilespmem:v15+s2+$0x0], $0xffff  }
0x191: {  	v12 =	vld [tilespmem:s5+$0x1080];
	[tilespmem:s30+$0x8980] =	vst v7  }
0x192: {  	[tilespmem:s30+$0x8900] =	vst v3;
	v1 =	vld.idx.msk [tilespmem:v1+s2+$0x0], $0xffff  }
0x193: {  	[tilespmem:s30+$0x8880] =	vst v11;
	v3 =	vld.idx.msk [tilespmem:v6+s2+$0x0], $0xffff  }
0x194: {  	[tilespmem:s30+$0x8800] =	vst v5;
	v0 =	vld.idx.msk [tilespmem:v0+s2+$0x0], $0xffff  }
0x195: {  	v5 =	vld [tilespmem:s31+$0x1200];
	[tilespmem:s29+$0xBA00] =	vst v2  }
0x196: {  	v2 =	vld [tilespmem:s31+$0x1280];
	[tilespmem:s29+$0xB080] =	vst v4  }
0x197: {  	v4 =	vadd.s32 $0xC00, v8;
	v6 =	vadd.s32 $0x800, v12;
	[tilespmem:s29+$0xBB80] =	vst v9  }
0x198: {  	v7 =	vadd.s32 $0x400, v8;
	[tilespmem:s29+$0xB180] =	vst v1  }
0x199: {  	v1 =	vadd.s32 $0x800, v8;
	[tilespmem:s29+$0xBA80] =	vst v3  }
0x19a: {  	v9 =	vld [tilespmem:s16+$0x1100];
	v3 =	vadd.s32 $0x400, v5;
	[tilespmem:s29+$0xBB00] =	vst v0  }
0x19b: {  	v0 =	vadd.s32 $0x800, v5;
	v14 =	vld [tilespmem:s16+$0x1180];
	[tilespmem:s29+$0xB000] =	vst v13  }
0x19c: {  	v13 =	vld.idx.msk [tilespmem:v8+s2+$0x0], $0xffff;
	v8 =	vadd.s32 $0xC00, v5;
	[tilespmem:s29+$0xB100] =	vst v10;
	s29 =	smov.u32 s30;
	s30 =	smov.u32 s1  }
0x19d: {  	v11 =	vadd.s32 $0x800, v2;
	v10 =	vadd.s32 $0x400, v12;
	v5 =	vld.idx.msk [tilespmem:v5+s2+$0x0], $0xffff  }
0x19e: {  	v15 =	vadd.s32 $0xC00, v12;
	v17 =	vadd.s32 $0x400, v2;
	v16 =	vld.idx.msk [tilespmem:v2+s2+$0x0], $0xffff  }
0x19f: {  	v2 =	vadd.s32 $0xC00, v2;
	v18 =	vld.idx.msk [tilespmem:v3+s2+$0x0], $0xffff  }
0x1a0: {  	v0 =	vld.idx.msk [tilespmem:v0+s2+$0x0], $0xffff  }
0x1a1: {  	v8 =	vld.idx.msk [tilespmem:v8+s2+$0x0], $0xffff  }
0x1a2: {  	v11 =	vld.idx.msk [tilespmem:v11+s2+$0x0], $0xffff  }
0x1a3: {  	v17 =	vld.idx.msk [tilespmem:v17+s2+$0x0], $0xffff  }
0x1a4: {  	v19 =	vld.idx.msk [tilespmem:v2+s2+$0x0], $0xffff  }
0x1a5: {  	v2 =	vld.idx.msk [tilespmem:v6+s2+$0x0], $0xffff;
	[tilespmem:s29+$0xA600] =	vst v16  }
0x1a6: {  	v3 =	vld.idx.msk [tilespmem:v7+s2+$0x0], $0xffff;
	[tilespmem:s29+$0x9C00] =	vst v5  }
0x1a7: {  	v6 =	vadd.s32 $0x800, v14;
	v5 =	vld.idx.msk [tilespmem:v12+s2+$0x0], $0xffff;
	[tilespmem:s29+$0x9D00] =	vst v0  }
0x1a8: {  	v0 =	vld.idx.msk [tilespmem:v4+s2+$0x0], $0xffff;
	[tilespmem:s29+$0x9D80] =	vst v8  }
0x1a9: {  	v4 =	vld.idx.msk [tilespmem:v10+s2+$0x0], $0xffff;
	[tilespmem:s29+$0xA700] =	vst v11  }
0x1aa: {  	s1 =	sshll.u32 s10, $0x6;
	v7 =	vld.idx.msk [tilespmem:v15+s2+$0x0], $0xffff;
	[tilespmem:s29+$0xA680] =	vst v17  }
0x1ab: {  	s1 =	sand.u32 $0x3FFFFE00, s1;
	v10 =	vadd.s32 $0xC00, v14;
	v15 =	vld.idx.msk [tilespmem:v1+s2+$0x0], $0xffff;
	[tilespmem:s29+$0xA780] =	vst v19  }
0x1ac: {  	s1 =	sor.u32 s6, s1;
	v16 =	vadd.s32 $0xC00, v9;
	v6 =	vld.idx.msk [tilespmem:v6+s2+$0x0], $0xffff;
	[tilespmem:s29+$0x9C80] =	vst v18  }
0x1ad: {  	[tilespmem:s1+$0x7E00] =	vst v5;
	v1 =	vld [tilespmem:s31+$0x1300]  }
.Ltmp1:
0x1ae: {  	v8 =	vadd.s32 $0x800, v9;
	v11 =	vadd.s32 $0x400, v9;
	[tilespmem:s1+$0x7580] =	vst v0;
	v0 =	vld [tilespmem:s31+$0x1380];
	s31 =	smov.u32 s16;
	s16 =	smov.u32 s5;
	(pc) =	sbr.rel @p2 .LBB2_4-.Ltmp1, $4  }
0x1af: {  	v12 =	vadd.s32 $0x400, v14;
	[tilespmem:s1+$0x7400] =	vst v13;
	v5 =	vld.idx.msk [tilespmem:v9+s2+$0x0], $0xffff  }
0x1b0: {  	[tilespmem:s1+$0x7F80] =	vst v7;
	v10 =	vld.idx.msk [tilespmem:v10+s2+$0x0], $0xffff  }
0x1b1: {  	[tilespmem:s1+$0x7500] =	vst v15;
	v7 =	vld.idx.msk [tilespmem:v16+s2+$0x0], $0xffff  }
0x1b2: {  	s5 =	smov.u32 s17;
	[tilespmem:s1+$0x7E80] =	vst v4;
	v9 =	vld.idx.msk [tilespmem:v14+s2+$0x0], $0xffff;
	v4 =	vadd.s32 $0x400, v1  }
0x1b3: {  	_ =	sdelay $0x3  }
0x1b4: {  	v12 =	vld.idx.msk [tilespmem:v12+s2+$0x0], $0xffff  }
0x1b5: {  	v11 =	vld.idx.msk [tilespmem:v11+s2+$0x0], $0xffff  }
0x1b6: {  	v8 =	vld.idx.msk [tilespmem:v8+s2+$0x0], $0xffff;
	[tilespmem:s30+$0x9300] =	vst v6  }
0x1b7: {  	[tilespmem:s1+$0x7F00] =	vst v2  }
0x1b8: {  	[tilespmem:s1+$0x7480] =	vst v3  }
0x1b9: {  	[tilespmem:s30+$0x8800] =	vst v5  }
0x1ba: {  	v3 =	vld [tilespmem:s16+$0x1180];
	[tilespmem:s30+$0x9380] =	vst v10  }
0x1bb: {  	[tilespmem:s30+$0x8980] =	vst v7  }
0x1bc: {  	[tilespmem:s30+$0x9200] =	vst v9  }
0x1bd: {  	[tilespmem:s30+$0x9280] =	vst v12  }
0x1be: {  	[tilespmem:s30+$0x8900] =	vst v8  }
0x1bf: {  	[tilespmem:s30+$0x8880] =	vst v11;
	v8 =	vld [tilespmem:s16+$0x1100];
	v13 =	vadd.s32 $0x800, v3  }
0x1c0: {  	v5 =	vld [tilespmem:s31+$0x1200];
	v14 =	vadd.s32 $0xC00, v3  }
0x1c1: {  	v6 =	vld [tilespmem:s31+$0x1280];
	v16 =	vadd.s32 $0x400, v3;
	_ =	sdelay $0x1  }
0x1c2: {  	v3 =	vld.idx.msk [tilespmem:v3+s2+$0x0], $0xffff  }
0x1c3: {  	v13 =	vld.idx.msk [tilespmem:v13+s2+$0x0], $0xffff  }
0x1c4: {  	v15 =	vadd.s32 $0xC00, v8;
	v14 =	vld.idx.msk [tilespmem:v14+s2+$0x0], $0xffff  }
0x1c5: {  	v2 =	vadd.s32 $0x400, v5;
	v16 =	vld.idx.msk [tilespmem:v16+s2+$0x0], $0xffff  }
0x1c6: {  	v7 =	vadd.s32 $0x800, v5;
	v18 =	vld.idx.msk [tilespmem:v8+s2+$0x0], $0xffff  }
0x1c7: {  	v9 =	vadd.s32 $0xC00, v5;
	v5 =	vld.idx.msk [tilespmem:v5+s2+$0x0], $0xffff  }
0x1c8: {  	v10 =	vadd.s32 $0x800, v6;
	v11 =	vld.idx.msk [tilespmem:v6+s2+$0x0], $0xffff  }
0x1c9: {  	v12 =	vadd.s32 $0x400, v6;
	v15 =	vld.idx.msk [tilespmem:v15+s2+$0x0], $0xffff  }
0x1ca: {  	v6 =	vadd.s32 $0xC00, v6;
	v2 =	vld.idx.msk [tilespmem:v2+s2+$0x0], $0xffff  }
0x1cb: {  	v17 =	vadd.s32 $0x400, v8;
	v7 =	vld.idx.msk [tilespmem:v7+s2+$0x0], $0xffff  }
0x1cc: {  	v8 =	vadd.s32 $0x800, v8;
	v9 =	vld.idx.msk [tilespmem:v9+s2+$0x0], $0xffff  }
0x1cd: {  	v10 =	vld.idx.msk [tilespmem:v10+s2+$0x0], $0xffff  }
0x1ce: {  	v12 =	vld.idx.msk [tilespmem:v12+s2+$0x0], $0xffff  }
0x1cf: {  	v6 =	vld.idx.msk [tilespmem:v6+s2+$0x0], $0xffff;
	[tilespmem:s30+$0xA600] =	vst v11  }
0x1d0: {  	v11 =	vld.idx.msk [tilespmem:v17+s2+$0x0], $0xffff;
	[tilespmem:s30+$0x9C00] =	vst v5  }
0x1d1: {  	v5 =	vld.idx.msk [tilespmem:v8+s2+$0x0], $0xffff;
	[tilespmem:s1+$0x9380] =	vst v14  }
0x1d2: {  	[tilespmem:s1+$0x9300] =	vst v13  }
0x1d3: {  	[tilespmem:s1+$0x9280] =	vst v16  }
0x1d4: {  	[tilespmem:s1+$0x9200] =	vst v3  }
0x1d5: {  	[tilespmem:s1+$0x8800] =	vst v18  }
0x1d6: {  	[tilespmem:s1+$0x8980] =	vst v15  }
0x1d7: {  	[tilespmem:s1+$0x8900] =	vst v5  }
0x1d8: {  	[tilespmem:s1+$0x8880] =	vst v11  }
0x1d9: {  	[tilespmem:s30+$0x9D00] =	vst v7;
	v3 =	vld [tilespmem:s16+$0x1200]  }
0x1da: {  	[tilespmem:s30+$0x9D80] =	vst v9;
	v5 =	vld [tilespmem:s16+$0x1280]  }
0x1db: {  	[tilespmem:s30+$0xA700] =	vst v10  }
0x1dc: {  	[tilespmem:s30+$0xA680] =	vst v12  }
0x1dd: {  	v7 =	vld.idx.msk [tilespmem:v1+s2+$0x0], $0xffff;
	[tilespmem:s30+$0x9C80] =	vst v2  }
0x1de: {  	[tilespmem:s30+$0xA780] =	vst v6;
	v6 =	vld.idx.msk [tilespmem:v0+s2+$0x0], $0xffff;
	v2 =	vadd.s32 $0x400, v3  }
0x1df: {  	v8 =	vld [tilespmem:s31+$0x1300];
	v9 =	vadd.s32 $0x800, v3  }
0x1e0: {  	v10 =	vld [tilespmem:s31+$0x1380];
	v11 =	vadd.s32 $0xC00, v3  }
0x1e1: {  	v12 =	vadd.s32 $0x800, v5;
	v3 =	vld.idx.msk [tilespmem:v3+s2+$0x0], $0xffff  }
0x1e2: {  	v14 =	vadd.s32 $0x400, v5;
	v13 =	vld.idx.msk [tilespmem:v5+s2+$0x0], $0xffff  }
0x1e3: {  	v5 =	vadd.s32 $0xC00, v5;
	v2 =	vld.idx.msk [tilespmem:v2+s2+$0x0], $0xffff  }
0x1e4: {  	v9 =	vld.idx.msk [tilespmem:v9+s2+$0x0], $0xffff  }
0x1e5: {  	v15 =	vadd.s32 $0x800, v1;
	v1 =	vadd.s32 $0xC00, v1;
	v11 =	vld.idx.msk [tilespmem:v11+s2+$0x0], $0xffff  }
0x1e6: {  	v59 =	vadd.s32 $0xC00, v0;
	v60 =	vadd.s32 $0x400, v0;
	v0 =	vadd.s32 $0x800, v0;
	v12 =	vld.idx.msk [tilespmem:v12+s2+$0x0], $0xffff  }
0x1e7: {  	v14 =	vld.idx.msk [tilespmem:v14+s2+$0x0], $0xffff  }
0x1e8: {  	v5 =	vld.idx.msk [tilespmem:v5+s2+$0x0], $0xffff;
	[tilespmem:s1+$0xA600] =	vst v13  }
0x1e9: {  	v4 =	vld.idx.msk [tilespmem:v4+s2+$0x0], $0xffff;
	[tilespmem:s1+$0x9C00] =	vst v3  }
0x1ea: {  	v1 =	vld.idx.msk [tilespmem:v1+s2+$0x0], $0xffff;
	[tilespmem:s1+$0x9D00] =	vst v9  }
0x1eb: {  	v0 =	vld.idx.msk [tilespmem:v0+s2+$0x0], $0xffff;
	[tilespmem:s1+$0x9D80] =	vst v11  }
0x1ec: {  	v13 =	vld.idx.msk [tilespmem:v15+s2+$0x0], $0xffff;
	[tilespmem:s1+$0xA700] =	vst v12  }
0x1ed: {  	v3 =	vld.idx.msk [tilespmem:v59+s2+$0x0], $0xffff;
	[tilespmem:s1+$0xA680] =	vst v14  }
0x1ee: {  	v9 =	vld.idx.msk [tilespmem:v60+s2+$0x0], $0xffff;
	v11 =	vadd.s32 $0x400, v8;
	[tilespmem:s1+$0x9C80] =	vst v2  }
0x1ef: {  	v12 =	vld.idx.msk [tilespmem:v8+s2+$0x0], $0xffff;
	v14 =	vadd.s32 $0x800, v8;
	[tilespmem:s29+$0xBA00] =	vst v6  }
0x1f0: {  	v15 =	vadd.s32 $0xC00, v10;
	[tilespmem:s1+$0xA780] =	vst v5;
	v5 =	vld.idx.msk [tilespmem:v10+s2+$0x0], $0xffff  }
0x1f1: {  	v2 =	vadd.s32 $0xC00, v8;
	[tilespmem:s29+$0xB080] =	vst v4;
	v6 =	vld [tilespmem:s16+$0x1300]  }
0x1f2: {  	v4 =	vadd.s32 $0x400, v10;
	[tilespmem:s29+$0xB180] =	vst v1;
	v8 =	vld [tilespmem:s16+$0x1380]  }
0x1f3: {  	[tilespmem:s29+$0xBB80] =	vst v3;
	v10 =	vadd.s32 $0x800, v10;
	v3 =	vld.idx.msk [tilespmem:v11+s2+$0x0], $0xffff  }
0x1f4: {  	[tilespmem:s29+$0xBB00] =	vst v0;
	v1 =	vld.idx.msk [tilespmem:v14+s2+$0x0], $0xffff  }
0x1f5: {  	[tilespmem:s29+$0xBA80] =	vst v9;
	v9 =	vld.idx.msk [tilespmem:v15+s2+$0x0], $0xffff  }
0x1f6: {  	[tilespmem:s29+$0xB000] =	vst v7;
	v0 =	vld.idx.msk [tilespmem:v2+s2+$0x0], $0xffff;
	v2 =	vadd.s32 $0x400, v6  }
0x1f7: {  	[tilespmem:s29+$0xB100] =	vst v13;
	v4 =	vld.idx.msk [tilespmem:v4+s2+$0x0], $0xffff;
	v7 =	vadd.s32 $0x800, v6  }
0x1f8: {  	v10 =	vld.idx.msk [tilespmem:v10+s2+$0x0], $0xffff;
	[tilespmem:s30+$0xBA00] =	vst v5;
	v11 =	vadd.s32 $0xC00, v8  }
0x1f9: {  	[tilespmem:s30+$0xB000] =	vst v12;
	v13 =	vadd.s32 $0x400, v8;
	v5 =	vld.idx.msk [tilespmem:v6+s2+$0x0], $0xffff  }
0x1fa: {  	[tilespmem:s30+$0xB080] =	vst v3;
	v6 =	vadd.s32 $0xC00, v6;
	v3 =	vld.idx.msk [tilespmem:v8+s2+$0x0], $0xffff  }
0x1fb: {  	[tilespmem:s30+$0xBB80] =	vst v9;
	v8 =	vadd.s32 $0x800, v8;
	v2 =	vld.idx.msk [tilespmem:v2+s2+$0x0], $0xffff  }
0x1fc: {  	[tilespmem:s30+$0xB180] =	vst v0;
	v0 =	vld.idx.msk [tilespmem:v7+s2+$0x0], $0xffff  }
0x1fd: {  	[tilespmem:s30+$0xBA80] =	vst v4;
	v4 =	vld.idx.msk [tilespmem:v11+s2+$0x0], $0xffff  }
0x1fe: {  	[tilespmem:s30+$0xB100] =	vst v1;
	v7 =	vld.idx.msk [tilespmem:v13+s2+$0x0], $0xffff  }
0x1ff: {  	[tilespmem:s30+$0xBB00] =	vst v10;
	v6 =	vld.idx.msk [tilespmem:v6+s2+$0x0], $0xffff  }
0x200: {  	v1 =	vld.idx.msk [tilespmem:v8+s2+$0x0], $0xffff;
	[tilespmem:s1+$0xBA00] =	vst v3  }
0x201: {  	[tilespmem:s1+$0xB000] =	vst v5  }
0x202: {  	[tilespmem:s1+$0xB080] =	vst v2  }
0x203: {  	[tilespmem:s1+$0xBB80] =	vst v4  }
0x204: {  	[tilespmem:s1+$0xBA80] =	vst v7  }
0x205: {  	[tilespmem:s1+$0xB100] =	vst v0  }
0x206: {  	[tilespmem:s1+$0xB180] =	vst v6  }
0x207: {  	s17 =	simm.s32 $0x7400;
	[tilespmem:s1+$0xBB00] =	vst v1  }
0x208: {  	[hbm4b:s15+s0] =	stream.strided.scatter [tilespmem:s17], [sflag:$0x1], $0xA00, s23, s0, $0x38;
	[tilespmem:$0xC400] =	vst v63  }
0x209: {  	s19 =	sadd.s32 $0x7800, s15;
	s4 =	simm.s32 $0x7E00  }
0x20a: {  	[hbm4b:s19+s0] =	stream.strided.scatter [tilespmem:s4], [sflag:$0x1], $0xA00, s23, s0, $0x38;
	[tilespmem:$0xC400] =	vst v63  }
0x20b: {  	s5 =	sadd.s32 $0xF000, s15;
	s6 =	simm.s32 $0x8800  }
0x20c: {  	[hbm4b:s5+s0] =	stream.strided.scatter [tilespmem:s6], [sflag:$0x1], $0xA00, s23, s0, $0x38;
	[tilespmem:$0xC400] =	vst v63  }
0x20d: {  	s10 =	sadd.s32 $0x16800, s15;
	s16 =	simm.s32 $0x9200  }
0x20e: {  	[hbm4b:s10+s0] =	stream.strided.scatter [tilespmem:s16], [sflag:$0x1], $0xA00, s23, s0, $0x38;
	[tilespmem:$0xC400] =	vst v63  }
0x20f: {  	s17 =	sadd.s32 $0x1E000, s15;
	s19 =	simm.s32 $0x9C00  }
0x210: {  	[hbm4b:s17+s0] =	stream.strided.scatter [tilespmem:s19], [sflag:$0x1], $0xA00, s23, s0, $0x38;
	[tilespmem:$0xC400] =	vst v63  }
0x211: {  	s4 =	sadd.s32 $0x25800, s15;
	s5 =	simm.s32 $0xA600  }
0x212: {  	[hbm4b:s4+s0] =	stream.strided.scatter [tilespmem:s5], [sflag:$0x1], $0xA00, s23, s0, $0x38;
	[tilespmem:$0xC400] =	vst v63  }
0x213: {  	s6 =	sadd.s32 $0x2D000, s15;
	s10 =	simm.s32 $0xB000  }
0x214: {  	[hbm4b:s6+s0] =	stream.strided.scatter [tilespmem:s10], [sflag:$0x1], $0xA00, s23, s0, $0x38;
	[tilespmem:$0xC400] =	vst v63  }
0x215: {  	s16 =	sadd.s32 $0x34800, s15;
	s17 =	simm.s32 $0xBA00  }
0x216: {  	[hbm4b:s16+s0] =	stream.strided.scatter [tilespmem:s17], [sflag:$0x1], $0xA00, s23, s0, $0x38;
	[tilespmem:$0xC400] =	vst v63  }
0x217: {  	_ = 	snop  }
0x218: {  	[tilespmem:s2], [sflag:$0x2] =	stream.strided.gather [hbm4b:s13+s22], $0x400, s23, s22, $0x38;
	[tilespmem:$0xC400] =	vst v63  }
0x219: {  	_ =	swait.ge [sflag:s24], $0x400  }
0x21a: {  	[sflag:s24] =	ssyncset.done $0x0  }
0x21b: {  	s19 =	rddreg [dreg:$0xa];
	[sflag:s24] =	ssyncadd.s32 $0xFFFFFC00  }
0x21c: {  	[tilespmem:s23], [sflag:$0x2] =	stream.strided.gather [hbm4b:s19+s22], $0x400, s23, s22, $0x38;
	[tilespmem:$0xC400] =	vst v63  }
0x21d: {  	_ =	swait.ge [sflag:s24], $0x400  }
0x21e: {  	[sflag:s24] =	ssyncset.done $0x0  }
0x21f: {  	s4 =	rddreg [dreg:$0xb];
	[sflag:s24] =	ssyncadd.s32 $0xFFFFFC00  }
0x220: {  	[tilespmem:s25], [sflag:$0x2] =	stream.strided.gather [hbm4b:s4+s22], $0x400, s23, s22, $0x38;
	[tilespmem:$0xC400] =	vst v63  }
0x221: {  	_ =	swait.ge [sflag:s24], $0x400  }
0x222: {  	[sflag:s24] =	ssyncset.done $0x0  }
0x223: {  	s5 =	rddreg [dreg:$0xc];
	[sflag:s24] =	ssyncadd.s32 $0xFFFFFC00  }
0x224: {  	[tilespmem:s26], [sflag:$0x2] =	stream.strided.gather [hbm4b:s5+s22], $0x400, s23, s22, $0x38;
	[tilespmem:$0xC400] =	vst v63  }
0x225: {  	_ =	swait.ge [sflag:s24], $0x400  }
0x226: {  	s1 =	simm.s32 @!p1 $0x80;
	[sflag:s24] =	ssyncset.done $0x0  }
0x227: {  	s4 =	simm.s32 @!p1 $0x1400;
	s5 =	simm.s32 @!p1 $0x1000;
	[sflag:s24] =	ssyncadd.s32 $0xFFFFFC00  }
0x228: {  	[tilespmem:s5], [sflag:$0x2] =	stream.strided.gather @!p1 [hbm4b:s18+s1], $0x400, s4, s1, $0x38;
	[tilespmem:$0xC400] =	vst v63  }
0x229: {  	s5 =	sadd.s32 @!p1 $0x80, s18  }
0x22a: {  	[tilespmem:s4], [sflag:$0x2] =	stream.strided.gather @!p1 [hbm4b:s5+s1], $0x400, s4, s1, $0x38;
	[tilespmem:$0xC400] =	vst v63  }
0x22b: {  	s6 =	simm.s32 @!p1 $0x1800;
	s5 =	sadd.s32 @!p1 $0x100, s18  }
0x22c: {  	[tilespmem:s6], [sflag:$0x2] =	stream.strided.gather @!p1 [hbm4b:s5+s1], $0x400, s4, s1, $0x38;
	[tilespmem:$0xC400] =	vst v63  }
0x22d: {  	s5 =	sadd.s32 @!p1 $0x180, s18;
	s6 =	simm.s32 @!p1 $0x1C00  }
0x22e: {  	[tilespmem:s6], [sflag:$0x2] =	stream.strided.gather @!p1 [hbm4b:s5+s1], $0x400, s4, s1, $0x38;
	[tilespmem:$0xC400] =	vst v63  }
0x22f: {  	s5 =	sadd.s32 @!p1 $0x200, s18;
	s6 =	simm.s32 @!p1 $0x2000  }
0x230: {  	[tilespmem:s6], [sflag:$0x2] =	stream.strided.gather @!p1 [hbm4b:s5+s1], $0x400, s4, s1, $0x38;
	[tilespmem:$0xC400] =	vst v63  }
0x231: {  	s1 =	simm.s32 @!p1 $0x2  }
0x232: {  	_ =	swait.ge @!p1 [sflag:s1], $0x1400  }
0x233: {  	[sflag:s1] =	ssyncset.done @!p1 $0x0  }
0x234: {  	[sflag:s1] =	ssyncadd.s32 @!p1 $0xFFFFEC00  }
0x235: {  	s10 =	simm.s32 $0x0;
	s6 =	simm.s32 $0x0;
	_ =	swait.ge [sflag:s11], $0x5000  }
0x236: {  	s4 =	sand.u32 $0x3FFFFC00, s10;
	s1 =	sand.u32 $0x70, s6;
	[sflag:s11] =	ssyncset.done $0x0  }
0x237: {  	s17 =	sor.u32 s1, s4;
	[sflag:s11] =	ssyncadd.s32 $0xFFFFB000  }
0x238: {  	v0 =	vld [tilespmem:s17+$0x1080]  }
0x239: {  	v1 =	vld [tilespmem:s17+$0x1000];
	_ =	sdelay $0x4  }
0x23a: {  	v2 =	vadd.s32 $0x800, v0  }
0x23b: {  	v3 =	vadd.s32 $0x400, v1  }
0x23c: {  	v4 =	vadd.s32 $0xC00, v1  }
0x23d: {  	v7 =	vadd.s32 $0xC00, v0;
	v5 =	vld.idx.msk [tilespmem:v1+s2+$0x0], $0xffff  }
0x23e: {  	v6 =	vadd.s32 $0x400, v0;
	v0 =	vld.idx.msk [tilespmem:v0+s2+$0x0], $0xffff  }
0x23f: {  	v1 =	vadd.s32 $0x800, v1;
	v2 =	vld.idx.msk [tilespmem:v2+s2+$0x0], $0xffff  }
0x240: {  	v3 =	vld.idx.msk [tilespmem:v3+s2+$0x0], $0xffff  }
0x241: {  	s16 =	simm.s32 $0x0;
	v4 =	vld.idx.msk [tilespmem:v4+s2+$0x0], $0xffff  }
0x242: {  	s4 =	sand.u32 $0x3FFFFE00, s16;
	v7 =	vld.idx.msk [tilespmem:v7+s2+$0x0], $0xffff  }
0x243: {  	s19 =	simm.s32 $0x80;
	s10 =	simm.s32 $0x10;
	s29 =	sor.u32 s1, s4;
	v6 =	vld.idx.msk [tilespmem:v6+s2+$0x0], $0xffff  }
0x244: {  	s19 =	sand.u32 $0x3FFFFC00, s19;
	s16 =	sand.u32 $0x70, s10;
	v1 =	vld.idx.msk [tilespmem:v1+s2+$0x0], $0xffff;
	[tilespmem:s29+$0x2E00] =	vst v0  }
0x245: {  	s31 =	sor.u32 s16, s19;
	[tilespmem:s29+$0x2400] =	vst v5  }
0x246: {  	v0 =	vld [tilespmem:s31+$0x1080];
	[tilespmem:s29+$0x2580] =	vst v4  }
0x247: {  	v4 =	vld [tilespmem:s31+$0x1000];
	[tilespmem:s29+$0x2F80] =	vst v7  }
0x248: {  	[tilespmem:s29+$0x2E80] =	vst v6  }
0x249: {  	[tilespmem:s29+$0x2F00] =	vst v2  }
0x24a: {  	[tilespmem:s29+$0x2480] =	vst v3  }
0x24b: {  	[tilespmem:s29+$0x2500] =	vst v1;
	v1 =	vadd.s32 $0x800, v0  }
0x24c: {  	v8 =	vadd.s32 $0x400, v0;
	v3 =	vld [tilespmem:s17+$0x1180]  }
0x24d: {  	v9 =	vadd.s32 $0xC00, v0;
	v6 =	vld [tilespmem:s17+$0x1100]  }
0x24e: {  	v2 =	vadd.s32 $0x400, v4;
	v0 =	vld.idx.msk [tilespmem:v0+s2+$0x0], $0xffff  }
0x24f: {  	v5 =	vadd.s32 $0xC00, v4;
	v7 =	vld.idx.msk [tilespmem:v4+s2+$0x0], $0xffff  }
0x250: {  	v1 =	vld.idx.msk [tilespmem:v1+s2+$0x0], $0xffff  }
0x251: {  	v8 =	vld.idx.msk [tilespmem:v8+s2+$0x0], $0xffff  }
0x252: {  	v4 =	vadd.s32 $0x800, v4;
	v9 =	vld.idx.msk [tilespmem:v9+s2+$0x0], $0xffff  }
0x253: {  	v10 =	vadd.s32 $0x800, v3;
	v2 =	vld.idx.msk [tilespmem:v2+s2+$0x0], $0xffff  }
0x254: {  	v11 =	vadd.s32 $0xC00, v3;
	v5 =	vld.idx.msk [tilespmem:v5+s2+$0x0], $0xffff  }
0x255: {  	v12 =	vadd.s32 $0xC00, v6;
	v15 =	vld.idx.msk [tilespmem:v6+s2+$0x0], $0xffff  }
0x256: {  	v13 =	vadd.s32 $0x400, v3;
	v3 =	vld.idx.msk [tilespmem:v3+s2+$0x0], $0xffff  }
0x257: {  	s5 =	simm.s32 $0x40;
	v14 =	vadd.s32 $0x400, v6;
	v4 =	vld.idx.msk [tilespmem:v4+s2+$0x0], $0xffff  }
0x258: {  	s4 =	sand.u32 $0x3FFFFE00, s5;
	v6 =	vadd.s32 $0x800, v6;
	v10 =	vld.idx.msk [tilespmem:v10+s2+$0x0], $0xffff  }
0x259: {  	s30 =	sor.u32 s16, s4;
	v11 =	vld.idx.msk [tilespmem:v11+s2+$0x0], $0xffff  }
0x25a: {  	[tilespmem:s30+$0x2E00] =	vst v0;
	v12 =	vld.idx.msk [tilespmem:v12+s2+$0x0], $0xffff  }
0x25b: {  	[tilespmem:s30+$0x2400] =	vst v7;
	v0 =	vld.idx.msk [tilespmem:v13+s2+$0x0], $0xffff  }
0x25c: {  	[tilespmem:s30+$0x2580] =	vst v5;
	v5 =	vld.idx.msk [tilespmem:v14+s2+$0x0], $0xffff  }
0x25d: {  	v6 =	vld.idx.msk [tilespmem:v6+s2+$0x0], $0xffff;
	[tilespmem:s29+$0x4200] =	vst v3  }
0x25e: {  	[tilespmem:s29+$0x3800] =	vst v15  }
0x25f: {  	[tilespmem:s29+$0x4380] =	vst v11  }
0x260: {  	[tilespmem:s29+$0x4300] =	vst v10  }
0x261: {  	s6 =	simm.s32 $0x100;
	s4 =	simm.s32 $0x20;
	[tilespmem:s29+$0x4280] =	vst v0  }
0x262: {  	s1 =	sand.u32 $0x3FFFFC00, s6;
	s10 =	sand.u32 $0x70, s4;
	[tilespmem:s29+$0x3980] =	vst v12  }
0x263: {  	s16 =	sor.u32 s10, s1;
	[tilespmem:s29+$0x3880] =	vst v5  }
0x264: {  	v0 =	vld [tilespmem:s16+$0x1000];
	[tilespmem:s29+$0x3900] =	vst v6  }
0x265: {  	[tilespmem:s30+$0x2F80] =	vst v9;
	v3 =	vld [tilespmem:s17+$0x1200]  }
0x266: {  	[tilespmem:s30+$0x2500] =	vst v4;
	v4 =	vld [tilespmem:s17+$0x1280]  }
0x267: {  	[tilespmem:s30+$0x2E80] =	vst v8  }
0x268: {  	[tilespmem:s30+$0x2F00] =	vst v1  }
0x269: {  	v1 =	vld [tilespmem:s16+$0x1080];
	[tilespmem:s30+$0x2480] =	vst v2  }
0x26a: {  	v8 =	vld [tilespmem:s31+$0x1100];
	v2 =	vadd.s32 $0x400, v3  }
0x26b: {  	v9 =	vld [tilespmem:s31+$0x1180];
	v5 =	vadd.s32 $0x800, v3  }
0x26c: {  	v7 =	vld.idx.msk [tilespmem:v0+s2+$0x0], $0xffff;
	v6 =	vadd.s32 $0xC00, v3  }
0x26d: {  	v12 =	vadd.s32 $0x400, v4;
	v10 =	vld.idx.msk [tilespmem:v3+s2+$0x0], $0xffff  }
0x26e: {  	v11 =	vld.idx.msk [tilespmem:v4+s2+$0x0], $0xffff  }
0x26f: {  	v3 =	vadd.s32 $0x800, v4;
	v13 =	vld.idx.msk [tilespmem:v2+s2+$0x0], $0xffff  }
0x270: {  	v2 =	vadd.s32 $0xC00, v4;
	v5 =	vld.idx.msk [tilespmem:v5+s2+$0x0], $0xffff  }
0x271: {  	v14 =	vadd.s32 $0x400, v0;
	v6 =	vld.idx.msk [tilespmem:v6+s2+$0x0], $0xffff  }
0x272: {  	v4 =	vadd.s32 $0x800, v1;
	v12 =	vld.idx.msk [tilespmem:v12+s2+$0x0], $0xffff  }
0x273: {  	v62 =	vadd.s32 $0x400, v1;
	v19 =	vadd.s32 $0xC00, v1;
	v1 =	vld.idx.msk [tilespmem:v1+s2+$0x0], $0xffff  }
0x274: {  	v15 =	vld.idx.msk [tilespmem:v3+s2+$0x0], $0xffff  }
0x275: {  	v61 =	vadd.s32 $0xC00, v0;
	v63 =	vld.idx.msk [tilespmem:v2+s2+$0x0], $0xffff;
	[tilespmem:s29+$0x5600] =	vst v11  }
0x276: {  	v0 =	vadd.s32 $0x800, v0;
	v3 =	vld.idx.msk [tilespmem:v14+s2+$0x0], $0xffff;
	[tilespmem:s29+$0x4C00] =	vst v10  }
0x277: {  	v2 =	vld.idx.msk [tilespmem:v4+s2+$0x0], $0xffff;
	v4 =	vadd.s32 $0x800, v9;
	[tilespmem:s29+$0x4D00] =	vst v5  }
0x278: {  	v14 =	vld.idx.msk [tilespmem:v62+s2+$0x0], $0xffff;
	[tilespmem:s29+$0x4D80] =	vst v6  }
0x279: {  	v10 =	vld.idx.msk [tilespmem:v19+s2+$0x0], $0xffff;
	[tilespmem:s29+$0x5680] =	vst v12;
	v11 =	vadd.s32 $0xC00, v9  }
0x27a: {  	s19 =	simm.s32 $0x80;
	v5 =	vld.idx.msk [tilespmem:v61+s2+$0x0], $0xffff;
	[tilespmem:s29+$0x4C80] =	vst v13  }
0x27b: {  	s1 =	sand.u32 $0x3FFFFE00, s19;
	v12 =	vld.idx.msk [tilespmem:v0+s2+$0x0], $0xffff;
	[tilespmem:s29+$0x5700] =	vst v15  }
0x27c: {  	s1 =	sor.u32 s10, s1;
	[tilespmem:s29+$0x5780] =	vst v63;
	v6 =	vld.idx.msk [tilespmem:v4+s2+$0x0], $0xffff  }
0x27d: {  	[tilespmem:s1+$0x2E00] =	vst v1;
	v15 =	vadd.s32 $0xC00, v8;
	v1 =	vld [tilespmem:s17+$0x1300]  }
0x27e: {  	[tilespmem:s1+$0x2F80] =	vst v10;
	v10 =	vld.idx.msk [tilespmem:v11+s2+$0x0], $0xffff  }
0x27f: {  	[tilespmem:s1+$0x2580] =	vst v5;
	v11 =	vadd.s32 $0x400, v8;
	v0 =	vld [tilespmem:s17+$0x1380]  }
0x280: {  	v5 =	vld.idx.msk [tilespmem:v8+s2+$0x0], $0xffff;
	[tilespmem:s1+$0x2500] =	vst v12;
	v12 =	vadd.s32 $0x400, v9  }
0x281: {  	[tilespmem:s1+$0x2400] =	vst v7;
	v9 =	vld.idx.msk [tilespmem:v9+s2+$0x0], $0xffff  }
0x282: {  	s5 =	simm.s32 $0x3;
	[tilespmem:s1+$0x2E80] =	vst v14;
	v8 =	vadd.s32 $0x800, v8;
	v7 =	vld.idx.msk [tilespmem:v15+s2+$0x0], $0xffff;
	v4 =	vadd.s32 $0x400, v1  }
.LBB2_6:
0x283: {  	s19 =	sshll.u32 s5, $0x7  }
0x284: {  	s4 =	sadd.s32 $0x10, s4;
	v11 =	vld.idx.msk [tilespmem:v11+s2+$0x0], $0xffff;
	s10 =	smov.u32 s5;
	s17 =	sadd.s32 $0x1, s5  }
0x285: {  	p2 =	sne.s32 s5, $0x23;
	s6 =	sand.u32 $0x70, s4;
	s19 =	sand.u32 $0x3FFFFC00, s19;
	v12 =	vld.idx.msk [tilespmem:v12+s2+$0x0], $0xffff  }
0x286: {  	v14 =	vadd.s32 $0x800, v1;
	s5 =	sor.u32 s6, s19;
	v13 =	vld.idx.msk [tilespmem:v1+s2+$0x0], $0xffff  }
0x287: {  	v15 =	vadd.s32 $0xC00, v0;
	[tilespmem:s1+$0x2F00] =	vst v2;
	v2 =	vld.idx.msk [tilespmem:v0+s2+$0x0], $0xffff  }
0x288: {  	[tilespmem:s1+$0x2480] =	vst v3;
	v3 =	vld.idx.msk [tilespmem:v8+s2+$0x0], $0xffff  }
0x289: {  	v1 =	vadd.s32 $0xC00, v1;
	[tilespmem:s30+$0x4380] =	vst v10;
	v4 =	vld.idx.msk [tilespmem:v4+s2+$0x0], $0xffff  }
0x28a: {  	v8 =	vld [tilespmem:s5+$0x1000];
	[tilespmem:s30+$0x4300] =	vst v6;
	v6 =	vadd.s32 $0x400, v0  }
0x28b: {  	v0 =	vadd.s32 $0x800, v0;
	[tilespmem:s30+$0x4280] =	vst v12;
	v10 =	vld.idx.msk [tilespmem:v14+s2+$0x0], $0xffff  }
0x28c: {  	[tilespmem:s30+$0x4200] =	vst v9;
	v9 =	vld.idx.msk [tilespmem:v15+s2+$0x0], $0xffff  }
0x28d: {  	v12 =	vld [tilespmem:s5+$0x1080];
	[tilespmem:s30+$0x3980] =	vst v7  }
0x28e: {  	[tilespmem:s30+$0x3900] =	vst v3;
	v1 =	vld.idx.msk [tilespmem:v1+s2+$0x0], $0xffff  }
0x28f: {  	[tilespmem:s30+$0x3880] =	vst v11;
	v3 =	vld.idx.msk [tilespmem:v6+s2+$0x0], $0xffff  }
0x290: {  	[tilespmem:s30+$0x3800] =	vst v5;
	v0 =	vld.idx.msk [tilespmem:v0+s2+$0x0], $0xffff  }
0x291: {  	v5 =	vld [tilespmem:s31+$0x1200];
	[tilespmem:s29+$0x6A00] =	vst v2  }
0x292: {  	v2 =	vld [tilespmem:s31+$0x1280];
	[tilespmem:s29+$0x6080] =	vst v4  }
0x293: {  	v4 =	vadd.s32 $0xC00, v8;
	v6 =	vadd.s32 $0x800, v12;
	[tilespmem:s29+$0x6B80] =	vst v9  }
0x294: {  	v7 =	vadd.s32 $0x400, v8;
	[tilespmem:s29+$0x6180] =	vst v1  }
0x295: {  	v1 =	vadd.s32 $0x800, v8;
	[tilespmem:s29+$0x6A80] =	vst v3  }
0x296: {  	v9 =	vld [tilespmem:s16+$0x1100];
	v3 =	vadd.s32 $0x400, v5;
	[tilespmem:s29+$0x6B00] =	vst v0  }
0x297: {  	v0 =	vadd.s32 $0x800, v5;
	v14 =	vld [tilespmem:s16+$0x1180];
	[tilespmem:s29+$0x6000] =	vst v13  }
0x298: {  	v13 =	vld.idx.msk [tilespmem:v8+s2+$0x0], $0xffff;
	v8 =	vadd.s32 $0xC00, v5;
	[tilespmem:s29+$0x6100] =	vst v10;
	s29 =	smov.u32 s30;
	s30 =	smov.u32 s1  }
0x299: {  	v11 =	vadd.s32 $0x800, v2;
	v10 =	vadd.s32 $0x400, v12;
	v5 =	vld.idx.msk [tilespmem:v5+s2+$0x0], $0xffff  }
0x29a: {  	v15 =	vadd.s32 $0xC00, v12;
	v17 =	vadd.s32 $0x400, v2;
	v16 =	vld.idx.msk [tilespmem:v2+s2+$0x0], $0xffff  }
0x29b: {  	v2 =	vadd.s32 $0xC00, v2;
	v18 =	vld.idx.msk [tilespmem:v3+s2+$0x0], $0xffff  }
0x29c: {  	v0 =	vld.idx.msk [tilespmem:v0+s2+$0x0], $0xffff  }
0x29d: {  	v8 =	vld.idx.msk [tilespmem:v8+s2+$0x0], $0xffff  }
0x29e: {  	v11 =	vld.idx.msk [tilespmem:v11+s2+$0x0], $0xffff  }
0x29f: {  	v17 =	vld.idx.msk [tilespmem:v17+s2+$0x0], $0xffff  }
0x2a0: {  	v19 =	vld.idx.msk [tilespmem:v2+s2+$0x0], $0xffff  }
0x2a1: {  	v2 =	vld.idx.msk [tilespmem:v6+s2+$0x0], $0xffff;
	[tilespmem:s29+$0x5600] =	vst v16  }
0x2a2: {  	v3 =	vld.idx.msk [tilespmem:v7+s2+$0x0], $0xffff;
	[tilespmem:s29+$0x4C00] =	vst v5  }
0x2a3: {  	v6 =	vadd.s32 $0x800, v14;
	v5 =	vld.idx.msk [tilespmem:v12+s2+$0x0], $0xffff;
	[tilespmem:s29+$0x4D00] =	vst v0  }
0x2a4: {  	v0 =	vld.idx.msk [tilespmem:v4+s2+$0x0], $0xffff;
	[tilespmem:s29+$0x4D80] =	vst v8  }
0x2a5: {  	v4 =	vld.idx.msk [tilespmem:v10+s2+$0x0], $0xffff;
	[tilespmem:s29+$0x5700] =	vst v11  }
0x2a6: {  	s1 =	sshll.u32 s10, $0x6;
	v7 =	vld.idx.msk [tilespmem:v15+s2+$0x0], $0xffff;
	[tilespmem:s29+$0x5680] =	vst v17  }
0x2a7: {  	s1 =	sand.u32 $0x3FFFFE00, s1;
	v10 =	vadd.s32 $0xC00, v14;
	v15 =	vld.idx.msk [tilespmem:v1+s2+$0x0], $0xffff;
	[tilespmem:s29+$0x5780] =	vst v19  }
0x2a8: {  	s1 =	sor.u32 s6, s1;
	v16 =	vadd.s32 $0xC00, v9;
	v6 =	vld.idx.msk [tilespmem:v6+s2+$0x0], $0xffff;
	[tilespmem:s29+$0x4C80] =	vst v18  }
0x2a9: {  	[tilespmem:s1+$0x2E00] =	vst v5;
	v1 =	vld [tilespmem:s31+$0x1300]  }
.Ltmp2:
0x2aa: {  	v8 =	vadd.s32 $0x800, v9;
	v11 =	vadd.s32 $0x400, v9;
	[tilespmem:s1+$0x2580] =	vst v0;
	v0 =	vld [tilespmem:s31+$0x1380];
	s31 =	smov.u32 s16;
	s16 =	smov.u32 s5;
	(pc) =	sbr.rel @p2 .LBB2_6-.Ltmp2, $4  }
0x2ab: {  	v12 =	vadd.s32 $0x400, v14;
	[tilespmem:s1+$0x2400] =	vst v13;
	v5 =	vld.idx.msk [tilespmem:v9+s2+$0x0], $0xffff  }
0x2ac: {  	[tilespmem:s1+$0x2F80] =	vst v7;
	v10 =	vld.idx.msk [tilespmem:v10+s2+$0x0], $0xffff  }
0x2ad: {  	[tilespmem:s1+$0x2500] =	vst v15;
	v7 =	vld.idx.msk [tilespmem:v16+s2+$0x0], $0xffff  }
0x2ae: {  	s5 =	smov.u32 s17;
	[tilespmem:s1+$0x2E80] =	vst v4;
	v9 =	vld.idx.msk [tilespmem:v14+s2+$0x0], $0xffff;
	v4 =	vadd.s32 $0x400, v1  }
0x2af: {  	_ =	sdelay $0x3  }
0x2b0: {  	v12 =	vld.idx.msk [tilespmem:v12+s2+$0x0], $0xffff  }
0x2b1: {  	v11 =	vld.idx.msk [tilespmem:v11+s2+$0x0], $0xffff  }
0x2b2: {  	v8 =	vld.idx.msk [tilespmem:v8+s2+$0x0], $0xffff;
	[tilespmem:s30+$0x4300] =	vst v6  }
0x2b3: {  	[tilespmem:s1+$0x2F00] =	vst v2  }
0x2b4: {  	[tilespmem:s1+$0x2480] =	vst v3  }
0x2b5: {  	[tilespmem:s30+$0x3800] =	vst v5;
	v3 =	vld [tilespmem:s16+$0x1180]  }
0x2b6: {  	v63 =	vld [tilespmem:s16+$0x1100];
	[tilespmem:s30+$0x4380] =	vst v10  }
0x2b7: {  	[tilespmem:s30+$0x3980] =	vst v7  }
0x2b8: {  	[tilespmem:s30+$0x4200] =	vst v9  }
0x2b9: {  	v24 =	vld.idx.msk [tilespmem:v1+s2+$0x0], $0xffff;
	[tilespmem:s30+$0x4280] =	vst v12  }
0x2ba: {  	v25 =	vld.idx.msk [tilespmem:v0+s2+$0x0], $0xffff;
	[tilespmem:s30+$0x3900] =	vst v8  }
0x2bb: {  	v4 =	vld.idx.msk [tilespmem:v4+s2+$0x0], $0xffff;
	[tilespmem:s30+$0x3880] =	vst v11;
	v13 =	vadd.s32 $0x800, v3  }
0x2bc: {  	v5 =	vld [tilespmem:s31+$0x1200];
	v14 =	vadd.s32 $0xC00, v3  }
0x2bd: {  	v6 =	vld [tilespmem:s31+$0x1280];
	v15 =	vadd.s32 $0xC00, v63  }
0x2be: {  	v16 =	vadd.s32 $0x400, v3;
	v18 =	vld.idx.msk [tilespmem:v63+s2+$0x0], $0xffff  }
0x2bf: {  	v17 =	vadd.s32 $0x400, v63;
	v3 =	vld.idx.msk [tilespmem:v3+s2+$0x0], $0xffff  }
0x2c0: {  	v8 =	vadd.s32 $0x800, v63;
	v13 =	vld.idx.msk [tilespmem:v13+s2+$0x0], $0xffff  }
0x2c1: {  	v14 =	vld.idx.msk [tilespmem:v14+s2+$0x0], $0xffff  }
0x2c2: {  	v15 =	vld.idx.msk [tilespmem:v15+s2+$0x0], $0xffff  }
0x2c3: {  	v61 =	vadd.s32 $0x400, v5;
	v16 =	vld.idx.msk [tilespmem:v16+s2+$0x0], $0xffff  }
0x2c4: {  	v62 =	vadd.s32 $0x800, v5;
	v22 =	vld.idx.msk [tilespmem:v17+s2+$0x0], $0xffff  }
0x2c5: {  	v19 =	vadd.s32 $0xC00, v5;
	v23 =	vld.idx.msk [tilespmem:v8+s2+$0x0], $0xffff;
	[tilespmem:s1+$0x4200] =	vst v3  }
0x2c6: {  	v20 =	vadd.s32 $0x800, v6;
	v5 =	vld.idx.msk [tilespmem:v5+s2+$0x0], $0xffff;
	[tilespmem:s1+$0x3800] =	vst v18  }
0x2c7: {  	v21 =	vadd.s32 $0x400, v6;
	v11 =	vld.idx.msk [tilespmem:v6+s2+$0x0], $0xffff;
	[tilespmem:s1+$0x4380] =	vst v14  }
0x2c8: {  	v6 =	vadd.s32 $0xC00, v6;
	v2 =	vld.idx.msk [tilespmem:v61+s2+$0x0], $0xffff;
	[tilespmem:s1+$0x4300] =	vst v13  }
0x2c9: {  	v32 =	vadd.s32 $0x800, v1;
	v7 =	vld.idx.msk [tilespmem:v62+s2+$0x0], $0xffff;
	[tilespmem:s1+$0x4280] =	vst v16  }
0x2ca: {  	v9 =	vld.idx.msk [tilespmem:v19+s2+$0x0], $0xffff;
	[tilespmem:s1+$0x3980] =	vst v15  }
0x2cb: {  	v10 =	vld.idx.msk [tilespmem:v20+s2+$0x0], $0xffff;
	[tilespmem:s1+$0x3900] =	vst v23  }
0x2cc: {  	v33 =	vadd.s32 $0xC00, v0;
	v12 =	vld.idx.msk [tilespmem:v21+s2+$0x0], $0xffff;
	[tilespmem:s1+$0x3880] =	vst v22  }
0x2cd: {  	v34 =	vadd.s32 $0xC00, v1;
	v6 =	vld.idx.msk [tilespmem:v6+s2+$0x0], $0xffff;
	[tilespmem:s30+$0x5600] =	vst v11  }
0x2ce: {  	v35 =	vadd.s32 $0x400, v0;
	v37 =	vld.idx.msk [tilespmem:v32+s2+$0x0], $0xffff;
	[tilespmem:s30+$0x4C00] =	vst v5  }
0x2cf: {  	v36 =	vadd.s32 $0x800, v0;
	v3 =	vld [tilespmem:s16+$0x1200];
	[tilespmem:s30+$0x4D00] =	vst v7  }
0x2d0: {  	v5 =	vld [tilespmem:s16+$0x1280];
	[tilespmem:s30+$0x4D80] =	vst v9  }
0x2d1: {  	v38 =	vld.idx.msk [tilespmem:v33+s2+$0x0], $0xffff;
	[tilespmem:s30+$0x5700] =	vst v10  }
0x2d2: {  	v1 =	vld.idx.msk [tilespmem:v34+s2+$0x0], $0xffff;
	[tilespmem:s30+$0x5680] =	vst v12  }
0x2d3: {  	v39 =	vld.idx.msk [tilespmem:v35+s2+$0x0], $0xffff;
	[tilespmem:s30+$0x4C80] =	vst v2  }
0x2d4: {  	v0 =	vld.idx.msk [tilespmem:v36+s2+$0x0], $0xffff;
	v26 =	vadd.s32 $0x400, v3;
	[tilespmem:s30+$0x5780] =	vst v6  }
0x2d5: {  	v28 =	vadd.s32 $0x800, v3;
	v27 =	vld [tilespmem:s31+$0x1300]  }
0x2d6: {  	v29 =	vadd.s32 $0xC00, v3;
	v10 =	vld [tilespmem:s31+$0x1380]  }
0x2d7: {  	v30 =	vadd.s32 $0x800, v5;
	v3 =	vld.idx.msk [tilespmem:v3+s2+$0x0], $0xffff  }
0x2d8: {  	v31 =	vadd.s32 $0x400, v5;
	v13 =	vld.idx.msk [tilespmem:v5+s2+$0x0], $0xffff  }
0x2d9: {  	v2 =	vld.idx.msk [tilespmem:v26+s2+$0x0], $0xffff;
	v5 =	vadd.s32 $0xC00, v5  }
0x2da: {  	v9 =	vld.idx.msk [tilespmem:v28+s2+$0x0], $0xffff  }
0x2db: {  	v11 =	vld.idx.msk [tilespmem:v29+s2+$0x0], $0xffff  }
0x2dc: {  	v12 =	vld.idx.msk [tilespmem:v30+s2+$0x0], $0xffff  }
0x2dd: {  	[tilespmem:s29+$0x6A00] =	vst v25;
	v14 =	vld.idx.msk [tilespmem:v31+s2+$0x0], $0xffff  }
0x2de: {  	v5 =	vld.idx.msk [tilespmem:v5+s2+$0x0], $0xffff;
	[tilespmem:s1+$0x5600] =	vst v13  }
0x2df: {  	[tilespmem:s1+$0x4C00] =	vst v3  }
0x2e0: {  	[tilespmem:s1+$0x4D00] =	vst v9  }
0x2e1: {  	[tilespmem:s1+$0x4D80] =	vst v11  }
0x2e2: {  	[tilespmem:s1+$0x4C80] =	vst v2  }
0x2e3: {  	v40 =	vadd.s32 $0x400, v27;
	[tilespmem:s1+$0x5700] =	vst v12  }
0x2e4: {  	v42 =	vadd.s32 $0x800, v27;
	v41 =	vld.idx.msk [tilespmem:v27+s2+$0x0], $0xffff;
	[tilespmem:s1+$0x5680] =	vst v14  }
0x2e5: {  	v44 =	vadd.s32 $0xC00, v10;
	v43 =	vld.idx.msk [tilespmem:v10+s2+$0x0], $0xffff;
	[tilespmem:s1+$0x5780] =	vst v5  }
0x2e6: {  	[tilespmem:s29+$0x6080] =	vst v4;
	v45 =	vadd.s32 $0xC00, v27;
	v46 =	vld [tilespmem:s16+$0x1300]  }
0x2e7: {  	[tilespmem:s29+$0x6000] =	vst v24;
	v47 =	vadd.s32 $0x400, v10;
	v48 =	vld [tilespmem:s16+$0x1380]  }
0x2e8: {  	[tilespmem:s29+$0x6B80] =	vst v38;
	v10 =	vadd.s32 $0x800, v10;
	v11 =	vld.idx.msk [tilespmem:v40+s2+$0x0], $0xffff  }
0x2e9: {  	[tilespmem:s29+$0x6180] =	vst v1;
	v49 =	vld.idx.msk [tilespmem:v42+s2+$0x0], $0xffff  }
0x2ea: {  	[tilespmem:s29+$0x6A80] =	vst v39;
	v50 =	vld.idx.msk [tilespmem:v44+s2+$0x0], $0xffff  }
0x2eb: {  	[tilespmem:s29+$0x6B00] =	vst v0;
	v51 =	vld.idx.msk [tilespmem:v45+s2+$0x0], $0xffff;
	v52 =	vadd.s32 $0x400, v46  }
0x2ec: {  	[tilespmem:s29+$0x6100] =	vst v37;
	v4 =	vld.idx.msk [tilespmem:v47+s2+$0x0], $0xffff;
	v53 =	vadd.s32 $0x800, v46  }
0x2ed: {  	v54 =	vld.idx.msk [tilespmem:v10+s2+$0x0], $0xffff;
	[tilespmem:s30+$0x6A00] =	vst v43;
	v55 =	vadd.s32 $0xC00, v48  }
0x2ee: {  	[tilespmem:s30+$0x6000] =	vst v41;
	v6 =	vadd.s32 $0xC00, v46;
	v56 =	vld.idx.msk [tilespmem:v46+s2+$0x0], $0xffff  }
0x2ef: {  	[tilespmem:s30+$0x6080] =	vst v11;
	v58 =	vadd.s32 $0x400, v48;
	v57 =	vld.idx.msk [tilespmem:v48+s2+$0x0], $0xffff  }
0x2f0: {  	[tilespmem:s30+$0x6B80] =	vst v50;
	v8 =	vadd.s32 $0x800, v48;
	v2 =	vld.idx.msk [tilespmem:v52+s2+$0x0], $0xffff  }
0x2f1: {  	[tilespmem:s30+$0x6180] =	vst v51;
	v59 =	vld.idx.msk [tilespmem:v53+s2+$0x0], $0xffff  }
0x2f2: {  	[tilespmem:s30+$0x6A80] =	vst v4;
	v60 =	vld.idx.msk [tilespmem:v55+s2+$0x0], $0xffff  }
0x2f3: {  	[tilespmem:s30+$0x6100] =	vst v49;
	v61 =	vld.idx.msk [tilespmem:v6+s2+$0x0], $0xffff  }
0x2f4: {  	[tilespmem:s30+$0x6B00] =	vst v54;
	v62 =	vld.idx.msk [tilespmem:v58+s2+$0x0], $0xffff  }
0x2f5: {  	v63 =	vld.idx.msk [tilespmem:v8+s2+$0x0], $0xffff;
	[tilespmem:s1+$0x6A00] =	vst v57  }
0x2f6: {  	[tilespmem:s1+$0x6000] =	vst v56  }
0x2f7: {  	[tilespmem:s1+$0x6080] =	vst v2  }
0x2f8: {  	[tilespmem:s1+$0x6B80] =	vst v60  }
0x2f9: {  	[tilespmem:s1+$0x6180] =	vst v61  }
0x2fa: {  	[tilespmem:s1+$0x6A80] =	vst v62  }
0x2fb: {  	[tilespmem:s1+$0x6B00] =	vst v63  }
0x2fc: {  	s19 =	simm.s32 $0x2400;
	[tilespmem:s1+$0x6100] =	vst v59  }
0x2fd: {  	[hbm4b:s20+s0] =	stream.strided.scatter [tilespmem:s19], [sflag:$0x1], $0xA00, s23, s0, $0x38;
	[tilespmem:$0xC400] =	vst v63  }
0x2fe: {  	s4 =	simm.s32 $0x2E00;
	s29 =	sadd.s32 $0x7800, s20  }
0x2ff: {  	[hbm4b:s29+s0] =	stream.strided.scatter [tilespmem:s4], [sflag:$0x1], $0xA00, s23, s0, $0x38;
	[tilespmem:$0xC400] =	vst v63  }
0x300: {  	s31 =	simm.s32 $0x3800;
	s30 =	sadd.s32 $0xF000, s20  }
0x301: {  	[hbm4b:s30+s0] =	stream.strided.scatter [tilespmem:s31], [sflag:$0x1], $0xA00, s23, s0, $0x38;
	[tilespmem:$0xC400] =	vst v63  }
0x302: {  	s5 =	simm.s32 $0x4200;
	s4 =	sadd.s32 $0x16800, s20  }
0x303: {  	[hbm4b:s4+s0] =	stream.strided.scatter [tilespmem:s5], [sflag:$0x1], $0xA00, s23, s0, $0x38;
	[tilespmem:$0xC400] =	vst v63  }
0x304: {  	s6 =	sadd.s32 $0x1E000, s20;
	s10 =	simm.s32 $0x4C00  }
0x305: {  	[hbm4b:s6+s0] =	stream.strided.scatter [tilespmem:s10], [sflag:$0x1], $0xA00, s23, s0, $0x38;
	[tilespmem:$0xC400] =	vst v63  }
0x306: {  	s17 =	simm.s32 $0x5600;
	s16 =	sadd.s32 $0x25800, s20  }
0x307: {  	[hbm4b:s16+s0] =	stream.strided.scatter [tilespmem:s17], [sflag:$0x1], $0xA00, s23, s0, $0x38;
	[tilespmem:$0xC400] =	vst v63  }
0x308: {  	s19 =	sadd.s32 $0x2D000, s20;
	s29 =	simm.s32 $0x6000  }
0x309: {  	[hbm4b:s19+s0] =	stream.strided.scatter [tilespmem:s29], [sflag:$0x1], $0xA00, s23, s0, $0x38;
	[tilespmem:$0xC400] =	vst v63  }
0x30a: {  	s12 =	sadd.s32 $0x1, s12;
	s30 =	sadd.s32 $0x34800, s20;
	s31 =	simm.s32 $0x6A00  }
0x30b: {  	[hbm4b:s30+s0] =	stream.strided.scatter [tilespmem:s31], [sflag:$0x1], $0xA00, s23, s0, $0x38;
	[tilespmem:$0xC400] =	vst v63  }
0x30c: {  	p2 =	sne.s32 s12, s21;
	_ =	swait.ge [sflag:s11], $0x5000  }
.Ltmp3:
0x30d: {  	[sflag:s11] =	ssyncset.done $0x0;
	(pc) =	sbr.rel @p2 .LBB2_1-.Ltmp3, $4  }
0x30e: {  	[sflag:s11] =	ssyncadd.s32 $0xFFFFB000  }
0x30f: {  	_ =	swait.ge [sflag:s11], $0x5000  }
0x310: {  	[sflag:s11] =	ssyncset.done $0x0  }
0x311: {  	[sflag:s11] =	ssyncadd.s32 $0xFFFFB000  }
0x312: {  	_ =	sfence.sel $0x180000  }
0x313: {  	[bflag:$0x0] =	sbarrier.arrive $0xFFFF  }
0x314: {  	_ =	strace $0x90000047  }
0x315: {  	s0 =	stileid.u32;
	[bflag:$0x2] =	sbarrier.arrive $0xFFFF  }
0x316: {  	p0 =	sne.s32 s0, $0x0;
	s0 =	rddreg [dreg:$0x3]  }
0x317: {  	s0 =	sadd.s32 @!p0 $0x100000, s0  }
0x318: {  	[sflag:s0] =	ssyncadd.tile.s32 @!p0 $0x1;
	_ =	shalt  }
.Lfunc_end2:
_tile_overlayer_lowered:
.L_overlay_start_2:
0x319: {  	(tag) =	ssettag $0x2  }
0x31a: {  	s0 =	rddreg [dreg:$0x0];
	s2 =	stileid.u32  }
0x31b: {  	s1 =	rddreg [dreg:$0x1];
	p0 =	sne.s32 s2, $0x0  }
0x31c: {  	s3 =	rddreg [dreg:$0x2];
	[bflag:$0x3] =	sbarrier.arrive $0xFFFF;
	s2 =	simm.s32 @!p0 $0x1C02  }
0x31d: {  	[timem:s3], [sflag:s2] =	dma.local @!p0 [hbm:s0], s1  }
0x31e: {  	s0 =	simm.s32 @!p0 $0x2  }
0x31f: {  	_ =	swait.ge @!p0 [sflag:s0], s1  }
0x320: {  	s1 =	ssub.s32 @!p0 $0x0, s1;
	[sflag:s0] =	ssyncset.done @!p0 $0x0  }
0x321: {  	[sflag:s0] =	ssyncadd.s32 @!p0 s1  }
0x322: {  	[bflag:$0x3] =	sbarrier.arrive $0xFFFF  }
0x323: {  	_ =	shalt  }

</sc_bundles>
